<compile_context>
chip_gen: v7x
topology: tpu7x:2x2x1
jax: 0.10.2.dev20260603
libtpu: 0.0.44.dev20260713+nightly
codegen_flags: <defaults>
</compile_context>

<pallas_src>
import functools

import jax
import jax.numpy as jnp
from jax import lax
from jax.experimental import pallas as pl
from jax.experimental.pallas import tpu as pltpu
from jax.experimental.pallas import tpu_sc as plsc

_F32 = jnp.float32
_I32 = jnp.int32
_SC_PARAMS = pltpu.CompilerParams(
    use_tc_tiling_on_sc=False, needs_layout_passes=False
)


def _sc_gather_planes(table, idxs, n_feat):
    n, d = table.shape
    e = idxs[0].shape[0]
    nw = 32
    per = e // nw
    ch = 2000
    assert e % nw == 0 and per % ch == 0 and d == 8

    mesh = plsc.VectorSubcoreMesh(core_axis_name="c", subcore_axis_name="s")
    n_out = len(idxs)

    @functools.partial(
        pl.kernel,
        mesh=mesh,
        out_type=tuple(
            jax.ShapeDtypeStruct((8, e), _F32) for _ in range(n_out)
        ),
        scratch_types=[
            pltpu.VMEM((n, d), _F32),
            pltpu.VMEM((ch,), _I32),
            pltpu.VMEM((8, ch), _F32),
            pltpu.SemaphoreType.DMA,
        ],
        compiler_params=_SC_PARAMS,
    )
    def k(table_hbm, *rest):
        idx_hbms = rest[:n_out]
        out_hbms = rest[n_out:2 * n_out]
        tab_v, idx_v, planes_v, sem = rest[2 * n_out:]
        wid = lax.axis_index("s") * 2 + lax.axis_index("c")
        base = wid * per
        pltpu.sync_copy(table_hbm, tab_v)
        zeros16 = jnp.zeros((16,), _F32)

        def chunk(args):
            idx_hbm, out_hbm, i = args
            off = base + i * ch
            pltpu.sync_copy(idx_hbm.at[pl.ds(off, ch)], idx_v)

            def group(g, carry):
                nodes = idx_v[pl.ds(g * 16, 16)]
                for f in range(8):
                    if f < n_feat:
                        vals = plsc.load_gather(
                            tab_v, [nodes, jnp.full((16,), f, _I32)]
                        )
                    else:
                        vals = zeros16
                    planes_v[f, pl.ds(g * 16, 16)] = vals
                return carry

            lax.fori_loop(0, ch // 16, group, 0)
            pltpu.sync_copy(planes_v, out_hbm.at[:, pl.ds(off, ch)])

        for idx_hbm, out_hbm in zip(idx_hbms, out_hbms):
            def body(i, carry, idx_hbm=idx_hbm, out_hbm=out_hbm):
                chunk((idx_hbm, out_hbm, i))
                return carry

            lax.fori_loop(0, per // ch, body, 0)

    return k(table, *idxs)


def _sc_scatter_add(msg_t, dst, f_prev):
    d, e = msg_t.shape
    n = f_prev.shape[0]
    nt = 16
    per = e // nt
    ch = 2000
    assert e % nt == 0 and per % ch == 0 and d == 8

    mesh = plsc.VectorSubcoreMesh(
        core_axis_name="c", subcore_axis_name="s", num_cores=1
    )

    nch = per // ch
    assert nch % 2 == 0

    @functools.partial(
        pl.kernel,
        mesh=mesh,
        out_type=jax.ShapeDtypeStruct((n, d), _F32),
        scratch_types=[
            pltpu.VMEM((2, ch), _I32),
            pltpu.VMEM((2, 8, ch), _F32),
            pltpu.VMEM((ch, 8), _F32),
            pltpu.VMEM_SHARED((n, d), _F32),
            pltpu.SemaphoreType.DMA,
            pltpu.SemaphoreType.DMA,
            pltpu.SemaphoreType.DMA,
            pltpu.SemaphoreType.DMA,
        ],
        compiler_params=_SC_PARAMS,
    )
    def k(msg_hbm, dst_hbm, fprev_hbm, out_hbm, idx_v, planes_v, rows_v,
          acc_sh, isem0, isem1, psem0, psem1):
        sid = lax.axis_index("s")
        isems = [isem0, isem1]
        psems = [psem0, psem1]

        @pl.when(sid == 0)
        def _():
            pltpu.sync_copy(fprev_hbm, acc_sh)

        plsc.subcore_barrier()
        base = sid * per
        lanes = lax.iota(_I32, 16)

        def start(i, b):
            off = base + i * ch
            pltpu.make_async_copy(
                dst_hbm.at[pl.ds(off, ch)], idx_v.at[b], isems[b]
            ).start()
            pltpu.make_async_copy(
                msg_hbm.at[:, pl.ds(off, ch)], planes_v.at[b], psems[b]
            ).start()

        def finish(i, b):
            off = base + i * ch
            pltpu.make_async_copy(
                dst_hbm.at[pl.ds(off, ch)], idx_v.at[b], isems[b]
            ).wait()
            pltpu.make_async_copy(
                msg_hbm.at[:, pl.ds(off, ch)], planes_v.at[b], psems[b]
            ).wait()

            def group(g, carry2):
                rows = g * 16 + lanes
                for f in range(8):
                    vals = planes_v[b, f, pl.ds(g * 16, 16)]
                    plsc.store_scatter(
                        rows_v, [rows, jnp.full((16,), f, _I32)], vals
                    )
                return carry2

            lax.fori_loop(0, ch // 16, group, 0)
            pltpu.sync_copy(rows_v, acc_sh.at[idx_v.at[b]], add=True)

        start(0, 0)

        def body(j, carry):
            for b in range(2):
                i = j * 2 + b

                @pl.when(i + 1 < nch)
                def _():
                    start(i + 1, 1 - b)

                finish(i, b)
            return carry

        lax.fori_loop(0, nch // 2, body, 0)
        plsc.subcore_barrier()

        @pl.when(sid == 0)
        def _():
            pltpu.sync_copy(acc_sh, out_hbm)

    return k(msg_t, dst, f_prev)


def _prelu(h, a):
    return jnp.where(h >= 0.0, h, a * h)


def _mlp_body(first, vi_ref, vj_ref, *rest):
    if first:
        (ea_ref, wa_ref, wc_ref, b0_ref, w1_ref, w2_ref, w3_ref,
         wl8_ref, alpha_ref, out_ref) = rest
        h = jnp.dot(wa_ref[...], vi_ref[...] * vj_ref[...]) + jnp.dot(
            wc_ref[...], ea_ref[...]
        )
    else:
        (fj_ref, ea_ref, wa_ref, wb_ref, wf_ref, wc_ref, b0_ref,
         w1_ref, w2_ref, w3_ref, wl8_ref, alpha_ref, out_ref) = rest
        h = (
            jnp.dot(wa_ref[...], vi_ref[...])
            + jnp.dot(wb_ref[...], vj_ref[...])
            + jnp.dot(wf_ref[...], fj_ref[...])
            + jnp.dot(wc_ref[...], ea_ref[...])
        )
    h = _prelu(h + b0_ref[...], alpha_ref[0, 0])
    h = _prelu(jnp.dot(w1_ref[...], h), alpha_ref[0, 1])
    h = _prelu(jnp.dot(w2_ref[...], h), alpha_ref[0, 2])
    h = _prelu(jnp.dot(w3_ref[...], h), alpha_ref[0, 3])
    t = jnp.dot(wl8_ref[...], h) + alpha_ref[0, 4]
    eb = t.shape[1]
    dirc = jnp.concatenate(
        [
            ea_ref[4:7, :],
            jnp.ones((1, eb), _F32),
            jnp.zeros((4, eb), _F32),
        ],
        axis=0,
    )
    out_ref[...] = t * dirc


def _tc_mlp(first, vi, vj, fj, ea_t7, wa, wb, wf, wc, b0, ws, wl8, alphas):
    e = vi.shape[1]
    eb = 2560
    assert e % eb == 0
    grid = (e // eb,)

    edge_spec = pl.BlockSpec((8, eb), lambda i: (0, i))
    ea_spec = pl.BlockSpec((7, eb), lambda i: (0, i))
    w_in_spec = pl.BlockSpec((128, 8), lambda i: (0, 0))
    w_in7_spec = pl.BlockSpec((128, 7), lambda i: (0, 0))
    w_hid_spec = pl.BlockSpec((128, 128), lambda i: (0, 0))
    tail_specs = [
        pl.BlockSpec((128, 1), lambda i: (0, 0)),
        w_hid_spec,
        w_hid_spec,
        w_hid_spec,
        pl.BlockSpec((8, 128), lambda i: (0, 0)),
        pl.BlockSpec(memory_space=pltpu.MemorySpace.SMEM),
    ]
    if first:
        specs = [edge_spec] * 2 + [ea_spec, w_in_spec, w_in7_spec] + tail_specs
        args = (vi, vj, ea_t7, wa, wc, b0, ws[0], ws[1], ws[2], wl8, alphas)
    else:
        specs = ([edge_spec] * 3 + [ea_spec] + [w_in_spec] * 3
                 + [w_in7_spec] + tail_specs)
        args = (vi, vj, fj, ea_t7, wa, wb, wf, wc, b0, ws[0], ws[1],
                ws[2], wl8, alphas)

    return pl.pallas_call(
        functools.partial(_mlp_body, first),
        grid=grid,
        in_specs=specs,
        out_specs=edge_spec,
        out_shape=jax.ShapeDtypeStruct((8, e), _F32),
    )(*args)


def _prep_weights(p, first):
    w0 = p["W0"]
    z = jnp.zeros((128, 8), _F32)
    z7 = jnp.zeros((128, 7), _F32)
    if first:
        wa = z.at[:, 0:3].set(w0[0:3].T)
        wb = z
        wf = z
        wc = z7.at[:, 0:4].set(w0[3:7].T)
    else:
        wa = z.at[:, 0:3].set(w0[0:3].T)
        wb = z.at[:, 0:3].set(w0[3:6].T)
        wf = z.at[:, 0:4].set(w0[7:11].T)
        wc = z7.at[:, 3:4].set(w0[6:7].T)
    b0 = p["b0"].reshape(128, 1)
    ws = tuple(w.T for w in p["Ws"])
    wl8 = jnp.broadcast_to(p["Wl"].T, (8, 128))
    scal = jnp.stack(
        [
            p["a0"],
            p["alphas"][0],
            p["alphas"][1],
            p["alphas"][2],
            p["bl"][0],
            jnp.float32(0.0),
            jnp.float32(0.0),
            jnp.float32(0.0),
        ]
    ).reshape(1, 8)
    return wa, wb, wf, wc, b0, ws, wl8, scal


def kernel(x, edge_index, edge_attr, params):
    n = x.shape[0]
    e = edge_index.shape[1]
    src = edge_index[0].astype(_I32)
    dst = edge_index[1].astype(_I32)

    v8 = jnp.pad(x.astype(_F32), ((0, 0), (0, 5)))
    ea_t7 = jnp.transpose(edge_attr.astype(_F32))

    vi, vj = _sc_gather_planes(v8, (dst, src), 3)

    f = jnp.zeros((n, 8), _F32)
    fj = None
    for li, name in enumerate(("mlp0", "mlp1", "mlp2")):
        first = li == 0
        wa, wb, wf, wc, b0, ws, wl8, alphas = _prep_weights(
            params[name], first
        )
        if not first:
            (fj,) = _sc_gather_planes(f, (src,), 4)
        msg_t = _tc_mlp(first, vi, vj, fj, ea_t7, wa, wb, wf, wc, b0,
                        ws, wl8, alphas)
        f = _sc_scatter_add(msg_t, dst, f)

    return f[:, :3]

# --- scband reference (transcript-rebuilt; emitter-appended) ---
"""Pipeline reference for scband-equivariant-gnn-63101659513170 (READ-ONLY COPY).

The authoritative reference and input builder live on the scoring server;
editing this copy changes nothing except your own understanding.
"""

import jax, jax.numpy as jnp
import numpy as np

N = 10000
E = 320000
HID = 128
HIDDEN_NUM = 3


def _xavier(key, fan_in, fan_out):
    limit = float(np.sqrt(6.0 / (fan_in + fan_out)))
    return jax.random.uniform(key, (fan_in, fan_out), minval=-limit, maxval=limit, dtype=jnp.float32)


def _make_mlp(key, in_ch, out_ch=1, hidden=HID, hidden_num=HIDDEN_NUM):
    keys = jax.random.split(key, hidden_num + 2)
    return {
        "W0": _xavier(keys[0], in_ch, hidden),
        "b0": jnp.zeros((hidden,), jnp.float32),
        "a0": jnp.float32(0.25),
        "Ws": tuple(_xavier(keys[1 + i], hidden, hidden) for i in range(hidden_num)),
        "alphas": tuple(jnp.float32(0.25) for _ in range(hidden_num)),
        "Wl": _xavier(keys[-1], hidden, out_ch),
        "bl": jnp.zeros((out_ch,), jnp.float32),
    }


def _prelu(x, a):
    return jnp.where(x >= 0, x, a * x)


def _apply_mlp(p, x):
    # Dropout(0.1) layers are identity in eval mode
    h = _prelu(x @ p["W0"] + p["b0"], p["a0"])
    for W, a in zip(p["Ws"], p["alphas"]):
        h = _prelu(h @ W, a)
    return h @ p["Wl"] + p["bl"]


def setup_inputs(seed: int = 0) -> dict:
    key = jax.random.key(seed)
    k1, k2, k3, k4, k5, k6 = jax.random.split(key, 6)
    x = jax.random.normal(k1, (N, 3), dtype=jnp.float32)
    edge_index = jax.random.randint(k2, (2, E), 0, N)  # int32 indices (int64 spec; x64 not required)
    edge_attr = jax.random.normal(k3, (E, 7), dtype=jnp.float32)
    params = {
        "mlp0": _make_mlp(k4, 7),    # layer 0 (first=True) uses mlp1(in=7)
        "mlp1": _make_mlp(k5, 11),   # layer 1 uses mlp2(in=11)
        "mlp2": _make_mlp(k6, 11),   # layer 2 uses mlp2(in=11)
    }
    return {"x": x, "edge_index": edge_index, "edge_attr": edge_attr, "params": params}


def reference(x, edge_index, edge_attr, params):
    src = edge_index[0]  # j (source), PyG default flow source_to_target
    dst = edge_index[1]  # i (target), aggregation index
    n = x.shape[0]
    v = x
    e = edge_attr[:, :4]
    distance = edge_attr[:, 3:4]
    direction = edge_attr[:, 4:7]
    v_i = v[dst]
    v_j = v[src]
    # first equivariant MP layer
    temp = _apply_mlp(params["mlp0"], jnp.concatenate([v_i * v_j, e], axis=-1))
    msg = jnp.concatenate([temp * direction, temp], axis=-1)
    f = jax.ops.segment_sum(msg, dst, num_segments=n)
    # remaining MP layers (residual)
    for name in ("mlp1", "mlp2"):
        f_j = f[src]
        temp = _apply_mlp(params[name], jnp.concatenate([v_i, v_j, distance, f_j], axis=-1))
        msg = jnp.concatenate([temp * direction, temp], axis=-1)
        f = f + jax.ops.segment_sum(msg, dst, num_segments=n)
    return f[:, :3]

if __name__ == "__main__":
    import jax
    _d = setup_inputs()
    print(jax.jit(kernel)(*tuple(_d.values())))

</pallas_src>

<mosaic_0001>
#map = affine_map<(d0, d1) -> (0, 0)>
#map1 = affine_map<(d0, d1) -> (0)>
module attributes {stable_mosaic.version = 14 : i64} {
  func.func @k(%arg0: i32, %arg1: i32, %arg2: memref<10000x8xf32, #tpu.memory_space<hbm>>, %arg3: memref<320000xi32, #tpu.memory_space<hbm>>, %arg4: memref<8x320000xf32, #tpu.memory_space<hbm>>, %arg5: memref<10000x8xf32, #tpu.memory_space<vmem>>, %arg6: memref<2000xi32, #tpu.memory_space<vmem>>, %arg7: memref<8x2000xf32, #tpu.memory_space<vmem>>, %arg8: memref<!tpu.dma_semaphore, #tpu.memory_space<semaphore_mem>>) attributes {dimension_semantics = [#tpu.dimension_semantics<core_parallel>, #tpu.dimension_semantics<subcore_parallel>], iteration_bounds = array<i64: 2, 16>, scalar_prefetch = 0 : i64, scratch_operands = 4 : i64, tpu.core_type = #tpu.core_type<sc_vector_subcore>, window_params = [{transform_indices = #map}, {transform_indices = #map1}, {transform_indices = #map}]} {
    %mul3A = arith.constant 2 : i32
    %mul3A_0 = arith.muli %arg1, %mul3A : i32
    %add3A = arith.addi %mul3A_0, %arg0 : i32
    %mul3A_1 = arith.constant 10000 : i32
    %mul3A_2 = arith.muli %add3A, %mul3A_1 : i32
    "tpu.region"() ({
      %run_scoped3A = tpu.sem_alloc : memref<!tpu.dma_semaphore, #tpu.memory_space<semaphore_mem>>
      tpu.enqueue_dma source(%arg2 : memref<10000x8xf32, #tpu.memory_space<hbm>>) target(%arg5 : memref<10000x8xf32, #tpu.memory_space<vmem>>) target_semaphore(%run_scoped3A : memref<!tpu.dma_semaphore, #tpu.memory_space<semaphore_mem>>)
      tpu.wait_dma2 semaphore(%run_scoped3A : memref<!tpu.dma_semaphore, #tpu.memory_space<semaphore_mem>>) src(%arg2 : memref<10000x8xf32, #tpu.memory_space<hbm>>) dst(%arg5 : memref<10000x8xf32, #tpu.memory_space<vmem>>)
      tpu.yield
    }) : () -> ()
    %broadcast_in_dim3A = arith.constant 0.000000e+00 : f32
    %broadcast_in_dim3A_3 = vector.broadcast %broadcast_in_dim3A : f32 to vector<16xf32>
    %scan3A = arith.constant 0 : i32
    %scan3A_4 = arith.constant 0 : i32
    %scan3A_5 = arith.constant 5 : i32
    %scan3A_6 = arith.addi %scan3A_4, %scan3A_5 : i32
    %scan3A_7 = arith.constant 1 : i32
    scf.for %scan3A_9 = %scan3A_4 to %scan3A_6 step %scan3A_7  : i32 {
      %mul3A_10 = arith.constant 2000 : i32
      %mul3A_11 = arith.muli %scan3A_9, %mul3A_10 : i32
      %add3A_12 = arith.addi %mul3A_2, %mul3A_11 : i32
      "tpu.region"() ({
        %run_scoped3A = tpu.sem_alloc : memref<!tpu.dma_semaphore, #tpu.memory_space<semaphore_mem>>
        %dma_start3A = tpu.memref_slice %arg3[%add3A_12] : memref<320000xi32, #tpu.memory_space<hbm>> -> memref<2000xi32, #tpu.memory_space<hbm>>
        %dma_start3A_19 = tpu.memref_slice %arg3[%add3A_12] : memref<320000xi32, #tpu.memory_space<hbm>> -> memref<2000xi32, #tpu.memory_space<hbm>>
        tpu.enqueue_dma source(%dma_start3A_19 : memref<2000xi32, #tpu.memory_space<hbm>>) target(%arg6 : memref<2000xi32, #tpu.memory_space<vmem>>) target_semaphore(%run_scoped3A : memref<!tpu.dma_semaphore, #tpu.memory_space<semaphore_mem>>)
        %dma_wait3A = tpu.memref_slice %arg3[%add3A_12] : memref<320000xi32, #tpu.memory_space<hbm>> -> memref<2000xi32, #tpu.memory_space<hbm>>
        %dma_wait3A_20 = tpu.memref_slice %arg3[%add3A_12] : memref<320000xi32, #tpu.memory_space<hbm>> -> memref<2000xi32, #tpu.memory_space<hbm>>
        tpu.wait_dma2 semaphore(%run_scoped3A : memref<!tpu.dma_semaphore, #tpu.memory_space<semaphore_mem>>) src(%dma_wait3A_20 : memref<2000xi32, #tpu.memory_space<hbm>>) dst(%arg6 : memref<2000xi32, #tpu.memory_space<vmem>>)
        tpu.yield
      }) : () -> ()
      %scan3A_13 = arith.constant 0 : i32
      %scan3A_14 = arith.constant 0 : i32
      %scan3A_15 = arith.constant 125 : i32
      %scan3A_16 = arith.addi %scan3A_14, %scan3A_15 : i32
      %scan3A_17 = arith.constant 1 : i32
      scf.for %scan3A_19 = %scan3A_14 to %scan3A_16 step %scan3A_17  : i32 {
        %mul3A_20 = arith.constant 16 : i32
        %mul3A_21 = arith.muli %scan3A_19, %mul3A_20 : i32
        %get3A = arith.index_cast %mul3A_21 : i32 to index
        %get3A_22 = tpu.vector_load %arg6[%get3A] {strides = array<i32>} : memref<2000xi32, #tpu.memory_space<vmem>>, vector<16xi32>,
        %broadcast_in_dim3A_23 = arith.constant 0 : i32
        %broadcast_in_dim3A_24 = vector.broadcast %broadcast_in_dim3A_23 : i32 to vector<16xi32>
        %gather3A = tpu.vector_load_idx %arg5[%get3A_22, %broadcast_in_dim3A_24] : memref<10000x8xf32, #tpu.memory_space<vmem>>[vector<16xi32>, vector<16xi32>], vector<16xf32>,
        %mul3A_25 = arith.constant 16 : i32
        %mul3A_26 = arith.muli %scan3A_19, %mul3A_25 : i32
        %swap3A = arith.constant 0 : i32
        %swap3A_27 = arith.index_cast %swap3A : i32 to index
        %swap3A_28 = arith.index_cast %mul3A_26 : i32 to index
        %swap3A_29 = tpu.vector_load %arg7[%swap3A_27, %swap3A_28] {strides = array<i32>} : memref<8x2000xf32, #tpu.memory_space<vmem>>, vector<16xf32>,
        tpu.vector_store %arg7[%swap3A_27, %swap3A_28], %gather3A {strides = array<i32>} : memref<8x2000xf32, #tpu.memory_space<vmem>>, vector<16xf32>,
        %broadcast_in_dim3A_30 = arith.constant 1 : i32
        %broadcast_in_dim3A_31 = vector.broadcast %broadcast_in_dim3A_30 : i32 to vector<16xi32>
        %gather3A_32 = tpu.vector_load_idx %arg5[%get3A_22, %broadcast_in_dim3A_31] : memref<10000x8xf32, #tpu.memory_space<vmem>>[vector<16xi32>, vector<16xi32>], vector<16xf32>,
        %mul3A_33 = arith.constant 16 : i32
        %mul3A_34 = arith.muli %scan3A_19, %mul3A_33 : i32
        %swap3A_35 = arith.constant 1 : i32
        %swap3A_36 = arith.index_cast %swap3A_35 : i32 to index
        %swap3A_37 = arith.index_cast %mul3A_34 : i32 to index
        %swap3A_38 = tpu.vector_load %arg7[%swap3A_36, %swap3A_37] {strides = array<i32>} : memref<8x2000xf32, #tpu.memory_space<vmem>>, vector<16xf32>,
        tpu.vector_store %arg7[%swap3A_36, %swap3A_37], %gather3A_32 {strides = array<i32>} : memref<8x2000xf32, #tpu.memory_space<vmem>>, vector<16xf32>,
        %broadcast_in_dim3A_39 = arith.constant 2 : i32
        %broadcast_in_dim3A_40 = vector.broadcast %broadcast_in_dim3A_39 : i32 to vector<16xi32>
        %gather3A_41 = tpu.vector_load_idx %arg5[%get3A_22, %broadcast_in_dim3A_40] : memref<10000x8xf32, #tpu.memory_space<vmem>>[vector<16xi32>, vector<16xi32>], vector<16xf32>,
        %mul3A_42 = arith.constant 16 : i32
        %mul3A_43 = arith.muli %scan3A_19, %mul3A_42 : i32
        %swap3A_44 = arith.constant 2 : i32
        %swap3A_45 = arith.index_cast %swap3A_44 : i32 to index
        %swap3A_46 = arith.index_cast %mul3A_43 : i32 to index
        %swap3A_47 = tpu.vector_load %arg7[%swap3A_45, %swap3A_46] {strides = array<i32>} : memref<8x2000xf32, #tpu.memory_space<vmem>>, vector<16xf32>,
        tpu.vector_store %arg7[%swap3A_45, %swap3A_46], %gather3A_41 {strides = array<i32>} : memref<8x2000xf32, #tpu.memory_space<vmem>>, vector<16xf32>,
        %broadcast_in_dim3A_48 = arith.constant 3 : i32
        %broadcast_in_dim3A_49 = vector.broadcast %broadcast_in_dim3A_48 : i32 to vector<16xi32>
        %gather3A_50 = tpu.vector_load_idx %arg5[%get3A_22, %broadcast_in_dim3A_49] : memref<10000x8xf32, #tpu.memory_space<vmem>>[vector<16xi32>, vector<16xi32>], vector<16xf32>,
        %mul3A_51 = arith.constant 16 : i32
        %mul3A_52 = arith.muli %scan3A_19, %mul3A_51 : i32
        %swap3A_53 = arith.constant 3 : i32
        %swap3A_54 = arith.index_cast %swap3A_53 : i32 to index
        %swap3A_55 = arith.index_cast %mul3A_52 : i32 to index
        %swap3A_56 = tpu.vector_load %arg7[%swap3A_54, %swap3A_55] {strides = array<i32>} : memref<8x2000xf32, #tpu.memory_space<vmem>>, vector<16xf32>,
        tpu.vector_store %arg7[%swap3A_54, %swap3A_55], %gather3A_50 {strides = array<i32>} : memref<8x2000xf32, #tpu.memory_space<vmem>>, vector<16xf32>,
        %mul3A_57 = arith.constant 16 : i32
        %mul3A_58 = arith.muli %scan3A_19, %mul3A_57 : i32
        %swap3A_59 = arith.constant 4 : i32
        %swap3A_60 = arith.index_cast %swap3A_59 : i32 to index
        %swap3A_61 = arith.index_cast %mul3A_58 : i32 to index
        %swap3A_62 = tpu.vector_load %arg7[%swap3A_60, %swap3A_61] {strides = array<i32>} : memref<8x2000xf32, #tpu.memory_space<vmem>>, vector<16xf32>,
        tpu.vector_store %arg7[%swap3A_60, %swap3A_61], %broadcast_in_dim3A_3 {strides = array<i32>} : memref<8x2000xf32, #tpu.memory_space<vmem>>, vector<16xf32>,
        %mul3A_63 = arith.constant 16 : i32
        %mul3A_64 = arith.muli %scan3A_19, %mul3A_63 : i32
        %swap3A_65 = arith.constant 5 : i32
        %swap3A_66 = arith.index_cast %swap3A_65 : i32 to index
        %swap3A_67 = arith.index_cast %mul3A_64 : i32 to index
        %swap3A_68 = tpu.vector_load %arg7[%swap3A_66, %swap3A_67] {strides = array<i32>} : memref<8x2000xf32, #tpu.memory_space<vmem>>, vector<16xf32>,
        tpu.vector_store %arg7[%swap3A_66, %swap3A_67], %broadcast_in_dim3A_3 {strides = array<i32>} : memref<8x2000xf32, #tpu.memory_space<vmem>>, vector<16xf32>,
        %mul3A_69 = arith.constant 16 : i32
        %mul3A_70 = arith.muli %scan3A_19, %mul3A_69 : i32
        %swap3A_71 = arith.constant 6 : i32
        %swap3A_72 = arith.index_cast %swap3A_71 : i32 to index
        %swap3A_73 = arith.index_cast %mul3A_70 : i32 to index
        %swap3A_74 = tpu.vector_load %arg7[%swap3A_72, %swap3A_73] {strides = array<i32>} : memref<8x2000xf32, #tpu.memory_space<vmem>>, vector<16xf32>,
        tpu.vector_store %arg7[%swap3A_72, %swap3A_73], %broadcast_in_dim3A_3 {strides = array<i32>} : memref<8x2000xf32, #tpu.memory_space<vmem>>, vector<16xf32>,
        %mul3A_75 = arith.constant 16 : i32
        %mul3A_76 = arith.muli %scan3A_19, %mul3A_75 : i32
        %swap3A_77 = arith.constant 7 : i32
        %swap3A_78 = arith.index_cast %swap3A_77 : i32 to index
        %swap3A_79 = arith.index_cast %mul3A_76 : i32 to index
        %swap3A_80 = tpu.vector_load %arg7[%swap3A_78, %swap3A_79] {strides = array<i32>} : memref<8x2000xf32, #tpu.memory_space<vmem>>, vector<16xf32>,
        tpu.vector_store %arg7[%swap3A_78, %swap3A_79], %broadcast_in_dim3A_3 {strides = array<i32>} : memref<8x2000xf32, #tpu.memory_space<vmem>>, vector<16xf32>,
      }
      %scan3A_18 = arith.constant 125 : i32
      "tpu.region"() ({
        %run_scoped3A = tpu.sem_alloc : memref<!tpu.dma_semaphore, #tpu.memory_space<semaphore_mem>>
        %dma_start3A = arith.constant 0 : i32
        %dma_start3A_19 = tpu.memref_slice %arg4[%dma_start3A, %add3A_12] : memref<8x320000xf32, #tpu.memory_space<hbm>> -> memref<8x2000xf32, #tpu.memory_space<hbm>>
        %dma_start3A_20 = arith.constant 0 : i32
        %dma_start3A_21 = tpu.memref_slice %arg4[%dma_start3A_20, %add3A_12] : memref<8x320000xf32, #tpu.memory_space<hbm>> -> memref<8x2000xf32, #tpu.memory_space<hbm>>
        tpu.enqueue_dma source(%arg7 : memref<8x2000xf32, #tpu.memory_space<vmem>>) target(%dma_start3A_21 : memref<8x2000xf32, #tpu.memory_space<hbm>>) target_semaphore(%run_scoped3A : memref<!tpu.dma_semaphore, #tpu.memory_space<semaphore_mem>>)
        %dma_wait3A = arith.constant 0 : i32
        %dma_wait3A_22 = tpu.memref_slice %arg4[%dma_wait3A, %add3A_12] : memref<8x320000xf32, #tpu.memory_space<hbm>> -> memref<8x2000xf32, #tpu.memory_space<hbm>>
        %dma_wait3A_23 = arith.constant 0 : i32
        %dma_wait3A_24 = tpu.memref_slice %arg4[%dma_wait3A_23, %add3A_12] : memref<8x320000xf32, #tpu.memory_space<hbm>> -> memref<8x2000xf32, #tpu.memory_space<hbm>>
        tpu.wait_dma2 semaphore(%run_scoped3A : memref<!tpu.dma_semaphore, #tpu.memory_space<semaphore_mem>>) src(%arg7 : memref<8x2000xf32, #tpu.memory_space<vmem>>) dst(%dma_wait3A_24 : memref<8x2000xf32, #tpu.memory_space<hbm>>)
        tpu.yield
      }) : () -> ()
    }
    %scan3A_8 = arith.constant 5 : i32
    return
  }
}

#map = affine_map<(d0, d1) -> (0, 0)>
#map1 = affine_map<(d0, d1) -> (0)>
module attributes {stable_mosaic.version = 14 : i64} {
  func.func @k(%arg0: i32, %arg1: i32, %arg2: memref<8x320000xf32, #tpu.memory_space<hbm>>, %arg3: memref<320000xi32, #tpu.memory_space<hbm>>, %arg4: memref<10000x8xf32, #tpu.memory_space<hbm>>, %arg5: memref<10000x8xf32, #tpu.memory_space<hbm>>, %arg6: memref<2x2000xi32, #tpu.memory_space<vmem>>, %arg7: memref<2x8x2000xf32, #tpu.memory_space<vmem>>, %arg8: memref<2000x8xf32, #tpu.memory_space<vmem>>, %arg9: memref<10000x8xf32, #tpu.memory_space<vmem_shared>>, %arg10: memref<!tpu.dma_semaphore, #tpu.memory_space<semaphore_mem>>, %arg11: memref<!tpu.dma_semaphore, #tpu.memory_space<semaphore_mem>>, %arg12: memref<!tpu.dma_semaphore, #tpu.memory_space<semaphore_mem>>, %arg13: memref<!tpu.dma_semaphore, #tpu.memory_space<semaphore_mem>>) attributes {dimension_semantics = [#tpu.dimension_semantics<core_parallel>, #tpu.dimension_semantics<subcore_parallel>], iteration_bounds = array<i64: 1, 16>, scalar_prefetch = 0 : i64, scratch_operands = 8 : i64, tpu.core_type = #tpu.core_type<sc_vector_subcore>, window_params = [{transform_indices = #map}, {transform_indices = #map1}, {transform_indices = #map}, {transform_indices = #map}]} {
    %eq3A = arith.constant 0 : i32
    %eq3A_0 = arith.cmpi eq, %arg1, %eq3A : i32
    %convert_element_type3A = arith.extui %eq3A_0 : i1 to i32
    %cond3A = arith.constant 0 : i32
    %cond3A_1 = arith.cmpi ne, %convert_element_type3A, %cond3A : i32
    scf.if %cond3A_1 {
      "tpu.region"() ({
        %run_scoped3A = tpu.sem_alloc : memref<!tpu.dma_semaphore, #tpu.memory_space<semaphore_mem>>
        tpu.enqueue_dma source(%arg4 : memref<10000x8xf32, #tpu.memory_space<hbm>>) target(%arg9 : memref<10000x8xf32, #tpu.memory_space<vmem_shared>>) target_semaphore(%run_scoped3A : memref<!tpu.dma_semaphore, #tpu.memory_space<semaphore_mem>>)
        tpu.wait_dma2 semaphore(%run_scoped3A : memref<!tpu.dma_semaphore, #tpu.memory_space<semaphore_mem>>) src(%arg4 : memref<10000x8xf32, #tpu.memory_space<hbm>>) dst(%arg9 : memref<10000x8xf32, #tpu.memory_space<vmem_shared>>)
        tpu.yield
      }) : () -> ()
    } else {
    }
    %barrier3A = arith.constant 0 : index
    tpu.barrier barrier_id(%barrier3A)
    %mul3A = arith.constant 20000 : i32
    %mul3A_2 = arith.muli %arg1, %mul3A : i32
    %iota3A = tpu.iota {dimensions = array<i32: 0>} : vector<16xi32>
    %add3A = arith.constant 0 : i32
    %add3A_3 = arith.addi %mul3A_2, %add3A : i32
    %dma_start3A = arith.constant 0 : i32
    %dma_start3A_4 = arith.constant 0 : i32
    %dma_start3A_5 = tpu.memref_slice %arg6[%dma_start3A, %dma_start3A_4] : memref<2x2000xi32, #tpu.memory_space<vmem>> -> memref<1x2000xi32, #tpu.memory_space<vmem>>
    %dma_start3A_6 = tpu.memref_squeeze %dma_start3A_5 : memref<1x2000xi32, #tpu.memory_space<vmem>> -> memref<2000xi32, #tpu.memory_space<vmem>>
    %dma_start3A_7 = tpu.memref_slice %arg3[%add3A_3] : memref<320000xi32, #tpu.memory_space<hbm>> -> memref<2000xi32, #tpu.memory_space<hbm>>
    %dma_start3A_8 = arith.constant 0 : i32
    %dma_start3A_9 = tpu.memref_slice %arg6[%dma_start3A, %dma_start3A_8] : memref<2x2000xi32, #tpu.memory_space<vmem>> -> memref<1x2000xi32, #tpu.memory_space<vmem>>
    %dma_start3A_10 = tpu.memref_squeeze %dma_start3A_9 : memref<1x2000xi32, #tpu.memory_space<vmem>> -> memref<2000xi32, #tpu.memory_space<vmem>>
    %dma_start3A_11 = tpu.memref_slice %arg3[%add3A_3] : memref<320000xi32, #tpu.memory_space<hbm>> -> memref<2000xi32, #tpu.memory_space<hbm>>
    tpu.enqueue_dma source(%dma_start3A_11 : memref<2000xi32, #tpu.memory_space<hbm>>) target(%dma_start3A_10 : memref<2000xi32, #tpu.memory_space<vmem>>) target_semaphore(%arg10 : memref<!tpu.dma_semaphore, #tpu.memory_space<semaphore_mem>>)
    %dma_start3A_12 = arith.constant 0 : i32
    %dma_start3A_13 = arith.constant 0 : i32
    %dma_start3A_14 = arith.constant 0 : i32
    %dma_start3A_15 = tpu.memref_slice %arg7[%dma_start3A_12, %dma_start3A_13, %dma_start3A_14] : memref<2x8x2000xf32, #tpu.memory_space<vmem>> -> memref<1x8x2000xf32, #tpu.memory_space<vmem>>
    %dma_start3A_16 = tpu.memref_squeeze %dma_start3A_15 : memref<1x8x2000xf32, #tpu.memory_space<vmem>> -> memref<8x2000xf32, #tpu.memory_space<vmem>>
    %dma_start3A_17 = arith.constant 0 : i32
    %dma_start3A_18 = tpu.memref_slice %arg2[%dma_start3A_17, %add3A_3] : memref<8x320000xf32, #tpu.memory_space<hbm>> -> memref<8x2000xf32, #tpu.memory_space<hbm>>
    %dma_start3A_19 = arith.constant 0 : i32
    %dma_start3A_20 = arith.constant 0 : i32
    %dma_start3A_21 = tpu.memref_slice %arg7[%dma_start3A_12, %dma_start3A_19, %dma_start3A_20] : memref<2x8x2000xf32, #tpu.memory_space<vmem>> -> memref<1x8x2000xf32, #tpu.memory_space<vmem>>
    %dma_start3A_22 = tpu.memref_squeeze %dma_start3A_21 : memref<1x8x2000xf32, #tpu.memory_space<vmem>> -> memref<8x2000xf32, #tpu.memory_space<vmem>>
    %dma_start3A_23 = arith.constant 0 : i32
    %dma_start3A_24 = tpu.memref_slice %arg2[%dma_start3A_23, %add3A_3] : memref<8x320000xf32, #tpu.memory_space<hbm>> -> memref<8x2000xf32, #tpu.memory_space<hbm>>
    tpu.enqueue_dma source(%dma_start3A_24 : memref<8x2000xf32, #tpu.memory_space<hbm>>) target(%dma_start3A_22 : memref<8x2000xf32, #tpu.memory_space<vmem>>) target_semaphore(%arg12 : memref<!tpu.dma_semaphore, #tpu.memory_space<semaphore_mem>>)
    %scan3A = arith.constant 0 : i32
    %scan3A_25 = arith.constant 0 : i32
    %scan3A_26 = arith.constant 5 : i32
    %scan3A_27 = arith.addi %scan3A_25, %scan3A_26 : i32
    %scan3A_28 = arith.constant 1 : i32
    scf.for %scan3A_36 = %scan3A_25 to %scan3A_27 step %scan3A_28  : i32 {
      %mul3A_37 = arith.constant 2 : i32
      %mul3A_38 = arith.muli %scan3A_36, %mul3A_37 : i32
      %add3A_39 = arith.constant 0 : i32
      %add3A_40 = arith.addi %mul3A_38, %add3A_39 : i32
      %add3A_41 = arith.constant 1 : i32
      %add3A_42 = arith.addi %add3A_40, %add3A_41 : i32
      %lt3A = arith.constant 10 : i32
      %lt3A_43 = arith.cmpi slt, %add3A_42, %lt3A : i32
      %convert_element_type3A_44 = arith.extui %lt3A_43 : i1 to i32
      %cond3A_45 = arith.constant 0 : i32
      %cond3A_46 = arith.cmpi ne, %convert_element_type3A_44, %cond3A_45 : i32
      scf.if %cond3A_46 {
        %add3A_120 = arith.constant 1 : i32
        %add3A_121 = arith.addi %add3A_40, %add3A_120 : i32
        %mul3A_122 = arith.constant 2000 : i32
        %mul3A_123 = arith.muli %add3A_121, %mul3A_122 : i32
        %add3A_124 = arith.addi %mul3A_2, %mul3A_123 : i32
        %dma_start3A_125 = arith.constant 1 : i32
        %dma_start3A_126 = arith.constant 0 : i32
        %dma_start3A_127 = tpu.memref_slice %arg6[%dma_start3A_125, %dma_start3A_126] : memref<2x2000xi32, #tpu.memory_space<vmem>> -> memref<1x2000xi32, #tpu.memory_space<vmem>>
        %dma_start3A_128 = tpu.memref_squeeze %dma_start3A_127 : memref<1x2000xi32, #tpu.memory_space<vmem>> -> memref<2000xi32, #tpu.memory_space<vmem>>
        %dma_start3A_129 = tpu.memref_slice %arg3[%add3A_124] : memref<320000xi32, #tpu.memory_space<hbm>> -> memref<2000xi32, #tpu.memory_space<hbm>>
        %dma_start3A_130 = arith.constant 0 : i32
        %dma_start3A_131 = tpu.memref_slice %arg6[%dma_start3A_125, %dma_start3A_130] : memref<2x2000xi32, #tpu.memory_space<vmem>> -> memref<1x2000xi32, #tpu.memory_space<vmem>>
        %dma_start3A_132 = tpu.memref_squeeze %dma_start3A_131 : memref<1x2000xi32, #tpu.memory_space<vmem>> -> memref<2000xi32, #tpu.memory_space<vmem>>
        %dma_start3A_133 = tpu.memref_slice %arg3[%add3A_124] : memref<320000xi32, #tpu.memory_space<hbm>> -> memref<2000xi32, #tpu.memory_space<hbm>>
        tpu.enqueue_dma source(%dma_start3A_133 : memref<2000xi32, #tpu.memory_space<hbm>>) target(%dma_start3A_132 : memref<2000xi32, #tpu.memory_space<vmem>>) target_semaphore(%arg11 : memref<!tpu.dma_semaphore, #tpu.memory_space<semaphore_mem>>)
        %dma_start3A_134 = arith.constant 1 : i32
        %dma_start3A_135 = arith.constant 0 : i32
        %dma_start3A_136 = arith.constant 0 : i32
        %dma_start3A_137 = tpu.memref_slice %arg7[%dma_start3A_134, %dma_start3A_135, %dma_start3A_136] : memref<2x8x2000xf32, #tpu.memory_space<vmem>> -> memref<1x8x2000xf32, #tpu.memory_space<vmem>>
        %dma_start3A_138 = tpu.memref_squeeze %dma_start3A_137 : memref<1x8x2000xf32, #tpu.memory_space<vmem>> -> memref<8x2000xf32, #tpu.memory_space<vmem>>
        %dma_start3A_139 = arith.constant 0 : i32
        %dma_start3A_140 = tpu.memref_slice %arg2[%dma_start3A_139, %add3A_124] : memref<8x320000xf32, #tpu.memory_space<hbm>> -> memref<8x2000xf32, #tpu.memory_space<hbm>>
        %dma_start3A_141 = arith.constant 0 : i32
        %dma_start3A_142 = arith.constant 0 : i32
        %dma_start3A_143 = tpu.memref_slice %arg7[%dma_start3A_134, %dma_start3A_141, %dma_start3A_142] : memref<2x8x2000xf32, #tpu.memory_space<vmem>> -> memref<1x8x2000xf32, #tpu.memory_space<vmem>>
        %dma_start3A_144 = tpu.memref_squeeze %dma_start3A_143 : memref<1x8x2000xf32, #tpu.memory_space<vmem>> -> memref<8x2000xf32, #tpu.memory_space<vmem>>
        %dma_start3A_145 = arith.constant 0 : i32
        %dma_start3A_146 = tpu.memref_slice %arg2[%dma_start3A_145, %add3A_124] : memref<8x320000xf32, #tpu.memory_space<hbm>> -> memref<8x2000xf32, #tpu.memory_space<hbm>>
        tpu.enqueue_dma source(%dma_start3A_146 : memref<8x2000xf32, #tpu.memory_space<hbm>>) target(%dma_start3A_144 : memref<8x2000xf32, #tpu.memory_space<vmem>>) target_semaphore(%arg13 : memref<!tpu.dma_semaphore, #tpu.memory_space<semaphore_mem>>)
      } else {
      }
      %mul3A_47 = arith.constant 2000 : i32
      %mul3A_48 = arith.muli %add3A_40, %mul3A_47 : i32
      %add3A_49 = arith.addi %mul3A_2, %mul3A_48 : i32
      %dma_wait3A = arith.constant 0 : i32
      %dma_wait3A_50 = arith.constant 0 : i32
      %dma_wait3A_51 = tpu.memref_slice %arg6[%dma_wait3A, %dma_wait3A_50] : memref<2x2000xi32, #tpu.memory_space<vmem>> -> memref<1x2000xi32, #tpu.memory_space<vmem>>
      %dma_wait3A_52 = tpu.memref_squeeze %dma_wait3A_51 : memref<1x2000xi32, #tpu.memory_space<vmem>> -> memref<2000xi32, #tpu.memory_space<vmem>>
      %dma_wait3A_53 = tpu.memref_slice %arg3[%add3A_49] : memref<320000xi32, #tpu.memory_space<hbm>> -> memref<2000xi32, #tpu.memory_space<hbm>>
      %dma_wait3A_54 = arith.constant 0 : i32
      %dma_wait3A_55 = tpu.memref_slice %arg6[%dma_wait3A, %dma_wait3A_54] : memref<2x2000xi32, #tpu.memory_space<vmem>> -> memref<1x2000xi32, #tpu.memory_space<vmem>>
      %dma_wait3A_56 = tpu.memref_squeeze %dma_wait3A_55 : memref<1x2000xi32, #tpu.memory_space<vmem>> -> memref<2000xi32, #tpu.memory_space<vmem>>
      %dma_wait3A_57 = tpu.memref_slice %arg3[%add3A_49] : memref<320000xi32, #tpu.memory_space<hbm>> -> memref<2000xi32, #tpu.memory_space<hbm>>
      tpu.wait_dma2 semaphore(%arg10 : memref<!tpu.dma_semaphore, #tpu.memory_space<semaphore_mem>>) src(%dma_wait3A_57 : memref<2000xi32, #tpu.memory_space<hbm>>) dst(%dma_wait3A_56 : memref<2000xi32, #tpu.memory_space<vmem>>)
      %dma_wait3A_58 = arith.constant 0 : i32
      %dma_wait3A_59 = arith.constant 0 : i32
      %dma_wait3A_60 = arith.constant 0 : i32
      %dma_wait3A_61 = tpu.memref_slice %arg7[%dma_wait3A_58, %dma_wait3A_59, %dma_wait3A_60] : memref<2x8x2000xf32, #tpu.memory_space<vmem>> -> memref<1x8x2000xf32, #tpu.memory_space<vmem>>
      %dma_wait3A_62 = tpu.memref_squeeze %dma_wait3A_61 : memref<1x8x2000xf32, #tpu.memory_space<vmem>> -> memref<8x2000xf32, #tpu.memory_space<vmem>>
      %dma_wait3A_63 = arith.constant 0 : i32
      %dma_wait3A_64 = tpu.memref_slice %arg2[%dma_wait3A_63, %add3A_49] : memref<8x320000xf32, #tpu.memory_space<hbm>> -> memref<8x2000xf32, #tpu.memory_space<hbm>>
      %dma_wait3A_65 = arith.constant 0 : i32
      %dma_wait3A_66 = arith.constant 0 : i32
      %dma_wait3A_67 = tpu.memref_slice %arg7[%dma_wait3A_58, %dma_wait3A_65, %dma_wait3A_66] : memref<2x8x2000xf32, #tpu.memory_space<vmem>> -> memref<1x8x2000xf32, #tpu.memory_space<vmem>>
      %dma_wait3A_68 = tpu.memref_squeeze %dma_wait3A_67 : memref<1x8x2000xf32, #tpu.memory_space<vmem>> -> memref<8x2000xf32, #tpu.memory_space<vmem>>
      %dma_wait3A_69 = arith.constant 0 : i32
      %dma_wait3A_70 = tpu.memref_slice %arg2[%dma_wait3A_69, %add3A_49] : memref<8x320000xf32, #tpu.memory_space<hbm>> -> memref<8x2000xf32, #tpu.memory_space<hbm>>
      tpu.wait_dma2 semaphore(%arg12 : memref<!tpu.dma_semaphore, #tpu.memory_space<semaphore_mem>>) src(%dma_wait3A_70 : memref<8x2000xf32, #tpu.memory_space<hbm>>) dst(%dma_wait3A_68 : memref<8x2000xf32, #tpu.memory_space<vmem>>)
      %scan3A_71 = arith.constant 0 : i32
      %scan3A_72 = arith.constant 0 : i32
      %scan3A_73 = arith.constant 125 : i32
      %scan3A_74 = arith.addi %scan3A_72, %scan3A_73 : i32
      %scan3A_75 = arith.constant 1 : i32
      scf.for %scan3A_120 = %scan3A_72 to %scan3A_74 step %scan3A_75  : i32 {
        %mul3A_121 = arith.constant 16 : i32
        %mul3A_122 = arith.muli %scan3A_120, %mul3A_121 : i32
        %add3A_123 = vector.broadcast %mul3A_122 : i32 to vector<16xi32>
        %add3A_124 = arith.addi %add3A_123, %iota3A : vector<16xi32>
        %mul3A_125 = arith.constant 16 : i32
        %mul3A_126 = arith.muli %scan3A_120, %mul3A_125 : i32
        %get3A = arith.constant 0 : i32
        %get3A_127 = arith.constant 0 : i32
        %get3A_128 = arith.index_cast %get3A : i32 to index
        %get3A_129 = arith.index_cast %get3A_127 : i32 to index
        %get3A_130 = arith.index_cast %mul3A_126 : i32 to index
        %get3A_131 = tpu.vector_load %arg7[%get3A_128, %get3A_129, %get3A_130] {strides = array<i32>} : memref<2x8x2000xf32, #tpu.memory_space<vmem>>, vector<16xf32>,
        %broadcast_in_dim3A = arith.constant 0 : i32
        %broadcast_in_dim3A_132 = vector.broadcast %broadcast_in_dim3A : i32 to vector<16xi32>
        tpu.vector_store_idx %arg8[%add3A_124, %broadcast_in_dim3A_132], %get3A_131 : memref<2000x8xf32, #tpu.memory_space<vmem>>[vector<16xi32>, vector<16xi32>], vector<16xf32>,
        %mul3A_133 = arith.constant 16 : i32
        %mul3A_134 = arith.muli %scan3A_120, %mul3A_133 : i32
        %get3A_135 = arith.constant 0 : i32
        %get3A_136 = arith.constant 1 : i32
        %get3A_137 = arith.index_cast %get3A_135 : i32 to index
        %get3A_138 = arith.index_cast %get3A_136 : i32 to index
        %get3A_139 = arith.index_cast %mul3A_134 : i32 to index
        %get3A_140 = tpu.vector_load %arg7[%get3A_137, %get3A_138, %get3A_139] {strides = array<i32>} : memref<2x8x2000xf32, #tpu.memory_space<vmem>>, vector<16xf32>,
        %broadcast_in_dim3A_141 = arith.constant 1 : i32
        %broadcast_in_dim3A_142 = vector.broadcast %broadcast_in_dim3A_141 : i32 to vector<16xi32>
        tpu.vector_store_idx %arg8[%add3A_124, %broadcast_in_dim3A_142], %get3A_140 : memref<2000x8xf32, #tpu.memory_space<vmem>>[vector<16xi32>, vector<16xi32>], vector<16xf32>,
        %mul3A_143 = arith.constant 16 : i32
        %mul3A_144 = arith.muli %scan3A_120, %mul3A_143 : i32
        %get3A_145 = arith.constant 0 : i32
        %get3A_146 = arith.constant 2 : i32
        %get3A_147 = arith.index_cast %get3A_145 : i32 to index
        %get3A_148 = arith.index_cast %get3A_146 : i32 to index
        %get3A_149 = arith.index_cast %mul3A_144 : i32 to index
        %get3A_150 = tpu.vector_load %arg7[%get3A_147, %get3A_148, %get3A_149] {strides = array<i32>} : memref<2x8x2000xf32, #tpu.memory_space<vmem>>, vector<16xf32>,
        %broadcast_in_dim3A_151 = arith.constant 2 : i32
        %broadcast_in_dim3A_152 = vector.broadcast %broadcast_in_dim3A_151 : i32 to vector<16xi32>
        tpu.vector_store_idx %arg8[%add3A_124, %broadcast_in_dim3A_152], %get3A_150 : memref<2000x8xf32, #tpu.memory_space<vmem>>[vector<16xi32>, vector<16xi32>], vector<16xf32>,
        %mul3A_153 = arith.constant 16 : i32
        %mul3A_154 = arith.muli %scan3A_120, %mul3A_153 : i32
        %get3A_155 = arith.constant 0 : i32
        %get3A_156 = arith.constant 3 : i32
        %get3A_157 = arith.index_cast %get3A_155 : i32 to index
        %get3A_158 = arith.index_cast %get3A_156 : i32 to index
        %get3A_159 = arith.index_cast %mul3A_154 : i32 to index
        %get3A_160 = tpu.vector_load %arg7[%get3A_157, %get3A_158, %get3A_159] {strides = array<i32>} : memref<2x8x2000xf32, #tpu.memory_space<vmem>>, vector<16xf32>,
        %broadcast_in_dim3A_161 = arith.constant 3 : i32
        %broadcast_in_dim3A_162 = vector.broadcast %broadcast_in_dim3A_161 : i32 to vector<16xi32>
        tpu.vector_store_idx %arg8[%add3A_124, %broadcast_in_dim3A_162], %get3A_160 : memref<2000x8xf32, #tpu.memory_space<vmem>>[vector<16xi32>, vector<16xi32>], vector<16xf32>,
        %mul3A_163 = arith.constant 16 : i32
        %mul3A_164 = arith.muli %scan3A_120, %mul3A_163 : i32
        %get3A_165 = arith.constant 0 : i32
        %get3A_166 = arith.constant 4 : i32
        %get3A_167 = arith.index_cast %get3A_165 : i32 to index
        %get3A_168 = arith.index_cast %get3A_166 : i32 to index
        %get3A_169 = arith.index_cast %mul3A_164 : i32 to index
        %get3A_170 = tpu.vector_load %arg7[%get3A_167, %get3A_168, %get3A_169] {strides = array<i32>} : memref<2x8x2000xf32, #tpu.memory_space<vmem>>, vector<16xf32>,
        %broadcast_in_dim3A_171 = arith.constant 4 : i32
        %broadcast_in_dim3A_172 = vector.broadcast %broadcast_in_dim3A_171 : i32 to vector<16xi32>
        tpu.vector_store_idx %arg8[%add3A_124, %broadcast_in_dim3A_172], %get3A_170 : memref<2000x8xf32, #tpu.memory_space<vmem>>[vector<16xi32>, vector<16xi32>], vector<16xf32>,
        %mul3A_173 = arith.constant 16 : i32
        %mul3A_174 = arith.muli %scan3A_120, %mul3A_173 : i32
        %get3A_175 = arith.constant 0 : i32
        %get3A_176 = arith.constant 5 : i32
        %get3A_177 = arith.index_cast %get3A_175 : i32 to index
        %get3A_178 = arith.index_cast %get3A_176 : i32 to index
        %get3A_179 = arith.index_cast %mul3A_174 : i32 to index
        %get3A_180 = tpu.vector_load %arg7[%get3A_177, %get3A_178, %get3A_179] {strides = array<i32>} : memref<2x8x2000xf32, #tpu.memory_space<vmem>>, vector<16xf32>,
        %broadcast_in_dim3A_181 = arith.constant 5 : i32
        %broadcast_in_dim3A_182 = vector.broadcast %broadcast_in_dim3A_181 : i32 to vector<16xi32>
        tpu.vector_store_idx %arg8[%add3A_124, %broadcast_in_dim3A_182], %get3A_180 : memref<2000x8xf32, #tpu.memory_space<vmem>>[vector<16xi32>, vector<16xi32>], vector<16xf32>,
        %mul3A_183 = arith.constant 16 : i32
        %mul3A_184 = arith.muli %scan3A_120, %mul3A_183 : i32
        %get3A_185 = arith.constant 0 : i32
        %get3A_186 = arith.constant 6 : i32
        %get3A_187 = arith.index_cast %get3A_185 : i32 to index
        %get3A_188 = arith.index_cast %get3A_186 : i32 to index
        %get3A_189 = arith.index_cast %mul3A_184 : i32 to index
        %get3A_190 = tpu.vector_load %arg7[%get3A_187, %get3A_188, %get3A_189] {strides = array<i32>} : memref<2x8x2000xf32, #tpu.memory_space<vmem>>, vector<16xf32>,
        %broadcast_in_dim3A_191 = arith.constant 6 : i32
        %broadcast_in_dim3A_192 = vector.broadcast %broadcast_in_dim3A_191 : i32 to vector<16xi32>
        tpu.vector_store_idx %arg8[%add3A_124, %broadcast_in_dim3A_192], %get3A_190 : memref<2000x8xf32, #tpu.memory_space<vmem>>[vector<16xi32>, vector<16xi32>], vector<16xf32>,
        %mul3A_193 = arith.constant 16 : i32
        %mul3A_194 = arith.muli %scan3A_120, %mul3A_193 : i32
        %get3A_195 = arith.constant 0 : i32
        %get3A_196 = arith.constant 7 : i32
        %get3A_197 = arith.index_cast %get3A_195 : i32 to index
        %get3A_198 = arith.index_cast %get3A_196 : i32 to index
        %get3A_199 = arith.index_cast %mul3A_194 : i32 to index
        %get3A_200 = tpu.vector_load %arg7[%get3A_197, %get3A_198, %get3A_199] {strides = array<i32>} : memref<2x8x2000xf32, #tpu.memory_space<vmem>>, vector<16xf32>,
        %broadcast_in_dim3A_201 = arith.constant 7 : i32
        %broadcast_in_dim3A_202 = vector.broadcast %broadcast_in_dim3A_201 : i32 to vector<16xi32>
        tpu.vector_store_idx %arg8[%add3A_124, %broadcast_in_dim3A_202], %get3A_200 : memref<2000x8xf32, #tpu.memory_space<vmem>>[vector<16xi32>, vector<16xi32>], vector<16xf32>,
      }
      %scan3A_76 = arith.constant 125 : i32
      %run_scoped3A = arith.constant 0 : i32
      "tpu.region"() ({
        %run_scoped3A_120 = tpu.sem_alloc : memref<!tpu.dma_semaphore, #tpu.memory_space<semaphore_mem>>
        %dma_start3A_121 = arith.constant 0 : i32
        %dma_start3A_122 = tpu.memref_slice %arg6[%run_scoped3A, %dma_start3A_121] : memref<2x2000xi32, #tpu.memory_space<vmem>> -> memref<1x2000xi32, #tpu.memory_space<vmem>>
        %dma_start3A_123 = tpu.memref_squeeze %dma_start3A_122 : memref<1x2000xi32, #tpu.memory_space<vmem>> -> memref<2000xi32, #tpu.memory_space<vmem>>
        %dma_start3A_124 = arith.constant 0 : i32
        %dma_start3A_125 = arith.constant 0 : i32
        %dma_start3A_126 = tpu.memref_slice %arg9[%dma_start3A_124, %dma_start3A_125] : memref<10000x8xf32, #tpu.memory_space<vmem_shared>> -> memref<10000x8xf32, #tpu.memory_space<vmem_shared>>
        tpu.enqueue_indirect_dma source(%arg8 : memref<2000x8xf32, #tpu.memory_space<vmem>>) target(%dma_start3A_126 : memref<10000x8xf32, #tpu.memory_space<vmem_shared>>) offsets(%dma_start3A_123 : memref<2000xi32, #tpu.memory_space<vmem>>) semaphore(%run_scoped3A_120 : memref<!tpu.dma_semaphore, #tpu.memory_space<semaphore_mem>>) {add = true}
        %dma_wait3A_127 = arith.constant 0 : i32
        %dma_wait3A_128 = tpu.memref_slice %arg6[%run_scoped3A, %dma_wait3A_127] : memref<2x2000xi32, #tpu.memory_space<vmem>> -> memref<1x2000xi32, #tpu.memory_space<vmem>>
        %dma_wait3A_129 = tpu.memref_squeeze %dma_wait3A_128 : memref<1x2000xi32, #tpu.memory_space<vmem>> -> memref<2000xi32, #tpu.memory_space<vmem>>
        %dma_wait3A_130 = arith.constant 0 : i32
        %dma_wait3A_131 = arith.constant 0 : i32
        %dma_wait3A_132 = tpu.memref_slice %arg9[%dma_wait3A_130, %dma_wait3A_131] : memref<10000x8xf32, #tpu.memory_space<vmem_shared>> -> memref<10000x8xf32, #tpu.memory_space<vmem_shared>>
        tpu.wait_indirect_dma semaphore(%run_scoped3A_120 : memref<!tpu.dma_semaphore, #tpu.memory_space<semaphore_mem>>) src(%arg8 : memref<2000x8xf32, #tpu.memory_space<vmem>>) dst(%dma_wait3A_132 : memref<10000x8xf32, #tpu.memory_space<vmem_shared>>)
        tpu.yield
      }) : () -> ()
      %mul3A_77 = arith.constant 2 : i32
      %mul3A_78 = arith.muli %scan3A_36, %mul3A_77 : i32
      %add3A_79 = arith.constant 1 : i32
      %add3A_80 = arith.addi %mul3A_78, %add3A_79 : i32
      %add3A_81 = arith.constant 1 : i32
      %add3A_82 = arith.addi %add3A_80, %add3A_81 : i32
      %lt3A_83 = arith.constant 10 : i32
      %lt3A_84 = arith.cmpi slt, %add3A_82, %lt3A_83 : i32
      %convert_element_type3A_85 = arith.extui %lt3A_84 : i1 to i32
      %cond3A_86 = arith.constant 0 : i32
      %cond3A_87 = arith.cmpi ne, %convert_element_type3A_85, %cond3A_86 : i32
      scf.if %cond3A_87 {
        %add3A_120 = arith.constant 1 : i32
        %add3A_121 = arith.addi %add3A_80, %add3A_120 : i32
        %mul3A_122 = arith.constant 2000 : i32
        %mul3A_123 = arith.muli %add3A_121, %mul3A_122 : i32
        %add3A_124 = arith.addi %mul3A_2, %mul3A_123 : i32
        %dma_start3A_125 = arith.constant 0 : i32
        %dma_start3A_126 = arith.constant 0 : i32
        %dma_start3A_127 = tpu.memref_slice %arg6[%dma_start3A_125, %dma_start3A_126] : memref<2x2000xi32, #tpu.memory_space<vmem>> -> memref<1x2000xi32, #tpu.memory_space<vmem>>
        %dma_start3A_128 = tpu.memref_squeeze %dma_start3A_127 : memref<1x2000xi32, #tpu.memory_space<vmem>> -> memref<2000xi32, #tpu.memory_space<vmem>>
        %dma_start3A_129 = tpu.memref_slice %arg3[%add3A_124] : memref<320000xi32, #tpu.memory_space<hbm>> -> memref<2000xi32, #tpu.memory_space<hbm>>
        %dma_start3A_130 = arith.constant 0 : i32
        %dma_start3A_131 = tpu.memref_slice %arg6[%dma_start3A_125, %dma_start3A_130] : memref<2x2000xi32, #tpu.memory_space<vmem>> -> memref<1x2000xi32, #tpu.memory_space<vmem>>
        %dma_start3A_132 = tpu.memref_squeeze %dma_start3A_131 : memref<1x2000xi32, #tpu.memory_space<vmem>> -> memref<2000xi32, #tpu.memory_space<vmem>>
        %dma_start3A_133 = tpu.memref_slice %arg3[%add3A_124] : memref<320000xi32, #tpu.memory_space<hbm>> -> memref<2000xi32, #tpu.memory_space<hbm>>
        tpu.enqueue_dma source(%dma_start3A_133 : memref<2000xi32, #tpu.memory_space<hbm>>) target(%dma_start3A_132 : memref<2000xi32, #tpu.memory_space<vmem>>) target_semaphore(%arg10 : memref<!tpu.dma_semaphore, #tpu.memory_space<semaphore_mem>>)
        %dma_start3A_134 = arith.constant 0 : i32
        %dma_start3A_135 = arith.constant 0 : i32
        %dma_start3A_136 = arith.constant 0 : i32
        %dma_start3A_137 = tpu.memref_slice %arg7[%dma_start3A_134, %dma_start3A_135, %dma_start3A_136] : memref<2x8x2000xf32, #tpu.memory_space<vmem>> -> memref<1x8x2000xf32, #tpu.memory_space<vmem>>
        %dma_start3A_138 = tpu.memref_squeeze %dma_start3A_137 : memref<1x8x2000xf32, #tpu.memory_space<vmem>> -> memref<8x2000xf32, #tpu.memory_space<vmem>>
        %dma_start3A_139 = arith.constant 0 : i32
        %dma_start3A_140 = tpu.memref_slice %arg2[%dma_start3A_139, %add3A_124] : memref<8x320000xf32, #tpu.memory_space<hbm>> -> memref<8x2000xf32, #tpu.memory_space<hbm>>
        %dma_start3A_141 = arith.constant 0 : i32
        %dma_start3A_142 = arith.constant 0 : i32
        %dma_start3A_143 = tpu.memref_slice %arg7[%dma_start3A_134, %dma_start3A_141, %dma_start3A_142] : memref<2x8x2000xf32, #tpu.memory_space<vmem>> -> memref<1x8x2000xf32, #tpu.memory_space<vmem>>
        %dma_start3A_144 = tpu.memref_squeeze %dma_start3A_143 : memref<1x8x2000xf32, #tpu.memory_space<vmem>> -> memref<8x2000xf32, #tpu.memory_space<vmem>>
        %dma_start3A_145 = arith.constant 0 : i32
        %dma_start3A_146 = tpu.memref_slice %arg2[%dma_start3A_145, %add3A_124] : memref<8x320000xf32, #tpu.memory_space<hbm>> -> memref<8x2000xf32, #tpu.memory_space<hbm>>
        tpu.enqueue_dma source(%dma_start3A_146 : memref<8x2000xf32, #tpu.memory_space<hbm>>) target(%dma_start3A_144 : memref<8x2000xf32, #tpu.memory_space<vmem>>) target_semaphore(%arg12 : memref<!tpu.dma_semaphore, #tpu.memory_space<semaphore_mem>>)
      } else {
      }
      %mul3A_88 = arith.constant 2000 : i32
      %mul3A_89 = arith.muli %add3A_80, %mul3A_88 : i32
      %add3A_90 = arith.addi %mul3A_2, %mul3A_89 : i32
      %dma_wait3A_91 = arith.constant 1 : i32
      %dma_wait3A_92 = arith.constant 0 : i32
      %dma_wait3A_93 = tpu.memref_slice %arg6[%dma_wait3A_91, %dma_wait3A_92] : memref<2x2000xi32, #tpu.memory_space<vmem>> -> memref<1x2000xi32, #tpu.memory_space<vmem>>
      %dma_wait3A_94 = tpu.memref_squeeze %dma_wait3A_93 : memref<1x2000xi32, #tpu.memory_space<vmem>> -> memref<2000xi32, #tpu.memory_space<vmem>>
      %dma_wait3A_95 = tpu.memref_slice %arg3[%add3A_90] : memref<320000xi32, #tpu.memory_space<hbm>> -> memref<2000xi32, #tpu.memory_space<hbm>>
      %dma_wait3A_96 = arith.constant 0 : i32
      %dma_wait3A_97 = tpu.memref_slice %arg6[%dma_wait3A_91, %dma_wait3A_96] : memref<2x2000xi32, #tpu.memory_space<vmem>> -> memref<1x2000xi32, #tpu.memory_space<vmem>>
      %dma_wait3A_98 = tpu.memref_squeeze %dma_wait3A_97 : memref<1x2000xi32, #tpu.memory_space<vmem>> -> memref<2000xi32, #tpu.memory_space<vmem>>
      %dma_wait3A_99 = tpu.memref_slice %arg3[%add3A_90] : memref<320000xi32, #tpu.memory_space<hbm>> -> memref<2000xi32, #tpu.memory_space<hbm>>
      tpu.wait_dma2 semaphore(%arg11 : memref<!tpu.dma_semaphore, #tpu.memory_space<semaphore_mem>>) src(%dma_wait3A_99 : memref<2000xi32, #tpu.memory_space<hbm>>) dst(%dma_wait3A_98 : memref<2000xi32, #tpu.memory_space<vmem>>)
      %dma_wait3A_100 = arith.constant 1 : i32
      %dma_wait3A_101 = arith.constant 0 : i32
      %dma_wait3A_102 = arith.constant 0 : i32
      %dma_wait3A_103 = tpu.memref_slice %arg7[%dma_wait3A_100, %dma_wait3A_101, %dma_wait3A_102] : memref<2x8x2000xf32, #tpu.memory_space<vmem>> -> memref<1x8x2000xf32, #tpu.memory_space<vmem>>
      %dma_wait3A_104 = tpu.memref_squeeze %dma_wait3A_103 : memref<1x8x2000xf32, #tpu.memory_space<vmem>> -> memref<8x2000xf32, #tpu.memory_space<vmem>>
      %dma_wait3A_105 = arith.constant 0 : i32
      %dma_wait3A_106 = tpu.memref_slice %arg2[%dma_wait3A_105, %add3A_90] : memref<8x320000xf32, #tpu.memory_space<hbm>> -> memref<8x2000xf32, #tpu.memory_space<hbm>>
      %dma_wait3A_107 = arith.constant 0 : i32
      %dma_wait3A_108 = arith.constant 0 : i32
      %dma_wait3A_109 = tpu.memref_slice %arg7[%dma_wait3A_100, %dma_wait3A_107, %dma_wait3A_108] : memref<2x8x2000xf32, #tpu.memory_space<vmem>> -> memref<1x8x2000xf32, #tpu.memory_space<vmem>>
      %dma_wait3A_110 = tpu.memref_squeeze %dma_wait3A_109 : memref<1x8x2000xf32, #tpu.memory_space<vmem>> -> memref<8x2000xf32, #tpu.memory_space<vmem>>
      %dma_wait3A_111 = arith.constant 0 : i32
      %dma_wait3A_112 = tpu.memref_slice %arg2[%dma_wait3A_111, %add3A_90] : memref<8x320000xf32, #tpu.memory_space<hbm>> -> memref<8x2000xf32, #tpu.memory_space<hbm>>
      tpu.wait_dma2 semaphore(%arg13 : memref<!tpu.dma_semaphore, #tpu.memory_space<semaphore_mem>>) src(%dma_wait3A_112 : memref<8x2000xf32, #tpu.memory_space<hbm>>) dst(%dma_wait3A_110 : memref<8x2000xf32, #tpu.memory_space<vmem>>)
      %scan3A_113 = arith.constant 0 : i32
      %scan3A_114 = arith.constant 0 : i32
      %scan3A_115 = arith.constant 125 : i32
      %scan3A_116 = arith.addi %scan3A_114, %scan3A_115 : i32
      %scan3A_117 = arith.constant 1 : i32
      scf.for %scan3A_120 = %scan3A_114 to %scan3A_116 step %scan3A_117  : i32 {
        %mul3A_121 = arith.constant 16 : i32
        %mul3A_122 = arith.muli %scan3A_120, %mul3A_121 : i32
        %add3A_123 = vector.broadcast %mul3A_122 : i32 to vector<16xi32>
        %add3A_124 = arith.addi %add3A_123, %iota3A : vector<16xi32>
        %mul3A_125 = arith.constant 16 : i32
        %mul3A_126 = arith.muli %scan3A_120, %mul3A_125 : i32
        %get3A = arith.constant 1 : i32
        %get3A_127 = arith.constant 0 : i32
        %get3A_128 = arith.index_cast %get3A : i32 to index
        %get3A_129 = arith.index_cast %get3A_127 : i32 to index
        %get3A_130 = arith.index_cast %mul3A_126 : i32 to index
        %get3A_131 = tpu.vector_load %arg7[%get3A_128, %get3A_129, %get3A_130] {strides = array<i32>} : memref<2x8x2000xf32, #tpu.memory_space<vmem>>, vector<16xf32>,
        %broadcast_in_dim3A = arith.constant 0 : i32
        %broadcast_in_dim3A_132 = vector.broadcast %broadcast_in_dim3A : i32 to vector<16xi32>
        tpu.vector_store_idx %arg8[%add3A_124, %broadcast_in_dim3A_132], %get3A_131 : memref<2000x8xf32, #tpu.memory_space<vmem>>[vector<16xi32>, vector<16xi32>], vector<16xf32>,
        %mul3A_133 = arith.constant 16 : i32
        %mul3A_134 = arith.muli %scan3A_120, %mul3A_133 : i32
        %get3A_135 = arith.constant 1 : i32
        %get3A_136 = arith.constant 1 : i32
        %get3A_137 = arith.index_cast %get3A_135 : i32 to index
        %get3A_138 = arith.index_cast %get3A_136 : i32 to index
        %get3A_139 = arith.index_cast %mul3A_134 : i32 to index
        %get3A_140 = tpu.vector_load %arg7[%get3A_137, %get3A_138, %get3A_139] {strides = array<i32>} : memref<2x8x2000xf32, #tpu.memory_space<vmem>>, vector<16xf32>,
        %broadcast_in_dim3A_141 = arith.constant 1 : i32
        %broadcast_in_dim3A_142 = vector.broadcast %broadcast_in_dim3A_141 : i32 to vector<16xi32>
        tpu.vector_store_idx %arg8[%add3A_124, %broadcast_in_dim3A_142], %get3A_140 : memref<2000x8xf32, #tpu.memory_space<vmem>>[vector<16xi32>, vector<16xi32>], vector<16xf32>,
        %mul3A_143 = arith.constant 16 : i32
        %mul3A_144 = arith.muli %scan3A_120, %mul3A_143 : i32
        %get3A_145 = arith.constant 1 : i32
        %get3A_146 = arith.constant 2 : i32
        %get3A_147 = arith.index_cast %get3A_145 : i32 to index
        %get3A_148 = arith.index_cast %get3A_146 : i32 to index
        %get3A_149 = arith.index_cast %mul3A_144 : i32 to index
        %get3A_150 = tpu.vector_load %arg7[%get3A_147, %get3A_148, %get3A_149] {strides = array<i32>} : memref<2x8x2000xf32, #tpu.memory_space<vmem>>, vector<16xf32>,
        %broadcast_in_dim3A_151 = arith.constant 2 : i32
        %broadcast_in_dim3A_152 = vector.broadcast %broadcast_in_dim3A_151 : i32 to vector<16xi32>
        tpu.vector_store_idx %arg8[%add3A_124, %broadcast_in_dim3A_152], %get3A_150 : memref<2000x8xf32, #tpu.memory_space<vmem>>[vector<16xi32>, vector<16xi32>], vector<16xf32>,
        %mul3A_153 = arith.constant 16 : i32
        %mul3A_154 = arith.muli %scan3A_120, %mul3A_153 : i32
        %get3A_155 = arith.constant 1 : i32
        %get3A_156 = arith.constant 3 : i32
        %get3A_157 = arith.index_cast %get3A_155 : i32 to index
        %get3A_158 = arith.index_cast %get3A_156 : i32 to index
        %get3A_159 = arith.index_cast %mul3A_154 : i32 to index
        %get3A_160 = tpu.vector_load %arg7[%get3A_157, %get3A_158, %get3A_159] {strides = array<i32>} : memref<2x8x2000xf32, #tpu.memory_space<vmem>>, vector<16xf32>,
        %broadcast_in_dim3A_161 = arith.constant 3 : i32
        %broadcast_in_dim3A_162 = vector.broadcast %broadcast_in_dim3A_161 : i32 to vector<16xi32>
        tpu.vector_store_idx %arg8[%add3A_124, %broadcast_in_dim3A_162], %get3A_160 : memref<2000x8xf32, #tpu.memory_space<vmem>>[vector<16xi32>, vector<16xi32>], vector<16xf32>,
        %mul3A_163 = arith.constant 16 : i32
        %mul3A_164 = arith.muli %scan3A_120, %mul3A_163 : i32
        %get3A_165 = arith.constant 1 : i32
        %get3A_166 = arith.constant 4 : i32
        %get3A_167 = arith.index_cast %get3A_165 : i32 to index
        %get3A_168 = arith.index_cast %get3A_166 : i32 to index
        %get3A_169 = arith.index_cast %mul3A_164 : i32 to index
        %get3A_170 = tpu.vector_load %arg7[%get3A_167, %get3A_168, %get3A_169] {strides = array<i32>} : memref<2x8x2000xf32, #tpu.memory_space<vmem>>, vector<16xf32>,
        %broadcast_in_dim3A_171 = arith.constant 4 : i32
        %broadcast_in_dim3A_172 = vector.broadcast %broadcast_in_dim3A_171 : i32 to vector<16xi32>
        tpu.vector_store_idx %arg8[%add3A_124, %broadcast_in_dim3A_172], %get3A_170 : memref<2000x8xf32, #tpu.memory_space<vmem>>[vector<16xi32>, vector<16xi32>], vector<16xf32>,
        %mul3A_173 = arith.constant 16 : i32
        %mul3A_174 = arith.muli %scan3A_120, %mul3A_173 : i32
        %get3A_175 = arith.constant 1 : i32
        %get3A_176 = arith.constant 5 : i32
        %get3A_177 = arith.index_cast %get3A_175 : i32 to index
        %get3A_178 = arith.index_cast %get3A_176 : i32 to index
        %get3A_179 = arith.index_cast %mul3A_174 : i32 to index
        %get3A_180 = tpu.vector_load %arg7[%get3A_177, %get3A_178, %get3A_179] {strides = array<i32>} : memref<2x8x2000xf32, #tpu.memory_space<vmem>>, vector<16xf32>,
        %broadcast_in_dim3A_181 = arith.constant 5 : i32
        %broadcast_in_dim3A_182 = vector.broadcast %broadcast_in_dim3A_181 : i32 to vector<16xi32>
        tpu.vector_store_idx %arg8[%add3A_124, %broadcast_in_dim3A_182], %get3A_180 : memref<2000x8xf32, #tpu.memory_space<vmem>>[vector<16xi32>, vector<16xi32>], vector<16xf32>,
        %mul3A_183 = arith.constant 16 : i32
        %mul3A_184 = arith.muli %scan3A_120, %mul3A_183 : i32
        %get3A_185 = arith.constant 1 : i32
        %get3A_186 = arith.constant 6 : i32
        %get3A_187 = arith.index_cast %get3A_185 : i32 to index
        %get3A_188 = arith.index_cast %get3A_186 : i32 to index
        %get3A_189 = arith.index_cast %mul3A_184 : i32 to index
        %get3A_190 = tpu.vector_load %arg7[%get3A_187, %get3A_188, %get3A_189] {strides = array<i32>} : memref<2x8x2000xf32, #tpu.memory_space<vmem>>, vector<16xf32>,
        %broadcast_in_dim3A_191 = arith.constant 6 : i32
        %broadcast_in_dim3A_192 = vector.broadcast %broadcast_in_dim3A_191 : i32 to vector<16xi32>
        tpu.vector_store_idx %arg8[%add3A_124, %broadcast_in_dim3A_192], %get3A_190 : memref<2000x8xf32, #tpu.memory_space<vmem>>[vector<16xi32>, vector<16xi32>], vector<16xf32>,
        %mul3A_193 = arith.constant 16 : i32
        %mul3A_194 = arith.muli %scan3A_120, %mul3A_193 : i32
        %get3A_195 = arith.constant 1 : i32
        %get3A_196 = arith.constant 7 : i32
        %get3A_197 = arith.index_cast %get3A_195 : i32 to index
        %get3A_198 = arith.index_cast %get3A_196 : i32 to index
        %get3A_199 = arith.index_cast %mul3A_194 : i32 to index
        %get3A_200 = tpu.vector_load %arg7[%get3A_197, %get3A_198, %get3A_199] {strides = array<i32>} : memref<2x8x2000xf32, #tpu.memory_space<vmem>>, vector<16xf32>,
        %broadcast_in_dim3A_201 = arith.constant 7 : i32
        %broadcast_in_dim3A_202 = vector.broadcast %broadcast_in_dim3A_201 : i32 to vector<16xi32>
        tpu.vector_store_idx %arg8[%add3A_124, %broadcast_in_dim3A_202], %get3A_200 : memref<2000x8xf32, #tpu.memory_space<vmem>>[vector<16xi32>, vector<16xi32>], vector<16xf32>,
      }
      %scan3A_118 = arith.constant 125 : i32
      %run_scoped3A_119 = arith.constant 1 : i32
      "tpu.region"() ({
        %run_scoped3A_120 = tpu.sem_alloc : memref<!tpu.dma_semaphore, #tpu.memory_space<semaphore_mem>>
        %dma_start3A_121 = arith.constant 0 : i32
        %dma_start3A_122 = tpu.memref_slice %arg6[%run_scoped3A_119, %dma_start3A_121] : memref<2x2000xi32, #tpu.memory_space<vmem>> -> memref<1x2000xi32, #tpu.memory_space<vmem>>
        %dma_start3A_123 = tpu.memref_squeeze %dma_start3A_122 : memref<1x2000xi32, #tpu.memory_space<vmem>> -> memref<2000xi32, #tpu.memory_space<vmem>>
        %dma_start3A_124 = arith.constant 0 : i32
        %dma_start3A_125 = arith.constant 0 : i32
        %dma_start3A_126 = tpu.memref_slice %arg9[%dma_start3A_124, %dma_start3A_125] : memref<10000x8xf32, #tpu.memory_space<vmem_shared>> -> memref<10000x8xf32, #tpu.memory_space<vmem_shared>>
        tpu.enqueue_indirect_dma source(%arg8 : memref<2000x8xf32, #tpu.memory_space<vmem>>) target(%dma_start3A_126 : memref<10000x8xf32, #tpu.memory_space<vmem_shared>>) offsets(%dma_start3A_123 : memref<2000xi32, #tpu.memory_space<vmem>>) semaphore(%run_scoped3A_120 : memref<!tpu.dma_semaphore, #tpu.memory_space<semaphore_mem>>) {add = true}
        %dma_wait3A_127 = arith.constant 0 : i32
        %dma_wait3A_128 = tpu.memref_slice %arg6[%run_scoped3A_119, %dma_wait3A_127] : memref<2x2000xi32, #tpu.memory_space<vmem>> -> memref<1x2000xi32, #tpu.memory_space<vmem>>
        %dma_wait3A_129 = tpu.memref_squeeze %dma_wait3A_128 : memref<1x2000xi32, #tpu.memory_space<vmem>> -> memref<2000xi32, #tpu.memory_space<vmem>>
        %dma_wait3A_130 = arith.constant 0 : i32
        %dma_wait3A_131 = arith.constant 0 : i32
        %dma_wait3A_132 = tpu.memref_slice %arg9[%dma_wait3A_130, %dma_wait3A_131] : memref<10000x8xf32, #tpu.memory_space<vmem_shared>> -> memref<10000x8xf32, #tpu.memory_space<vmem_shared>>
        tpu.wait_indirect_dma semaphore(%run_scoped3A_120 : memref<!tpu.dma_semaphore, #tpu.memory_space<semaphore_mem>>) src(%arg8 : memref<2000x8xf32, #tpu.memory_space<vmem>>) dst(%dma_wait3A_132 : memref<10000x8xf32, #tpu.memory_space<vmem_shared>>)
        tpu.yield
      }) : () -> ()
    }
    %scan3A_29 = arith.constant 5 : i32
    %barrier3A_30 = arith.constant 0 : index
    tpu.barrier barrier_id(%barrier3A_30)
    %eq3A_31 = arith.constant 0 : i32
    %eq3A_32 = arith.cmpi eq, %arg1, %eq3A_31 : i32
    %convert_element_type3A_33 = arith.extui %eq3A_32 : i1 to i32
    %cond3A_34 = arith.constant 0 : i32
    %cond3A_35 = arith.cmpi ne, %convert_element_type3A_33, %cond3A_34 : i32
    scf.if %cond3A_35 {
      "tpu.region"() ({
        %run_scoped3A = tpu.sem_alloc : memref<!tpu.dma_semaphore, #tpu.memory_space<semaphore_mem>>
        tpu.enqueue_dma source(%arg9 : memref<10000x8xf32, #tpu.memory_space<vmem_shared>>) target(%arg5 : memref<10000x8xf32, #tpu.memory_space<hbm>>) target_semaphore(%run_scoped3A : memref<!tpu.dma_semaphore, #tpu.memory_space<semaphore_mem>>)
        tpu.wait_dma2 semaphore(%run_scoped3A : memref<!tpu.dma_semaphore, #tpu.memory_space<semaphore_mem>>) src(%arg9 : memref<10000x8xf32, #tpu.memory_space<vmem_shared>>) dst(%arg5 : memref<10000x8xf32, #tpu.memory_space<hbm>>)
        tpu.yield
      }) : () -> ()
    } else {
    }
    return
  }
}

#map = affine_map<(d0, d1) -> (0, 0)>
#map1 = affine_map<(d0, d1) -> (0)>
module attributes {stable_mosaic.version = 14 : i64} {
  func.func @k(%arg0: i32, %arg1: i32, %arg2: memref<10000x8xf32, #tpu.memory_space<hbm>>, %arg3: memref<320000xi32, #tpu.memory_space<hbm>>, %arg4: memref<320000xi32, #tpu.memory_space<hbm>>, %arg5: memref<8x320000xf32, #tpu.memory_space<hbm>>, %arg6: memref<8x320000xf32, #tpu.memory_space<hbm>>, %arg7: memref<10000x8xf32, #tpu.memory_space<vmem>>, %arg8: memref<2000xi32, #tpu.memory_space<vmem>>, %arg9: memref<8x2000xf32, #tpu.memory_space<vmem>>, %arg10: memref<!tpu.dma_semaphore, #tpu.memory_space<semaphore_mem>>) attributes {dimension_semantics = [#tpu.dimension_semantics<core_parallel>, #tpu.dimension_semantics<subcore_parallel>], iteration_bounds = array<i64: 2, 16>, scalar_prefetch = 0 : i64, scratch_operands = 4 : i64, tpu.core_type = #tpu.core_type<sc_vector_subcore>, window_params = [{transform_indices = #map}, {transform_indices = #map1}, {transform_indices = #map1}, {transform_indices = #map}, {transform_indices = #map}]} {
    %mul3A = arith.constant 2 : i32
    %mul3A_0 = arith.muli %arg1, %mul3A : i32
    %add3A = arith.addi %mul3A_0, %arg0 : i32
    %mul3A_1 = arith.constant 10000 : i32
    %mul3A_2 = arith.muli %add3A, %mul3A_1 : i32
    "tpu.region"() ({
      %run_scoped3A = tpu.sem_alloc : memref<!tpu.dma_semaphore, #tpu.memory_space<semaphore_mem>>
      tpu.enqueue_dma source(%arg2 : memref<10000x8xf32, #tpu.memory_space<hbm>>) target(%arg7 : memref<10000x8xf32, #tpu.memory_space<vmem>>) target_semaphore(%run_scoped3A : memref<!tpu.dma_semaphore, #tpu.memory_space<semaphore_mem>>)
      tpu.wait_dma2 semaphore(%run_scoped3A : memref<!tpu.dma_semaphore, #tpu.memory_space<semaphore_mem>>) src(%arg2 : memref<10000x8xf32, #tpu.memory_space<hbm>>) dst(%arg7 : memref<10000x8xf32, #tpu.memory_space<vmem>>)
      tpu.yield
    }) : () -> ()
    %broadcast_in_dim3A = arith.constant 0.000000e+00 : f32
    %broadcast_in_dim3A_3 = vector.broadcast %broadcast_in_dim3A : f32 to vector<16xf32>
    %scan3A = arith.constant 0 : i32
    %scan3A_4 = arith.constant 0 : i32
    %scan3A_5 = arith.constant 5 : i32
    %scan3A_6 = arith.addi %scan3A_4, %scan3A_5 : i32
    %scan3A_7 = arith.constant 1 : i32
    scf.for %scan3A_15 = %scan3A_4 to %scan3A_6 step %scan3A_7  : i32 {
      %mul3A_16 = arith.constant 2000 : i32
      %mul3A_17 = arith.muli %scan3A_15, %mul3A_16 : i32
      %add3A_18 = arith.addi %mul3A_2, %mul3A_17 : i32
      "tpu.region"() ({
        %run_scoped3A = tpu.sem_alloc : memref<!tpu.dma_semaphore, #tpu.memory_space<semaphore_mem>>
        %dma_start3A = tpu.memref_slice %arg3[%add3A_18] : memref<320000xi32, #tpu.memory_space<hbm>> -> memref<2000xi32, #tpu.memory_space<hbm>>
        %dma_start3A_25 = tpu.memref_slice %arg3[%add3A_18] : memref<320000xi32, #tpu.memory_space<hbm>> -> memref<2000xi32, #tpu.memory_space<hbm>>
        tpu.enqueue_dma source(%dma_start3A_25 : memref<2000xi32, #tpu.memory_space<hbm>>) target(%arg8 : memref<2000xi32, #tpu.memory_space<vmem>>) target_semaphore(%run_scoped3A : memref<!tpu.dma_semaphore, #tpu.memory_space<semaphore_mem>>)
        %dma_wait3A = tpu.memref_slice %arg3[%add3A_18] : memref<320000xi32, #tpu.memory_space<hbm>> -> memref<2000xi32, #tpu.memory_space<hbm>>
        %dma_wait3A_26 = tpu.memref_slice %arg3[%add3A_18] : memref<320000xi32, #tpu.memory_space<hbm>> -> memref<2000xi32, #tpu.memory_space<hbm>>
        tpu.wait_dma2 semaphore(%run_scoped3A : memref<!tpu.dma_semaphore, #tpu.memory_space<semaphore_mem>>) src(%dma_wait3A_26 : memref<2000xi32, #tpu.memory_space<hbm>>) dst(%arg8 : memref<2000xi32, #tpu.memory_space<vmem>>)
        tpu.yield
      }) : () -> ()
      %scan3A_19 = arith.constant 0 : i32
      %scan3A_20 = arith.constant 0 : i32
      %scan3A_21 = arith.constant 125 : i32
      %scan3A_22 = arith.addi %scan3A_20, %scan3A_21 : i32
      %scan3A_23 = arith.constant 1 : i32
      scf.for %scan3A_25 = %scan3A_20 to %scan3A_22 step %scan3A_23  : i32 {
        %mul3A_26 = arith.constant 16 : i32
        %mul3A_27 = arith.muli %scan3A_25, %mul3A_26 : i32
        %get3A = arith.index_cast %mul3A_27 : i32 to index
        %get3A_28 = tpu.vector_load %arg8[%get3A] {strides = array<i32>} : memref<2000xi32, #tpu.memory_space<vmem>>, vector<16xi32>,
        %broadcast_in_dim3A_29 = arith.constant 0 : i32
        %broadcast_in_dim3A_30 = vector.broadcast %broadcast_in_dim3A_29 : i32 to vector<16xi32>
        %gather3A = tpu.vector_load_idx %arg7[%get3A_28, %broadcast_in_dim3A_30] : memref<10000x8xf32, #tpu.memory_space<vmem>>[vector<16xi32>, vector<16xi32>], vector<16xf32>,
        %mul3A_31 = arith.constant 16 : i32
        %mul3A_32 = arith.muli %scan3A_25, %mul3A_31 : i32
        %swap3A = arith.constant 0 : i32
        %swap3A_33 = arith.index_cast %swap3A : i32 to index
        %swap3A_34 = arith.index_cast %mul3A_32 : i32 to index
        %swap3A_35 = tpu.vector_load %arg9[%swap3A_33, %swap3A_34] {strides = array<i32>} : memref<8x2000xf32, #tpu.memory_space<vmem>>, vector<16xf32>,
        tpu.vector_store %arg9[%swap3A_33, %swap3A_34], %gather3A {strides = array<i32>} : memref<8x2000xf32, #tpu.memory_space<vmem>>, vector<16xf32>,
        %broadcast_in_dim3A_36 = arith.constant 1 : i32
        %broadcast_in_dim3A_37 = vector.broadcast %broadcast_in_dim3A_36 : i32 to vector<16xi32>
        %gather3A_38 = tpu.vector_load_idx %arg7[%get3A_28, %broadcast_in_dim3A_37] : memref<10000x8xf32, #tpu.memory_space<vmem>>[vector<16xi32>, vector<16xi32>], vector<16xf32>,
        %mul3A_39 = arith.constant 16 : i32
        %mul3A_40 = arith.muli %scan3A_25, %mul3A_39 : i32
        %swap3A_41 = arith.constant 1 : i32
        %swap3A_42 = arith.index_cast %swap3A_41 : i32 to index
        %swap3A_43 = arith.index_cast %mul3A_40 : i32 to index
        %swap3A_44 = tpu.vector_load %arg9[%swap3A_42, %swap3A_43] {strides = array<i32>} : memref<8x2000xf32, #tpu.memory_space<vmem>>, vector<16xf32>,
        tpu.vector_store %arg9[%swap3A_42, %swap3A_43], %gather3A_38 {strides = array<i32>} : memref<8x2000xf32, #tpu.memory_space<vmem>>, vector<16xf32>,
        %broadcast_in_dim3A_45 = arith.constant 2 : i32
        %broadcast_in_dim3A_46 = vector.broadcast %broadcast_in_dim3A_45 : i32 to vector<16xi32>
        %gather3A_47 = tpu.vector_load_idx %arg7[%get3A_28, %broadcast_in_dim3A_46] : memref<10000x8xf32, #tpu.memory_space<vmem>>[vector<16xi32>, vector<16xi32>], vector<16xf32>,
        %mul3A_48 = arith.constant 16 : i32
        %mul3A_49 = arith.muli %scan3A_25, %mul3A_48 : i32
        %swap3A_50 = arith.constant 2 : i32
        %swap3A_51 = arith.index_cast %swap3A_50 : i32 to index
        %swap3A_52 = arith.index_cast %mul3A_49 : i32 to index
        %swap3A_53 = tpu.vector_load %arg9[%swap3A_51, %swap3A_52] {strides = array<i32>} : memref<8x2000xf32, #tpu.memory_space<vmem>>, vector<16xf32>,
        tpu.vector_store %arg9[%swap3A_51, %swap3A_52], %gather3A_47 {strides = array<i32>} : memref<8x2000xf32, #tpu.memory_space<vmem>>, vector<16xf32>,
        %mul3A_54 = arith.constant 16 : i32
        %mul3A_55 = arith.muli %scan3A_25, %mul3A_54 : i32
        %swap3A_56 = arith.constant 3 : i32
        %swap3A_57 = arith.index_cast %swap3A_56 : i32 to index
        %swap3A_58 = arith.index_cast %mul3A_55 : i32 to index
        %swap3A_59 = tpu.vector_load %arg9[%swap3A_57, %swap3A_58] {strides = array<i32>} : memref<8x2000xf32, #tpu.memory_space<vmem>>, vector<16xf32>,
        tpu.vector_store %arg9[%swap3A_57, %swap3A_58], %broadcast_in_dim3A_3 {strides = array<i32>} : memref<8x2000xf32, #tpu.memory_space<vmem>>, vector<16xf32>,
        %mul3A_60 = arith.constant 16 : i32
        %mul3A_61 = arith.muli %scan3A_25, %mul3A_60 : i32
        %swap3A_62 = arith.constant 4 : i32
        %swap3A_63 = arith.index_cast %swap3A_62 : i32 to index
        %swap3A_64 = arith.index_cast %mul3A_61 : i32 to index
        %swap3A_65 = tpu.vector_load %arg9[%swap3A_63, %swap3A_64] {strides = array<i32>} : memref<8x2000xf32, #tpu.memory_space<vmem>>, vector<16xf32>,
        tpu.vector_store %arg9[%swap3A_63, %swap3A_64], %broadcast_in_dim3A_3 {strides = array<i32>} : memref<8x2000xf32, #tpu.memory_space<vmem>>, vector<16xf32>,
        %mul3A_66 = arith.constant 16 : i32
        %mul3A_67 = arith.muli %scan3A_25, %mul3A_66 : i32
        %swap3A_68 = arith.constant 5 : i32
        %swap3A_69 = arith.index_cast %swap3A_68 : i32 to index
        %swap3A_70 = arith.index_cast %mul3A_67 : i32 to index
        %swap3A_71 = tpu.vector_load %arg9[%swap3A_69, %swap3A_70] {strides = array<i32>} : memref<8x2000xf32, #tpu.memory_space<vmem>>, vector<16xf32>,
        tpu.vector_store %arg9[%swap3A_69, %swap3A_70], %broadcast_in_dim3A_3 {strides = array<i32>} : memref<8x2000xf32, #tpu.memory_space<vmem>>, vector<16xf32>,
        %mul3A_72 = arith.constant 16 : i32
        %mul3A_73 = arith.muli %scan3A_25, %mul3A_72 : i32
        %swap3A_74 = arith.constant 6 : i32
        %swap3A_75 = arith.index_cast %swap3A_74 : i32 to index
        %swap3A_76 = arith.index_cast %mul3A_73 : i32 to index
        %swap3A_77 = tpu.vector_load %arg9[%swap3A_75, %swap3A_76] {strides = array<i32>} : memref<8x2000xf32, #tpu.memory_space<vmem>>, vector<16xf32>,
        tpu.vector_store %arg9[%swap3A_75, %swap3A_76], %broadcast_in_dim3A_3 {strides = array<i32>} : memref<8x2000xf32, #tpu.memory_space<vmem>>, vector<16xf32>,
        %mul3A_78 = arith.constant 16 : i32
        %mul3A_79 = arith.muli %scan3A_25, %mul3A_78 : i32
        %swap3A_80 = arith.constant 7 : i32
        %swap3A_81 = arith.index_cast %swap3A_80 : i32 to index
        %swap3A_82 = arith.index_cast %mul3A_79 : i32 to index
        %swap3A_83 = tpu.vector_load %arg9[%swap3A_81, %swap3A_82] {strides = array<i32>} : memref<8x2000xf32, #tpu.memory_space<vmem>>, vector<16xf32>,
        tpu.vector_store %arg9[%swap3A_81, %swap3A_82], %broadcast_in_dim3A_3 {strides = array<i32>} : memref<8x2000xf32, #tpu.memory_space<vmem>>, vector<16xf32>,
      }
      %scan3A_24 = arith.constant 125 : i32
      "tpu.region"() ({
        %run_scoped3A = tpu.sem_alloc : memref<!tpu.dma_semaphore, #tpu.memory_space<semaphore_mem>>
        %dma_start3A = arith.constant 0 : i32
        %dma_start3A_25 = tpu.memref_slice %arg5[%dma_start3A, %add3A_18] : memref<8x320000xf32, #tpu.memory_space<hbm>> -> memref<8x2000xf32, #tpu.memory_space<hbm>>
        %dma_start3A_26 = arith.constant 0 : i32
        %dma_start3A_27 = tpu.memref_slice %arg5[%dma_start3A_26, %add3A_18] : memref<8x320000xf32, #tpu.memory_space<hbm>> -> memref<8x2000xf32, #tpu.memory_space<hbm>>
        tpu.enqueue_dma source(%arg9 : memref<8x2000xf32, #tpu.memory_space<vmem>>) target(%dma_start3A_27 : memref<8x2000xf32, #tpu.memory_space<hbm>>) target_semaphore(%run_scoped3A : memref<!tpu.dma_semaphore, #tpu.memory_space<semaphore_mem>>)
        %dma_wait3A = arith.constant 0 : i32
        %dma_wait3A_28 = tpu.memref_slice %arg5[%dma_wait3A, %add3A_18] : memref<8x320000xf32, #tpu.memory_space<hbm>> -> memref<8x2000xf32, #tpu.memory_space<hbm>>
        %dma_wait3A_29 = arith.constant 0 : i32
        %dma_wait3A_30 = tpu.memref_slice %arg5[%dma_wait3A_29, %add3A_18] : memref<8x320000xf32, #tpu.memory_space<hbm>> -> memref<8x2000xf32, #tpu.memory_space<hbm>>
        tpu.wait_dma2 semaphore(%run_scoped3A : memref<!tpu.dma_semaphore, #tpu.memory_space<semaphore_mem>>) src(%arg9 : memref<8x2000xf32, #tpu.memory_space<vmem>>) dst(%dma_wait3A_30 : memref<8x2000xf32, #tpu.memory_space<hbm>>)
        tpu.yield
      }) : () -> ()
    }
    %scan3A_8 = arith.constant 5 : i32
    %scan3A_9 = arith.constant 0 : i32
    %scan3A_10 = arith.constant 0 : i32
    %scan3A_11 = arith.constant 5 : i32
    %scan3A_12 = arith.addi %scan3A_10, %scan3A_11 : i32
    %scan3A_13 = arith.constant 1 : i32
    scf.for %scan3A_15 = %scan3A_10 to %scan3A_12 step %scan3A_13  : i32 {
      %mul3A_16 = arith.constant 2000 : i32
      %mul3A_17 = arith.muli %scan3A_15, %mul3A_16 : i32
      %add3A_18 = arith.addi %mul3A_2, %mul3A_17 : i32
      "tpu.region"() ({
        %run_scoped3A = tpu.sem_alloc : memref<!tpu.dma_semaphore, #tpu.memory_space<semaphore_mem>>
        %dma_start3A = tpu.memref_slice %arg4[%add3A_18] : memref<320000xi32, #tpu.memory_space<hbm>> -> memref<2000xi32, #tpu.memory_space<hbm>>
        %dma_start3A_25 = tpu.memref_slice %arg4[%add3A_18] : memref<320000xi32, #tpu.memory_space<hbm>> -> memref<2000xi32, #tpu.memory_space<hbm>>
        tpu.enqueue_dma source(%dma_start3A_25 : memref<2000xi32, #tpu.memory_space<hbm>>) target(%arg8 : memref<2000xi32, #tpu.memory_space<vmem>>) target_semaphore(%run_scoped3A : memref<!tpu.dma_semaphore, #tpu.memory_space<semaphore_mem>>)
        %dma_wait3A = tpu.memref_slice %arg4[%add3A_18] : memref<320000xi32, #tpu.memory_space<hbm>> -> memref<2000xi32, #tpu.memory_space<hbm>>
        %dma_wait3A_26 = tpu.memref_slice %arg4[%add3A_18] : memref<320000xi32, #tpu.memory_space<hbm>> -> memref<2000xi32, #tpu.memory_space<hbm>>
        tpu.wait_dma2 semaphore(%run_scoped3A : memref<!tpu.dma_semaphore, #tpu.memory_space<semaphore_mem>>) src(%dma_wait3A_26 : memref<2000xi32, #tpu.memory_space<hbm>>) dst(%arg8 : memref<2000xi32, #tpu.memory_space<vmem>>)
        tpu.yield
      }) : () -> ()
      %scan3A_19 = arith.constant 0 : i32
      %scan3A_20 = arith.constant 0 : i32
      %scan3A_21 = arith.constant 125 : i32
      %scan3A_22 = arith.addi %scan3A_20, %scan3A_21 : i32
      %scan3A_23 = arith.constant 1 : i32
      scf.for %scan3A_25 = %scan3A_20 to %scan3A_22 step %scan3A_23  : i32 {
        %mul3A_26 = arith.constant 16 : i32
        %mul3A_27 = arith.muli %scan3A_25, %mul3A_26 : i32
        %get3A = arith.index_cast %mul3A_27 : i32 to index
        %get3A_28 = tpu.vector_load %arg8[%get3A] {strides = array<i32>} : memref<2000xi32, #tpu.memory_space<vmem>>, vector<16xi32>,
        %broadcast_in_dim3A_29 = arith.constant 0 : i32
        %broadcast_in_dim3A_30 = vector.broadcast %broadcast_in_dim3A_29 : i32 to vector<16xi32>
        %gather3A = tpu.vector_load_idx %arg7[%get3A_28, %broadcast_in_dim3A_30] : memref<10000x8xf32, #tpu.memory_space<vmem>>[vector<16xi32>, vector<16xi32>], vector<16xf32>,
        %mul3A_31 = arith.constant 16 : i32
        %mul3A_32 = arith.muli %scan3A_25, %mul3A_31 : i32
        %swap3A = arith.constant 0 : i32
        %swap3A_33 = arith.index_cast %swap3A : i32 to index
        %swap3A_34 = arith.index_cast %mul3A_32 : i32 to index
        %swap3A_35 = tpu.vector_load %arg9[%swap3A_33, %swap3A_34] {strides = array<i32>} : memref<8x2000xf32, #tpu.memory_space<vmem>>, vector<16xf32>,
        tpu.vector_store %arg9[%swap3A_33, %swap3A_34], %gather3A {strides = array<i32>} : memref<8x2000xf32, #tpu.memory_space<vmem>>, vector<16xf32>,
        %broadcast_in_dim3A_36 = arith.constant 1 : i32
        %broadcast_in_dim3A_37 = vector.broadcast %broadcast_in_dim3A_36 : i32 to vector<16xi32>
        %gather3A_38 = tpu.vector_load_idx %arg7[%get3A_28, %broadcast_in_dim3A_37] : memref<10000x8xf32, #tpu.memory_space<vmem>>[vector<16xi32>, vector<16xi32>], vector<16xf32>,
        %mul3A_39 = arith.constant 16 : i32
        %mul3A_40 = arith.muli %scan3A_25, %mul3A_39 : i32
        %swap3A_41 = arith.constant 1 : i32
        %swap3A_42 = arith.index_cast %swap3A_41 : i32 to index
        %swap3A_43 = arith.index_cast %mul3A_40 : i32 to index
        %swap3A_44 = tpu.vector_load %arg9[%swap3A_42, %swap3A_43] {strides = array<i32>} : memref<8x2000xf32, #tpu.memory_space<vmem>>, vector<16xf32>,
        tpu.vector_store %arg9[%swap3A_42, %swap3A_43], %gather3A_38 {strides = array<i32>} : memref<8x2000xf32, #tpu.memory_space<vmem>>, vector<16xf32>,
        %broadcast_in_dim3A_45 = arith.constant 2 : i32
        %broadcast_in_dim3A_46 = vector.broadcast %broadcast_in_dim3A_45 : i32 to vector<16xi32>
        %gather3A_47 = tpu.vector_load_idx %arg7[%get3A_28, %broadcast_in_dim3A_46] : memref<10000x8xf32, #tpu.memory_space<vmem>>[vector<16xi32>, vector<16xi32>], vector<16xf32>,
        %mul3A_48 = arith.constant 16 : i32
        %mul3A_49 = arith.muli %scan3A_25, %mul3A_48 : i32
        %swap3A_50 = arith.constant 2 : i32
        %swap3A_51 = arith.index_cast %swap3A_50 : i32 to index
        %swap3A_52 = arith.index_cast %mul3A_49 : i32 to index
        %swap3A_53 = tpu.vector_load %arg9[%swap3A_51, %swap3A_52] {strides = array<i32>} : memref<8x2000xf32, #tpu.memory_space<vmem>>, vector<16xf32>,
        tpu.vector_store %arg9[%swap3A_51, %swap3A_52], %gather3A_47 {strides = array<i32>} : memref<8x2000xf32, #tpu.memory_space<vmem>>, vector<16xf32>,
        %mul3A_54 = arith.constant 16 : i32
        %mul3A_55 = arith.muli %scan3A_25, %mul3A_54 : i32
        %swap3A_56 = arith.constant 3 : i32
        %swap3A_57 = arith.index_cast %swap3A_56 : i32 to index
        %swap3A_58 = arith.index_cast %mul3A_55 : i32 to index
        %swap3A_59 = tpu.vector_load %arg9[%swap3A_57, %swap3A_58] {strides = array<i32>} : memref<8x2000xf32, #tpu.memory_space<vmem>>, vector<16xf32>,
        tpu.vector_store %arg9[%swap3A_57, %swap3A_58], %broadcast_in_dim3A_3 {strides = array<i32>} : memref<8x2000xf32, #tpu.memory_space<vmem>>, vector<16xf32>,
        %mul3A_60 = arith.constant 16 : i32
        %mul3A_61 = arith.muli %scan3A_25, %mul3A_60 : i32
        %swap3A_62 = arith.constant 4 : i32
        %swap3A_63 = arith.index_cast %swap3A_62 : i32 to index
        %swap3A_64 = arith.index_cast %mul3A_61 : i32 to index
        %swap3A_65 = tpu.vector_load %arg9[%swap3A_63, %swap3A_64] {strides = array<i32>} : memref<8x2000xf32, #tpu.memory_space<vmem>>, vector<16xf32>,
        tpu.vector_store %arg9[%swap3A_63, %swap3A_64], %broadcast_in_dim3A_3 {strides = array<i32>} : memref<8x2000xf32, #tpu.memory_space<vmem>>, vector<16xf32>,
        %mul3A_66 = arith.constant 16 : i32
        %mul3A_67 = arith.muli %scan3A_25, %mul3A_66 : i32
        %swap3A_68 = arith.constant 5 : i32
        %swap3A_69 = arith.index_cast %swap3A_68 : i32 to index
        %swap3A_70 = arith.index_cast %mul3A_67 : i32 to index
        %swap3A_71 = tpu.vector_load %arg9[%swap3A_69, %swap3A_70] {strides = array<i32>} : memref<8x2000xf32, #tpu.memory_space<vmem>>, vector<16xf32>,
        tpu.vector_store %arg9[%swap3A_69, %swap3A_70], %broadcast_in_dim3A_3 {strides = array<i32>} : memref<8x2000xf32, #tpu.memory_space<vmem>>, vector<16xf32>,
        %mul3A_72 = arith.constant 16 : i32
        %mul3A_73 = arith.muli %scan3A_25, %mul3A_72 : i32
        %swap3A_74 = arith.constant 6 : i32
        %swap3A_75 = arith.index_cast %swap3A_74 : i32 to index
        %swap3A_76 = arith.index_cast %mul3A_73 : i32 to index
        %swap3A_77 = tpu.vector_load %arg9[%swap3A_75, %swap3A_76] {strides = array<i32>} : memref<8x2000xf32, #tpu.memory_space<vmem>>, vector<16xf32>,
        tpu.vector_store %arg9[%swap3A_75, %swap3A_76], %broadcast_in_dim3A_3 {strides = array<i32>} : memref<8x2000xf32, #tpu.memory_space<vmem>>, vector<16xf32>,
        %mul3A_78 = arith.constant 16 : i32
        %mul3A_79 = arith.muli %scan3A_25, %mul3A_78 : i32
        %swap3A_80 = arith.constant 7 : i32
        %swap3A_81 = arith.index_cast %swap3A_80 : i32 to index
        %swap3A_82 = arith.index_cast %mul3A_79 : i32 to index
        %swap3A_83 = tpu.vector_load %arg9[%swap3A_81, %swap3A_82] {strides = array<i32>} : memref<8x2000xf32, #tpu.memory_space<vmem>>, vector<16xf32>,
        tpu.vector_store %arg9[%swap3A_81, %swap3A_82], %broadcast_in_dim3A_3 {strides = array<i32>} : memref<8x2000xf32, #tpu.memory_space<vmem>>, vector<16xf32>,
      }
      %scan3A_24 = arith.constant 125 : i32
      "tpu.region"() ({
        %run_scoped3A = tpu.sem_alloc : memref<!tpu.dma_semaphore, #tpu.memory_space<semaphore_mem>>
        %dma_start3A = arith.constant 0 : i32
        %dma_start3A_25 = tpu.memref_slice %arg6[%dma_start3A, %add3A_18] : memref<8x320000xf32, #tpu.memory_space<hbm>> -> memref<8x2000xf32, #tpu.memory_space<hbm>>
        %dma_start3A_26 = arith.constant 0 : i32
        %dma_start3A_27 = tpu.memref_slice %arg6[%dma_start3A_26, %add3A_18] : memref<8x320000xf32, #tpu.memory_space<hbm>> -> memref<8x2000xf32, #tpu.memory_space<hbm>>
        tpu.enqueue_dma source(%arg9 : memref<8x2000xf32, #tpu.memory_space<vmem>>) target(%dma_start3A_27 : memref<8x2000xf32, #tpu.memory_space<hbm>>) target_semaphore(%run_scoped3A : memref<!tpu.dma_semaphore, #tpu.memory_space<semaphore_mem>>)
        %dma_wait3A = arith.constant 0 : i32
        %dma_wait3A_28 = tpu.memref_slice %arg6[%dma_wait3A, %add3A_18] : memref<8x320000xf32, #tpu.memory_space<hbm>> -> memref<8x2000xf32, #tpu.memory_space<hbm>>
        %dma_wait3A_29 = arith.constant 0 : i32
        %dma_wait3A_30 = tpu.memref_slice %arg6[%dma_wait3A_29, %add3A_18] : memref<8x320000xf32, #tpu.memory_space<hbm>> -> memref<8x2000xf32, #tpu.memory_space<hbm>>
        tpu.wait_dma2 semaphore(%run_scoped3A : memref<!tpu.dma_semaphore, #tpu.memory_space<semaphore_mem>>) src(%arg9 : memref<8x2000xf32, #tpu.memory_space<vmem>>) dst(%dma_wait3A_30 : memref<8x2000xf32, #tpu.memory_space<hbm>>)
        tpu.yield
      }) : () -> ()
    }
    %scan3A_14 = arith.constant 5 : i32
    return
  }
}

#map = affine_map<(d0, d1) -> (0, 0)>
#map1 = affine_map<(d0, d1) -> (0)>
module attributes {stable_mosaic.version = 14 : i64} {
  func.func @k(%arg0: i32, %arg1: i32, %arg2: memref<8x320000xf32, #tpu.memory_space<hbm>>, %arg3: memref<320000xi32, #tpu.memory_space<hbm>>, %arg4: memref<10000x8xf32, #tpu.memory_space<hbm>>, %arg5: memref<10000x8xf32, #tpu.memory_space<hbm>>, %arg6: memref<2x2000xi32, #tpu.memory_space<vmem>>, %arg7: memref<2x8x2000xf32, #tpu.memory_space<vmem>>, %arg8: memref<2000x8xf32, #tpu.memory_space<vmem>>, %arg9: memref<10000x8xf32, #tpu.memory_space<vmem_shared>>, %arg10: memref<!tpu.dma_semaphore, #tpu.memory_space<semaphore_mem>>, %arg11: memref<!tpu.dma_semaphore, #tpu.memory_space<semaphore_mem>>, %arg12: memref<!tpu.dma_semaphore, #tpu.memory_space<semaphore_mem>>, %arg13: memref<!tpu.dma_semaphore, #tpu.memory_space<semaphore_mem>>) attributes {dimension_semantics = [#tpu.dimension_semantics<core_parallel>, #tpu.dimension_semantics<subcore_parallel>], iteration_bounds = array<i64: 1, 16>, scalar_prefetch = 0 : i64, scratch_operands = 8 : i64, tpu.core_type = #tpu.core_type<sc_vector_subcore>, window_params = [{transform_indices = #map}, {transform_indices = #map1}, {transform_indices = #map}, {transform_indices = #map}]} {
    %eq3A = arith.constant 0 : i32
    %eq3A_0 = arith.cmpi eq, %arg1, %eq3A : i32
    %convert_element_type3A = arith.extui %eq3A_0 : i1 to i32
    %cond3A = arith.constant 0 : i32
    %cond3A_1 = arith.cmpi ne, %convert_element_type3A, %cond3A : i32
    scf.if %cond3A_1 {
      "tpu.region"() ({
        %run_scoped3A = tpu.sem_alloc : memref<!tpu.dma_semaphore, #tpu.memory_space<semaphore_mem>>
        tpu.enqueue_dma source(%arg4 : memref<10000x8xf32, #tpu.memory_space<hbm>>) target(%arg9 : memref<10000x8xf32, #tpu.memory_space<vmem_shared>>) target_semaphore(%run_scoped3A : memref<!tpu.dma_semaphore, #tpu.memory_space<semaphore_mem>>)
        tpu.wait_dma2 semaphore(%run_scoped3A : memref<!tpu.dma_semaphore, #tpu.memory_space<semaphore_mem>>) src(%arg4 : memref<10000x8xf32, #tpu.memory_space<hbm>>) dst(%arg9 : memref<10000x8xf32, #tpu.memory_space<vmem_shared>>)
        tpu.yield
      }) : () -> ()
    } else {
    }
    %barrier3A = arith.constant 0 : index
    tpu.barrier barrier_id(%barrier3A)
    %mul3A = arith.constant 20000 : i32
    %mul3A_2 = arith.muli %arg1, %mul3A : i32
    %iota3A = tpu.iota {dimensions = array<i32: 0>} : vector<16xi32>
    %add3A = arith.constant 0 : i32
    %add3A_3 = arith.addi %mul3A_2, %add3A : i32
    %dma_start3A = arith.constant 0 : i32
    %dma_start3A_4 = arith.constant 0 : i32
    %dma_start3A_5 = tpu.memref_slice %arg6[%dma_start3A, %dma_start3A_4] : memref<2x2000xi32, #tpu.memory_space<vmem>> -> memref<1x2000xi32, #tpu.memory_space<vmem>>
    %dma_start3A_6 = tpu.memref_squeeze %dma_start3A_5 : memref<1x2000xi32, #tpu.memory_space<vmem>> -> memref<2000xi32, #tpu.memory_space<vmem>>
    %dma_start3A_7 = tpu.memref_slice %arg3[%add3A_3] : memref<320000xi32, #tpu.memory_space<hbm>> -> memref<2000xi32, #tpu.memory_space<hbm>>
    %dma_start3A_8 = arith.constant 0 : i32
    %dma_start3A_9 = tpu.memref_slice %arg6[%dma_start3A, %dma_start3A_8] : memref<2x2000xi32, #tpu.memory_space<vmem>> -> memref<1x2000xi32, #tpu.memory_space<vmem>>
    %dma_start3A_10 = tpu.memref_squeeze %dma_start3A_9 : memref<1x2000xi32, #tpu.memory_space<vmem>> -> memref<2000xi32, #tpu.memory_space<vmem>>
    %dma_start3A_11 = tpu.memref_slice %arg3[%add3A_3] : memref<320000xi32, #tpu.memory_space<hbm>> -> memref<2000xi32, #tpu.memory_space<hbm>>
    tpu.enqueue_dma source(%dma_start3A_11 : memref<2000xi32, #tpu.memory_space<hbm>>) target(%dma_start3A_10 : memref<2000xi32, #tpu.memory_space<vmem>>) target_semaphore(%arg10 : memref<!tpu.dma_semaphore, #tpu.memory_space<semaphore_mem>>)
    %dma_start3A_12 = arith.constant 0 : i32
    %dma_start3A_13 = arith.constant 0 : i32
    %dma_start3A_14 = arith.constant 0 : i32
    %dma_start3A_15 = tpu.memref_slice %arg7[%dma_start3A_12, %dma_start3A_13, %dma_start3A_14] : memref<2x8x2000xf32, #tpu.memory_space<vmem>> -> memref<1x8x2000xf32, #tpu.memory_space<vmem>>
    %dma_start3A_16 = tpu.memref_squeeze %dma_start3A_15 : memref<1x8x2000xf32, #tpu.memory_space<vmem>> -> memref<8x2000xf32, #tpu.memory_space<vmem>>
    %dma_start3A_17 = arith.constant 0 : i32
    %dma_start3A_18 = tpu.memref_slice %arg2[%dma_start3A_17, %add3A_3] : memref<8x320000xf32, #tpu.memory_space<hbm>> -> memref<8x2000xf32, #tpu.memory_space<hbm>>
    %dma_start3A_19 = arith.constant 0 : i32
    %dma_start3A_20 = arith.constant 0 : i32
    %dma_start3A_21 = tpu.memref_slice %arg7[%dma_start3A_12, %dma_start3A_19, %dma_start3A_20] : memref<2x8x2000xf32, #tpu.memory_space<vmem>> -> memref<1x8x2000xf32, #tpu.memory_space<vmem>>
    %dma_start3A_22 = tpu.memref_squeeze %dma_start3A_21 : memref<1x8x2000xf32, #tpu.memory_space<vmem>> -> memref<8x2000xf32, #tpu.memory_space<vmem>>
    %dma_start3A_23 = arith.constant 0 : i32
    %dma_start3A_24 = tpu.memref_slice %arg2[%dma_start3A_23, %add3A_3] : memref<8x320000xf32, #tpu.memory_space<hbm>> -> memref<8x2000xf32, #tpu.memory_space<hbm>>
    tpu.enqueue_dma source(%dma_start3A_24 : memref<8x2000xf32, #tpu.memory_space<hbm>>) target(%dma_start3A_22 : memref<8x2000xf32, #tpu.memory_space<vmem>>) target_semaphore(%arg12 : memref<!tpu.dma_semaphore, #tpu.memory_space<semaphore_mem>>)
    %scan3A = arith.constant 0 : i32
    %scan3A_25 = arith.constant 0 : i32
    %scan3A_26 = arith.constant 5 : i32
    %scan3A_27 = arith.addi %scan3A_25, %scan3A_26 : i32
    %scan3A_28 = arith.constant 1 : i32
    scf.for %scan3A_36 = %scan3A_25 to %scan3A_27 step %scan3A_28  : i32 {
      %mul3A_37 = arith.constant 2 : i32
      %mul3A_38 = arith.muli %scan3A_36, %mul3A_37 : i32
      %add3A_39 = arith.constant 0 : i32
      %add3A_40 = arith.addi %mul3A_38, %add3A_39 : i32
      %add3A_41 = arith.constant 1 : i32
      %add3A_42 = arith.addi %add3A_40, %add3A_41 : i32
      %lt3A = arith.constant 10 : i32
      %lt3A_43 = arith.cmpi slt, %add3A_42, %lt3A : i32
      %convert_element_type3A_44 = arith.extui %lt3A_43 : i1 to i32
      %cond3A_45 = arith.constant 0 : i32
      %cond3A_46 = arith.cmpi ne, %convert_element_type3A_44, %cond3A_45 : i32
      scf.if %cond3A_46 {
        %add3A_120 = arith.constant 1 : i32
        %add3A_121 = arith.addi %add3A_40, %add3A_120 : i32
        %mul3A_122 = arith.constant 2000 : i32
        %mul3A_123 = arith.muli %add3A_121, %mul3A_122 : i32
        %add3A_124 = arith.addi %mul3A_2, %mul3A_123 : i32
        %dma_start3A_125 = arith.constant 1 : i32
        %dma_start3A_126 = arith.constant 0 : i32
        %dma_start3A_127 = tpu.memref_slice %arg6[%dma_start3A_125, %dma_start3A_126] : memref<2x2000xi32, #tpu.memory_space<vmem>> -> memref<1x2000xi32, #tpu.memory_space<vmem>>
        %dma_start3A_128 = tpu.memref_squeeze %dma_start3A_127 : memref<1x2000xi32, #tpu.memory_space<vmem>> -> memref<2000xi32, #tpu.memory_space<vmem>>
        %dma_start3A_129 = tpu.memref_slice %arg3[%add3A_124] : memref<320000xi32, #tpu.memory_space<hbm>> -> memref<2000xi32, #tpu.memory_space<hbm>>
        %dma_start3A_130 = arith.constant 0 : i32
        %dma_start3A_131 = tpu.memref_slice %arg6[%dma_start3A_125, %dma_start3A_130] : memref<2x2000xi32, #tpu.memory_space<vmem>> -> memref<1x2000xi32, #tpu.memory_space<vmem>>
        %dma_start3A_132 = tpu.memref_squeeze %dma_start3A_131 : memref<1x2000xi32, #tpu.memory_space<vmem>> -> memref<2000xi32, #tpu.memory_space<vmem>>
        %dma_start3A_133 = tpu.memref_slice %arg3[%add3A_124] : memref<320000xi32, #tpu.memory_space<hbm>> -> memref<2000xi32, #tpu.memory_space<hbm>>
        tpu.enqueue_dma source(%dma_start3A_133 : memref<2000xi32, #tpu.memory_space<hbm>>) target(%dma_start3A_132 : memref<2000xi32, #tpu.memory_space<vmem>>) target_semaphore(%arg11 : memref<!tpu.dma_semaphore, #tpu.memory_space<semaphore_mem>>)
        %dma_start3A_134 = arith.constant 1 : i32
        %dma_start3A_135 = arith.constant 0 : i32
        %dma_start3A_136 = arith.constant 0 : i32
        %dma_start3A_137 = tpu.memref_slice %arg7[%dma_start3A_134, %dma_start3A_135, %dma_start3A_136] : memref<2x8x2000xf32, #tpu.memory_space<vmem>> -> memref<1x8x2000xf32, #tpu.memory_space<vmem>>
        %dma_start3A_138 = tpu.memref_squeeze %dma_start3A_137 : memref<1x8x2000xf32, #tpu.memory_space<vmem>> -> memref<8x2000xf32, #tpu.memory_space<vmem>>
        %dma_start3A_139 = arith.constant 0 : i32
        %dma_start3A_140 = tpu.memref_slice %arg2[%dma_start3A_139, %add3A_124] : memref<8x320000xf32, #tpu.memory_space<hbm>> -> memref<8x2000xf32, #tpu.memory_space<hbm>>
        %dma_start3A_141 = arith.constant 0 : i32
        %dma_start3A_142 = arith.constant 0 : i32
        %dma_start3A_143 = tpu.memref_slice %arg7[%dma_start3A_134, %dma_start3A_141, %dma_start3A_142] : memref<2x8x2000xf32, #tpu.memory_space<vmem>> -> memref<1x8x2000xf32, #tpu.memory_space<vmem>>
        %dma_start3A_144 = tpu.memref_squeeze %dma_start3A_143 : memref<1x8x2000xf32, #tpu.memory_space<vmem>> -> memref<8x2000xf32, #tpu.memory_space<vmem>>
        %dma_start3A_145 = arith.constant 0 : i32
        %dma_start3A_146 = tpu.memref_slice %arg2[%dma_start3A_145, %add3A_124] : memref<8x320000xf32, #tpu.memory_space<hbm>> -> memref<8x2000xf32, #tpu.memory_space<hbm>>
        tpu.enqueue_dma source(%dma_start3A_146 : memref<8x2000xf32, #tpu.memory_space<hbm>>) target(%dma_start3A_144 : memref<8x2000xf32, #tpu.memory_space<vmem>>) target_semaphore(%arg13 : memref<!tpu.dma_semaphore, #tpu.memory_space<semaphore_mem>>)
      } else {
      }
      %mul3A_47 = arith.constant 2000 : i32
      %mul3A_48 = arith.muli %add3A_40, %mul3A_47 : i32
      %add3A_49 = arith.addi %mul3A_2, %mul3A_48 : i32
      %dma_wait3A = arith.constant 0 : i32
      %dma_wait3A_50 = arith.constant 0 : i32
      %dma_wait3A_51 = tpu.memref_slice %arg6[%dma_wait3A, %dma_wait3A_50] : memref<2x2000xi32, #tpu.memory_space<vmem>> -> memref<1x2000xi32, #tpu.memory_space<vmem>>
      %dma_wait3A_52 = tpu.memref_squeeze %dma_wait3A_51 : memref<1x2000xi32, #tpu.memory_space<vmem>> -> memref<2000xi32, #tpu.memory_space<vmem>>
      %dma_wait3A_53 = tpu.memref_slice %arg3[%add3A_49] : memref<320000xi32, #tpu.memory_space<hbm>> -> memref<2000xi32, #tpu.memory_space<hbm>>
      %dma_wait3A_54 = arith.constant 0 : i32
      %dma_wait3A_55 = tpu.memref_slice %arg6[%dma_wait3A, %dma_wait3A_54] : memref<2x2000xi32, #tpu.memory_space<vmem>> -> memref<1x2000xi32, #tpu.memory_space<vmem>>
      %dma_wait3A_56 = tpu.memref_squeeze %dma_wait3A_55 : memref<1x2000xi32, #tpu.memory_space<vmem>> -> memref<2000xi32, #tpu.memory_space<vmem>>
      %dma_wait3A_57 = tpu.memref_slice %arg3[%add3A_49] : memref<320000xi32, #tpu.memory_space<hbm>> -> memref<2000xi32, #tpu.memory_space<hbm>>
      tpu.wait_dma2 semaphore(%arg10 : memref<!tpu.dma_semaphore, #tpu.memory_space<semaphore_mem>>) src(%dma_wait3A_57 : memref<2000xi32, #tpu.memory_space<hbm>>) dst(%dma_wait3A_56 : memref<2000xi32, #tpu.memory_space<vmem>>)
      %dma_wait3A_58 = arith.constant 0 : i32
      %dma_wait3A_59 = arith.constant 0 : i32
      %dma_wait3A_60 = arith.constant 0 : i32
      %dma_wait3A_61 = tpu.memref_slice %arg7[%dma_wait3A_58, %dma_wait3A_59, %dma_wait3A_60] : memref<2x8x2000xf32, #tpu.memory_space<vmem>> -> memref<1x8x2000xf32, #tpu.memory_space<vmem>>
      %dma_wait3A_62 = tpu.memref_squeeze %dma_wait3A_61 : memref<1x8x2000xf32, #tpu.memory_space<vmem>> -> memref<8x2000xf32, #tpu.memory_space<vmem>>
      %dma_wait3A_63 = arith.constant 0 : i32
      %dma_wait3A_64 = tpu.memref_slice %arg2[%dma_wait3A_63, %add3A_49] : memref<8x320000xf32, #tpu.memory_space<hbm>> -> memref<8x2000xf32, #tpu.memory_space<hbm>>
      %dma_wait3A_65 = arith.constant 0 : i32
      %dma_wait3A_66 = arith.constant 0 : i32
      %dma_wait3A_67 = tpu.memref_slice %arg7[%dma_wait3A_58, %dma_wait3A_65, %dma_wait3A_66] : memref<2x8x2000xf32, #tpu.memory_space<vmem>> -> memref<1x8x2000xf32, #tpu.memory_space<vmem>>
      %dma_wait3A_68 = tpu.memref_squeeze %dma_wait3A_67 : memref<1x8x2000xf32, #tpu.memory_space<vmem>> -> memref<8x2000xf32, #tpu.memory_space<vmem>>
      %dma_wait3A_69 = arith.constant 0 : i32
      %dma_wait3A_70 = tpu.memref_slice %arg2[%dma_wait3A_69, %add3A_49] : memref<8x320000xf32, #tpu.memory_space<hbm>> -> memref<8x2000xf32, #tpu.memory_space<hbm>>
      tpu.wait_dma2 semaphore(%arg12 : memref<!tpu.dma_semaphore, #tpu.memory_space<semaphore_mem>>) src(%dma_wait3A_70 : memref<8x2000xf32, #tpu.memory_space<hbm>>) dst(%dma_wait3A_68 : memref<8x2000xf32, #tpu.memory_space<vmem>>)
      %scan3A_71 = arith.constant 0 : i32
      %scan3A_72 = arith.constant 0 : i32
      %scan3A_73 = arith.constant 125 : i32
      %scan3A_74 = arith.addi %scan3A_72, %scan3A_73 : i32
      %scan3A_75 = arith.constant 1 : i32
      scf.for %scan3A_120 = %scan3A_72 to %scan3A_74 step %scan3A_75  : i32 {
        %mul3A_121 = arith.constant 16 : i32
        %mul3A_122 = arith.muli %scan3A_120, %mul3A_121 : i32
        %add3A_123 = vector.broadcast %mul3A_122 : i32 to vector<16xi32>
        %add3A_124 = arith.addi %add3A_123, %iota3A : vector<16xi32>
        %mul3A_125 = arith.constant 16 : i32
        %mul3A_126 = arith.muli %scan3A_120, %mul3A_125 : i32
        %get3A = arith.constant 0 : i32
        %get3A_127 = arith.constant 0 : i32
        %get3A_128 = arith.index_cast %get3A : i32 to index
        %get3A_129 = arith.index_cast %get3A_127 : i32 to index
        %get3A_130 = arith.index_cast %mul3A_126 : i32 to index
        %get3A_131 = tpu.vector_load %arg7[%get3A_128, %get3A_129, %get3A_130] {strides = array<i32>} : memref<2x8x2000xf32, #tpu.memory_space<vmem>>, vector<16xf32>,
        %broadcast_in_dim3A = arith.constant 0 : i32
        %broadcast_in_dim3A_132 = vector.broadcast %broadcast_in_dim3A : i32 to vector<16xi32>
        tpu.vector_store_idx %arg8[%add3A_124, %broadcast_in_dim3A_132], %get3A_131 : memref<2000x8xf32, #tpu.memory_space<vmem>>[vector<16xi32>, vector<16xi32>], vector<16xf32>,
        %mul3A_133 = arith.constant 16 : i32
        %mul3A_134 = arith.muli %scan3A_120, %mul3A_133 : i32
        %get3A_135 = arith.constant 0 : i32
        %get3A_136 = arith.constant 1 : i32
        %get3A_137 = arith.index_cast %get3A_135 : i32 to index
        %get3A_138 = arith.index_cast %get3A_136 : i32 to index
        %get3A_139 = arith.index_cast %mul3A_134 : i32 to index
        %get3A_140 = tpu.vector_load %arg7[%get3A_137, %get3A_138, %get3A_139] {strides = array<i32>} : memref<2x8x2000xf32, #tpu.memory_space<vmem>>, vector<16xf32>,
        %broadcast_in_dim3A_141 = arith.constant 1 : i32
        %broadcast_in_dim3A_142 = vector.broadcast %broadcast_in_dim3A_141 : i32 to vector<16xi32>
        tpu.vector_store_idx %arg8[%add3A_124, %broadcast_in_dim3A_142], %get3A_140 : memref<2000x8xf32, #tpu.memory_space<vmem>>[vector<16xi32>, vector<16xi32>], vector<16xf32>,
        %mul3A_143 = arith.constant 16 : i32
        %mul3A_144 = arith.muli %scan3A_120, %mul3A_143 : i32
        %get3A_145 = arith.constant 0 : i32
        %get3A_146 = arith.constant 2 : i32
        %get3A_147 = arith.index_cast %get3A_145 : i32 to index
        %get3A_148 = arith.index_cast %get3A_146 : i32 to index
        %get3A_149 = arith.index_cast %mul3A_144 : i32 to index
        %get3A_150 = tpu.vector_load %arg7[%get3A_147, %get3A_148, %get3A_149] {strides = array<i32>} : memref<2x8x2000xf32, #tpu.memory_space<vmem>>, vector<16xf32>,
        %broadcast_in_dim3A_151 = arith.constant 2 : i32
        %broadcast_in_dim3A_152 = vector.broadcast %broadcast_in_dim3A_151 : i32 to vector<16xi32>
        tpu.vector_store_idx %arg8[%add3A_124, %broadcast_in_dim3A_152], %get3A_150 : memref<2000x8xf32, #tpu.memory_space<vmem>>[vector<16xi32>, vector<16xi32>], vector<16xf32>,
        %mul3A_153 = arith.constant 16 : i32
        %mul3A_154 = arith.muli %scan3A_120, %mul3A_153 : i32
        %get3A_155 = arith.constant 0 : i32
        %get3A_156 = arith.constant 3 : i32
        %get3A_157 = arith.index_cast %get3A_155 : i32 to index
        %get3A_158 = arith.index_cast %get3A_156 : i32 to index
        %get3A_159 = arith.index_cast %mul3A_154 : i32 to index
        %get3A_160 = tpu.vector_load %arg7[%get3A_157, %get3A_158, %get3A_159] {strides = array<i32>} : memref<2x8x2000xf32, #tpu.memory_space<vmem>>, vector<16xf32>,
        %broadcast_in_dim3A_161 = arith.constant 3 : i32
        %broadcast_in_dim3A_162 = vector.broadcast %broadcast_in_dim3A_161 : i32 to vector<16xi32>
        tpu.vector_store_idx %arg8[%add3A_124, %broadcast_in_dim3A_162], %get3A_160 : memref<2000x8xf32, #tpu.memory_space<vmem>>[vector<16xi32>, vector<16xi32>], vector<16xf32>,
        %mul3A_163 = arith.constant 16 : i32
        %mul3A_164 = arith.muli %scan3A_120, %mul3A_163 : i32
        %get3A_165 = arith.constant 0 : i32
        %get3A_166 = arith.constant 4 : i32
        %get3A_167 = arith.index_cast %get3A_165 : i32 to index
        %get3A_168 = arith.index_cast %get3A_166 : i32 to index
        %get3A_169 = arith.index_cast %mul3A_164 : i32 to index
        %get3A_170 = tpu.vector_load %arg7[%get3A_167, %get3A_168, %get3A_169] {strides = array<i32>} : memref<2x8x2000xf32, #tpu.memory_space<vmem>>, vector<16xf32>,
        %broadcast_in_dim3A_171 = arith.constant 4 : i32
        %broadcast_in_dim3A_172 = vector.broadcast %broadcast_in_dim3A_171 : i32 to vector<16xi32>
        tpu.vector_store_idx %arg8[%add3A_124, %broadcast_in_dim3A_172], %get3A_170 : memref<2000x8xf32, #tpu.memory_space<vmem>>[vector<16xi32>, vector<16xi32>], vector<16xf32>,
        %mul3A_173 = arith.constant 16 : i32
        %mul3A_174 = arith.muli %scan3A_120, %mul3A_173 : i32
        %get3A_175 = arith.constant 0 : i32
        %get3A_176 = arith.constant 5 : i32
        %get3A_177 = arith.index_cast %get3A_175 : i32 to index
        %get3A_178 = arith.index_cast %get3A_176 : i32 to index
        %get3A_179 = arith.index_cast %mul3A_174 : i32 to index
        %get3A_180 = tpu.vector_load %arg7[%get3A_177, %get3A_178, %get3A_179] {strides = array<i32>} : memref<2x8x2000xf32, #tpu.memory_space<vmem>>, vector<16xf32>,
        %broadcast_in_dim3A_181 = arith.constant 5 : i32
        %broadcast_in_dim3A_182 = vector.broadcast %broadcast_in_dim3A_181 : i32 to vector<16xi32>
        tpu.vector_store_idx %arg8[%add3A_124, %broadcast_in_dim3A_182], %get3A_180 : memref<2000x8xf32, #tpu.memory_space<vmem>>[vector<16xi32>, vector<16xi32>], vector<16xf32>,
        %mul3A_183 = arith.constant 16 : i32
        %mul3A_184 = arith.muli %scan3A_120, %mul3A_183 : i32
        %get3A_185 = arith.constant 0 : i32
        %get3A_186 = arith.constant 6 : i32
        %get3A_187 = arith.index_cast %get3A_185 : i32 to index
        %get3A_188 = arith.index_cast %get3A_186 : i32 to index
        %get3A_189 = arith.index_cast %mul3A_184 : i32 to index
        %get3A_190 = tpu.vector_load %arg7[%get3A_187, %get3A_188, %get3A_189] {strides = array<i32>} : memref<2x8x2000xf32, #tpu.memory_space<vmem>>, vector<16xf32>,
        %broadcast_in_dim3A_191 = arith.constant 6 : i32
        %broadcast_in_dim3A_192 = vector.broadcast %broadcast_in_dim3A_191 : i32 to vector<16xi32>
        tpu.vector_store_idx %arg8[%add3A_124, %broadcast_in_dim3A_192], %get3A_190 : memref<2000x8xf32, #tpu.memory_space<vmem>>[vector<16xi32>, vector<16xi32>], vector<16xf32>,
        %mul3A_193 = arith.constant 16 : i32
        %mul3A_194 = arith.muli %scan3A_120, %mul3A_193 : i32
        %get3A_195 = arith.constant 0 : i32
        %get3A_196 = arith.constant 7 : i32
        %get3A_197 = arith.index_cast %get3A_195 : i32 to index
        %get3A_198 = arith.index_cast %get3A_196 : i32 to index
        %get3A_199 = arith.index_cast %mul3A_194 : i32 to index
        %get3A_200 = tpu.vector_load %arg7[%get3A_197, %get3A_198, %get3A_199] {strides = array<i32>} : memref<2x8x2000xf32, #tpu.memory_space<vmem>>, vector<16xf32>,
        %broadcast_in_dim3A_201 = arith.constant 7 : i32
        %broadcast_in_dim3A_202 = vector.broadcast %broadcast_in_dim3A_201 : i32 to vector<16xi32>
        tpu.vector_store_idx %arg8[%add3A_124, %broadcast_in_dim3A_202], %get3A_200 : memref<2000x8xf32, #tpu.memory_space<vmem>>[vector<16xi32>, vector<16xi32>], vector<16xf32>,
      }
      %scan3A_76 = arith.constant 125 : i32
      %run_scoped3A = arith.constant 0 : i32
      "tpu.region"() ({
        %run_scoped3A_120 = tpu.sem_alloc : memref<!tpu.dma_semaphore, #tpu.memory_space<semaphore_mem>>
        %dma_start3A_121 = arith.constant 0 : i32
        %dma_start3A_122 = tpu.memref_slice %arg6[%run_scoped3A, %dma_start3A_121] : memref<2x2000xi32, #tpu.memory_space<vmem>> -> memref<1x2000xi32, #tpu.memory_space<vmem>>
        %dma_start3A_123 = tpu.memref_squeeze %dma_start3A_122 : memref<1x2000xi32, #tpu.memory_space<vmem>> -> memref<2000xi32, #tpu.memory_space<vmem>>
        %dma_start3A_124 = arith.constant 0 : i32
        %dma_start3A_125 = arith.constant 0 : i32
        %dma_start3A_126 = tpu.memref_slice %arg9[%dma_start3A_124, %dma_start3A_125] : memref<10000x8xf32, #tpu.memory_space<vmem_shared>> -> memref<10000x8xf32, #tpu.memory_space<vmem_shared>>
        tpu.enqueue_indirect_dma source(%arg8 : memref<2000x8xf32, #tpu.memory_space<vmem>>) target(%dma_start3A_126 : memref<10000x8xf32, #tpu.memory_space<vmem_shared>>) offsets(%dma_start3A_123 : memref<2000xi32, #tpu.memory_space<vmem>>) semaphore(%run_scoped3A_120 : memref<!tpu.dma_semaphore, #tpu.memory_space<semaphore_mem>>) {add = true}
        %dma_wait3A_127 = arith.constant 0 : i32
        %dma_wait3A_128 = tpu.memref_slice %arg6[%run_scoped3A, %dma_wait3A_127] : memref<2x2000xi32, #tpu.memory_space<vmem>> -> memref<1x2000xi32, #tpu.memory_space<vmem>>
        %dma_wait3A_129 = tpu.memref_squeeze %dma_wait3A_128 : memref<1x2000xi32, #tpu.memory_space<vmem>> -> memref<2000xi32, #tpu.memory_space<vmem>>
        %dma_wait3A_130 = arith.constant 0 : i32
        %dma_wait3A_131 = arith.constant 0 : i32
        %dma_wait3A_132 = tpu.memref_slice %arg9[%dma_wait3A_130, %dma_wait3A_131] : memref<10000x8xf32, #tpu.memory_space<vmem_shared>> -> memref<10000x8xf32, #tpu.memory_space<vmem_shared>>
        tpu.wait_indirect_dma semaphore(%run_scoped3A_120 : memref<!tpu.dma_semaphore, #tpu.memory_space<semaphore_mem>>) src(%arg8 : memref<2000x8xf32, #tpu.memory_space<vmem>>) dst(%dma_wait3A_132 : memref<10000x8xf32, #tpu.memory_space<vmem_shared>>)
        tpu.yield
      }) : () -> ()
      %mul3A_77 = arith.constant 2 : i32
      %mul3A_78 = arith.muli %scan3A_36, %mul3A_77 : i32
      %add3A_79 = arith.constant 1 : i32
      %add3A_80 = arith.addi %mul3A_78, %add3A_79 : i32
      %add3A_81 = arith.constant 1 : i32
      %add3A_82 = arith.addi %add3A_80, %add3A_81 : i32
      %lt3A_83 = arith.constant 10 : i32
      %lt3A_84 = arith.cmpi slt, %add3A_82, %lt3A_83 : i32
      %convert_element_type3A_85 = arith.extui %lt3A_84 : i1 to i32
      %cond3A_86 = arith.constant 0 : i32
      %cond3A_87 = arith.cmpi ne, %convert_element_type3A_85, %cond3A_86 : i32
      scf.if %cond3A_87 {
        %add3A_120 = arith.constant 1 : i32
        %add3A_121 = arith.addi %add3A_80, %add3A_120 : i32
        %mul3A_122 = arith.constant 2000 : i32
        %mul3A_123 = arith.muli %add3A_121, %mul3A_122 : i32
        %add3A_124 = arith.addi %mul3A_2, %mul3A_123 : i32
        %dma_start3A_125 = arith.constant 0 : i32
        %dma_start3A_126 = arith.constant 0 : i32
        %dma_start3A_127 = tpu.memref_slice %arg6[%dma_start3A_125, %dma_start3A_126] : memref<2x2000xi32, #tpu.memory_space<vmem>> -> memref<1x2000xi32, #tpu.memory_space<vmem>>
        %dma_start3A_128 = tpu.memref_squeeze %dma_start3A_127 : memref<1x2000xi32, #tpu.memory_space<vmem>> -> memref<2000xi32, #tpu.memory_space<vmem>>
        %dma_start3A_129 = tpu.memref_slice %arg3[%add3A_124] : memref<320000xi32, #tpu.memory_space<hbm>> -> memref<2000xi32, #tpu.memory_space<hbm>>
        %dma_start3A_130 = arith.constant 0 : i32
        %dma_start3A_131 = tpu.memref_slice %arg6[%dma_start3A_125, %dma_start3A_130] : memref<2x2000xi32, #tpu.memory_space<vmem>> -> memref<1x2000xi32, #tpu.memory_space<vmem>>
        %dma_start3A_132 = tpu.memref_squeeze %dma_start3A_131 : memref<1x2000xi32, #tpu.memory_space<vmem>> -> memref<2000xi32, #tpu.memory_space<vmem>>
        %dma_start3A_133 = tpu.memref_slice %arg3[%add3A_124] : memref<320000xi32, #tpu.memory_space<hbm>> -> memref<2000xi32, #tpu.memory_space<hbm>>
        tpu.enqueue_dma source(%dma_start3A_133 : memref<2000xi32, #tpu.memory_space<hbm>>) target(%dma_start3A_132 : memref<2000xi32, #tpu.memory_space<vmem>>) target_semaphore(%arg10 : memref<!tpu.dma_semaphore, #tpu.memory_space<semaphore_mem>>)
        %dma_start3A_134 = arith.constant 0 : i32
        %dma_start3A_135 = arith.constant 0 : i32
        %dma_start3A_136 = arith.constant 0 : i32
        %dma_start3A_137 = tpu.memref_slice %arg7[%dma_start3A_134, %dma_start3A_135, %dma_start3A_136] : memref<2x8x2000xf32, #tpu.memory_space<vmem>> -> memref<1x8x2000xf32, #tpu.memory_space<vmem>>
        %dma_start3A_138 = tpu.memref_squeeze %dma_start3A_137 : memref<1x8x2000xf32, #tpu.memory_space<vmem>> -> memref<8x2000xf32, #tpu.memory_space<vmem>>
        %dma_start3A_139 = arith.constant 0 : i32
        %dma_start3A_140 = tpu.memref_slice %arg2[%dma_start3A_139, %add3A_124] : memref<8x320000xf32, #tpu.memory_space<hbm>> -> memref<8x2000xf32, #tpu.memory_space<hbm>>
        %dma_start3A_141 = arith.constant 0 : i32
        %dma_start3A_142 = arith.constant 0 : i32
        %dma_start3A_143 = tpu.memref_slice %arg7[%dma_start3A_134, %dma_start3A_141, %dma_start3A_142] : memref<2x8x2000xf32, #tpu.memory_space<vmem>> -> memref<1x8x2000xf32, #tpu.memory_space<vmem>>
        %dma_start3A_144 = tpu.memref_squeeze %dma_start3A_143 : memref<1x8x2000xf32, #tpu.memory_space<vmem>> -> memref<8x2000xf32, #tpu.memory_space<vmem>>
        %dma_start3A_145 = arith.constant 0 : i32
        %dma_start3A_146 = tpu.memref_slice %arg2[%dma_start3A_145, %add3A_124] : memref<8x320000xf32, #tpu.memory_space<hbm>> -> memref<8x2000xf32, #tpu.memory_space<hbm>>
        tpu.enqueue_dma source(%dma_start3A_146 : memref<8x2000xf32, #tpu.memory_space<hbm>>) target(%dma_start3A_144 : memref<8x2000xf32, #tpu.memory_space<vmem>>) target_semaphore(%arg12 : memref<!tpu.dma_semaphore, #tpu.memory_space<semaphore_mem>>)
      } else {
      }
      %mul3A_88 = arith.constant 2000 : i32
      %mul3A_89 = arith.muli %add3A_80, %mul3A_88 : i32
      %add3A_90 = arith.addi %mul3A_2, %mul3A_89 : i32
      %dma_wait3A_91 = arith.constant 1 : i32
      %dma_wait3A_92 = arith.constant 0 : i32
      %dma_wait3A_93 = tpu.memref_slice %arg6[%dma_wait3A_91, %dma_wait3A_92] : memref<2x2000xi32, #tpu.memory_space<vmem>> -> memref<1x2000xi32, #tpu.memory_space<vmem>>
      %dma_wait3A_94 = tpu.memref_squeeze %dma_wait3A_93 : memref<1x2000xi32, #tpu.memory_space<vmem>> -> memref<2000xi32, #tpu.memory_space<vmem>>
      %dma_wait3A_95 = tpu.memref_slice %arg3[%add3A_90] : memref<320000xi32, #tpu.memory_space<hbm>> -> memref<2000xi32, #tpu.memory_space<hbm>>
      %dma_wait3A_96 = arith.constant 0 : i32
      %dma_wait3A_97 = tpu.memref_slice %arg6[%dma_wait3A_91, %dma_wait3A_96] : memref<2x2000xi32, #tpu.memory_space<vmem>> -> memref<1x2000xi32, #tpu.memory_space<vmem>>
      %dma_wait3A_98 = tpu.memref_squeeze %dma_wait3A_97 : memref<1x2000xi32, #tpu.memory_space<vmem>> -> memref<2000xi32, #tpu.memory_space<vmem>>
      %dma_wait3A_99 = tpu.memref_slice %arg3[%add3A_90] : memref<320000xi32, #tpu.memory_space<hbm>> -> memref<2000xi32, #tpu.memory_space<hbm>>
      tpu.wait_dma2 semaphore(%arg11 : memref<!tpu.dma_semaphore, #tpu.memory_space<semaphore_mem>>) src(%dma_wait3A_99 : memref<2000xi32, #tpu.memory_space<hbm>>) dst(%dma_wait3A_98 : memref<2000xi32, #tpu.memory_space<vmem>>)
      %dma_wait3A_100 = arith.constant 1 : i32
      %dma_wait3A_101 = arith.constant 0 : i32
      %dma_wait3A_102 = arith.constant 0 : i32
      %dma_wait3A_103 = tpu.memref_slice %arg7[%dma_wait3A_100, %dma_wait3A_101, %dma_wait3A_102] : memref<2x8x2000xf32, #tpu.memory_space<vmem>> -> memref<1x8x2000xf32, #tpu.memory_space<vmem>>
      %dma_wait3A_104 = tpu.memref_squeeze %dma_wait3A_103 : memref<1x8x2000xf32, #tpu.memory_space<vmem>> -> memref<8x2000xf32, #tpu.memory_space<vmem>>
      %dma_wait3A_105 = arith.constant 0 : i32
      %dma_wait3A_106 = tpu.memref_slice %arg2[%dma_wait3A_105, %add3A_90] : memref<8x320000xf32, #tpu.memory_space<hbm>> -> memref<8x2000xf32, #tpu.memory_space<hbm>>
      %dma_wait3A_107 = arith.constant 0 : i32
      %dma_wait3A_108 = arith.constant 0 : i32
      %dma_wait3A_109 = tpu.memref_slice %arg7[%dma_wait3A_100, %dma_wait3A_107, %dma_wait3A_108] : memref<2x8x2000xf32, #tpu.memory_space<vmem>> -> memref<1x8x2000xf32, #tpu.memory_space<vmem>>
      %dma_wait3A_110 = tpu.memref_squeeze %dma_wait3A_109 : memref<1x8x2000xf32, #tpu.memory_space<vmem>> -> memref<8x2000xf32, #tpu.memory_space<vmem>>
      %dma_wait3A_111 = arith.constant 0 : i32
      %dma_wait3A_112 = tpu.memref_slice %arg2[%dma_wait3A_111, %add3A_90] : memref<8x320000xf32, #tpu.memory_space<hbm>> -> memref<8x2000xf32, #tpu.memory_space<hbm>>
      tpu.wait_dma2 semaphore(%arg13 : memref<!tpu.dma_semaphore, #tpu.memory_space<semaphore_mem>>) src(%dma_wait3A_112 : memref<8x2000xf32, #tpu.memory_space<hbm>>) dst(%dma_wait3A_110 : memref<8x2000xf32, #tpu.memory_space<vmem>>)
      %scan3A_113 = arith.constant 0 : i32
      %scan3A_114 = arith.constant 0 : i32
      %scan3A_115 = arith.constant 125 : i32
      %scan3A_116 = arith.addi %scan3A_114, %scan3A_115 : i32
      %scan3A_117 = arith.constant 1 : i32
      scf.for %scan3A_120 = %scan3A_114 to %scan3A_116 step %scan3A_117  : i32 {
        %mul3A_121 = arith.constant 16 : i32
        %mul3A_122 = arith.muli %scan3A_120, %mul3A_121 : i32
        %add3A_123 = vector.broadcast %mul3A_122 : i32 to vector<16xi32>
        %add3A_124 = arith.addi %add3A_123, %iota3A : vector<16xi32>
        %mul3A_125 = arith.constant 16 : i32
        %mul3A_126 = arith.muli %scan3A_120, %mul3A_125 : i32
        %get3A = arith.constant 1 : i32
        %get3A_127 = arith.constant 0 : i32
        %get3A_128 = arith.index_cast %get3A : i32 to index
        %get3A_129 = arith.index_cast %get3A_127 : i32 to index
        %get3A_130 = arith.index_cast %mul3A_126 : i32 to index
        %get3A_131 = tpu.vector_load %arg7[%get3A_128, %get3A_129, %get3A_130] {strides = array<i32>} : memref<2x8x2000xf32, #tpu.memory_space<vmem>>, vector<16xf32>,
        %broadcast_in_dim3A = arith.constant 0 : i32
        %broadcast_in_dim3A_132 = vector.broadcast %broadcast_in_dim3A : i32 to vector<16xi32>
        tpu.vector_store_idx %arg8[%add3A_124, %broadcast_in_dim3A_132], %get3A_131 : memref<2000x8xf32, #tpu.memory_space<vmem>>[vector<16xi32>, vector<16xi32>], vector<16xf32>,
        %mul3A_133 = arith.constant 16 : i32
        %mul3A_134 = arith.muli %scan3A_120, %mul3A_133 : i32
        %get3A_135 = arith.constant 1 : i32
        %get3A_136 = arith.constant 1 : i32
        %get3A_137 = arith.index_cast %get3A_135 : i32 to index
        %get3A_138 = arith.index_cast %get3A_136 : i32 to index
        %get3A_139 = arith.index_cast %mul3A_134 : i32 to index
        %get3A_140 = tpu.vector_load %arg7[%get3A_137, %get3A_138, %get3A_139] {strides = array<i32>} : memref<2x8x2000xf32, #tpu.memory_space<vmem>>, vector<16xf32>,
        %broadcast_in_dim3A_141 = arith.constant 1 : i32
        %broadcast_in_dim3A_142 = vector.broadcast %broadcast_in_dim3A_141 : i32 to vector<16xi32>
        tpu.vector_store_idx %arg8[%add3A_124, %broadcast_in_dim3A_142], %get3A_140 : memref<2000x8xf32, #tpu.memory_space<vmem>>[vector<16xi32>, vector<16xi32>], vector<16xf32>,
        %mul3A_143 = arith.constant 16 : i32
        %mul3A_144 = arith.muli %scan3A_120, %mul3A_143 : i32
        %get3A_145 = arith.constant 1 : i32
        %get3A_146 = arith.constant 2 : i32
        %get3A_147 = arith.index_cast %get3A_145 : i32 to index
        %get3A_148 = arith.index_cast %get3A_146 : i32 to index
        %get3A_149 = arith.index_cast %mul3A_144 : i32 to index
        %get3A_150 = tpu.vector_load %arg7[%get3A_147, %get3A_148, %get3A_149] {strides = array<i32>} : memref<2x8x2000xf32, #tpu.memory_space<vmem>>, vector<16xf32>,
        %broadcast_in_dim3A_151 = arith.constant 2 : i32
        %broadcast_in_dim3A_152 = vector.broadcast %broadcast_in_dim3A_151 : i32 to vector<16xi32>
        tpu.vector_store_idx %arg8[%add3A_124, %broadcast_in_dim3A_152], %get3A_150 : memref<2000x8xf32, #tpu.memory_space<vmem>>[vector<16xi32>, vector<16xi32>], vector<16xf32>,
        %mul3A_153 = arith.constant 16 : i32
        %mul3A_154 = arith.muli %scan3A_120, %mul3A_153 : i32
        %get3A_155 = arith.constant 1 : i32
        %get3A_156 = arith.constant 3 : i32
        %get3A_157 = arith.index_cast %get3A_155 : i32 to index
        %get3A_158 = arith.index_cast %get3A_156 : i32 to index
        %get3A_159 = arith.index_cast %mul3A_154 : i32 to index
        %get3A_160 = tpu.vector_load %arg7[%get3A_157, %get3A_158, %get3A_159] {strides = array<i32>} : memref<2x8x2000xf32, #tpu.memory_space<vmem>>, vector<16xf32>,
        %broadcast_in_dim3A_161 = arith.constant 3 : i32
        %broadcast_in_dim3A_162 = vector.broadcast %broadcast_in_dim3A_161 : i32 to vector<16xi32>
        tpu.vector_store_idx %arg8[%add3A_124, %broadcast_in_dim3A_162], %get3A_160 : memref<2000x8xf32, #tpu.memory_space<vmem>>[vector<16xi32>, vector<16xi32>], vector<16xf32>,
        %mul3A_163 = arith.constant 16 : i32
        %mul3A_164 = arith.muli %scan3A_120, %mul3A_163 : i32
        %get3A_165 = arith.constant 1 : i32
        %get3A_166 = arith.constant 4 : i32
        %get3A_167 = arith.index_cast %get3A_165 : i32 to index
        %get3A_168 = arith.index_cast %get3A_166 : i32 to index
        %get3A_169 = arith.index_cast %mul3A_164 : i32 to index
        %get3A_170 = tpu.vector_load %arg7[%get3A_167, %get3A_168, %get3A_169] {strides = array<i32>} : memref<2x8x2000xf32, #tpu.memory_space<vmem>>, vector<16xf32>,
        %broadcast_in_dim3A_171 = arith.constant 4 : i32
        %broadcast_in_dim3A_172 = vector.broadcast %broadcast_in_dim3A_171 : i32 to vector<16xi32>
        tpu.vector_store_idx %arg8[%add3A_124, %broadcast_in_dim3A_172], %get3A_170 : memref<2000x8xf32, #tpu.memory_space<vmem>>[vector<16xi32>, vector<16xi32>], vector<16xf32>,
        %mul3A_173 = arith.constant 16 : i32
        %mul3A_174 = arith.muli %scan3A_120, %mul3A_173 : i32
        %get3A_175 = arith.constant 1 : i32
        %get3A_176 = arith.constant 5 : i32
        %get3A_177 = arith.index_cast %get3A_175 : i32 to index
        %get3A_178 = arith.index_cast %get3A_176 : i32 to index
        %get3A_179 = arith.index_cast %mul3A_174 : i32 to index
        %get3A_180 = tpu.vector_load %arg7[%get3A_177, %get3A_178, %get3A_179] {strides = array<i32>} : memref<2x8x2000xf32, #tpu.memory_space<vmem>>, vector<16xf32>,
        %broadcast_in_dim3A_181 = arith.constant 5 : i32
        %broadcast_in_dim3A_182 = vector.broadcast %broadcast_in_dim3A_181 : i32 to vector<16xi32>
        tpu.vector_store_idx %arg8[%add3A_124, %broadcast_in_dim3A_182], %get3A_180 : memref<2000x8xf32, #tpu.memory_space<vmem>>[vector<16xi32>, vector<16xi32>], vector<16xf32>,
        %mul3A_183 = arith.constant 16 : i32
        %mul3A_184 = arith.muli %scan3A_120, %mul3A_183 : i32
        %get3A_185 = arith.constant 1 : i32
        %get3A_186 = arith.constant 6 : i32
        %get3A_187 = arith.index_cast %get3A_185 : i32 to index
        %get3A_188 = arith.index_cast %get3A_186 : i32 to index
        %get3A_189 = arith.index_cast %mul3A_184 : i32 to index
        %get3A_190 = tpu.vector_load %arg7[%get3A_187, %get3A_188, %get3A_189] {strides = array<i32>} : memref<2x8x2000xf32, #tpu.memory_space<vmem>>, vector<16xf32>,
        %broadcast_in_dim3A_191 = arith.constant 6 : i32
        %broadcast_in_dim3A_192 = vector.broadcast %broadcast_in_dim3A_191 : i32 to vector<16xi32>
        tpu.vector_store_idx %arg8[%add3A_124, %broadcast_in_dim3A_192], %get3A_190 : memref<2000x8xf32, #tpu.memory_space<vmem>>[vector<16xi32>, vector<16xi32>], vector<16xf32>,
        %mul3A_193 = arith.constant 16 : i32
        %mul3A_194 = arith.muli %scan3A_120, %mul3A_193 : i32
        %get3A_195 = arith.constant 1 : i32
        %get3A_196 = arith.constant 7 : i32
        %get3A_197 = arith.index_cast %get3A_195 : i32 to index
        %get3A_198 = arith.index_cast %get3A_196 : i32 to index
        %get3A_199 = arith.index_cast %mul3A_194 : i32 to index
        %get3A_200 = tpu.vector_load %arg7[%get3A_197, %get3A_198, %get3A_199] {strides = array<i32>} : memref<2x8x2000xf32, #tpu.memory_space<vmem>>, vector<16xf32>,
        %broadcast_in_dim3A_201 = arith.constant 7 : i32
        %broadcast_in_dim3A_202 = vector.broadcast %broadcast_in_dim3A_201 : i32 to vector<16xi32>
        tpu.vector_store_idx %arg8[%add3A_124, %broadcast_in_dim3A_202], %get3A_200 : memref<2000x8xf32, #tpu.memory_space<vmem>>[vector<16xi32>, vector<16xi32>], vector<16xf32>,
      }
      %scan3A_118 = arith.constant 125 : i32
      %run_scoped3A_119 = arith.constant 1 : i32
      "tpu.region"() ({
        %run_scoped3A_120 = tpu.sem_alloc : memref<!tpu.dma_semaphore, #tpu.memory_space<semaphore_mem>>
        %dma_start3A_121 = arith.constant 0 : i32
        %dma_start3A_122 = tpu.memref_slice %arg6[%run_scoped3A_119, %dma_start3A_121] : memref<2x2000xi32, #tpu.memory_space<vmem>> -> memref<1x2000xi32, #tpu.memory_space<vmem>>
        %dma_start3A_123 = tpu.memref_squeeze %dma_start3A_122 : memref<1x2000xi32, #tpu.memory_space<vmem>> -> memref<2000xi32, #tpu.memory_space<vmem>>
        %dma_start3A_124 = arith.constant 0 : i32
        %dma_start3A_125 = arith.constant 0 : i32
        %dma_start3A_126 = tpu.memref_slice %arg9[%dma_start3A_124, %dma_start3A_125] : memref<10000x8xf32, #tpu.memory_space<vmem_shared>> -> memref<10000x8xf32, #tpu.memory_space<vmem_shared>>
        tpu.enqueue_indirect_dma source(%arg8 : memref<2000x8xf32, #tpu.memory_space<vmem>>) target(%dma_start3A_126 : memref<10000x8xf32, #tpu.memory_space<vmem_shared>>) offsets(%dma_start3A_123 : memref<2000xi32, #tpu.memory_space<vmem>>) semaphore(%run_scoped3A_120 : memref<!tpu.dma_semaphore, #tpu.memory_space<semaphore_mem>>) {add = true}
        %dma_wait3A_127 = arith.constant 0 : i32
        %dma_wait3A_128 = tpu.memref_slice %arg6[%run_scoped3A_119, %dma_wait3A_127] : memref<2x2000xi32, #tpu.memory_space<vmem>> -> memref<1x2000xi32, #tpu.memory_space<vmem>>
        %dma_wait3A_129 = tpu.memref_squeeze %dma_wait3A_128 : memref<1x2000xi32, #tpu.memory_space<vmem>> -> memref<2000xi32, #tpu.memory_space<vmem>>
        %dma_wait3A_130 = arith.constant 0 : i32
        %dma_wait3A_131 = arith.constant 0 : i32
        %dma_wait3A_132 = tpu.memref_slice %arg9[%dma_wait3A_130, %dma_wait3A_131] : memref<10000x8xf32, #tpu.memory_space<vmem_shared>> -> memref<10000x8xf32, #tpu.memory_space<vmem_shared>>
        tpu.wait_indirect_dma semaphore(%run_scoped3A_120 : memref<!tpu.dma_semaphore, #tpu.memory_space<semaphore_mem>>) src(%arg8 : memref<2000x8xf32, #tpu.memory_space<vmem>>) dst(%dma_wait3A_132 : memref<10000x8xf32, #tpu.memory_space<vmem_shared>>)
        tpu.yield
      }) : () -> ()
    }
    %scan3A_29 = arith.constant 5 : i32
    %barrier3A_30 = arith.constant 0 : index
    tpu.barrier barrier_id(%barrier3A_30)
    %eq3A_31 = arith.constant 0 : i32
    %eq3A_32 = arith.cmpi eq, %arg1, %eq3A_31 : i32
    %convert_element_type3A_33 = arith.extui %eq3A_32 : i1 to i32
    %cond3A_34 = arith.constant 0 : i32
    %cond3A_35 = arith.cmpi ne, %convert_element_type3A_33, %cond3A_34 : i32
    scf.if %cond3A_35 {
      "tpu.region"() ({
        %run_scoped3A = tpu.sem_alloc : memref<!tpu.dma_semaphore, #tpu.memory_space<semaphore_mem>>
        tpu.enqueue_dma source(%arg9 : memref<10000x8xf32, #tpu.memory_space<vmem_shared>>) target(%arg5 : memref<10000x8xf32, #tpu.memory_space<hbm>>) target_semaphore(%run_scoped3A : memref<!tpu.dma_semaphore, #tpu.memory_space<semaphore_mem>>)
        tpu.wait_dma2 semaphore(%run_scoped3A : memref<!tpu.dma_semaphore, #tpu.memory_space<semaphore_mem>>) src(%arg9 : memref<10000x8xf32, #tpu.memory_space<vmem_shared>>) dst(%arg5 : memref<10000x8xf32, #tpu.memory_space<hbm>>)
        tpu.yield
      }) : () -> ()
    } else {
    }
    return
  }
}

#map = affine_map<(d0, d1) -> (0, 0)>
#map1 = affine_map<(d0, d1) -> (0)>
module attributes {stable_mosaic.version = 14 : i64} {
  func.func @k(%arg0: i32, %arg1: i32, %arg2: memref<10000x8xf32, #tpu.memory_space<hbm>>, %arg3: memref<320000xi32, #tpu.memory_space<hbm>>, %arg4: memref<8x320000xf32, #tpu.memory_space<hbm>>, %arg5: memref<10000x8xf32, #tpu.memory_space<vmem>>, %arg6: memref<2000xi32, #tpu.memory_space<vmem>>, %arg7: memref<8x2000xf32, #tpu.memory_space<vmem>>, %arg8: memref<!tpu.dma_semaphore, #tpu.memory_space<semaphore_mem>>) attributes {dimension_semantics = [#tpu.dimension_semantics<core_parallel>, #tpu.dimension_semantics<subcore_parallel>], iteration_bounds = array<i64: 2, 16>, scalar_prefetch = 0 : i64, scratch_operands = 4 : i64, tpu.core_type = #tpu.core_type<sc_vector_subcore>, window_params = [{transform_indices = #map}, {transform_indices = #map1}, {transform_indices = #map}]} {
    %mul3A = arith.constant 2 : i32
    %mul3A_0 = arith.muli %arg1, %mul3A : i32
    %add3A = arith.addi %mul3A_0, %arg0 : i32
    %mul3A_1 = arith.constant 10000 : i32
    %mul3A_2 = arith.muli %add3A, %mul3A_1 : i32
    "tpu.region"() ({
      %run_scoped3A = tpu.sem_alloc : memref<!tpu.dma_semaphore, #tpu.memory_space<semaphore_mem>>
      tpu.enqueue_dma source(%arg2 : memref<10000x8xf32, #tpu.memory_space<hbm>>) target(%arg5 : memref<10000x8xf32, #tpu.memory_space<vmem>>) target_semaphore(%run_scoped3A : memref<!tpu.dma_semaphore, #tpu.memory_space<semaphore_mem>>)
      tpu.wait_dma2 semaphore(%run_scoped3A : memref<!tpu.dma_semaphore, #tpu.memory_space<semaphore_mem>>) src(%arg2 : memref<10000x8xf32, #tpu.memory_space<hbm>>) dst(%arg5 : memref<10000x8xf32, #tpu.memory_space<vmem>>)
      tpu.yield
    }) : () -> ()
    %broadcast_in_dim3A = arith.constant 0.000000e+00 : f32
    %broadcast_in_dim3A_3 = vector.broadcast %broadcast_in_dim3A : f32 to vector<16xf32>
    %scan3A = arith.constant 0 : i32
    %scan3A_4 = arith.constant 0 : i32
    %scan3A_5 = arith.constant 5 : i32
    %scan3A_6 = arith.addi %scan3A_4, %scan3A_5 : i32
    %scan3A_7 = arith.constant 1 : i32
    scf.for %scan3A_9 = %scan3A_4 to %scan3A_6 step %scan3A_7  : i32 {
      %mul3A_10 = arith.constant 2000 : i32
      %mul3A_11 = arith.muli %scan3A_9, %mul3A_10 : i32
      %add3A_12 = arith.addi %mul3A_2, %mul3A_11 : i32
      "tpu.region"() ({
        %run_scoped3A = tpu.sem_alloc : memref<!tpu.dma_semaphore, #tpu.memory_space<semaphore_mem>>
        %dma_start3A = tpu.memref_slice %arg3[%add3A_12] : memref<320000xi32, #tpu.memory_space<hbm>> -> memref<2000xi32, #tpu.memory_space<hbm>>
        %dma_start3A_19 = tpu.memref_slice %arg3[%add3A_12] : memref<320000xi32, #tpu.memory_space<hbm>> -> memref<2000xi32, #tpu.memory_space<hbm>>
        tpu.enqueue_dma source(%dma_start3A_19 : memref<2000xi32, #tpu.memory_space<hbm>>) target(%arg6 : memref<2000xi32, #tpu.memory_space<vmem>>) target_semaphore(%run_scoped3A : memref<!tpu.dma_semaphore, #tpu.memory_space<semaphore_mem>>)
        %dma_wait3A = tpu.memref_slice %arg3[%add3A_12] : memref<320000xi32, #tpu.memory_space<hbm>> -> memref<2000xi32, #tpu.memory_space<hbm>>
        %dma_wait3A_20 = tpu.memref_slice %arg3[%add3A_12] : memref<320000xi32, #tpu.memory_space<hbm>> -> memref<2000xi32, #tpu.memory_space<hbm>>
        tpu.wait_dma2 semaphore(%run_scoped3A : memref<!tpu.dma_semaphore, #tpu.memory_space<semaphore_mem>>) src(%dma_wait3A_20 : memref<2000xi32, #tpu.memory_space<hbm>>) dst(%arg6 : memref<2000xi32, #tpu.memory_space<vmem>>)
        tpu.yield
      }) : () -> ()
      %scan3A_13 = arith.constant 0 : i32
      %scan3A_14 = arith.constant 0 : i32
      %scan3A_15 = arith.constant 125 : i32
      %scan3A_16 = arith.addi %scan3A_14, %scan3A_15 : i32
      %scan3A_17 = arith.constant 1 : i32
      scf.for %scan3A_19 = %scan3A_14 to %scan3A_16 step %scan3A_17  : i32 {
        %mul3A_20 = arith.constant 16 : i32
        %mul3A_21 = arith.muli %scan3A_19, %mul3A_20 : i32
        %get3A = arith.index_cast %mul3A_21 : i32 to index
        %get3A_22 = tpu.vector_load %arg6[%get3A] {strides = array<i32>} : memref<2000xi32, #tpu.memory_space<vmem>>, vector<16xi32>,
        %broadcast_in_dim3A_23 = arith.constant 0 : i32
        %broadcast_in_dim3A_24 = vector.broadcast %broadcast_in_dim3A_23 : i32 to vector<16xi32>
        %gather3A = tpu.vector_load_idx %arg5[%get3A_22, %broadcast_in_dim3A_24] : memref<10000x8xf32, #tpu.memory_space<vmem>>[vector<16xi32>, vector<16xi32>], vector<16xf32>,
        %mul3A_25 = arith.constant 16 : i32
        %mul3A_26 = arith.muli %scan3A_19, %mul3A_25 : i32
        %swap3A = arith.constant 0 : i32
        %swap3A_27 = arith.index_cast %swap3A : i32 to index
        %swap3A_28 = arith.index_cast %mul3A_26 : i32 to index
        %swap3A_29 = tpu.vector_load %arg7[%swap3A_27, %swap3A_28] {strides = array<i32>} : memref<8x2000xf32, #tpu.memory_space<vmem>>, vector<16xf32>,
        tpu.vector_store %arg7[%swap3A_27, %swap3A_28], %gather3A {strides = array<i32>} : memref<8x2000xf32, #tpu.memory_space<vmem>>, vector<16xf32>,
        %broadcast_in_dim3A_30 = arith.constant 1 : i32
        %broadcast_in_dim3A_31 = vector.broadcast %broadcast_in_dim3A_30 : i32 to vector<16xi32>
        %gather3A_32 = tpu.vector_load_idx %arg5[%get3A_22, %broadcast_in_dim3A_31] : memref<10000x8xf32, #tpu.memory_space<vmem>>[vector<16xi32>, vector<16xi32>], vector<16xf32>,
        %mul3A_33 = arith.constant 16 : i32
        %mul3A_34 = arith.muli %scan3A_19, %mul3A_33 : i32
        %swap3A_35 = arith.constant 1 : i32
        %swap3A_36 = arith.index_cast %swap3A_35 : i32 to index
        %swap3A_37 = arith.index_cast %mul3A_34 : i32 to index
        %swap3A_38 = tpu.vector_load %arg7[%swap3A_36, %swap3A_37] {strides = array<i32>} : memref<8x2000xf32, #tpu.memory_space<vmem>>, vector<16xf32>,
        tpu.vector_store %arg7[%swap3A_36, %swap3A_37], %gather3A_32 {strides = array<i32>} : memref<8x2000xf32, #tpu.memory_space<vmem>>, vector<16xf32>,
        %broadcast_in_dim3A_39 = arith.constant 2 : i32
        %broadcast_in_dim3A_40 = vector.broadcast %broadcast_in_dim3A_39 : i32 to vector<16xi32>
        %gather3A_41 = tpu.vector_load_idx %arg5[%get3A_22, %broadcast_in_dim3A_40] : memref<10000x8xf32, #tpu.memory_space<vmem>>[vector<16xi32>, vector<16xi32>], vector<16xf32>,
        %mul3A_42 = arith.constant 16 : i32
        %mul3A_43 = arith.muli %scan3A_19, %mul3A_42 : i32
        %swap3A_44 = arith.constant 2 : i32
        %swap3A_45 = arith.index_cast %swap3A_44 : i32 to index
        %swap3A_46 = arith.index_cast %mul3A_43 : i32 to index
        %swap3A_47 = tpu.vector_load %arg7[%swap3A_45, %swap3A_46] {strides = array<i32>} : memref<8x2000xf32, #tpu.memory_space<vmem>>, vector<16xf32>,
        tpu.vector_store %arg7[%swap3A_45, %swap3A_46], %gather3A_41 {strides = array<i32>} : memref<8x2000xf32, #tpu.memory_space<vmem>>, vector<16xf32>,
        %broadcast_in_dim3A_48 = arith.constant 3 : i32
        %broadcast_in_dim3A_49 = vector.broadcast %broadcast_in_dim3A_48 : i32 to vector<16xi32>
        %gather3A_50 = tpu.vector_load_idx %arg5[%get3A_22, %broadcast_in_dim3A_49] : memref<10000x8xf32, #tpu.memory_space<vmem>>[vector<16xi32>, vector<16xi32>], vector<16xf32>,
        %mul3A_51 = arith.constant 16 : i32
        %mul3A_52 = arith.muli %scan3A_19, %mul3A_51 : i32
        %swap3A_53 = arith.constant 3 : i32
        %swap3A_54 = arith.index_cast %swap3A_53 : i32 to index
        %swap3A_55 = arith.index_cast %mul3A_52 : i32 to index
        %swap3A_56 = tpu.vector_load %arg7[%swap3A_54, %swap3A_55] {strides = array<i32>} : memref<8x2000xf32, #tpu.memory_space<vmem>>, vector<16xf32>,
        tpu.vector_store %arg7[%swap3A_54, %swap3A_55], %gather3A_50 {strides = array<i32>} : memref<8x2000xf32, #tpu.memory_space<vmem>>, vector<16xf32>,
        %mul3A_57 = arith.constant 16 : i32
        %mul3A_58 = arith.muli %scan3A_19, %mul3A_57 : i32
        %swap3A_59 = arith.constant 4 : i32
        %swap3A_60 = arith.index_cast %swap3A_59 : i32 to index
        %swap3A_61 = arith.index_cast %mul3A_58 : i32 to index
        %swap3A_62 = tpu.vector_load %arg7[%swap3A_60, %swap3A_61] {strides = array<i32>} : memref<8x2000xf32, #tpu.memory_space<vmem>>, vector<16xf32>,
        tpu.vector_store %arg7[%swap3A_60, %swap3A_61], %broadcast_in_dim3A_3 {strides = array<i32>} : memref<8x2000xf32, #tpu.memory_space<vmem>>, vector<16xf32>,
        %mul3A_63 = arith.constant 16 : i32
        %mul3A_64 = arith.muli %scan3A_19, %mul3A_63 : i32
        %swap3A_65 = arith.constant 5 : i32
        %swap3A_66 = arith.index_cast %swap3A_65 : i32 to index
        %swap3A_67 = arith.index_cast %mul3A_64 : i32 to index
        %swap3A_68 = tpu.vector_load %arg7[%swap3A_66, %swap3A_67] {strides = array<i32>} : memref<8x2000xf32, #tpu.memory_space<vmem>>, vector<16xf32>,
        tpu.vector_store %arg7[%swap3A_66, %swap3A_67], %broadcast_in_dim3A_3 {strides = array<i32>} : memref<8x2000xf32, #tpu.memory_space<vmem>>, vector<16xf32>,
        %mul3A_69 = arith.constant 16 : i32
        %mul3A_70 = arith.muli %scan3A_19, %mul3A_69 : i32
        %swap3A_71 = arith.constant 6 : i32
        %swap3A_72 = arith.index_cast %swap3A_71 : i32 to index
        %swap3A_73 = arith.index_cast %mul3A_70 : i32 to index
        %swap3A_74 = tpu.vector_load %arg7[%swap3A_72, %swap3A_73] {strides = array<i32>} : memref<8x2000xf32, #tpu.memory_space<vmem>>, vector<16xf32>,
        tpu.vector_store %arg7[%swap3A_72, %swap3A_73], %broadcast_in_dim3A_3 {strides = array<i32>} : memref<8x2000xf32, #tpu.memory_space<vmem>>, vector<16xf32>,
        %mul3A_75 = arith.constant 16 : i32
        %mul3A_76 = arith.muli %scan3A_19, %mul3A_75 : i32
        %swap3A_77 = arith.constant 7 : i32
        %swap3A_78 = arith.index_cast %swap3A_77 : i32 to index
        %swap3A_79 = arith.index_cast %mul3A_76 : i32 to index
        %swap3A_80 = tpu.vector_load %arg7[%swap3A_78, %swap3A_79] {strides = array<i32>} : memref<8x2000xf32, #tpu.memory_space<vmem>>, vector<16xf32>,
        tpu.vector_store %arg7[%swap3A_78, %swap3A_79], %broadcast_in_dim3A_3 {strides = array<i32>} : memref<8x2000xf32, #tpu.memory_space<vmem>>, vector<16xf32>,
      }
      %scan3A_18 = arith.constant 125 : i32
      "tpu.region"() ({
        %run_scoped3A = tpu.sem_alloc : memref<!tpu.dma_semaphore, #tpu.memory_space<semaphore_mem>>
        %dma_start3A = arith.constant 0 : i32
        %dma_start3A_19 = tpu.memref_slice %arg4[%dma_start3A, %add3A_12] : memref<8x320000xf32, #tpu.memory_space<hbm>> -> memref<8x2000xf32, #tpu.memory_space<hbm>>
        %dma_start3A_20 = arith.constant 0 : i32
        %dma_start3A_21 = tpu.memref_slice %arg4[%dma_start3A_20, %add3A_12] : memref<8x320000xf32, #tpu.memory_space<hbm>> -> memref<8x2000xf32, #tpu.memory_space<hbm>>
        tpu.enqueue_dma source(%arg7 : memref<8x2000xf32, #tpu.memory_space<vmem>>) target(%dma_start3A_21 : memref<8x2000xf32, #tpu.memory_space<hbm>>) target_semaphore(%run_scoped3A : memref<!tpu.dma_semaphore, #tpu.memory_space<semaphore_mem>>)
        %dma_wait3A = arith.constant 0 : i32
        %dma_wait3A_22 = tpu.memref_slice %arg4[%dma_wait3A, %add3A_12] : memref<8x320000xf32, #tpu.memory_space<hbm>> -> memref<8x2000xf32, #tpu.memory_space<hbm>>
        %dma_wait3A_23 = arith.constant 0 : i32
        %dma_wait3A_24 = tpu.memref_slice %arg4[%dma_wait3A_23, %add3A_12] : memref<8x320000xf32, #tpu.memory_space<hbm>> -> memref<8x2000xf32, #tpu.memory_space<hbm>>
        tpu.wait_dma2 semaphore(%run_scoped3A : memref<!tpu.dma_semaphore, #tpu.memory_space<semaphore_mem>>) src(%arg7 : memref<8x2000xf32, #tpu.memory_space<vmem>>) dst(%dma_wait3A_24 : memref<8x2000xf32, #tpu.memory_space<hbm>>)
        tpu.yield
      }) : () -> ()
    }
    %scan3A_8 = arith.constant 5 : i32
    return
  }
}

#map = affine_map<(d0, d1) -> (0, 0)>
#map1 = affine_map<(d0, d1) -> (0)>
module attributes {stable_mosaic.version = 14 : i64} {
  func.func @k(%arg0: i32, %arg1: i32, %arg2: memref<8x320000xf32, #tpu.memory_space<hbm>>, %arg3: memref<320000xi32, #tpu.memory_space<hbm>>, %arg4: memref<10000x8xf32, #tpu.memory_space<hbm>>, %arg5: memref<10000x8xf32, #tpu.memory_space<hbm>>, %arg6: memref<2x2000xi32, #tpu.memory_space<vmem>>, %arg7: memref<2x8x2000xf32, #tpu.memory_space<vmem>>, %arg8: memref<2000x8xf32, #tpu.memory_space<vmem>>, %arg9: memref<10000x8xf32, #tpu.memory_space<vmem_shared>>, %arg10: memref<!tpu.dma_semaphore, #tpu.memory_space<semaphore_mem>>, %arg11: memref<!tpu.dma_semaphore, #tpu.memory_space<semaphore_mem>>, %arg12: memref<!tpu.dma_semaphore, #tpu.memory_space<semaphore_mem>>, %arg13: memref<!tpu.dma_semaphore, #tpu.memory_space<semaphore_mem>>) attributes {dimension_semantics = [#tpu.dimension_semantics<core_parallel>, #tpu.dimension_semantics<subcore_parallel>], iteration_bounds = array<i64: 1, 16>, scalar_prefetch = 0 : i64, scratch_operands = 8 : i64, tpu.core_type = #tpu.core_type<sc_vector_subcore>, window_params = [{transform_indices = #map}, {transform_indices = #map1}, {transform_indices = #map}, {transform_indices = #map}]} {
    %eq3A = arith.constant 0 : i32
    %eq3A_0 = arith.cmpi eq, %arg1, %eq3A : i32
    %convert_element_type3A = arith.extui %eq3A_0 : i1 to i32
    %cond3A = arith.constant 0 : i32
    %cond3A_1 = arith.cmpi ne, %convert_element_type3A, %cond3A : i32
    scf.if %cond3A_1 {
      "tpu.region"() ({
        %run_scoped3A = tpu.sem_alloc : memref<!tpu.dma_semaphore, #tpu.memory_space<semaphore_mem>>
        tpu.enqueue_dma source(%arg4 : memref<10000x8xf32, #tpu.memory_space<hbm>>) target(%arg9 : memref<10000x8xf32, #tpu.memory_space<vmem_shared>>) target_semaphore(%run_scoped3A : memref<!tpu.dma_semaphore, #tpu.memory_space<semaphore_mem>>)
        tpu.wait_dma2 semaphore(%run_scoped3A : memref<!tpu.dma_semaphore, #tpu.memory_space<semaphore_mem>>) src(%arg4 : memref<10000x8xf32, #tpu.memory_space<hbm>>) dst(%arg9 : memref<10000x8xf32, #tpu.memory_space<vmem_shared>>)
        tpu.yield
      }) : () -> ()
    } else {
    }
    %barrier3A = arith.constant 0 : index
    tpu.barrier barrier_id(%barrier3A)
    %mul3A = arith.constant 20000 : i32
    %mul3A_2 = arith.muli %arg1, %mul3A : i32
    %iota3A = tpu.iota {dimensions = array<i32: 0>} : vector<16xi32>
    %add3A = arith.constant 0 : i32
    %add3A_3 = arith.addi %mul3A_2, %add3A : i32
    %dma_start3A = arith.constant 0 : i32
    %dma_start3A_4 = arith.constant 0 : i32
    %dma_start3A_5 = tpu.memref_slice %arg6[%dma_start3A, %dma_start3A_4] : memref<2x2000xi32, #tpu.memory_space<vmem>> -> memref<1x2000xi32, #tpu.memory_space<vmem>>
    %dma_start3A_6 = tpu.memref_squeeze %dma_start3A_5 : memref<1x2000xi32, #tpu.memory_space<vmem>> -> memref<2000xi32, #tpu.memory_space<vmem>>
    %dma_start3A_7 = tpu.memref_slice %arg3[%add3A_3] : memref<320000xi32, #tpu.memory_space<hbm>> -> memref<2000xi32, #tpu.memory_space<hbm>>
    %dma_start3A_8 = arith.constant 0 : i32
    %dma_start3A_9 = tpu.memref_slice %arg6[%dma_start3A, %dma_start3A_8] : memref<2x2000xi32, #tpu.memory_space<vmem>> -> memref<1x2000xi32, #tpu.memory_space<vmem>>
    %dma_start3A_10 = tpu.memref_squeeze %dma_start3A_9 : memref<1x2000xi32, #tpu.memory_space<vmem>> -> memref<2000xi32, #tpu.memory_space<vmem>>
    %dma_start3A_11 = tpu.memref_slice %arg3[%add3A_3] : memref<320000xi32, #tpu.memory_space<hbm>> -> memref<2000xi32, #tpu.memory_space<hbm>>
    tpu.enqueue_dma source(%dma_start3A_11 : memref<2000xi32, #tpu.memory_space<hbm>>) target(%dma_start3A_10 : memref<2000xi32, #tpu.memory_space<vmem>>) target_semaphore(%arg10 : memref<!tpu.dma_semaphore, #tpu.memory_space<semaphore_mem>>)
    %dma_start3A_12 = arith.constant 0 : i32
    %dma_start3A_13 = arith.constant 0 : i32
    %dma_start3A_14 = arith.constant 0 : i32
    %dma_start3A_15 = tpu.memref_slice %arg7[%dma_start3A_12, %dma_start3A_13, %dma_start3A_14] : memref<2x8x2000xf32, #tpu.memory_space<vmem>> -> memref<1x8x2000xf32, #tpu.memory_space<vmem>>
    %dma_start3A_16 = tpu.memref_squeeze %dma_start3A_15 : memref<1x8x2000xf32, #tpu.memory_space<vmem>> -> memref<8x2000xf32, #tpu.memory_space<vmem>>
    %dma_start3A_17 = arith.constant 0 : i32
    %dma_start3A_18 = tpu.memref_slice %arg2[%dma_start3A_17, %add3A_3] : memref<8x320000xf32, #tpu.memory_space<hbm>> -> memref<8x2000xf32, #tpu.memory_space<hbm>>
    %dma_start3A_19 = arith.constant 0 : i32
    %dma_start3A_20 = arith.constant 0 : i32
    %dma_start3A_21 = tpu.memref_slice %arg7[%dma_start3A_12, %dma_start3A_19, %dma_start3A_20] : memref<2x8x2000xf32, #tpu.memory_space<vmem>> -> memref<1x8x2000xf32, #tpu.memory_space<vmem>>
    %dma_start3A_22 = tpu.memref_squeeze %dma_start3A_21 : memref<1x8x2000xf32, #tpu.memory_space<vmem>> -> memref<8x2000xf32, #tpu.memory_space<vmem>>
    %dma_start3A_23 = arith.constant 0 : i32
    %dma_start3A_24 = tpu.memref_slice %arg2[%dma_start3A_23, %add3A_3] : memref<8x320000xf32, #tpu.memory_space<hbm>> -> memref<8x2000xf32, #tpu.memory_space<hbm>>
    tpu.enqueue_dma source(%dma_start3A_24 : memref<8x2000xf32, #tpu.memory_space<hbm>>) target(%dma_start3A_22 : memref<8x2000xf32, #tpu.memory_space<vmem>>) target_semaphore(%arg12 : memref<!tpu.dma_semaphore, #tpu.memory_space<semaphore_mem>>)
    %scan3A = arith.constant 0 : i32
    %scan3A_25 = arith.constant 0 : i32
    %scan3A_26 = arith.constant 5 : i32
    %scan3A_27 = arith.addi %scan3A_25, %scan3A_26 : i32
    %scan3A_28 = arith.constant 1 : i32
    scf.for %scan3A_36 = %scan3A_25 to %scan3A_27 step %scan3A_28  : i32 {
      %mul3A_37 = arith.constant 2 : i32
      %mul3A_38 = arith.muli %scan3A_36, %mul3A_37 : i32
      %add3A_39 = arith.constant 0 : i32
      %add3A_40 = arith.addi %mul3A_38, %add3A_39 : i32
      %add3A_41 = arith.constant 1 : i32
      %add3A_42 = arith.addi %add3A_40, %add3A_41 : i32
      %lt3A = arith.constant 10 : i32
      %lt3A_43 = arith.cmpi slt, %add3A_42, %lt3A : i32
      %convert_element_type3A_44 = arith.extui %lt3A_43 : i1 to i32
      %cond3A_45 = arith.constant 0 : i32
      %cond3A_46 = arith.cmpi ne, %convert_element_type3A_44, %cond3A_45 : i32
      scf.if %cond3A_46 {
        %add3A_120 = arith.constant 1 : i32
        %add3A_121 = arith.addi %add3A_40, %add3A_120 : i32
        %mul3A_122 = arith.constant 2000 : i32
        %mul3A_123 = arith.muli %add3A_121, %mul3A_122 : i32
        %add3A_124 = arith.addi %mul3A_2, %mul3A_123 : i32
        %dma_start3A_125 = arith.constant 1 : i32
        %dma_start3A_126 = arith.constant 0 : i32
        %dma_start3A_127 = tpu.memref_slice %arg6[%dma_start3A_125, %dma_start3A_126] : memref<2x2000xi32, #tpu.memory_space<vmem>> -> memref<1x2000xi32, #tpu.memory_space<vmem>>
        %dma_start3A_128 = tpu.memref_squeeze %dma_start3A_127 : memref<1x2000xi32, #tpu.memory_space<vmem>> -> memref<2000xi32, #tpu.memory_space<vmem>>
        %dma_start3A_129 = tpu.memref_slice %arg3[%add3A_124] : memref<320000xi32, #tpu.memory_space<hbm>> -> memref<2000xi32, #tpu.memory_space<hbm>>
        %dma_start3A_130 = arith.constant 0 : i32
        %dma_start3A_131 = tpu.memref_slice %arg6[%dma_start3A_125, %dma_start3A_130] : memref<2x2000xi32, #tpu.memory_space<vmem>> -> memref<1x2000xi32, #tpu.memory_space<vmem>>
        %dma_start3A_132 = tpu.memref_squeeze %dma_start3A_131 : memref<1x2000xi32, #tpu.memory_space<vmem>> -> memref<2000xi32, #tpu.memory_space<vmem>>
        %dma_start3A_133 = tpu.memref_slice %arg3[%add3A_124] : memref<320000xi32, #tpu.memory_space<hbm>> -> memref<2000xi32, #tpu.memory_space<hbm>>
        tpu.enqueue_dma source(%dma_start3A_133 : memref<2000xi32, #tpu.memory_space<hbm>>) target(%dma_start3A_132 : memref<2000xi32, #tpu.memory_space<vmem>>) target_semaphore(%arg11 : memref<!tpu.dma_semaphore, #tpu.memory_space<semaphore_mem>>)
        %dma_start3A_134 = arith.constant 1 : i32
        %dma_start3A_135 = arith.constant 0 : i32
        %dma_start3A_136 = arith.constant 0 : i32
        %dma_start3A_137 = tpu.memref_slice %arg7[%dma_start3A_134, %dma_start3A_135, %dma_start3A_136] : memref<2x8x2000xf32, #tpu.memory_space<vmem>> -> memref<1x8x2000xf32, #tpu.memory_space<vmem>>
        %dma_start3A_138 = tpu.memref_squeeze %dma_start3A_137 : memref<1x8x2000xf32, #tpu.memory_space<vmem>> -> memref<8x2000xf32, #tpu.memory_space<vmem>>
        %dma_start3A_139 = arith.constant 0 : i32
        %dma_start3A_140 = tpu.memref_slice %arg2[%dma_start3A_139, %add3A_124] : memref<8x320000xf32, #tpu.memory_space<hbm>> -> memref<8x2000xf32, #tpu.memory_space<hbm>>
        %dma_start3A_141 = arith.constant 0 : i32
        %dma_start3A_142 = arith.constant 0 : i32
        %dma_start3A_143 = tpu.memref_slice %arg7[%dma_start3A_134, %dma_start3A_141, %dma_start3A_142] : memref<2x8x2000xf32, #tpu.memory_space<vmem>> -> memref<1x8x2000xf32, #tpu.memory_space<vmem>>
        %dma_start3A_144 = tpu.memref_squeeze %dma_start3A_143 : memref<1x8x2000xf32, #tpu.memory_space<vmem>> -> memref<8x2000xf32, #tpu.memory_space<vmem>>
        %dma_start3A_145 = arith.constant 0 : i32
        %dma_start3A_146 = tpu.memref_slice %arg2[%dma_start3A_145, %add3A_124] : memref<8x320000xf32, #tpu.memory_space<hbm>> -> memref<8x2000xf32, #tpu.memory_space<hbm>>
        tpu.enqueue_dma source(%dma_start3A_146 : memref<8x2000xf32, #tpu.memory_space<hbm>>) target(%dma_start3A_144 : memref<8x2000xf32, #tpu.memory_space<vmem>>) target_semaphore(%arg13 : memref<!tpu.dma_semaphore, #tpu.memory_space<semaphore_mem>>)
      } else {
      }
      %mul3A_47 = arith.constant 2000 : i32
      %mul3A_48 = arith.muli %add3A_40, %mul3A_47 : i32
      %add3A_49 = arith.addi %mul3A_2, %mul3A_48 : i32
      %dma_wait3A = arith.constant 0 : i32
      %dma_wait3A_50 = arith.constant 0 : i32
      %dma_wait3A_51 = tpu.memref_slice %arg6[%dma_wait3A, %dma_wait3A_50] : memref<2x2000xi32, #tpu.memory_space<vmem>> -> memref<1x2000xi32, #tpu.memory_space<vmem>>
      %dma_wait3A_52 = tpu.memref_squeeze %dma_wait3A_51 : memref<1x2000xi32, #tpu.memory_space<vmem>> -> memref<2000xi32, #tpu.memory_space<vmem>>
      %dma_wait3A_53 = tpu.memref_slice %arg3[%add3A_49] : memref<320000xi32, #tpu.memory_space<hbm>> -> memref<2000xi32, #tpu.memory_space<hbm>>
      %dma_wait3A_54 = arith.constant 0 : i32
      %dma_wait3A_55 = tpu.memref_slice %arg6[%dma_wait3A, %dma_wait3A_54] : memref<2x2000xi32, #tpu.memory_space<vmem>> -> memref<1x2000xi32, #tpu.memory_space<vmem>>
      %dma_wait3A_56 = tpu.memref_squeeze %dma_wait3A_55 : memref<1x2000xi32, #tpu.memory_space<vmem>> -> memref<2000xi32, #tpu.memory_space<vmem>>
      %dma_wait3A_57 = tpu.memref_slice %arg3[%add3A_49] : memref<320000xi32, #tpu.memory_space<hbm>> -> memref<2000xi32, #tpu.memory_space<hbm>>
      tpu.wait_dma2 semaphore(%arg10 : memref<!tpu.dma_semaphore, #tpu.memory_space<semaphore_mem>>) src(%dma_wait3A_57 : memref<2000xi32, #tpu.memory_space<hbm>>) dst(%dma_wait3A_56 : memref<2000xi32, #tpu.memory_space<vmem>>)
      %dma_wait3A_58 = arith.constant 0 : i32
      %dma_wait3A_59 = arith.constant 0 : i32
      %dma_wait3A_60 = arith.constant 0 : i32
      %dma_wait3A_61 = tpu.memref_slice %arg7[%dma_wait3A_58, %dma_wait3A_59, %dma_wait3A_60] : memref<2x8x2000xf32, #tpu.memory_space<vmem>> -> memref<1x8x2000xf32, #tpu.memory_space<vmem>>
      %dma_wait3A_62 = tpu.memref_squeeze %dma_wait3A_61 : memref<1x8x2000xf32, #tpu.memory_space<vmem>> -> memref<8x2000xf32, #tpu.memory_space<vmem>>
      %dma_wait3A_63 = arith.constant 0 : i32
      %dma_wait3A_64 = tpu.memref_slice %arg2[%dma_wait3A_63, %add3A_49] : memref<8x320000xf32, #tpu.memory_space<hbm>> -> memref<8x2000xf32, #tpu.memory_space<hbm>>
      %dma_wait3A_65 = arith.constant 0 : i32
      %dma_wait3A_66 = arith.constant 0 : i32
      %dma_wait3A_67 = tpu.memref_slice %arg7[%dma_wait3A_58, %dma_wait3A_65, %dma_wait3A_66] : memref<2x8x2000xf32, #tpu.memory_space<vmem>> -> memref<1x8x2000xf32, #tpu.memory_space<vmem>>
      %dma_wait3A_68 = tpu.memref_squeeze %dma_wait3A_67 : memref<1x8x2000xf32, #tpu.memory_space<vmem>> -> memref<8x2000xf32, #tpu.memory_space<vmem>>
      %dma_wait3A_69 = arith.constant 0 : i32
      %dma_wait3A_70 = tpu.memref_slice %arg2[%dma_wait3A_69, %add3A_49] : memref<8x320000xf32, #tpu.memory_space<hbm>> -> memref<8x2000xf32, #tpu.memory_space<hbm>>
      tpu.wait_dma2 semaphore(%arg12 : memref<!tpu.dma_semaphore, #tpu.memory_space<semaphore_mem>>) src(%dma_wait3A_70 : memref<8x2000xf32, #tpu.memory_space<hbm>>) dst(%dma_wait3A_68 : memref<8x2000xf32, #tpu.memory_space<vmem>>)
      %scan3A_71 = arith.constant 0 : i32
      %scan3A_72 = arith.constant 0 : i32
      %scan3A_73 = arith.constant 125 : i32
      %scan3A_74 = arith.addi %scan3A_72, %scan3A_73 : i32
      %scan3A_75 = arith.constant 1 : i32
      scf.for %scan3A_120 = %scan3A_72 to %scan3A_74 step %scan3A_75  : i32 {
        %mul3A_121 = arith.constant 16 : i32
        %mul3A_122 = arith.muli %scan3A_120, %mul3A_121 : i32
        %add3A_123 = vector.broadcast %mul3A_122 : i32 to vector<16xi32>
        %add3A_124 = arith.addi %add3A_123, %iota3A : vector<16xi32>
        %mul3A_125 = arith.constant 16 : i32
        %mul3A_126 = arith.muli %scan3A_120, %mul3A_125 : i32
        %get3A = arith.constant 0 : i32
        %get3A_127 = arith.constant 0 : i32
        %get3A_128 = arith.index_cast %get3A : i32 to index
        %get3A_129 = arith.index_cast %get3A_127 : i32 to index
        %get3A_130 = arith.index_cast %mul3A_126 : i32 to index
        %get3A_131 = tpu.vector_load %arg7[%get3A_128, %get3A_129, %get3A_130] {strides = array<i32>} : memref<2x8x2000xf32, #tpu.memory_space<vmem>>, vector<16xf32>,
        %broadcast_in_dim3A = arith.constant 0 : i32
        %broadcast_in_dim3A_132 = vector.broadcast %broadcast_in_dim3A : i32 to vector<16xi32>
        tpu.vector_store_idx %arg8[%add3A_124, %broadcast_in_dim3A_132], %get3A_131 : memref<2000x8xf32, #tpu.memory_space<vmem>>[vector<16xi32>, vector<16xi32>], vector<16xf32>,
        %mul3A_133 = arith.constant 16 : i32
        %mul3A_134 = arith.muli %scan3A_120, %mul3A_133 : i32
        %get3A_135 = arith.constant 0 : i32
        %get3A_136 = arith.constant 1 : i32
        %get3A_137 = arith.index_cast %get3A_135 : i32 to index
        %get3A_138 = arith.index_cast %get3A_136 : i32 to index
        %get3A_139 = arith.index_cast %mul3A_134 : i32 to index
        %get3A_140 = tpu.vector_load %arg7[%get3A_137, %get3A_138, %get3A_139] {strides = array<i32>} : memref<2x8x2000xf32, #tpu.memory_space<vmem>>, vector<16xf32>,
        %broadcast_in_dim3A_141 = arith.constant 1 : i32
        %broadcast_in_dim3A_142 = vector.broadcast %broadcast_in_dim3A_141 : i32 to vector<16xi32>
        tpu.vector_store_idx %arg8[%add3A_124, %broadcast_in_dim3A_142], %get3A_140 : memref<2000x8xf32, #tpu.memory_space<vmem>>[vector<16xi32>, vector<16xi32>], vector<16xf32>,
        %mul3A_143 = arith.constant 16 : i32
        %mul3A_144 = arith.muli %scan3A_120, %mul3A_143 : i32
        %get3A_145 = arith.constant 0 : i32
        %get3A_146 = arith.constant 2 : i32
        %get3A_147 = arith.index_cast %get3A_145 : i32 to index
        %get3A_148 = arith.index_cast %get3A_146 : i32 to index
        %get3A_149 = arith.index_cast %mul3A_144 : i32 to index
        %get3A_150 = tpu.vector_load %arg7[%get3A_147, %get3A_148, %get3A_149] {strides = array<i32>} : memref<2x8x2000xf32, #tpu.memory_space<vmem>>, vector<16xf32>,
        %broadcast_in_dim3A_151 = arith.constant 2 : i32
        %broadcast_in_dim3A_152 = vector.broadcast %broadcast_in_dim3A_151 : i32 to vector<16xi32>
        tpu.vector_store_idx %arg8[%add3A_124, %broadcast_in_dim3A_152], %get3A_150 : memref<2000x8xf32, #tpu.memory_space<vmem>>[vector<16xi32>, vector<16xi32>], vector<16xf32>,
        %mul3A_153 = arith.constant 16 : i32
        %mul3A_154 = arith.muli %scan3A_120, %mul3A_153 : i32
        %get3A_155 = arith.constant 0 : i32
        %get3A_156 = arith.constant 3 : i32
        %get3A_157 = arith.index_cast %get3A_155 : i32 to index
        %get3A_158 = arith.index_cast %get3A_156 : i32 to index
        %get3A_159 = arith.index_cast %mul3A_154 : i32 to index
        %get3A_160 = tpu.vector_load %arg7[%get3A_157, %get3A_158, %get3A_159] {strides = array<i32>} : memref<2x8x2000xf32, #tpu.memory_space<vmem>>, vector<16xf32>,
        %broadcast_in_dim3A_161 = arith.constant 3 : i32
        %broadcast_in_dim3A_162 = vector.broadcast %broadcast_in_dim3A_161 : i32 to vector<16xi32>
        tpu.vector_store_idx %arg8[%add3A_124, %broadcast_in_dim3A_162], %get3A_160 : memref<2000x8xf32, #tpu.memory_space<vmem>>[vector<16xi32>, vector<16xi32>], vector<16xf32>,
        %mul3A_163 = arith.constant 16 : i32
        %mul3A_164 = arith.muli %scan3A_120, %mul3A_163 : i32
        %get3A_165 = arith.constant 0 : i32
        %get3A_166 = arith.constant 4 : i32
        %get3A_167 = arith.index_cast %get3A_165 : i32 to index
        %get3A_168 = arith.index_cast %get3A_166 : i32 to index
        %get3A_169 = arith.index_cast %mul3A_164 : i32 to index
        %get3A_170 = tpu.vector_load %arg7[%get3A_167, %get3A_168, %get3A_169] {strides = array<i32>} : memref<2x8x2000xf32, #tpu.memory_space<vmem>>, vector<16xf32>,
        %broadcast_in_dim3A_171 = arith.constant 4 : i32
        %broadcast_in_dim3A_172 = vector.broadcast %broadcast_in_dim3A_171 : i32 to vector<16xi32>
        tpu.vector_store_idx %arg8[%add3A_124, %broadcast_in_dim3A_172], %get3A_170 : memref<2000x8xf32, #tpu.memory_space<vmem>>[vector<16xi32>, vector<16xi32>], vector<16xf32>,
        %mul3A_173 = arith.constant 16 : i32
        %mul3A_174 = arith.muli %scan3A_120, %mul3A_173 : i32
        %get3A_175 = arith.constant 0 : i32
        %get3A_176 = arith.constant 5 : i32
        %get3A_177 = arith.index_cast %get3A_175 : i32 to index
        %get3A_178 = arith.index_cast %get3A_176 : i32 to index
        %get3A_179 = arith.index_cast %mul3A_174 : i32 to index
        %get3A_180 = tpu.vector_load %arg7[%get3A_177, %get3A_178, %get3A_179] {strides = array<i32>} : memref<2x8x2000xf32, #tpu.memory_space<vmem>>, vector<16xf32>,
        %broadcast_in_dim3A_181 = arith.constant 5 : i32
        %broadcast_in_dim3A_182 = vector.broadcast %broadcast_in_dim3A_181 : i32 to vector<16xi32>
        tpu.vector_store_idx %arg8[%add3A_124, %broadcast_in_dim3A_182], %get3A_180 : memref<2000x8xf32, #tpu.memory_space<vmem>>[vector<16xi32>, vector<16xi32>], vector<16xf32>,
        %mul3A_183 = arith.constant 16 : i32
        %mul3A_184 = arith.muli %scan3A_120, %mul3A_183 : i32
        %get3A_185 = arith.constant 0 : i32
        %get3A_186 = arith.constant 6 : i32
        %get3A_187 = arith.index_cast %get3A_185 : i32 to index
        %get3A_188 = arith.index_cast %get3A_186 : i32 to index
        %get3A_189 = arith.index_cast %mul3A_184 : i32 to index
        %get3A_190 = tpu.vector_load %arg7[%get3A_187, %get3A_188, %get3A_189] {strides = array<i32>} : memref<2x8x2000xf32, #tpu.memory_space<vmem>>, vector<16xf32>,
        %broadcast_in_dim3A_191 = arith.constant 6 : i32
        %broadcast_in_dim3A_192 = vector.broadcast %broadcast_in_dim3A_191 : i32 to vector<16xi32>
        tpu.vector_store_idx %arg8[%add3A_124, %broadcast_in_dim3A_192], %get3A_190 : memref<2000x8xf32, #tpu.memory_space<vmem>>[vector<16xi32>, vector<16xi32>], vector<16xf32>,
        %mul3A_193 = arith.constant 16 : i32
        %mul3A_194 = arith.muli %scan3A_120, %mul3A_193 : i32
        %get3A_195 = arith.constant 0 : i32
        %get3A_196 = arith.constant 7 : i32
        %get3A_197 = arith.index_cast %get3A_195 : i32 to index
        %get3A_198 = arith.index_cast %get3A_196 : i32 to index
        %get3A_199 = arith.index_cast %mul3A_194 : i32 to index
        %get3A_200 = tpu.vector_load %arg7[%get3A_197, %get3A_198, %get3A_199] {strides = array<i32>} : memref<2x8x2000xf32, #tpu.memory_space<vmem>>, vector<16xf32>,
        %broadcast_in_dim3A_201 = arith.constant 7 : i32
        %broadcast_in_dim3A_202 = vector.broadcast %broadcast_in_dim3A_201 : i32 to vector<16xi32>
        tpu.vector_store_idx %arg8[%add3A_124, %broadcast_in_dim3A_202], %get3A_200 : memref<2000x8xf32, #tpu.memory_space<vmem>>[vector<16xi32>, vector<16xi32>], vector<16xf32>,
      }
      %scan3A_76 = arith.constant 125 : i32
      %run_scoped3A = arith.constant 0 : i32
      "tpu.region"() ({
        %run_scoped3A_120 = tpu.sem_alloc : memref<!tpu.dma_semaphore, #tpu.memory_space<semaphore_mem>>
        %dma_start3A_121 = arith.constant 0 : i32
        %dma_start3A_122 = tpu.memref_slice %arg6[%run_scoped3A, %dma_start3A_121] : memref<2x2000xi32, #tpu.memory_space<vmem>> -> memref<1x2000xi32, #tpu.memory_space<vmem>>
        %dma_start3A_123 = tpu.memref_squeeze %dma_start3A_122 : memref<1x2000xi32, #tpu.memory_space<vmem>> -> memref<2000xi32, #tpu.memory_space<vmem>>
        %dma_start3A_124 = arith.constant 0 : i32
        %dma_start3A_125 = arith.constant 0 : i32
        %dma_start3A_126 = tpu.memref_slice %arg9[%dma_start3A_124, %dma_start3A_125] : memref<10000x8xf32, #tpu.memory_space<vmem_shared>> -> memref<10000x8xf32, #tpu.memory_space<vmem_shared>>
        tpu.enqueue_indirect_dma source(%arg8 : memref<2000x8xf32, #tpu.memory_space<vmem>>) target(%dma_start3A_126 : memref<10000x8xf32, #tpu.memory_space<vmem_shared>>) offsets(%dma_start3A_123 : memref<2000xi32, #tpu.memory_space<vmem>>) semaphore(%run_scoped3A_120 : memref<!tpu.dma_semaphore, #tpu.memory_space<semaphore_mem>>) {add = true}
        %dma_wait3A_127 = arith.constant 0 : i32
        %dma_wait3A_128 = tpu.memref_slice %arg6[%run_scoped3A, %dma_wait3A_127] : memref<2x2000xi32, #tpu.memory_space<vmem>> -> memref<1x2000xi32, #tpu.memory_space<vmem>>
        %dma_wait3A_129 = tpu.memref_squeeze %dma_wait3A_128 : memref<1x2000xi32, #tpu.memory_space<vmem>> -> memref<2000xi32, #tpu.memory_space<vmem>>
        %dma_wait3A_130 = arith.constant 0 : i32
        %dma_wait3A_131 = arith.constant 0 : i32
        %dma_wait3A_132 = tpu.memref_slice %arg9[%dma_wait3A_130, %dma_wait3A_131] : memref<10000x8xf32, #tpu.memory_space<vmem_shared>> -> memref<10000x8xf32, #tpu.memory_space<vmem_shared>>
        tpu.wait_indirect_dma semaphore(%run_scoped3A_120 : memref<!tpu.dma_semaphore, #tpu.memory_space<semaphore_mem>>) src(%arg8 : memref<2000x8xf32, #tpu.memory_space<vmem>>) dst(%dma_wait3A_132 : memref<10000x8xf32, #tpu.memory_space<vmem_shared>>)
        tpu.yield
      }) : () -> ()
      %mul3A_77 = arith.constant 2 : i32
      %mul3A_78 = arith.muli %scan3A_36, %mul3A_77 : i32
      %add3A_79 = arith.constant 1 : i32
      %add3A_80 = arith.addi %mul3A_78, %add3A_79 : i32
      %add3A_81 = arith.constant 1 : i32
      %add3A_82 = arith.addi %add3A_80, %add3A_81 : i32
      %lt3A_83 = arith.constant 10 : i32
      %lt3A_84 = arith.cmpi slt, %add3A_82, %lt3A_83 : i32
      %convert_element_type3A_85 = arith.extui %lt3A_84 : i1 to i32
      %cond3A_86 = arith.constant 0 : i32
      %cond3A_87 = arith.cmpi ne, %convert_element_type3A_85, %cond3A_86 : i32
      scf.if %cond3A_87 {
        %add3A_120 = arith.constant 1 : i32
        %add3A_121 = arith.addi %add3A_80, %add3A_120 : i32
        %mul3A_122 = arith.constant 2000 : i32
        %mul3A_123 = arith.muli %add3A_121, %mul3A_122 : i32
        %add3A_124 = arith.addi %mul3A_2, %mul3A_123 : i32
        %dma_start3A_125 = arith.constant 0 : i32
        %dma_start3A_126 = arith.constant 0 : i32
        %dma_start3A_127 = tpu.memref_slice %arg6[%dma_start3A_125, %dma_start3A_126] : memref<2x2000xi32, #tpu.memory_space<vmem>> -> memref<1x2000xi32, #tpu.memory_space<vmem>>
        %dma_start3A_128 = tpu.memref_squeeze %dma_start3A_127 : memref<1x2000xi32, #tpu.memory_space<vmem>> -> memref<2000xi32, #tpu.memory_space<vmem>>
        %dma_start3A_129 = tpu.memref_slice %arg3[%add3A_124] : memref<320000xi32, #tpu.memory_space<hbm>> -> memref<2000xi32, #tpu.memory_space<hbm>>
        %dma_start3A_130 = arith.constant 0 : i32
        %dma_start3A_131 = tpu.memref_slice %arg6[%dma_start3A_125, %dma_start3A_130] : memref<2x2000xi32, #tpu.memory_space<vmem>> -> memref<1x2000xi32, #tpu.memory_space<vmem>>
        %dma_start3A_132 = tpu.memref_squeeze %dma_start3A_131 : memref<1x2000xi32, #tpu.memory_space<vmem>> -> memref<2000xi32, #tpu.memory_space<vmem>>
        %dma_start3A_133 = tpu.memref_slice %arg3[%add3A_124] : memref<320000xi32, #tpu.memory_space<hbm>> -> memref<2000xi32, #tpu.memory_space<hbm>>
        tpu.enqueue_dma source(%dma_start3A_133 : memref<2000xi32, #tpu.memory_space<hbm>>) target(%dma_start3A_132 : memref<2000xi32, #tpu.memory_space<vmem>>) target_semaphore(%arg10 : memref<!tpu.dma_semaphore, #tpu.memory_space<semaphore_mem>>)
        %dma_start3A_134 = arith.constant 0 : i32
        %dma_start3A_135 = arith.constant 0 : i32
        %dma_start3A_136 = arith.constant 0 : i32
        %dma_start3A_137 = tpu.memref_slice %arg7[%dma_start3A_134, %dma_start3A_135, %dma_start3A_136] : memref<2x8x2000xf32, #tpu.memory_space<vmem>> -> memref<1x8x2000xf32, #tpu.memory_space<vmem>>
        %dma_start3A_138 = tpu.memref_squeeze %dma_start3A_137 : memref<1x8x2000xf32, #tpu.memory_space<vmem>> -> memref<8x2000xf32, #tpu.memory_space<vmem>>
        %dma_start3A_139 = arith.constant 0 : i32
        %dma_start3A_140 = tpu.memref_slice %arg2[%dma_start3A_139, %add3A_124] : memref<8x320000xf32, #tpu.memory_space<hbm>> -> memref<8x2000xf32, #tpu.memory_space<hbm>>
        %dma_start3A_141 = arith.constant 0 : i32
        %dma_start3A_142 = arith.constant 0 : i32
        %dma_start3A_143 = tpu.memref_slice %arg7[%dma_start3A_134, %dma_start3A_141, %dma_start3A_142] : memref<2x8x2000xf32, #tpu.memory_space<vmem>> -> memref<1x8x2000xf32, #tpu.memory_space<vmem>>
        %dma_start3A_144 = tpu.memref_squeeze %dma_start3A_143 : memref<1x8x2000xf32, #tpu.memory_space<vmem>> -> memref<8x2000xf32, #tpu.memory_space<vmem>>
        %dma_start3A_145 = arith.constant 0 : i32
        %dma_start3A_146 = tpu.memref_slice %arg2[%dma_start3A_145, %add3A_124] : memref<8x320000xf32, #tpu.memory_space<hbm>> -> memref<8x2000xf32, #tpu.memory_space<hbm>>
        tpu.enqueue_dma source(%dma_start3A_146 : memref<8x2000xf32, #tpu.memory_space<hbm>>) target(%dma_start3A_144 : memref<8x2000xf32, #tpu.memory_space<vmem>>) target_semaphore(%arg12 : memref<!tpu.dma_semaphore, #tpu.memory_space<semaphore_mem>>)
      } else {
      }
      %mul3A_88 = arith.constant 2000 : i32
      %mul3A_89 = arith.muli %add3A_80, %mul3A_88 : i32
      %add3A_90 = arith.addi %mul3A_2, %mul3A_89 : i32
      %dma_wait3A_91 = arith.constant 1 : i32
      %dma_wait3A_92 = arith.constant 0 : i32
      %dma_wait3A_93 = tpu.memref_slice %arg6[%dma_wait3A_91, %dma_wait3A_92] : memref<2x2000xi32, #tpu.memory_space<vmem>> -> memref<1x2000xi32, #tpu.memory_space<vmem>>
      %dma_wait3A_94 = tpu.memref_squeeze %dma_wait3A_93 : memref<1x2000xi32, #tpu.memory_space<vmem>> -> memref<2000xi32, #tpu.memory_space<vmem>>
      %dma_wait3A_95 = tpu.memref_slice %arg3[%add3A_90] : memref<320000xi32, #tpu.memory_space<hbm>> -> memref<2000xi32, #tpu.memory_space<hbm>>
      %dma_wait3A_96 = arith.constant 0 : i32
      %dma_wait3A_97 = tpu.memref_slice %arg6[%dma_wait3A_91, %dma_wait3A_96] : memref<2x2000xi32, #tpu.memory_space<vmem>> -> memref<1x2000xi32, #tpu.memory_space<vmem>>
      %dma_wait3A_98 = tpu.memref_squeeze %dma_wait3A_97 : memref<1x2000xi32, #tpu.memory_space<vmem>> -> memref<2000xi32, #tpu.memory_space<vmem>>
      %dma_wait3A_99 = tpu.memref_slice %arg3[%add3A_90] : memref<320000xi32, #tpu.memory_space<hbm>> -> memref<2000xi32, #tpu.memory_space<hbm>>
      tpu.wait_dma2 semaphore(%arg11 : memref<!tpu.dma_semaphore, #tpu.memory_space<semaphore_mem>>) src(%dma_wait3A_99 : memref<2000xi32, #tpu.memory_space<hbm>>) dst(%dma_wait3A_98 : memref<2000xi32, #tpu.memory_space<vmem>>)
      %dma_wait3A_100 = arith.constant 1 : i32
      %dma_wait3A_101 = arith.constant 0 : i32
      %dma_wait3A_102 = arith.constant 0 : i32
      %dma_wait3A_103 = tpu.memref_slice %arg7[%dma_wait3A_100, %dma_wait3A_101, %dma_wait3A_102] : memref<2x8x2000xf32, #tpu.memory_space<vmem>> -> memref<1x8x2000xf32, #tpu.memory_space<vmem>>
      %dma_wait3A_104 = tpu.memref_squeeze %dma_wait3A_103 : memref<1x8x2000xf32, #tpu.memory_space<vmem>> -> memref<8x2000xf32, #tpu.memory_space<vmem>>
      %dma_wait3A_105 = arith.constant 0 : i32
      %dma_wait3A_106 = tpu.memref_slice %arg2[%dma_wait3A_105, %add3A_90] : memref<8x320000xf32, #tpu.memory_space<hbm>> -> memref<8x2000xf32, #tpu.memory_space<hbm>>
      %dma_wait3A_107 = arith.constant 0 : i32
      %dma_wait3A_108 = arith.constant 0 : i32
      %dma_wait3A_109 = tpu.memref_slice %arg7[%dma_wait3A_100, %dma_wait3A_107, %dma_wait3A_108] : memref<2x8x2000xf32, #tpu.memory_space<vmem>> -> memref<1x8x2000xf32, #tpu.memory_space<vmem>>
      %dma_wait3A_110 = tpu.memref_squeeze %dma_wait3A_109 : memref<1x8x2000xf32, #tpu.memory_space<vmem>> -> memref<8x2000xf32, #tpu.memory_space<vmem>>
      %dma_wait3A_111 = arith.constant 0 : i32
      %dma_wait3A_112 = tpu.memref_slice %arg2[%dma_wait3A_111, %add3A_90] : memref<8x320000xf32, #tpu.memory_space<hbm>> -> memref<8x2000xf32, #tpu.memory_space<hbm>>
      tpu.wait_dma2 semaphore(%arg13 : memref<!tpu.dma_semaphore, #tpu.memory_space<semaphore_mem>>) src(%dma_wait3A_112 : memref<8x2000xf32, #tpu.memory_space<hbm>>) dst(%dma_wait3A_110 : memref<8x2000xf32, #tpu.memory_space<vmem>>)
      %scan3A_113 = arith.constant 0 : i32
      %scan3A_114 = arith.constant 0 : i32
      %scan3A_115 = arith.constant 125 : i32
      %scan3A_116 = arith.addi %scan3A_114, %scan3A_115 : i32
      %scan3A_117 = arith.constant 1 : i32
      scf.for %scan3A_120 = %scan3A_114 to %scan3A_116 step %scan3A_117  : i32 {
        %mul3A_121 = arith.constant 16 : i32
        %mul3A_122 = arith.muli %scan3A_120, %mul3A_121 : i32
        %add3A_123 = vector.broadcast %mul3A_122 : i32 to vector<16xi32>
        %add3A_124 = arith.addi %add3A_123, %iota3A : vector<16xi32>
        %mul3A_125 = arith.constant 16 : i32
        %mul3A_126 = arith.muli %scan3A_120, %mul3A_125 : i32
        %get3A = arith.constant 1 : i32
        %get3A_127 = arith.constant 0 : i32
        %get3A_128 = arith.index_cast %get3A : i32 to index
        %get3A_129 = arith.index_cast %get3A_127 : i32 to index
        %get3A_130 = arith.index_cast %mul3A_126 : i32 to index
        %get3A_131 = tpu.vector_load %arg7[%get3A_128, %get3A_129, %get3A_130] {strides = array<i32>} : memref<2x8x2000xf32, #tpu.memory_space<vmem>>, vector<16xf32>,
        %broadcast_in_dim3A = arith.constant 0 : i32
        %broadcast_in_dim3A_132 = vector.broadcast %broadcast_in_dim3A : i32 to vector<16xi32>
        tpu.vector_store_idx %arg8[%add3A_124, %broadcast_in_dim3A_132], %get3A_131 : memref<2000x8xf32, #tpu.memory_space<vmem>>[vector<16xi32>, vector<16xi32>], vector<16xf32>,
        %mul3A_133 = arith.constant 16 : i32
        %mul3A_134 = arith.muli %scan3A_120, %mul3A_133 : i32
        %get3A_135 = arith.constant 1 : i32
        %get3A_136 = arith.constant 1 : i32
        %get3A_137 = arith.index_cast %get3A_135 : i32 to index
        %get3A_138 = arith.index_cast %get3A_136 : i32 to index
        %get3A_139 = arith.index_cast %mul3A_134 : i32 to index
        %get3A_140 = tpu.vector_load %arg7[%get3A_137, %get3A_138, %get3A_139] {strides = array<i32>} : memref<2x8x2000xf32, #tpu.memory_space<vmem>>, vector<16xf32>,
        %broadcast_in_dim3A_141 = arith.constant 1 : i32
        %broadcast_in_dim3A_142 = vector.broadcast %broadcast_in_dim3A_141 : i32 to vector<16xi32>
        tpu.vector_store_idx %arg8[%add3A_124, %broadcast_in_dim3A_142], %get3A_140 : memref<2000x8xf32, #tpu.memory_space<vmem>>[vector<16xi32>, vector<16xi32>], vector<16xf32>,
        %mul3A_143 = arith.constant 16 : i32
        %mul3A_144 = arith.muli %scan3A_120, %mul3A_143 : i32
        %get3A_145 = arith.constant 1 : i32
        %get3A_146 = arith.constant 2 : i32
        %get3A_147 = arith.index_cast %get3A_145 : i32 to index
        %get3A_148 = arith.index_cast %get3A_146 : i32 to index
        %get3A_149 = arith.index_cast %mul3A_144 : i32 to index
        %get3A_150 = tpu.vector_load %arg7[%get3A_147, %get3A_148, %get3A_149] {strides = array<i32>} : memref<2x8x2000xf32, #tpu.memory_space<vmem>>, vector<16xf32>,
        %broadcast_in_dim3A_151 = arith.constant 2 : i32
        %broadcast_in_dim3A_152 = vector.broadcast %broadcast_in_dim3A_151 : i32 to vector<16xi32>
        tpu.vector_store_idx %arg8[%add3A_124, %broadcast_in_dim3A_152], %get3A_150 : memref<2000x8xf32, #tpu.memory_space<vmem>>[vector<16xi32>, vector<16xi32>], vector<16xf32>,
        %mul3A_153 = arith.constant 16 : i32
        %mul3A_154 = arith.muli %scan3A_120, %mul3A_153 : i32
        %get3A_155 = arith.constant 1 : i32
        %get3A_156 = arith.constant 3 : i32
        %get3A_157 = arith.index_cast %get3A_155 : i32 to index
        %get3A_158 = arith.index_cast %get3A_156 : i32 to index
        %get3A_159 = arith.index_cast %mul3A_154 : i32 to index
        %get3A_160 = tpu.vector_load %arg7[%get3A_157, %get3A_158, %get3A_159] {strides = array<i32>} : memref<2x8x2000xf32, #tpu.memory_space<vmem>>, vector<16xf32>,
        %broadcast_in_dim3A_161 = arith.constant 3 : i32
        %broadcast_in_dim3A_162 = vector.broadcast %broadcast_in_dim3A_161 : i32 to vector<16xi32>
        tpu.vector_store_idx %arg8[%add3A_124, %broadcast_in_dim3A_162], %get3A_160 : memref<2000x8xf32, #tpu.memory_space<vmem>>[vector<16xi32>, vector<16xi32>], vector<16xf32>,
        %mul3A_163 = arith.constant 16 : i32
        %mul3A_164 = arith.muli %scan3A_120, %mul3A_163 : i32
        %get3A_165 = arith.constant 1 : i32
        %get3A_166 = arith.constant 4 : i32
        %get3A_167 = arith.index_cast %get3A_165 : i32 to index
        %get3A_168 = arith.index_cast %get3A_166 : i32 to index
        %get3A_169 = arith.index_cast %mul3A_164 : i32 to index
        %get3A_170 = tpu.vector_load %arg7[%get3A_167, %get3A_168, %get3A_169] {strides = array<i32>} : memref<2x8x2000xf32, #tpu.memory_space<vmem>>, vector<16xf32>,
        %broadcast_in_dim3A_171 = arith.constant 4 : i32
        %broadcast_in_dim3A_172 = vector.broadcast %broadcast_in_dim3A_171 : i32 to vector<16xi32>
        tpu.vector_store_idx %arg8[%add3A_124, %broadcast_in_dim3A_172], %get3A_170 : memref<2000x8xf32, #tpu.memory_space<vmem>>[vector<16xi32>, vector<16xi32>], vector<16xf32>,
        %mul3A_173 = arith.constant 16 : i32
        %mul3A_174 = arith.muli %scan3A_120, %mul3A_173 : i32
        %get3A_175 = arith.constant 1 : i32
        %get3A_176 = arith.constant 5 : i32
        %get3A_177 = arith.index_cast %get3A_175 : i32 to index
        %get3A_178 = arith.index_cast %get3A_176 : i32 to index
        %get3A_179 = arith.index_cast %mul3A_174 : i32 to index
        %get3A_180 = tpu.vector_load %arg7[%get3A_177, %get3A_178, %get3A_179] {strides = array<i32>} : memref<2x8x2000xf32, #tpu.memory_space<vmem>>, vector<16xf32>,
        %broadcast_in_dim3A_181 = arith.constant 5 : i32
        %broadcast_in_dim3A_182 = vector.broadcast %broadcast_in_dim3A_181 : i32 to vector<16xi32>
        tpu.vector_store_idx %arg8[%add3A_124, %broadcast_in_dim3A_182], %get3A_180 : memref<2000x8xf32, #tpu.memory_space<vmem>>[vector<16xi32>, vector<16xi32>], vector<16xf32>,
        %mul3A_183 = arith.constant 16 : i32
        %mul3A_184 = arith.muli %scan3A_120, %mul3A_183 : i32
        %get3A_185 = arith.constant 1 : i32
        %get3A_186 = arith.constant 6 : i32
        %get3A_187 = arith.index_cast %get3A_185 : i32 to index
        %get3A_188 = arith.index_cast %get3A_186 : i32 to index
        %get3A_189 = arith.index_cast %mul3A_184 : i32 to index
        %get3A_190 = tpu.vector_load %arg7[%get3A_187, %get3A_188, %get3A_189] {strides = array<i32>} : memref<2x8x2000xf32, #tpu.memory_space<vmem>>, vector<16xf32>,
        %broadcast_in_dim3A_191 = arith.constant 6 : i32
        %broadcast_in_dim3A_192 = vector.broadcast %broadcast_in_dim3A_191 : i32 to vector<16xi32>
        tpu.vector_store_idx %arg8[%add3A_124, %broadcast_in_dim3A_192], %get3A_190 : memref<2000x8xf32, #tpu.memory_space<vmem>>[vector<16xi32>, vector<16xi32>], vector<16xf32>,
        %mul3A_193 = arith.constant 16 : i32
        %mul3A_194 = arith.muli %scan3A_120, %mul3A_193 : i32
        %get3A_195 = arith.constant 1 : i32
        %get3A_196 = arith.constant 7 : i32
        %get3A_197 = arith.index_cast %get3A_195 : i32 to index
        %get3A_198 = arith.index_cast %get3A_196 : i32 to index
        %get3A_199 = arith.index_cast %mul3A_194 : i32 to index
        %get3A_200 = tpu.vector_load %arg7[%get3A_197, %get3A_198, %get3A_199] {strides = array<i32>} : memref<2x8x2000xf32, #tpu.memory_space<vmem>>, vector<16xf32>,
        %broadcast_in_dim3A_201 = arith.constant 7 : i32
        %broadcast_in_dim3A_202 = vector.broadcast %broadcast_in_dim3A_201 : i32 to vector<16xi32>
        tpu.vector_store_idx %arg8[%add3A_124, %broadcast_in_dim3A_202], %get3A_200 : memref<2000x8xf32, #tpu.memory_space<vmem>>[vector<16xi32>, vector<16xi32>], vector<16xf32>,
      }
      %scan3A_118 = arith.constant 125 : i32
      %run_scoped3A_119 = arith.constant 1 : i32
      "tpu.region"() ({
        %run_scoped3A_120 = tpu.sem_alloc : memref<!tpu.dma_semaphore, #tpu.memory_space<semaphore_mem>>
        %dma_start3A_121 = arith.constant 0 : i32
        %dma_start3A_122 = tpu.memref_slice %arg6[%run_scoped3A_119, %dma_start3A_121] : memref<2x2000xi32, #tpu.memory_space<vmem>> -> memref<1x2000xi32, #tpu.memory_space<vmem>>
        %dma_start3A_123 = tpu.memref_squeeze %dma_start3A_122 : memref<1x2000xi32, #tpu.memory_space<vmem>> -> memref<2000xi32, #tpu.memory_space<vmem>>
        %dma_start3A_124 = arith.constant 0 : i32
        %dma_start3A_125 = arith.constant 0 : i32
        %dma_start3A_126 = tpu.memref_slice %arg9[%dma_start3A_124, %dma_start3A_125] : memref<10000x8xf32, #tpu.memory_space<vmem_shared>> -> memref<10000x8xf32, #tpu.memory_space<vmem_shared>>
        tpu.enqueue_indirect_dma source(%arg8 : memref<2000x8xf32, #tpu.memory_space<vmem>>) target(%dma_start3A_126 : memref<10000x8xf32, #tpu.memory_space<vmem_shared>>) offsets(%dma_start3A_123 : memref<2000xi32, #tpu.memory_space<vmem>>) semaphore(%run_scoped3A_120 : memref<!tpu.dma_semaphore, #tpu.memory_space<semaphore_mem>>) {add = true}
        %dma_wait3A_127 = arith.constant 0 : i32
        %dma_wait3A_128 = tpu.memref_slice %arg6[%run_scoped3A_119, %dma_wait3A_127] : memref<2x2000xi32, #tpu.memory_space<vmem>> -> memref<1x2000xi32, #tpu.memory_space<vmem>>
        %dma_wait3A_129 = tpu.memref_squeeze %dma_wait3A_128 : memref<1x2000xi32, #tpu.memory_space<vmem>> -> memref<2000xi32, #tpu.memory_space<vmem>>
        %dma_wait3A_130 = arith.constant 0 : i32
        %dma_wait3A_131 = arith.constant 0 : i32
        %dma_wait3A_132 = tpu.memref_slice %arg9[%dma_wait3A_130, %dma_wait3A_131] : memref<10000x8xf32, #tpu.memory_space<vmem_shared>> -> memref<10000x8xf32, #tpu.memory_space<vmem_shared>>
        tpu.wait_indirect_dma semaphore(%run_scoped3A_120 : memref<!tpu.dma_semaphore, #tpu.memory_space<semaphore_mem>>) src(%arg8 : memref<2000x8xf32, #tpu.memory_space<vmem>>) dst(%dma_wait3A_132 : memref<10000x8xf32, #tpu.memory_space<vmem_shared>>)
        tpu.yield
      }) : () -> ()
    }
    %scan3A_29 = arith.constant 5 : i32
    %barrier3A_30 = arith.constant 0 : index
    tpu.barrier barrier_id(%barrier3A_30)
    %eq3A_31 = arith.constant 0 : i32
    %eq3A_32 = arith.cmpi eq, %arg1, %eq3A_31 : i32
    %convert_element_type3A_33 = arith.extui %eq3A_32 : i1 to i32
    %cond3A_34 = arith.constant 0 : i32
    %cond3A_35 = arith.cmpi ne, %convert_element_type3A_33, %cond3A_34 : i32
    scf.if %cond3A_35 {
      "tpu.region"() ({
        %run_scoped3A = tpu.sem_alloc : memref<!tpu.dma_semaphore, #tpu.memory_space<semaphore_mem>>
        tpu.enqueue_dma source(%arg9 : memref<10000x8xf32, #tpu.memory_space<vmem_shared>>) target(%arg5 : memref<10000x8xf32, #tpu.memory_space<hbm>>) target_semaphore(%run_scoped3A : memref<!tpu.dma_semaphore, #tpu.memory_space<semaphore_mem>>)
        tpu.wait_dma2 semaphore(%run_scoped3A : memref<!tpu.dma_semaphore, #tpu.memory_space<semaphore_mem>>) src(%arg9 : memref<10000x8xf32, #tpu.memory_space<vmem_shared>>) dst(%arg5 : memref<10000x8xf32, #tpu.memory_space<hbm>>)
        tpu.yield
      }) : () -> ()
    } else {
    }
    return
  }
}

module attributes {stable_mosaic.version = 14 : i64} {
  func.func @_mlp_body(%arg0: i32, %arg1: memref<8x2560xf32, #tpu.memory_space<vmem>>, %arg2: memref<8x2560xf32, #tpu.memory_space<vmem>>, %arg3: memref<7x2560xf32, #tpu.memory_space<vmem>>, %arg4: memref<128x8xf32, #tpu.memory_space<vmem>>, %arg5: memref<128x7xf32, #tpu.memory_space<vmem>>, %arg6: memref<128x1xf32, #tpu.memory_space<vmem>>, %arg7: memref<128x128xf32, #tpu.memory_space<vmem>>, %arg8: memref<128x128xf32, #tpu.memory_space<vmem>>, %arg9: memref<128x128xf32, #tpu.memory_space<vmem>>, %arg10: memref<8x128xf32, #tpu.memory_space<vmem>>, %arg11: memref<1x8xf32, #tpu.memory_space<smem>>, %arg12: memref<8x2560xf32, #tpu.memory_space<vmem>>) attributes {dimension_semantics = [#tpu.dimension_semantics<arbitrary>], iteration_bounds = array<i64: 125>, scalar_prefetch = 0 : i64, scratch_operands = 0 : i64, tpu.core_type = #tpu.core_type<tc>, window_params = [{transform_indices = @transform_0, window_bounds = array<i64: 8, 2560>}, {transform_indices = @transform_1, window_bounds = array<i64: 8, 2560>}, {transform_indices = @transform_2, window_bounds = array<i64: 7, 2560>}, {pipeline_mode = #tpu.pipeline_mode<synchronous>, transform_indices = @transform_3, window_bounds = array<i64: 128, 8>}, {pipeline_mode = #tpu.pipeline_mode<synchronous>, transform_indices = @transform_4, window_bounds = array<i64: 128, 7>}, {pipeline_mode = #tpu.pipeline_mode<synchronous>, transform_indices = @transform_5, window_bounds = array<i64: 128, 1>}, {pipeline_mode = #tpu.pipeline_mode<synchronous>, transform_indices = @transform_6, window_bounds = array<i64: 128, 128>}, {pipeline_mode = #tpu.pipeline_mode<synchronous>, transform_indices = @transform_7, window_bounds = array<i64: 128, 128>}, {pipeline_mode = #tpu.pipeline_mode<synchronous>, transform_indices = @transform_8, window_bounds = array<i64: 128, 128>}, {pipeline_mode = #tpu.pipeline_mode<synchronous>, transform_indices = @transform_9, window_bounds = array<i64: 8, 128>}, {transform_indices = @transform_10, window_bounds = array<i64: 1, 8>}, {transform_indices = @transform_11, window_bounds = array<i64: 8, 2560>}]} {
    %get3A = arith.constant 0 : index
    %get3A_0 = arith.constant 0 : index
    %get3A_1 = vector.load %arg4[%get3A, %get3A_0] : memref<128x8xf32, #tpu.memory_space<vmem>>, vector<128x8xf32>
    %get3A_2 = arith.constant 0 : index
    %get3A_3 = arith.constant 0 : index
    %get3A_4 = vector.load %arg1[%get3A_2, %get3A_3] : memref<8x2560xf32, #tpu.memory_space<vmem>>, vector<8x2560xf32>
    %get3A_5 = arith.constant 0 : index
    %get3A_6 = arith.constant 0 : index
    %get3A_7 = vector.load %arg2[%get3A_5, %get3A_6] : memref<8x2560xf32, #tpu.memory_space<vmem>>, vector<8x2560xf32>
    %mul3A = arith.mulf %get3A_4, %get3A_7 : vector<8x2560xf32>
    %dot_general3A = arith.constant dense<0.000000e+00> : vector<128x2560xf32>
    %dot_general3A_8 = tpu.matmul %get3A_1, %mul3A, %dot_general3A {dimension_numbers = #tpu.dot_dimension_numbers<[1], [0], [0], [1], [0, 0, 1, 1], [], []>, transpose_lhs_hint = false} : vector<128x8xf32>, vector<8x2560xf32>, vector<128x2560xf32> -> vector<128x2560xf32>
    %get3A_9 = arith.constant 0 : index
    %get3A_10 = arith.constant 0 : index
    %get3A_11 = vector.load %arg5[%get3A_9, %get3A_10] : memref<128x7xf32, #tpu.memory_space<vmem>>, vector<128x7xf32>
    %get3A_12 = arith.constant 0 : index
    %get3A_13 = arith.constant 0 : index
    %get3A_14 = vector.load %arg3[%get3A_12, %get3A_13] : memref<7x2560xf32, #tpu.memory_space<vmem>>, vector<7x2560xf32>
    %dot_general3A_15 = arith.constant dense<0.000000e+00> : vector<128x2560xf32>
    %dot_general3A_16 = tpu.matmul %get3A_11, %get3A_14, %dot_general3A_15 {dimension_numbers = #tpu.dot_dimension_numbers<[1], [0], [0], [1], [0, 0, 1, 1], [], []>, transpose_lhs_hint = false} : vector<128x7xf32>, vector<7x2560xf32>, vector<128x2560xf32> -> vector<128x2560xf32>
    %add3A = arith.addf %dot_general3A_8, %dot_general3A_16 : vector<128x2560xf32>
    %get3A_17 = arith.constant 0 : index
    %get3A_18 = arith.constant 0 : index
    %get3A_19 = vector.load %arg6[%get3A_17, %get3A_18] : memref<128x1xf32, #tpu.memory_space<vmem>>, vector<128x1xf32>
    %add3A_20 = vector.broadcast %get3A_19 : vector<128x1xf32> to vector<128x2560xf32>
    %add3A_21 = arith.addf %add3A, %add3A_20 : vector<128x2560xf32>
    %get3A_22 = arith.constant 0 : index
    %get3A_23 = arith.constant 0 : index
    %get3A_24 = memref.load %arg11[%get3A_22, %get3A_23] : memref<1x8xf32, #tpu.memory_space<smem>>
    %ge3A = arith.constant 0.000000e+00 : f32
    %ge3A_25 = vector.broadcast %ge3A : f32 to vector<128x2560xf32>
    %ge3A_26 = arith.cmpf oge, %add3A_21, %ge3A_25 : vector<128x2560xf32>
    %mul3A_27 = vector.broadcast %get3A_24 : f32 to vector<128x2560xf32>
    %mul3A_28 = arith.mulf %mul3A_27, %add3A_21 : vector<128x2560xf32>
    %select_n3A = arith.select %ge3A_26, %add3A_21, %mul3A_28 : vector<128x2560xi1>, vector<128x2560xf32>
    %get3A_29 = arith.constant 0 : index
    %get3A_30 = arith.constant 0 : index
    %get3A_31 = vector.load %arg7[%get3A_29, %get3A_30] : memref<128x128xf32, #tpu.memory_space<vmem>>, vector<128x128xf32>
    %dot_general3A_32 = arith.constant dense<0.000000e+00> : vector<128x2560xf32>
    %dot_general3A_33 = tpu.matmul %get3A_31, %select_n3A, %dot_general3A_32 {dimension_numbers = #tpu.dot_dimension_numbers<[1], [0], [0], [1], [0, 0, 1, 1], [], []>, transpose_lhs_hint = false} : vector<128x128xf32>, vector<128x2560xf32>, vector<128x2560xf32> -> vector<128x2560xf32>
    %get3A_34 = arith.constant 0 : index
    %get3A_35 = arith.constant 1 : index
    %get3A_36 = memref.load %arg11[%get3A_34, %get3A_35] : memref<1x8xf32, #tpu.memory_space<smem>>
    %ge3A_37 = arith.constant 0.000000e+00 : f32
    %ge3A_38 = vector.broadcast %ge3A_37 : f32 to vector<128x2560xf32>
    %ge3A_39 = arith.cmpf oge, %dot_general3A_33, %ge3A_38 : vector<128x2560xf32>
    %mul3A_40 = vector.broadcast %get3A_36 : f32 to vector<128x2560xf32>
    %mul3A_41 = arith.mulf %mul3A_40, %dot_general3A_33 : vector<128x2560xf32>
    %select_n3A_42 = arith.select %ge3A_39, %dot_general3A_33, %mul3A_41 : vector<128x2560xi1>, vector<128x2560xf32>
    %get3A_43 = arith.constant 0 : index
    %get3A_44 = arith.constant 0 : index
    %get3A_45 = vector.load %arg8[%get3A_43, %get3A_44] : memref<128x128xf32, #tpu.memory_space<vmem>>, vector<128x128xf32>
    %dot_general3A_46 = arith.constant dense<0.000000e+00> : vector<128x2560xf32>
    %dot_general3A_47 = tpu.matmul %get3A_45, %select_n3A_42, %dot_general3A_46 {dimension_numbers = #tpu.dot_dimension_numbers<[1], [0], [0], [1], [0, 0, 1, 1], [], []>, transpose_lhs_hint = false} : vector<128x128xf32>, vector<128x2560xf32>, vector<128x2560xf32> -> vector<128x2560xf32>
    %get3A_48 = arith.constant 0 : index
    %get3A_49 = arith.constant 2 : index
    %get3A_50 = memref.load %arg11[%get3A_48, %get3A_49] : memref<1x8xf32, #tpu.memory_space<smem>>
    %ge3A_51 = arith.constant 0.000000e+00 : f32
    %ge3A_52 = vector.broadcast %ge3A_51 : f32 to vector<128x2560xf32>
    %ge3A_53 = arith.cmpf oge, %dot_general3A_47, %ge3A_52 : vector<128x2560xf32>
    %mul3A_54 = vector.broadcast %get3A_50 : f32 to vector<128x2560xf32>
    %mul3A_55 = arith.mulf %mul3A_54, %dot_general3A_47 : vector<128x2560xf32>
    %select_n3A_56 = arith.select %ge3A_53, %dot_general3A_47, %mul3A_55 : vector<128x2560xi1>, vector<128x2560xf32>
    %get3A_57 = arith.constant 0 : index
    %get3A_58 = arith.constant 0 : index
    %get3A_59 = vector.load %arg9[%get3A_57, %get3A_58] : memref<128x128xf32, #tpu.memory_space<vmem>>, vector<128x128xf32>
    %dot_general3A_60 = arith.constant dense<0.000000e+00> : vector<128x2560xf32>
    %dot_general3A_61 = tpu.matmul %get3A_59, %select_n3A_56, %dot_general3A_60 {dimension_numbers = #tpu.dot_dimension_numbers<[1], [0], [0], [1], [0, 0, 1, 1], [], []>, transpose_lhs_hint = false} : vector<128x128xf32>, vector<128x2560xf32>, vector<128x2560xf32> -> vector<128x2560xf32>
    %get3A_62 = arith.constant 0 : index
    %get3A_63 = arith.constant 3 : index
    %get3A_64 = memref.load %arg11[%get3A_62, %get3A_63] : memref<1x8xf32, #tpu.memory_space<smem>>
    %ge3A_65 = arith.constant 0.000000e+00 : f32
    %ge3A_66 = vector.broadcast %ge3A_65 : f32 to vector<128x2560xf32>
    %ge3A_67 = arith.cmpf oge, %dot_general3A_61, %ge3A_66 : vector<128x2560xf32>
    %mul3A_68 = vector.broadcast %get3A_64 : f32 to vector<128x2560xf32>
    %mul3A_69 = arith.mulf %mul3A_68, %dot_general3A_61 : vector<128x2560xf32>
    %select_n3A_70 = arith.select %ge3A_67, %dot_general3A_61, %mul3A_69 : vector<128x2560xi1>, vector<128x2560xf32>
    %get3A_71 = arith.constant 0 : index
    %get3A_72 = arith.constant 0 : index
    %get3A_73 = vector.load %arg10[%get3A_71, %get3A_72] : memref<8x128xf32, #tpu.memory_space<vmem>>, vector<8x128xf32>
    %dot_general3A_74 = arith.constant dense<0.000000e+00> : vector<8x2560xf32>
    %dot_general3A_75 = tpu.matmul %get3A_73, %select_n3A_70, %dot_general3A_74 {dimension_numbers = #tpu.dot_dimension_numbers<[1], [0], [0], [1], [0, 0, 1, 1], [], []>, transpose_lhs_hint = false} : vector<8x128xf32>, vector<128x2560xf32>, vector<8x2560xf32> -> vector<8x2560xf32>
    %get3A_76 = arith.constant 0 : index
    %get3A_77 = arith.constant 4 : index
    %get3A_78 = memref.load %arg11[%get3A_76, %get3A_77] : memref<1x8xf32, #tpu.memory_space<smem>>
    %add3A_79 = vector.broadcast %get3A_78 : f32 to vector<8x2560xf32>
    %add3A_80 = arith.addf %dot_general3A_75, %add3A_79 : vector<8x2560xf32>
    %get3A_81 = arith.constant 4 : index
    %get3A_82 = arith.constant 0 : index
    %get3A_83 = vector.load %arg3[%get3A_81, %get3A_82] : memref<7x2560xf32, #tpu.memory_space<vmem>>, vector<3x2560xf32>
    %broadcast_in_dim3A = arith.constant 1.000000e+00 : f32
    %broadcast_in_dim3A_84 = vector.broadcast %broadcast_in_dim3A : f32 to vector<1x2560xf32>
    %broadcast_in_dim3A_85 = arith.constant 0.000000e+00 : f32
    %broadcast_in_dim3A_86 = vector.broadcast %broadcast_in_dim3A_85 : f32 to vector<4x2560xf32>
    %concatenate3A = tpu.concatenate %get3A_83, %broadcast_in_dim3A_84, %broadcast_in_dim3A_86 in 0 : vector<3x2560xf32>, vector<1x2560xf32>, vector<4x2560xf32> -> vector<8x2560xf32>
    %mul3A_87 = arith.mulf %add3A_80, %concatenate3A : vector<8x2560xf32>
    %swap3A = arith.constant 0 : index
    %swap3A_88 = arith.constant 0 : index
    %swap3A_89 = vector.load %arg12[%swap3A, %swap3A_88] : memref<8x2560xf32, #tpu.memory_space<vmem>>, vector<8x2560xf32>
    tpu.vector_store %arg12[%swap3A, %swap3A_88], %mul3A_87 {strides = array<i32>} : memref<8x2560xf32, #tpu.memory_space<vmem>>, vector<8x2560xf32>,
    return
  }
  func.func @transform_0(%arg0: i32) -> (i32, i32) {
    %c0_i32 = arith.constant 0 : i32
    %c0_i32_0 = arith.constant 0 : i32
    return %c0_i32, %arg0 : i32, i32
  }
  func.func @transform_1(%arg0: i32) -> (i32, i32) {
    %c0_i32 = arith.constant 0 : i32
    %c0_i32_0 = arith.constant 0 : i32
    return %c0_i32, %arg0 : i32, i32
  }
  func.func @transform_2(%arg0: i32) -> (i32, i32) {
    %c0_i32 = arith.constant 0 : i32
    %c0_i32_0 = arith.constant 0 : i32
    return %c0_i32, %arg0 : i32, i32
  }
  func.func @transform_3(%arg0: i32) -> (i32, i32) {
    %c0_i32 = arith.constant 0 : i32
    %c0_i32_0 = arith.constant 0 : i32
    %c0_i32_1 = arith.constant 0 : i32
    return %c0_i32, %c0_i32_0 : i32, i32
  }
  func.func @transform_4(%arg0: i32) -> (i32, i32) {
    %c0_i32 = arith.constant 0 : i32
    %c0_i32_0 = arith.constant 0 : i32
    %c0_i32_1 = arith.constant 0 : i32
    return %c0_i32, %c0_i32_0 : i32, i32
  }
  func.func @transform_5(%arg0: i32) -> (i32, i32) {
    %c0_i32 = arith.constant 0 : i32
    %c0_i32_0 = arith.constant 0 : i32
    %c0_i32_1 = arith.constant 0 : i32
    return %c0_i32, %c0_i32_0 : i32, i32
  }
  func.func @transform_6(%arg0: i32) -> (i32, i32) {
    %c0_i32 = arith.constant 0 : i32
    %c0_i32_0 = arith.constant 0 : i32
    %c0_i32_1 = arith.constant 0 : i32
    return %c0_i32, %c0_i32_0 : i32, i32
  }
  func.func @transform_7(%arg0: i32) -> (i32, i32) {
    %c0_i32 = arith.constant 0 : i32
    %c0_i32_0 = arith.constant 0 : i32
    %c0_i32_1 = arith.constant 0 : i32
    return %c0_i32, %c0_i32_0 : i32, i32
  }
  func.func @transform_8(%arg0: i32) -> (i32, i32) {
    %c0_i32 = arith.constant 0 : i32
    %c0_i32_0 = arith.constant 0 : i32
    %c0_i32_1 = arith.constant 0 : i32
    return %c0_i32, %c0_i32_0 : i32, i32
  }
  func.func @transform_9(%arg0: i32) -> (i32, i32) {
    %c0_i32 = arith.constant 0 : i32
    %c0_i32_0 = arith.constant 0 : i32
    %c0_i32_1 = arith.constant 0 : i32
    return %c0_i32, %c0_i32_0 : i32, i32
  }
  func.func @transform_10(%arg0: i32) -> (i32, i32) {
    %c0_i32 = arith.constant 0 : i32
    %c0_i32_0 = arith.constant 0 : i32
    %c0_i32_1 = arith.constant 0 : i32
    return %c0_i32, %c0_i32_0 : i32, i32
  }
  func.func @transform_11(%arg0: i32) -> (i32, i32) {
    %c0_i32 = arith.constant 0 : i32
    %c0_i32_0 = arith.constant 0 : i32
    return %c0_i32, %arg0 : i32, i32
  }
}

module attributes {stable_mosaic.version = 14 : i64} {
  func.func @_mlp_body(%arg0: i32, %arg1: memref<8x2560xf32, #tpu.memory_space<vmem>>, %arg2: memref<8x2560xf32, #tpu.memory_space<vmem>>, %arg3: memref<8x2560xf32, #tpu.memory_space<vmem>>, %arg4: memref<7x2560xf32, #tpu.memory_space<vmem>>, %arg5: memref<128x8xf32, #tpu.memory_space<vmem>>, %arg6: memref<128x8xf32, #tpu.memory_space<vmem>>, %arg7: memref<128x8xf32, #tpu.memory_space<vmem>>, %arg8: memref<128x7xf32, #tpu.memory_space<vmem>>, %arg9: memref<128x1xf32, #tpu.memory_space<vmem>>, %arg10: memref<128x128xf32, #tpu.memory_space<vmem>>, %arg11: memref<128x128xf32, #tpu.memory_space<vmem>>, %arg12: memref<128x128xf32, #tpu.memory_space<vmem>>, %arg13: memref<8x128xf32, #tpu.memory_space<vmem>>, %arg14: memref<1x8xf32, #tpu.memory_space<smem>>, %arg15: memref<8x2560xf32, #tpu.memory_space<vmem>>) attributes {dimension_semantics = [#tpu.dimension_semantics<arbitrary>], iteration_bounds = array<i64: 125>, scalar_prefetch = 0 : i64, scratch_operands = 0 : i64, tpu.core_type = #tpu.core_type<tc>, window_params = [{transform_indices = @transform_0, window_bounds = array<i64: 8, 2560>}, {transform_indices = @transform_1, window_bounds = array<i64: 8, 2560>}, {transform_indices = @transform_2, window_bounds = array<i64: 8, 2560>}, {transform_indices = @transform_3, window_bounds = array<i64: 7, 2560>}, {pipeline_mode = #tpu.pipeline_mode<synchronous>, transform_indices = @transform_4, window_bounds = array<i64: 128, 8>}, {pipeline_mode = #tpu.pipeline_mode<synchronous>, transform_indices = @transform_5, window_bounds = array<i64: 128, 8>}, {pipeline_mode = #tpu.pipeline_mode<synchronous>, transform_indices = @transform_6, window_bounds = array<i64: 128, 8>}, {pipeline_mode = #tpu.pipeline_mode<synchronous>, transform_indices = @transform_7, window_bounds = array<i64: 128, 7>}, {pipeline_mode = #tpu.pipeline_mode<synchronous>, transform_indices = @transform_8, window_bounds = array<i64: 128, 1>}, {pipeline_mode = #tpu.pipeline_mode<synchronous>, transform_indices = @transform_9, window_bounds = array<i64: 128, 128>}, {pipeline_mode = #tpu.pipeline_mode<synchronous>, transform_indices = @transform_10, window_bounds = array<i64: 128, 128>}, {pipeline_mode = #tpu.pipeline_mode<synchronous>, transform_indices = @transform_11, window_bounds = array<i64: 128, 128>}, {pipeline_mode = #tpu.pipeline_mode<synchronous>, transform_indices = @transform_12, window_bounds = array<i64: 8, 128>}, {transform_indices = @transform_13, window_bounds = array<i64: 1, 8>}, {transform_indices = @transform_14, window_bounds = array<i64: 8, 2560>}]} {
    %get3A = arith.constant 0 : index
    %get3A_0 = arith.constant 0 : index
    %get3A_1 = vector.load %arg5[%get3A, %get3A_0] : memref<128x8xf32, #tpu.memory_space<vmem>>, vector<128x8xf32>
    %get3A_2 = arith.constant 0 : index
    %get3A_3 = arith.constant 0 : index
    %get3A_4 = vector.load %arg1[%get3A_2, %get3A_3] : memref<8x2560xf32, #tpu.memory_space<vmem>>, vector<8x2560xf32>
    %dot_general3A = arith.constant dense<0.000000e+00> : vector<128x2560xf32>
    %dot_general3A_5 = tpu.matmul %get3A_1, %get3A_4, %dot_general3A {dimension_numbers = #tpu.dot_dimension_numbers<[1], [0], [0], [1], [0, 0, 1, 1], [], []>, transpose_lhs_hint = false} : vector<128x8xf32>, vector<8x2560xf32>, vector<128x2560xf32> -> vector<128x2560xf32>
    %get3A_6 = arith.constant 0 : index
    %get3A_7 = arith.constant 0 : index
    %get3A_8 = vector.load %arg6[%get3A_6, %get3A_7] : memref<128x8xf32, #tpu.memory_space<vmem>>, vector<128x8xf32>
    %get3A_9 = arith.constant 0 : index
    %get3A_10 = arith.constant 0 : index
    %get3A_11 = vector.load %arg2[%get3A_9, %get3A_10] : memref<8x2560xf32, #tpu.memory_space<vmem>>, vector<8x2560xf32>
    %dot_general3A_12 = arith.constant dense<0.000000e+00> : vector<128x2560xf32>
    %dot_general3A_13 = tpu.matmul %get3A_8, %get3A_11, %dot_general3A_12 {dimension_numbers = #tpu.dot_dimension_numbers<[1], [0], [0], [1], [0, 0, 1, 1], [], []>, transpose_lhs_hint = false} : vector<128x8xf32>, vector<8x2560xf32>, vector<128x2560xf32> -> vector<128x2560xf32>
    %add3A = arith.addf %dot_general3A_5, %dot_general3A_13 : vector<128x2560xf32>
    %get3A_14 = arith.constant 0 : index
    %get3A_15 = arith.constant 0 : index
    %get3A_16 = vector.load %arg7[%get3A_14, %get3A_15] : memref<128x8xf32, #tpu.memory_space<vmem>>, vector<128x8xf32>
    %get3A_17 = arith.constant 0 : index
    %get3A_18 = arith.constant 0 : index
    %get3A_19 = vector.load %arg3[%get3A_17, %get3A_18] : memref<8x2560xf32, #tpu.memory_space<vmem>>, vector<8x2560xf32>
    %dot_general3A_20 = arith.constant dense<0.000000e+00> : vector<128x2560xf32>
    %dot_general3A_21 = tpu.matmul %get3A_16, %get3A_19, %dot_general3A_20 {dimension_numbers = #tpu.dot_dimension_numbers<[1], [0], [0], [1], [0, 0, 1, 1], [], []>, transpose_lhs_hint = false} : vector<128x8xf32>, vector<8x2560xf32>, vector<128x2560xf32> -> vector<128x2560xf32>
    %add3A_22 = arith.addf %add3A, %dot_general3A_21 : vector<128x2560xf32>
    %get3A_23 = arith.constant 0 : index
    %get3A_24 = arith.constant 0 : index
    %get3A_25 = vector.load %arg8[%get3A_23, %get3A_24] : memref<128x7xf32, #tpu.memory_space<vmem>>, vector<128x7xf32>
    %get3A_26 = arith.constant 0 : index
    %get3A_27 = arith.constant 0 : index
    %get3A_28 = vector.load %arg4[%get3A_26, %get3A_27] : memref<7x2560xf32, #tpu.memory_space<vmem>>, vector<7x2560xf32>
    %dot_general3A_29 = arith.constant dense<0.000000e+00> : vector<128x2560xf32>
    %dot_general3A_30 = tpu.matmul %get3A_25, %get3A_28, %dot_general3A_29 {dimension_numbers = #tpu.dot_dimension_numbers<[1], [0], [0], [1], [0, 0, 1, 1], [], []>, transpose_lhs_hint = false} : vector<128x7xf32>, vector<7x2560xf32>, vector<128x2560xf32> -> vector<128x2560xf32>
    %add3A_31 = arith.addf %add3A_22, %dot_general3A_30 : vector<128x2560xf32>
    %get3A_32 = arith.constant 0 : index
    %get3A_33 = arith.constant 0 : index
    %get3A_34 = vector.load %arg9[%get3A_32, %get3A_33] : memref<128x1xf32, #tpu.memory_space<vmem>>, vector<128x1xf32>
    %add3A_35 = vector.broadcast %get3A_34 : vector<128x1xf32> to vector<128x2560xf32>
    %add3A_36 = arith.addf %add3A_31, %add3A_35 : vector<128x2560xf32>
    %get3A_37 = arith.constant 0 : index
    %get3A_38 = arith.constant 0 : index
    %get3A_39 = memref.load %arg14[%get3A_37, %get3A_38] : memref<1x8xf32, #tpu.memory_space<smem>>
    %ge3A = arith.constant 0.000000e+00 : f32
    %ge3A_40 = vector.broadcast %ge3A : f32 to vector<128x2560xf32>
    %ge3A_41 = arith.cmpf oge, %add3A_36, %ge3A_40 : vector<128x2560xf32>
    %mul3A = vector.broadcast %get3A_39 : f32 to vector<128x2560xf32>
    %mul3A_42 = arith.mulf %mul3A, %add3A_36 : vector<128x2560xf32>
    %select_n3A = arith.select %ge3A_41, %add3A_36, %mul3A_42 : vector<128x2560xi1>, vector<128x2560xf32>
    %get3A_43 = arith.constant 0 : index
    %get3A_44 = arith.constant 0 : index
    %get3A_45 = vector.load %arg10[%get3A_43, %get3A_44] : memref<128x128xf32, #tpu.memory_space<vmem>>, vector<128x128xf32>
    %dot_general3A_46 = arith.constant dense<0.000000e+00> : vector<128x2560xf32>
    %dot_general3A_47 = tpu.matmul %get3A_45, %select_n3A, %dot_general3A_46 {dimension_numbers = #tpu.dot_dimension_numbers<[1], [0], [0], [1], [0, 0, 1, 1], [], []>, transpose_lhs_hint = false} : vector<128x128xf32>, vector<128x2560xf32>, vector<128x2560xf32> -> vector<128x2560xf32>
    %get3A_48 = arith.constant 0 : index
    %get3A_49 = arith.constant 1 : index
    %get3A_50 = memref.load %arg14[%get3A_48, %get3A_49] : memref<1x8xf32, #tpu.memory_space<smem>>
    %ge3A_51 = arith.constant 0.000000e+00 : f32
    %ge3A_52 = vector.broadcast %ge3A_51 : f32 to vector<128x2560xf32>
    %ge3A_53 = arith.cmpf oge, %dot_general3A_47, %ge3A_52 : vector<128x2560xf32>
    %mul3A_54 = vector.broadcast %get3A_50 : f32 to vector<128x2560xf32>
    %mul3A_55 = arith.mulf %mul3A_54, %dot_general3A_47 : vector<128x2560xf32>
    %select_n3A_56 = arith.select %ge3A_53, %dot_general3A_47, %mul3A_55 : vector<128x2560xi1>, vector<128x2560xf32>
    %get3A_57 = arith.constant 0 : index
    %get3A_58 = arith.constant 0 : index
    %get3A_59 = vector.load %arg11[%get3A_57, %get3A_58] : memref<128x128xf32, #tpu.memory_space<vmem>>, vector<128x128xf32>
    %dot_general3A_60 = arith.constant dense<0.000000e+00> : vector<128x2560xf32>
    %dot_general3A_61 = tpu.matmul %get3A_59, %select_n3A_56, %dot_general3A_60 {dimension_numbers = #tpu.dot_dimension_numbers<[1], [0], [0], [1], [0, 0, 1, 1], [], []>, transpose_lhs_hint = false} : vector<128x128xf32>, vector<128x2560xf32>, vector<128x2560xf32> -> vector<128x2560xf32>
    %get3A_62 = arith.constant 0 : index
    %get3A_63 = arith.constant 2 : index
    %get3A_64 = memref.load %arg14[%get3A_62, %get3A_63] : memref<1x8xf32, #tpu.memory_space<smem>>
    %ge3A_65 = arith.constant 0.000000e+00 : f32
    %ge3A_66 = vector.broadcast %ge3A_65 : f32 to vector<128x2560xf32>
    %ge3A_67 = arith.cmpf oge, %dot_general3A_61, %ge3A_66 : vector<128x2560xf32>
    %mul3A_68 = vector.broadcast %get3A_64 : f32 to vector<128x2560xf32>
    %mul3A_69 = arith.mulf %mul3A_68, %dot_general3A_61 : vector<128x2560xf32>
    %select_n3A_70 = arith.select %ge3A_67, %dot_general3A_61, %mul3A_69 : vector<128x2560xi1>, vector<128x2560xf32>
    %get3A_71 = arith.constant 0 : index
    %get3A_72 = arith.constant 0 : index
    %get3A_73 = vector.load %arg12[%get3A_71, %get3A_72] : memref<128x128xf32, #tpu.memory_space<vmem>>, vector<128x128xf32>
    %dot_general3A_74 = arith.constant dense<0.000000e+00> : vector<128x2560xf32>
    %dot_general3A_75 = tpu.matmul %get3A_73, %select_n3A_70, %dot_general3A_74 {dimension_numbers = #tpu.dot_dimension_numbers<[1], [0], [0], [1], [0, 0, 1, 1], [], []>, transpose_lhs_hint = false} : vector<128x128xf32>, vector<128x2560xf32>, vector<128x2560xf32> -> vector<128x2560xf32>
    %get3A_76 = arith.constant 0 : index
    %get3A_77 = arith.constant 3 : index
    %get3A_78 = memref.load %arg14[%get3A_76, %get3A_77] : memref<1x8xf32, #tpu.memory_space<smem>>
    %ge3A_79 = arith.constant 0.000000e+00 : f32
    %ge3A_80 = vector.broadcast %ge3A_79 : f32 to vector<128x2560xf32>
    %ge3A_81 = arith.cmpf oge, %dot_general3A_75, %ge3A_80 : vector<128x2560xf32>
    %mul3A_82 = vector.broadcast %get3A_78 : f32 to vector<128x2560xf32>
    %mul3A_83 = arith.mulf %mul3A_82, %dot_general3A_75 : vector<128x2560xf32>
    %select_n3A_84 = arith.select %ge3A_81, %dot_general3A_75, %mul3A_83 : vector<128x2560xi1>, vector<128x2560xf32>
    %get3A_85 = arith.constant 0 : index
    %get3A_86 = arith.constant 0 : index
    %get3A_87 = vector.load %arg13[%get3A_85, %get3A_86] : memref<8x128xf32, #tpu.memory_space<vmem>>, vector<8x128xf32>
    %dot_general3A_88 = arith.constant dense<0.000000e+00> : vector<8x2560xf32>
    %dot_general3A_89 = tpu.matmul %get3A_87, %select_n3A_84, %dot_general3A_88 {dimension_numbers = #tpu.dot_dimension_numbers<[1], [0], [0], [1], [0, 0, 1, 1], [], []>, transpose_lhs_hint = false} : vector<8x128xf32>, vector<128x2560xf32>, vector<8x2560xf32> -> vector<8x2560xf32>
    %get3A_90 = arith.constant 0 : index
    %get3A_91 = arith.constant 4 : index
    %get3A_92 = memref.load %arg14[%get3A_90, %get3A_91] : memref<1x8xf32, #tpu.memory_space<smem>>
    %add3A_93 = vector.broadcast %get3A_92 : f32 to vector<8x2560xf32>
    %add3A_94 = arith.addf %dot_general3A_89, %add3A_93 : vector<8x2560xf32>
    %get3A_95 = arith.constant 4 : index
    %get3A_96 = arith.constant 0 : index
    %get3A_97 = vector.load %arg4[%get3A_95, %get3A_96] : memref<7x2560xf32, #tpu.memory_space<vmem>>, vector<3x2560xf32>
    %broadcast_in_dim3A = arith.constant 1.000000e+00 : f32
    %broadcast_in_dim3A_98 = vector.broadcast %broadcast_in_dim3A : f32 to vector<1x2560xf32>
    %broadcast_in_dim3A_99 = arith.constant 0.000000e+00 : f32
    %broadcast_in_dim3A_100 = vector.broadcast %broadcast_in_dim3A_99 : f32 to vector<4x2560xf32>
    %concatenate3A = tpu.concatenate %get3A_97, %broadcast_in_dim3A_98, %broadcast_in_dim3A_100 in 0 : vector<3x2560xf32>, vector<1x2560xf32>, vector<4x2560xf32> -> vector<8x2560xf32>
    %mul3A_101 = arith.mulf %add3A_94, %concatenate3A : vector<8x2560xf32>
    %swap3A = arith.constant 0 : index
    %swap3A_102 = arith.constant 0 : index
    %swap3A_103 = vector.load %arg15[%swap3A, %swap3A_102] : memref<8x2560xf32, #tpu.memory_space<vmem>>, vector<8x2560xf32>
    tpu.vector_store %arg15[%swap3A, %swap3A_102], %mul3A_101 {strides = array<i32>} : memref<8x2560xf32, #tpu.memory_space<vmem>>, vector<8x2560xf32>,
    return
  }
  func.func @transform_0(%arg0: i32) -> (i32, i32) {
    %c0_i32 = arith.constant 0 : i32
    %c0_i32_0 = arith.constant 0 : i32
    return %c0_i32, %arg0 : i32, i32
  }
  func.func @transform_1(%arg0: i32) -> (i32, i32) {
    %c0_i32 = arith.constant 0 : i32
    %c0_i32_0 = arith.constant 0 : i32
    return %c0_i32, %arg0 : i32, i32
  }
  func.func @transform_2(%arg0: i32) -> (i32, i32) {
    %c0_i32 = arith.constant 0 : i32
    %c0_i32_0 = arith.constant 0 : i32
    return %c0_i32, %arg0 : i32, i32
  }
  func.func @transform_3(%arg0: i32) -> (i32, i32) {
    %c0_i32 = arith.constant 0 : i32
    %c0_i32_0 = arith.constant 0 : i32
    return %c0_i32, %arg0 : i32, i32
  }
  func.func @transform_4(%arg0: i32) -> (i32, i32) {
    %c0_i32 = arith.constant 0 : i32
    %c0_i32_0 = arith.constant 0 : i32
    %c0_i32_1 = arith.constant 0 : i32
    return %c0_i32, %c0_i32_0 : i32, i32
  }
  func.func @transform_5(%arg0: i32) -> (i32, i32) {
    %c0_i32 = arith.constant 0 : i32
    %c0_i32_0 = arith.constant 0 : i32
    %c0_i32_1 = arith.constant 0 : i32
    return %c0_i32, %c0_i32_0 : i32, i32
  }
  func.func @transform_6(%arg0: i32) -> (i32, i32) {
    %c0_i32 = arith.constant 0 : i32
    %c0_i32_0 = arith.constant 0 : i32
    %c0_i32_1 = arith.constant 0 : i32
    return %c0_i32, %c0_i32_0 : i32, i32
  }
  func.func @transform_7(%arg0: i32) -> (i32, i32) {
    %c0_i32 = arith.constant 0 : i32
    %c0_i32_0 = arith.constant 0 : i32
    %c0_i32_1 = arith.constant 0 : i32
    return %c0_i32, %c0_i32_0 : i32, i32
  }
  func.func @transform_8(%arg0: i32) -> (i32, i32) {
    %c0_i32 = arith.constant 0 : i32
    %c0_i32_0 = arith.constant 0 : i32
    %c0_i32_1 = arith.constant 0 : i32
    return %c0_i32, %c0_i32_0 : i32, i32
  }
  func.func @transform_9(%arg0: i32) -> (i32, i32) {
    %c0_i32 = arith.constant 0 : i32
    %c0_i32_0 = arith.constant 0 : i32
    %c0_i32_1 = arith.constant 0 : i32
    return %c0_i32, %c0_i32_0 : i32, i32
  }
  func.func @transform_10(%arg0: i32) -> (i32, i32) {
    %c0_i32 = arith.constant 0 : i32
    %c0_i32_0 = arith.constant 0 : i32
    %c0_i32_1 = arith.constant 0 : i32
    return %c0_i32, %c0_i32_0 : i32, i32
  }
  func.func @transform_11(%arg0: i32) -> (i32, i32) {
    %c0_i32 = arith.constant 0 : i32
    %c0_i32_0 = arith.constant 0 : i32
    %c0_i32_1 = arith.constant 0 : i32
    return %c0_i32, %c0_i32_0 : i32, i32
  }
  func.func @transform_12(%arg0: i32) -> (i32, i32) {
    %c0_i32 = arith.constant 0 : i32
    %c0_i32_0 = arith.constant 0 : i32
    %c0_i32_1 = arith.constant 0 : i32
    return %c0_i32, %c0_i32_0 : i32, i32
  }
  func.func @transform_13(%arg0: i32) -> (i32, i32) {
    %c0_i32 = arith.constant 0 : i32
    %c0_i32_0 = arith.constant 0 : i32
    %c0_i32_1 = arith.constant 0 : i32
    return %c0_i32, %c0_i32_0 : i32, i32
  }
  func.func @transform_14(%arg0: i32) -> (i32, i32) {
    %c0_i32 = arith.constant 0 : i32
    %c0_i32_0 = arith.constant 0 : i32
    return %c0_i32, %arg0 : i32, i32
  }
}

</mosaic_0001>

<sc_bundles>
// kernel: kernel.11.cloned.1.call-start
scs
__scs_entry_jumppad:
0x0: {  	(pc) =	sbr.rel $0x88, $3  }
0x1: {  	(tag) =	ssettag $0x0;
	lr =	simm.s32 $0x1  }
0x2: {  	[smem:$0x3F7D] =	sst lr;
	_ =	strace $0xD0000000  }
0x3: {  	_ = 	snop  }
0x4: {  	_ = 	snop  }
0x5: {  	_ = 	snop  }
0x6: {  	_ = 	snop  }
0x7: {  	_ = 	snop  }
__scs_overlays_trampoline_lowered:
0x8: {  	[smem:$0x3F8C] =	sst s0  }
0x9: {  	[smem:$0x3F8D] =	sst s1  }
0xa: {  	[smem:$0x3F8E] =	sst s2  }
0xb: {  	[smem:$0x3F8F] =	sst s3  }
0xc: {  	[smem:$0x3F90] =	sst s4  }
0xd: {  	[smem:$0x3F91] =	sst s5  }
0xe: {  	[smem:$0x3F92] =	sst s6  }
0xf: {  	[smem:$0x3F93] =	sst s7  }
0x10: {  	[smem:$0x3F94] =	sst s8  }
0x11: {  	[smem:$0x3F95] =	sst s9;
	s0 =	simm.s32 @!p0 $0x0  }
0x12: {  	s1 =	sld [smem:$0x3F7B];
	s0 =	simm.s32 @p0 $0x1  }
0x13: {  	[smem:$0x3F96] =	sst s0;
	s0 =	simm.s32 @!p1 $0x0  }
0x14: {  	s2 =	sld [smem:$0x3F7A];
	s0 =	simm.s32 @p1 $0x1  }
0x15: {  	[smem:$0x3F97] =	sst s0;
	s0 =	simm.s32 @!p2 $0x0  }
0x16: {  	s3 =	sld [smem:$0x3FDB];
	s0 =	simm.s32 @p2 $0x1  }
0x17: {  	s4 =	simm.s32 $0x1BF5;
	[smem:$0x3F99] =	sst s0  }
0x18: {  	s0 =	sld [smem:$0x3F7C];
	_ =	swait.ge [sflag:s4], $0x0  }
0x19: {  	s7 =	sld [smem:$0x3F7D]  }
0x1a: {  	s8 =	sadd.s32 $0xFFFFE003, lr  }
0x1b: {  	s9 =	sadd.s32 $0xFFFFFEF7, lr;
	s5 =	simm.s32 $0xFFFFFFFF;
	p2 =	slt.u32 s8, $0xFFFFF086  }
0x1c: {  	p1 =	slt.u32 s9, $0xF7A;
	s5 =	simm.s32 @!p2 $0x0  }
0x1d: {  	s5 =	simm.s32 @p1 $0x1;
	p0 =	seq.s32 s7, s2  }
0x1e: {  	s7 =	smul.u32 @!p0 $0xF7A, s2;
	p2 =	seq.s32 @!p0 s5, $0x0  }
0x1f: {  	s9 =	smul.u32 $0xF7A, s1;
	s8 =	simm.s32 @!p0 $0x1BF5;
	p2 =	por !p2, p0  }
0x20: {  	[sflag:s8] =	ssyncset.s32 @!p0 $0xFFFFF086;
	s6 =	sadd.s32 @!p0 s3, s7;
	s7 =	simm.s32 @!p0 $0x108  }
0x21: {  	s3 =	sadd.s32 s3, s9;
	s6 =	sadd.s32 @!p0 $0x88, s6;
	s7 =	simm.s32 @p2 $0x1082  }
0x22: {  	[simem:s7], [sflag:s8] =	dma.local @!p0 [hbm:s6], $0xF7A  }
0x23: {  	s9 =	sor.u32 $0xD0000000, s2;
	s6 =	simm.s32 $0x108;
	_ =	swait.ge @!p0 [sflag:s8], $0x0  }
0x24: {  	s3 =	sadd.s32 $0x88, s3;
	s6 =	simm.s32 @!p1 $0x1082;
	[sflag:s4] =	ssyncset.s32 $0xFFFFF086  }
0x25: {  	[simem:s6], [sflag:s4] =	dma.local [hbm:s3], $0xF7A  }
0x26: {  	[smem:$0x3F7D] =	sst s1;
	(tag) =	ssettag s2;
	_ =	strace s9  }
0x27: {  	s1 =	sld [smem:$0x3F8D]  }
0x28: {  	s2 =	sld [smem:$0x3F8E]  }
0x29: {  	s4 =	sld [smem:$0x3F90]  }
0x2a: {  	p0 =	seq.s32 s5, $0x0;
	s5 =	sld [smem:$0x3F91]  }
0x2b: {  	s6 =	sld [smem:$0x3F92]  }
0x2c: {  	s7 =	sld [smem:$0x3F93]  }
0x2d: {  	s3 =	simm.s32 $0x108;
	s8 =	sld [smem:$0x3F94]  }
0x2e: {  	s3 =	simm.s32 @!p0 $0x1082;
	s9 =	sld [smem:$0x3F95]  }
0x2f: {  	lr =	sadd.s32 s0, s3;
	s0 =	sld [smem:$0x3F8C]  }
0x30: {  	s3 =	sld [smem:$0x3F8F]  }
0x31: {  	[smem:$0x3F98] =	sst s10  }
0x32: {  	s10 =	sld [smem:$0x3F96];
	_ =	sdelay $0x3  }
0x33: {  	p0 =	seq.s32 s10, $0x1;
	s10 =	sld [smem:$0x3F98];
	_ =	sdelay $0x3  }
0x34: {  	[smem:$0x3F98] =	sst s10  }
0x35: {  	s10 =	sld [smem:$0x3F97];
	_ =	sdelay $0x3  }
0x36: {  	p1 =	seq.s32 s10, $0x1;
	s10 =	sld [smem:$0x3F98];
	_ =	sdelay $0x3  }
0x37: {  	[smem:$0x3F98] =	sst s10  }
0x38: {  	s10 =	sld [smem:$0x3F99]  }
0x39: {  	_ = 	snop;
	(pc) =	sbr.ind lr, $3  }
0x3a: {  	_ = 	snop  }
0x3b: {  	_ = 	snop  }
0x3c: {  	p2 =	seq.s32 s10, $0x1;
	s10 =	sld [smem:$0x3F98]  }
0x3d: {  	_ =	shalt  }
0x3e: {  	_ =	shalt  }
0x3f: {  	_ =	shalt  }
0x40: {  	_ =	shalt  }
0x41: {  	_ =	shalt  }
0x42: {  	_ =	shalt  }
0x43: {  	_ =	shalt  }
0x44: {  	_ =	shalt  }
0x45: {  	_ =	shalt  }
0x46: {  	_ =	shalt  }
0x47: {  	_ =	shalt  }
0x48: {  	_ =	shalt  }
0x49: {  	_ =	shalt  }
0x4a: {  	_ =	shalt  }
0x4b: {  	_ =	shalt  }
0x4c: {  	_ =	shalt  }
0x4d: {  	_ =	shalt  }
0x4e: {  	_ =	shalt  }
0x4f: {  	_ =	shalt  }
0x50: {  	_ =	shalt  }
0x51: {  	_ =	shalt  }
0x52: {  	_ =	shalt  }
0x53: {  	_ =	shalt  }
0x54: {  	_ =	shalt  }
0x55: {  	_ =	shalt  }
0x56: {  	_ =	shalt  }
0x57: {  	_ =	shalt  }
0x58: {  	_ =	shalt  }
0x59: {  	_ =	shalt  }
0x5a: {  	_ =	shalt  }
0x5b: {  	_ =	shalt  }
0x5c: {  	_ =	shalt  }
0x5d: {  	_ =	shalt  }
0x5e: {  	_ =	shalt  }
0x5f: {  	_ =	shalt  }
0x60: {  	_ =	shalt  }
0x61: {  	_ =	shalt  }
0x62: {  	_ =	shalt  }
0x63: {  	_ =	shalt  }
0x64: {  	_ =	shalt  }
0x65: {  	_ =	shalt  }
0x66: {  	_ =	shalt  }
0x67: {  	_ =	shalt  }
0x68: {  	_ =	shalt  }
0x69: {  	_ =	shalt  }
0x6a: {  	_ =	shalt  }
0x6b: {  	_ =	shalt  }
0x6c: {  	_ =	shalt  }
0x6d: {  	_ =	shalt  }
0x6e: {  	_ =	shalt  }
0x6f: {  	_ =	shalt  }
0x70: {  	_ =	shalt  }
0x71: {  	_ =	shalt  }
0x72: {  	_ =	shalt  }
0x73: {  	_ =	shalt  }
0x74: {  	_ =	shalt  }
0x75: {  	_ =	shalt  }
0x76: {  	_ =	shalt  }
0x77: {  	_ =	shalt  }
0x78: {  	_ =	shalt  }
0x79: {  	_ =	shalt  }
0x7a: {  	_ =	shalt  }
0x7b: {  	_ =	shalt  }
0x7c: {  	_ =	shalt  }
0x7d: {  	_ =	shalt  }
0x7e: {  	_ =	shalt  }
0x7f: {  	_ =	shalt  }
0x80: {  	_ =	shalt  }
0x81: {  	_ =	shalt  }
0x82: {  	_ =	shalt  }
0x83: {  	_ =	shalt  }
0x84: {  	_ =	shalt  }
0x85: {  	_ =	shalt  }
0x86: {  	_ =	shalt  }
0x87: {  	_ =	shalt  }
.Lfunc_end0:
.L_simem_size_0:
called_computation_lowered:
.L_overlay_start_0:
0x88: {  	s2 =	sld [smem:$0x3FD9]  }
0x89: {  	s3 =	sld [smem:$0x3FFE];
	_ =	sdelay $0x1  }
0x8a: {  	s1 =	srdreg.scid  }
0x8b: {  	s0 =	sand.u32 $0x1, s1  }
0x8c: {  	s16 =	sshll.u32 s0, $0xA;
	s2 =	sadd.s32 s3, s2  }
0x8d: {  	s2 =	sadd.s32 s2, s16  }
0x8e: {  	[smem:$0x3FA4] =	sst s2  }
0x8f: {  	_ = 	snop  }
0x90: {  	(tm) =	ssettm $0x1  }
0x91: {  	s17 =	sld [smem:$0x3FFB];
	_ =	sdelay $0x3  }
0x92: {  	_ =	strace s17  }
0x93: {  	s2 =	sld [smem:$0x3FFC];
	_ =	sdelay $0x3  }
0x94: {  	_ =	strace s2  }
0x95: {  	s2 =	sld [smem:$0x3FFD];
	_ =	sdelay $0x3  }
0x96: {  	_ =	strace s2  }
0x97: {  	_ =	strace $0x8FFFFFFF  }
0x98: {  	s18 =	sld [smem:$0x3FDB];
	_ =	sdelay $0x1  }
0x99: {  	s19 =	simm.s32 $_scs_section_size  }
0x9a: {  	s4 =	simm.s32 $_size__tile_overlayer_lowered;
	s5 =	simm.s32 $_tile_overlayer_lowered  }
0x9b: {  	s22 =	simm.s32 $0x1BFF;
	s21 =	sshll.u32 s5, $0x1;
	s2 =	sadd.s32 s19, s18  }
0x9c: {  	s6 =	simm.s32 $0x0;
	s20 =	sshll.u32 s4, $0x1;
	s4 =	sadd.s32 s21, s2  }
0x9d: {  	[timem:s6], [sflag:s22] =	dma.local [hbm:s4], s20  }
0x9e: {  	_ =	swait.ge [sflag:s22], s20  }
0x9f: {  	s3 =	ssub.s32 $0x0, s20;
	[sflag:s22] =	ssyncset.done $0x0  }
0xa0: {  	[sflag:s22] =	ssyncadd.s32 s3;
	_ =	sdelay $0x1  }
0xa1: {  	s23 =	simm.s32 $0x1B8B  }
0xa2: {  	_ =	swait.ge [sflag:s23], $0x1  }
0xa3: {  	[sflag:s23] =	ssyncset.done $0x0  }
0xa4: {  	s25 =	simm.s32 $0x1B8E;
	s24 =	sld [smem:$0x3FFE];
	[sflag:s23] =	ssyncadd.s32 $0xFFFFFFFF  }
0xa5: {  	s26 =	simm.s32 $execute0_lowered;
	[smem:$0x3FD2] =	sst s25  }
0xa6: {  	s4 =	sshll.u32 s26, $0x1;
	_ =	strace $0x80000046;
	[dreg:$0x1] =	wrdreg $0xFFFFFFFF  }
0xa7: {  	s28 =	simm.s32 $_size_execute0_lowered;
	s2 =	sadd.s32 s2, s4;
	[dreg:$0x0] =	wrdreg $0x0  }
0xa8: {  	s4 =	sshll.u32 s28, $0x1;
	[dreg:$0x2] =	wrdreg s2  }
0xa9: {  	[dreg:$0x3] =	wrdreg s4  }
0xaa: {  	[dreg:$0x4] =	wrdreg $0xC0  }
0xab: {  	_ =	task [dreg:s6], $0x5FFFF  }
0xac: {  	[dreg:$0x1] =	wrdreg $0xFFFFFFFF  }
0xad: {  	[dreg:$0x0] =	wrdreg $0x60  }
0xae: {  	[dreg:$0x2] =	wrdreg s24  }
0xaf: {  	[dreg:$0x3] =	wrdreg $0x9  }
0xb0: {  	_ =	task.clear_ibuf [dreg:s6], $0x4FFFF;
	_ =	strace $0x90000046  }
0xb1: {  	s29 =	simm.s32 $0x9;
	_ =	strace $0x80000048  }
0xb2: {  	_ =	swait.ge [sflag:s29], $0x1  }
0xb3: {  	[sflag:s29] =	ssyncadd.s32 $0xFFFFFFFF  }
0xb4: {  	_ =	strace $0x90000048  }
0xb5: {  	_ =	sfence  }
0xb6: {  	s30 =	sld [smem:$0x0];
	_ =	sdelay $0x2  }
0xb7: {  	s31 =	sshll.u32 s1, $0xD;
	s1 =	sshrl.u32 s1, $0x2  }
0xb8: {  	s3 =	sand.u32 $0x4000, s31;
	s1 =	sadd.s32 s1, s30  }
0xb9: {  	s0 =	sor.u32 s3, s0;
	s1 =	sshll.u32 s1, $0x11  }
0xba: {  	s0 =	sor.u32 s1, s0  }
0xbb: {  	s0 =	sadd.s32 $0x8F2B, s0  }
0xbc: {  	[sflag:s0] =	ssyncadd.remote.s32 $0x1  }
0xbd: {  	_ =	sfence.sel $0xFFFF  }
0xbe: {  	[dreg:$0x0] =	wrdreg $0xFFFFFFFF;
	(pc) =	sbr.abs _section_cstart, $3  }
0xbf: {  	[dreg:$0x1] =	wrdreg $0xFFFFFFFF  }
0xc0: {  	_ =	task.clear_ibuf [dreg:s6], $0x2FFFF;
	_ =	strace $0x9FFFFFFF  }
0xc1: {  	(tm) =	ssettm $0x7FFFFFFF  }
tec
execute0_lowered:
.L_overlay_start_1:
0x0: {  	(tag) =	ssettag $0x1  }
0x1: {  	s7 =	rddreg [dreg:$0x0]  }
0x2: {  	s0 =	rddreg [dreg:$0x1]  }
0x3: {  	s1 =	simm.s32 $0x0;
	s2 =	srdreg.scid;
	s12 =	simm.s32 $0x7D0  }
0x4: {  	s13 =	simm.s32 $0x4E200;
	s14 =	simm.s32 $0x14050;
	s15 =	simm.s32 $0x0  }
0x5: {  	[smem:$0x7FF] =	sst s1;
	s3 =	sadd.s32 $0x16400, s7;
	s8 =	sand.u32 $0x1, s2  }
0x6: {  	s4 =	sadd.s32 $0xC600, s7;
	s2 =	stileid.u32;
	s5 =	sadd.s32 $0x2800, s7  }
0x7: {  	s6 =	sadd.s32 $0x66E00, s7;
	s7 =	sadd.s32 $0x18C00, s7;
	s9 =	ssub.s32 $0x2, s8  }
0x8: {  	_ =	strace $0x80000047;
	s11 =	sshll.u32 s2, $0x1;
	s10 =	sshrl.u32 s9, $0x1  }
0x9: {  	s8 =	sor.u32 s8, s11;
	s11 =	simm.s32 $0x13880;
	s9 =	ssub.s32 s9, s10  }
0xa: {  	v0 =	vimm.f32 $0.0e+00;
	s8 =	smul.u32 $0x2710, s8;
	s10 =	simm.s32 $0x1;
	s9 =	smax.u32 s9, $0x1  }
.LBB2_1:
0xb: {  	[tilespmem:s1], [sflag:$0x1] =	stream.linear.gather [hbm4b:s3+s1], $0x13880, $0x38;
	[tilespmem:$0x17ED0] =	vst v63  }
0xc: {  	_ =	swait.ge [sflag:s10], $0x13880  }
0xd: {  	[sflag:s10] =	ssyncset.done $0x0  }
0xe: {  	s17 =	simm.s32 $0x0;
	[sflag:s10] =	ssyncadd.s32 $0xFFFEC780  }
.LBB2_2:
0xf: {  	s16 =	smul.u32 $0x7D0, s17;
	_ =	sdelay $0x1  }
0x10: {  	s16 =	sadd.s32 s8, s16  }
0x11: {  	s16 =	sshrl.u32 s16, $0x3  }
0x12: {  	s19 =	simm.s32 $0x0;
	s18 =	sadd.s32 s4, s16  }
0x13: {  	[tilespmem:s11], [sflag:$0x1] =	stream.linear.gather [hbm4b:s18+s19], $0x7D0, $0x38;
	[tilespmem:$0x17ED0] =	vst v63  }
0x14: {  	_ =	swait.ge [sflag:s10], $0x7D0  }
0x15: {  	[sflag:s10] =	ssyncset.done $0x0  }
0x16: {  	s18 =	simm.s32 $0x0;
	[sflag:s10] =	ssyncadd.s32 $0xFFFFF830  }
0x17: {  	v1 =	vld [tilespmem:s18+$0x13880];
	_ =	sdelay $0x4  }
0x18: {  	v2 =	vshll.u32 v1, $0x3;
	_ =	sdelay $0x4  }
0x19: {  	v1 =	vld.idx.msk [tilespmem:v2+s1+$0x0], $0xffff  }
0x1a: {  	v3 =	vor.u32 $0x1, v2;
	_ =	sdelay $0x3  }
0x1b: {  	[tilespmem:s18+$0x14050] =	vst v1  }
0x1c: {  	v1 =	vld.idx.msk [tilespmem:v3+s1+$0x0], $0xffff  }
0x1d: {  	v2 =	vor.u32 $0x2, v2  }
0x1e: {  	s20 =	simm.s32 $0x80;
	s19 =	simm.s32 $0x10  }
.LBB2_3:
0x1f: {  	p0 =	sne.s32 s20, $0x1F00;
	v3 =	vld [tilespmem:s19+$0x13880];
	_ =	sdelay $0x1  }
0x20: {  	[tilespmem:s18+$0x14820] =	vst v1  }
0x21: {  	v1 =	vld.idx.msk [tilespmem:v2+s1+$0x0], $0xffff;
	[tilespmem:s18+$0x157C0] =	vst v0  }
0x22: {  	[tilespmem:s18+$0x15F90] =	vst v0  }
0x23: {  	v2 =	vshll.u32 v3, $0x3;
	[tilespmem:s18+$0x16760] =	vst v0  }
0x24: {  	[tilespmem:s18+$0x16F30] =	vst v0  }
0x25: {  	[tilespmem:s18+$0x17700] =	vst v0;
	_ =	sdelay $0x1  }
0x26: {  	[tilespmem:s18+$0x14FF0] =	vst v1;
	s18 =	smov.u32 s19  }
0x27: {  	v1 =	vld.idx.msk [tilespmem:v2+s1+$0x0], $0xffff;
	_ =	sdelay $0x1  }
0x28: {  	v3 =	vor.u32 $0x1, v2;
	_ =	sdelay $0x3  }
.Ltmp0:
0x29: {  	[tilespmem:s18+$0x14050] =	vst v1;
	(pc) =	sbr.rel @p0 .LBB2_3-.Ltmp0, $3  }
0x2a: {  	v1 =	vld.idx.msk [tilespmem:v3+s1+$0x0], $0xffff;
	_ =	sdelay $0x1  }
0x2b: {  	v2 =	vor.u32 $0x2, v2  }
0x2c: {  	s19 =	sshra.s32 s20, $0x2;
	s20 =	sadd.s32 $0x40, s20  }
0x2d: {  	v3 =	vld [tilespmem:s19+$0x13880];
	_ =	sdelay $0x2  }
0x2e: {  	[tilespmem:s18+$0x14820] =	vst v1  }
0x2f: {  	v1 =	vld.idx.msk [tilespmem:v2+s1+$0x0], $0xffff;
	[tilespmem:s18+$0x157C0] =	vst v0  }
0x30: {  	[tilespmem:s18+$0x15F90] =	vst v0;
	v2 =	vshll.u32 v3, $0x3  }
0x31: {  	[tilespmem:s18+$0x16760] =	vst v0  }
0x32: {  	[tilespmem:s18+$0x16F30] =	vst v0  }
0x33: {  	[tilespmem:s18+$0x17700] =	vst v0  }
0x34: {  	[tilespmem:s18+$0x14FF0] =	vst v1  }
0x35: {  	v1 =	vld.idx.msk [tilespmem:v2+s1+$0x0], $0xffff  }
0x36: {  	v3 =	vor.u32 $0x1, v2;
	_ =	sdelay $0x3  }
0x37: {  	[tilespmem:s19+$0x14050] =	vst v1  }
0x38: {  	v1 =	vld.idx.msk [tilespmem:v3+s1+$0x0], $0xffff  }
0x39: {  	v2 =	vor.u32 $0x2, v2;
	_ =	sdelay $0x3  }
0x3a: {  	[tilespmem:s19+$0x14820] =	vst v1  }
0x3b: {  	v1 =	vld.idx.msk [tilespmem:v2+s1+$0x0], $0xffff;
	[tilespmem:s19+$0x157C0] =	vst v0  }
0x3c: {  	[tilespmem:s19+$0x15F90] =	vst v0  }
0x3d: {  	[tilespmem:s19+$0x16760] =	vst v0  }
0x3e: {  	s17 =	sadd.s32 $0x1, s17;
	[tilespmem:s19+$0x16F30] =	vst v0  }
0x3f: {  	p0 =	sne.s32 s17, $0x5;
	[tilespmem:s19+$0x17700] =	vst v0  }
.Ltmp1:
0x40: {  	s16 =	sadd.s32 s6, s16;
	[tilespmem:s19+$0x14FF0] =	vst v1;
	(pc) =	sbr.rel @p0 .LBB2_2-.Ltmp1, $4  }
0x41: {  	[hbm4b:s16+s12] =	stream.strided.scatter [tilespmem:s14], [sflag:$0x1], $0x3E80, s13, s12, $0x38;
	[tilespmem:$0x17ED0] =	vst v63  }
0x42: {  	_ =	swait.ge [sflag:s10], $0x3E80  }
0x43: {  	[sflag:s10] =	ssyncset.done $0x0  }
0x44: {  	s16 =	simm.s32 $0x0;
	[sflag:s10] =	ssyncadd.s32 $0xFFFFC180  }
0x45: {  	s17 =	simm.s32 $0x0  }
.LBB2_6:
0x46: {  	s18 =	smul.u32 $0x7D0, s17;
	_ =	sdelay $0x1  }
0x47: {  	s18 =	sadd.s32 s8, s18  }
0x48: {  	s18 =	sshrl.u32 s18, $0x3  }
0x49: {  	s19 =	sadd.s32 s5, s18  }
0x4a: {  	[tilespmem:s11], [sflag:$0x1] =	stream.linear.gather [hbm4b:s19+s16], $0x7D0, $0x38;
	[tilespmem:$0x17ED0] =	vst v63  }
0x4b: {  	_ =	swait.ge [sflag:s10], $0x7D0  }
0x4c: {  	[sflag:s10] =	ssyncset.done $0x0  }
0x4d: {  	s19 =	simm.s32 $0x0;
	[sflag:s10] =	ssyncadd.s32 $0xFFFFF830  }
0x4e: {  	v1 =	vld [tilespmem:s19+$0x13880];
	_ =	sdelay $0x4  }
0x4f: {  	v2 =	vshll.u32 v1, $0x3;
	_ =	sdelay $0x4  }
0x50: {  	v1 =	vld.idx.msk [tilespmem:v2+s1+$0x0], $0xffff  }
0x51: {  	v3 =	vor.u32 $0x1, v2;
	_ =	sdelay $0x3  }
0x52: {  	[tilespmem:s19+$0x14050] =	vst v1  }
0x53: {  	v1 =	vld.idx.msk [tilespmem:v3+s1+$0x0], $0xffff  }
0x54: {  	v2 =	vor.u32 $0x2, v2  }
0x55: {  	s20 =	simm.s32 $0x10;
	s21 =	simm.s32 $0x80  }
.LBB2_7:
0x56: {  	p0 =	sne.s32 s21, $0x1F00;
	v3 =	vld [tilespmem:s20+$0x13880];
	_ =	sdelay $0x1  }
0x57: {  	[tilespmem:s19+$0x14820] =	vst v1  }
0x58: {  	v1 =	vld.idx.msk [tilespmem:v2+s1+$0x0], $0xffff;
	[tilespmem:s19+$0x157C0] =	vst v0  }
0x59: {  	[tilespmem:s19+$0x15F90] =	vst v0  }
0x5a: {  	v2 =	vshll.u32 v3, $0x3;
	[tilespmem:s19+$0x16760] =	vst v0  }
0x5b: {  	[tilespmem:s19+$0x16F30] =	vst v0  }
0x5c: {  	[tilespmem:s19+$0x17700] =	vst v0;
	_ =	sdelay $0x1  }
0x5d: {  	[tilespmem:s19+$0x14FF0] =	vst v1;
	s19 =	smov.u32 s20  }
0x5e: {  	v1 =	vld.idx.msk [tilespmem:v2+s1+$0x0], $0xffff;
	_ =	sdelay $0x1  }
0x5f: {  	v3 =	vor.u32 $0x1, v2;
	_ =	sdelay $0x3  }
.Ltmp2:
0x60: {  	[tilespmem:s19+$0x14050] =	vst v1;
	(pc) =	sbr.rel @p0 .LBB2_7-.Ltmp2, $3  }
0x61: {  	v1 =	vld.idx.msk [tilespmem:v3+s1+$0x0], $0xffff;
	_ =	sdelay $0x1  }
0x62: {  	v2 =	vor.u32 $0x2, v2  }
0x63: {  	s20 =	sshra.s32 s21, $0x2;
	s21 =	sadd.s32 $0x40, s21  }
0x64: {  	v3 =	vld [tilespmem:s20+$0x13880];
	_ =	sdelay $0x2  }
0x65: {  	[tilespmem:s19+$0x14820] =	vst v1  }
0x66: {  	v1 =	vld.idx.msk [tilespmem:v2+s1+$0x0], $0xffff;
	[tilespmem:s19+$0x157C0] =	vst v0  }
0x67: {  	[tilespmem:s19+$0x15F90] =	vst v0;
	v2 =	vshll.u32 v3, $0x3  }
0x68: {  	[tilespmem:s19+$0x16760] =	vst v0  }
0x69: {  	[tilespmem:s19+$0x16F30] =	vst v0  }
0x6a: {  	[tilespmem:s19+$0x17700] =	vst v0  }
0x6b: {  	[tilespmem:s19+$0x14FF0] =	vst v1  }
0x6c: {  	v1 =	vld.idx.msk [tilespmem:v2+s1+$0x0], $0xffff  }
0x6d: {  	v3 =	vor.u32 $0x1, v2;
	_ =	sdelay $0x3  }
0x6e: {  	[tilespmem:s20+$0x14050] =	vst v1  }
0x6f: {  	v1 =	vld.idx.msk [tilespmem:v3+s1+$0x0], $0xffff  }
0x70: {  	v2 =	vor.u32 $0x2, v2;
	_ =	sdelay $0x3  }
0x71: {  	[tilespmem:s20+$0x14820] =	vst v1  }
0x72: {  	v1 =	vld.idx.msk [tilespmem:v2+s1+$0x0], $0xffff;
	[tilespmem:s20+$0x157C0] =	vst v0  }
0x73: {  	[tilespmem:s20+$0x15F90] =	vst v0  }
0x74: {  	[tilespmem:s20+$0x16760] =	vst v0  }
0x75: {  	s17 =	sadd.s32 $0x1, s17;
	[tilespmem:s20+$0x16F30] =	vst v0  }
0x76: {  	p0 =	sne.s32 s17, $0x5;
	[tilespmem:s20+$0x17700] =	vst v0  }
.Ltmp3:
0x77: {  	s18 =	sadd.s32 s7, s18;
	[tilespmem:s20+$0x14FF0] =	vst v1;
	(pc) =	sbr.rel @p0 .LBB2_6-.Ltmp3, $4  }
0x78: {  	[hbm4b:s18+s12] =	stream.strided.scatter [tilespmem:s14], [sflag:$0x1], $0x3E80, s13, s12, $0x38;
	[tilespmem:$0x17ED0] =	vst v63  }
0x79: {  	_ =	swait.ge [sflag:s10], $0x3E80  }
0x7a: {  	[sflag:s10] =	ssyncset.done $0x0  }
0x7b: {  	[sflag:s10] =	ssyncadd.s32 $0xFFFFC180  }
0x7c: {  	s15 =	sadd.s32 $0x1, s15  }
0x7d: {  	p0 =	sne.s32 s15, s9  }
.Ltmp4:
0x7e: {  	_ = 	snop;
	(pc) =	sbr.rel @p0 .LBB2_1-.Ltmp4, $1  }
0x7f: {  	_ =	sdelay $0x3  }
0x80: {  	_ =	sfence.sel $0x180000  }
0x81: {  	[bflag:$0x0] =	sbarrier.arrive $0xFFFF  }
0x82: {  	p0 =	sne.s32 s2, $0x0;
	_ =	strace $0x90000047  }
0x83: {  	s0 =	sadd.s32 @!p0 $0x100000, s0;
	[bflag:$0x2] =	sbarrier.arrive $0xFFFF  }
0x84: {  	[sflag:s0] =	ssyncadd.tile.s32 @!p0 $0x1;
	_ =	shalt  }
.Lfunc_end2:
_tile_overlayer_lowered:
.L_overlay_start_2:
0x85: {  	(tag) =	ssettag $0x2  }
0x86: {  	s0 =	rddreg [dreg:$0x0];
	s2 =	stileid.u32  }
0x87: {  	s1 =	rddreg [dreg:$0x1];
	p0 =	sne.s32 s2, $0x0  }
0x88: {  	s3 =	rddreg [dreg:$0x2];
	[bflag:$0x3] =	sbarrier.arrive $0xFFFF;
	s2 =	simm.s32 @!p0 $0x1C01  }
0x89: {  	[timem:s3], [sflag:s2] =	dma.local @!p0 [hbm:s0], s1  }
0x8a: {  	s0 =	simm.s32 @!p0 $0x1  }
0x8b: {  	_ =	swait.ge @!p0 [sflag:s0], s1  }
0x8c: {  	s1 =	ssub.s32 @!p0 $0x0, s1;
	[sflag:s0] =	ssyncset.done @!p0 $0x0  }
0x8d: {  	[sflag:s0] =	ssyncadd.s32 @!p0 s1  }
0x8e: {  	[bflag:$0x3] =	sbarrier.arrive $0xFFFF  }
0x8f: {  	_ =	shalt  }

// kernel: kernel.14.cloned.1.call-start
scs
__scs_entry_jumppad:
0x0: {  	(pc) =	sbr.rel $0x88, $3  }
0x1: {  	(tag) =	ssettag $0x0;
	lr =	simm.s32 $0x1  }
0x2: {  	[smem:$0x3F7D] =	sst lr;
	_ =	strace $0xD0000000  }
0x3: {  	_ = 	snop  }
0x4: {  	_ = 	snop  }
0x5: {  	_ = 	snop  }
0x6: {  	_ = 	snop  }
0x7: {  	_ = 	snop  }
__scs_overlays_trampoline_lowered:
0x8: {  	[smem:$0x3F8C] =	sst s0  }
0x9: {  	[smem:$0x3F8D] =	sst s1  }
0xa: {  	[smem:$0x3F8E] =	sst s2  }
0xb: {  	[smem:$0x3F8F] =	sst s3  }
0xc: {  	[smem:$0x3F90] =	sst s4  }
0xd: {  	[smem:$0x3F91] =	sst s5  }
0xe: {  	[smem:$0x3F92] =	sst s6  }
0xf: {  	[smem:$0x3F93] =	sst s7  }
0x10: {  	[smem:$0x3F94] =	sst s8  }
0x11: {  	[smem:$0x3F95] =	sst s9;
	s0 =	simm.s32 @!p0 $0x0  }
0x12: {  	s1 =	sld [smem:$0x3F7B];
	s0 =	simm.s32 @p0 $0x1  }
0x13: {  	[smem:$0x3F96] =	sst s0;
	s0 =	simm.s32 @!p1 $0x0  }
0x14: {  	s2 =	sld [smem:$0x3F7A];
	s0 =	simm.s32 @p1 $0x1  }
0x15: {  	[smem:$0x3F97] =	sst s0;
	s0 =	simm.s32 @!p2 $0x0  }
0x16: {  	s3 =	sld [smem:$0x3FDB];
	s0 =	simm.s32 @p2 $0x1  }
0x17: {  	s4 =	simm.s32 $0x1BF5;
	[smem:$0x3F99] =	sst s0  }
0x18: {  	s0 =	sld [smem:$0x3F7C];
	_ =	swait.ge [sflag:s4], $0x0  }
0x19: {  	s7 =	sld [smem:$0x3F7D]  }
0x1a: {  	s8 =	sadd.s32 $0xFFFFE003, lr  }
0x1b: {  	s9 =	sadd.s32 $0xFFFFFEF7, lr;
	s5 =	simm.s32 $0xFFFFFFFF;
	p2 =	slt.u32 s8, $0xFFFFF086  }
0x1c: {  	p1 =	slt.u32 s9, $0xF7A;
	s5 =	simm.s32 @!p2 $0x0  }
0x1d: {  	s5 =	simm.s32 @p1 $0x1;
	p0 =	seq.s32 s7, s2  }
0x1e: {  	s7 =	smul.u32 @!p0 $0xF7A, s2;
	p2 =	seq.s32 @!p0 s5, $0x0  }
0x1f: {  	s9 =	smul.u32 $0xF7A, s1;
	s8 =	simm.s32 @!p0 $0x1BF5;
	p2 =	por !p2, p0  }
0x20: {  	[sflag:s8] =	ssyncset.s32 @!p0 $0xFFFFF086;
	s6 =	sadd.s32 @!p0 s3, s7;
	s7 =	simm.s32 @!p0 $0x108  }
0x21: {  	s3 =	sadd.s32 s3, s9;
	s6 =	sadd.s32 @!p0 $0x88, s6;
	s7 =	simm.s32 @p2 $0x1082  }
0x22: {  	[simem:s7], [sflag:s8] =	dma.local @!p0 [hbm:s6], $0xF7A  }
0x23: {  	s9 =	sor.u32 $0xD0000000, s2;
	s6 =	simm.s32 $0x108;
	_ =	swait.ge @!p0 [sflag:s8], $0x0  }
0x24: {  	s3 =	sadd.s32 $0x88, s3;
	s6 =	simm.s32 @!p1 $0x1082;
	[sflag:s4] =	ssyncset.s32 $0xFFFFF086  }
0x25: {  	[simem:s6], [sflag:s4] =	dma.local [hbm:s3], $0xF7A  }
0x26: {  	[smem:$0x3F7D] =	sst s1;
	(tag) =	ssettag s2;
	_ =	strace s9  }
0x27: {  	s1 =	sld [smem:$0x3F8D]  }
0x28: {  	s2 =	sld [smem:$0x3F8E]  }
0x29: {  	s4 =	sld [smem:$0x3F90]  }
0x2a: {  	p0 =	seq.s32 s5, $0x0;
	s5 =	sld [smem:$0x3F91]  }
0x2b: {  	s6 =	sld [smem:$0x3F92]  }
0x2c: {  	s7 =	sld [smem:$0x3F93]  }
0x2d: {  	s3 =	simm.s32 $0x108;
	s8 =	sld [smem:$0x3F94]  }
0x2e: {  	s3 =	simm.s32 @!p0 $0x1082;
	s9 =	sld [smem:$0x3F95]  }
0x2f: {  	lr =	sadd.s32 s0, s3;
	s0 =	sld [smem:$0x3F8C]  }
0x30: {  	s3 =	sld [smem:$0x3F8F]  }
0x31: {  	[smem:$0x3F98] =	sst s10  }
0x32: {  	s10 =	sld [smem:$0x3F96];
	_ =	sdelay $0x3  }
0x33: {  	p0 =	seq.s32 s10, $0x1;
	s10 =	sld [smem:$0x3F98];
	_ =	sdelay $0x3  }
0x34: {  	[smem:$0x3F98] =	sst s10  }
0x35: {  	s10 =	sld [smem:$0x3F97];
	_ =	sdelay $0x3  }
0x36: {  	p1 =	seq.s32 s10, $0x1;
	s10 =	sld [smem:$0x3F98];
	_ =	sdelay $0x3  }
0x37: {  	[smem:$0x3F98] =	sst s10  }
0x38: {  	s10 =	sld [smem:$0x3F99]  }
0x39: {  	_ = 	snop;
	(pc) =	sbr.ind lr, $3  }
0x3a: {  	_ = 	snop  }
0x3b: {  	_ = 	snop  }
0x3c: {  	p2 =	seq.s32 s10, $0x1;
	s10 =	sld [smem:$0x3F98]  }
0x3d: {  	_ =	shalt  }
0x3e: {  	_ =	shalt  }
0x3f: {  	_ =	shalt  }
0x40: {  	_ =	shalt  }
0x41: {  	_ =	shalt  }
0x42: {  	_ =	shalt  }
0x43: {  	_ =	shalt  }
0x44: {  	_ =	shalt  }
0x45: {  	_ =	shalt  }
0x46: {  	_ =	shalt  }
0x47: {  	_ =	shalt  }
0x48: {  	_ =	shalt  }
0x49: {  	_ =	shalt  }
0x4a: {  	_ =	shalt  }
0x4b: {  	_ =	shalt  }
0x4c: {  	_ =	shalt  }
0x4d: {  	_ =	shalt  }
0x4e: {  	_ =	shalt  }
0x4f: {  	_ =	shalt  }
0x50: {  	_ =	shalt  }
0x51: {  	_ =	shalt  }
0x52: {  	_ =	shalt  }
0x53: {  	_ =	shalt  }
0x54: {  	_ =	shalt  }
0x55: {  	_ =	shalt  }
0x56: {  	_ =	shalt  }
0x57: {  	_ =	shalt  }
0x58: {  	_ =	shalt  }
0x59: {  	_ =	shalt  }
0x5a: {  	_ =	shalt  }
0x5b: {  	_ =	shalt  }
0x5c: {  	_ =	shalt  }
0x5d: {  	_ =	shalt  }
0x5e: {  	_ =	shalt  }
0x5f: {  	_ =	shalt  }
0x60: {  	_ =	shalt  }
0x61: {  	_ =	shalt  }
0x62: {  	_ =	shalt  }
0x63: {  	_ =	shalt  }
0x64: {  	_ =	shalt  }
0x65: {  	_ =	shalt  }
0x66: {  	_ =	shalt  }
0x67: {  	_ =	shalt  }
0x68: {  	_ =	shalt  }
0x69: {  	_ =	shalt  }
0x6a: {  	_ =	shalt  }
0x6b: {  	_ =	shalt  }
0x6c: {  	_ =	shalt  }
0x6d: {  	_ =	shalt  }
0x6e: {  	_ =	shalt  }
0x6f: {  	_ =	shalt  }
0x70: {  	_ =	shalt  }
0x71: {  	_ =	shalt  }
0x72: {  	_ =	shalt  }
0x73: {  	_ =	shalt  }
0x74: {  	_ =	shalt  }
0x75: {  	_ =	shalt  }
0x76: {  	_ =	shalt  }
0x77: {  	_ =	shalt  }
0x78: {  	_ =	shalt  }
0x79: {  	_ =	shalt  }
0x7a: {  	_ =	shalt  }
0x7b: {  	_ =	shalt  }
0x7c: {  	_ =	shalt  }
0x7d: {  	_ =	shalt  }
0x7e: {  	_ =	shalt  }
0x7f: {  	_ =	shalt  }
0x80: {  	_ =	shalt  }
0x81: {  	_ =	shalt  }
0x82: {  	_ =	shalt  }
0x83: {  	_ =	shalt  }
0x84: {  	_ =	shalt  }
0x85: {  	_ =	shalt  }
0x86: {  	_ =	shalt  }
0x87: {  	_ =	shalt  }
.Lfunc_end0:
.L_simem_size_0:
called_computation.1_lowered:
.L_overlay_start_0:
0x88: {  	s0 =	sld [smem:$0x3FD9]  }
0x89: {  	s1 =	sld [smem:$0x3FFE];
	_ =	sdelay $0x3  }
0x8a: {  	s0 =	sadd.s32 s1, s0  }
0x8b: {  	[smem:$0x3FA4] =	sst s0  }
0x8c: {  	_ = 	snop  }
0x8d: {  	(tm) =	ssettm $0x1  }
0x8e: {  	s15 =	sld [smem:$0x3FFB];
	_ =	sdelay $0x3  }
0x8f: {  	_ =	strace s15  }
0x90: {  	s0 =	sld [smem:$0x3FFC];
	_ =	sdelay $0x3  }
0x91: {  	_ =	strace s0  }
0x92: {  	s0 =	sld [smem:$0x3FFD];
	_ =	sdelay $0x3  }
0x93: {  	_ =	strace s0  }
0x94: {  	_ =	strace $0x8FFFFFFF  }
0x95: {  	s16 =	sld [smem:$0x3FDB];
	_ =	sdelay $0x1  }
0x96: {  	s17 =	simm.s32 $_scs_section_size  }
0x97: {  	s2 =	simm.s32 $_size__tile_overlayer_lowered;
	s3 =	simm.s32 $_tile_overlayer_lowered  }
0x98: {  	s20 =	simm.s32 $0x1BFF;
	s19 =	sshll.u32 s3, $0x1;
	s0 =	sadd.s32 s17, s16  }
0x99: {  	s4 =	simm.s32 $0x0;
	s18 =	sshll.u32 s2, $0x1;
	s2 =	sadd.s32 s19, s0  }
0x9a: {  	[timem:s4], [sflag:s20] =	dma.local [hbm:s2], s18  }
0x9b: {  	_ =	swait.ge [sflag:s20], s18  }
0x9c: {  	s1 =	ssub.s32 $0x0, s18;
	[sflag:s20] =	ssyncset.done $0x0  }
0x9d: {  	[sflag:s20] =	ssyncadd.s32 s1;
	_ =	sdelay $0x1  }
0x9e: {  	s21 =	simm.s32 $0x1B8B  }
0x9f: {  	_ =	swait.ge [sflag:s21], $0x1  }
0xa0: {  	[sflag:s21] =	ssyncset.done $0x0  }
0xa1: {  	s23 =	simm.s32 $0x1B8E;
	s22 =	sld [smem:$0x3FFE];
	[sflag:s21] =	ssyncadd.s32 $0xFFFFFFFF  }
0xa2: {  	s24 =	simm.s32 $execute0_lowered;
	[smem:$0x3FD2] =	sst s23  }
0xa3: {  	s2 =	sshll.u32 s24, $0x1;
	_ =	strace $0x80000049;
	[dreg:$0x1] =	wrdreg $0xFFFFFFFF  }
0xa4: {  	s25 =	simm.s32 $_size_execute0_lowered;
	s0 =	sadd.s32 s0, s2;
	[dreg:$0x0] =	wrdreg $0x0  }
0xa5: {  	s2 =	sshll.u32 s25, $0x1;
	[dreg:$0x2] =	wrdreg s0  }
0xa6: {  	[dreg:$0x3] =	wrdreg s2  }
0xa7: {  	[dreg:$0x4] =	wrdreg $0xC0  }
0xa8: {  	_ =	task [dreg:s4], $0x5FFFF  }
0xa9: {  	[dreg:$0x1] =	wrdreg $0xFFFFFFFF  }
0xaa: {  	[dreg:$0x0] =	wrdreg $0x60  }
0xab: {  	[dreg:$0x2] =	wrdreg s22  }
0xac: {  	[dreg:$0x3] =	wrdreg $0xCB200  }
0xad: {  	[dreg:$0x4] =	wrdreg $0x9  }
0xae: {  	_ =	task.clear_ibuf [dreg:s4], $0x5FFFF;
	_ =	strace $0x90000049  }
0xaf: {  	s26 =	simm.s32 $0x9;
	_ =	strace $0x8000004B  }
0xb0: {  	_ =	swait.ge [sflag:s26], $0x1  }
0xb1: {  	[sflag:s26] =	ssyncadd.s32 $0xFFFFFFFF  }
0xb2: {  	_ =	strace $0x9000004B  }
0xb3: {  	_ =	sfence  }
0xb4: {  	s28 =	sld [smem:$0x0];
	_ =	sdelay $0x1  }
0xb5: {  	s29 =	srdreg.scid  }
0xb6: {  	s30 =	sshll.u32 s29, $0xD;
	s31 =	sshrl.u32 s29, $0x2  }
0xb7: {  	s1 =	sand.u32 $0x1, s29;
	s2 =	sand.u32 $0x4000, s30;
	s0 =	sadd.s32 s31, s28  }
0xb8: {  	s1 =	sor.u32 s2, s1;
	s0 =	sshll.u32 s0, $0x11  }
0xb9: {  	s0 =	sor.u32 s0, s1  }
0xba: {  	s0 =	sadd.s32 $0x8F2B, s0  }
0xbb: {  	[sflag:s0] =	ssyncadd.remote.s32 $0x1  }
0xbc: {  	_ =	sfence.sel $0xFFFF  }
0xbd: {  	[dreg:$0x0] =	wrdreg $0xFFFFFFFF;
	(pc) =	sbr.abs _section_cstart, $3  }
0xbe: {  	[dreg:$0x1] =	wrdreg $0xFFFFFFFF  }
0xbf: {  	_ =	task.clear_ibuf [dreg:s4], $0x2FFFF;
	_ =	strace $0x9FFFFFFF  }
0xc0: {  	(tm) =	ssettm $0x7FFFFFFF  }
0xc1: {  	_ =	shalt  }
tec
execute0_lowered:
.L_overlay_start_1:
0x0: {  	(tag) =	ssettag $0x1  }
0x1: {  	s4 =	rddreg [dreg:$0x0]  }
0x2: {  	s1 =	rddreg [dreg:$0x1]  }
0x3: {  	s0 =	rddreg [dreg:$0x2]  }
0x4: {  	s3 =	simm.s32 $0x0;
	s5 =	stileid.u32;
	s12 =	simm.s32 $0xFA0  }
0x5: {  	s13 =	simm.s32 $0x3;
	s14 =	simm.s32 $0x8CA0;
	s15 =	simm.s32 $0x5  }
0x6: {  	[smem:$0x7FF] =	sst s3;
	p0 =	sne.s32 s5, $0x0;
	s6 =	sadd.s32 $0x64600, s4  }
0x7: {  	_ =	strace $0x8000004A;
	s2 =	sshrl.u32 @!p0 s1, $0x3;
	s7 =	simm.s32 @!p0 $0x1C05  }
0x8: {  	[spmem:s2], [sflag:s7] =	dma.local @!p0 [hbm:s6], $0x2710  }
0x9: {  	s16 =	simm.s32 $0x2;
	s17 =	simm.s32 $0x4;
	s7 =	simm.s32 @!p0 $0x5  }
0xa: {  	s18 =	simm.s32 $0x0;
	s10 =	smul.u32 $0x4E20, s5;
	_ =	swait.ge @!p0 [sflag:s7], $0x2710  }
0xb: {  	s5 =	sadd.s32 $0x16400, s4;
	s6 =	sadd.s32 $0xC600, s4;
	[sflag:s7] =	ssyncset.done @!p0 $0x0  }
0xc: {  	s8 =	sshrl.u32 s10, $0x3;
	s4 =	sadd.s32 $0x66E00, s4;
	[sflag:s7] =	ssyncadd.s32 @!p0 $0xFFFFD8F0  }
0xd: {  	s9 =	sadd.s32 s6, s8;
	s11 =	sadd.s32 s5, s8;
	[bflag:$0x0] =	sbarrier.arrive $0xFFFF  }
0xe: {  	[tilespmem:s3], [sflag:$0x1] =	stream.linear.gather [hbm4b:s9+s3], $0x7D0, $0x38;
	[tilespmem:$0xDEA8] =	vst v63  }
0xf: {  	s8 =	simm.s32 $0x7D0;
	s7 =	sadd.s32 $0x7D0, s10;
	s9 =	simm.s32 $0x4E200  }
0x10: {  	v0 =	vlaneseq.u32;
	[tilespmem:s12], [sflag:$0x3] =	stream.strided.gather [hbm4b:s11+s8], $0x3E80, s9, s8, $0x38;
	[tilespmem:$0xDEA8] =	vst v63  }
0x11: {  	v0 =	vmul.u32 $0x8, v0;
	s10 =	sadd.s32 $0xFA0, s10;
	s11 =	simm.s32 $0x4E20;
	s12 =	simm.s32 $0x1  }
.LBB2_1:
0x12: {  	s19 =	smul.u32 $0xFA0, s18;
	_ =	sdelay $0x1  }
0x13: {  	s20 =	sadd.s32 s19, s7  }
0x14: {  	s20 =	sshrl.u32 s20, $0x3  }
0x15: {  	s21 =	sadd.s32 s6, s20  }
0x16: {  	[tilespmem:s8], [sflag:$0x2] =	stream.linear.gather [hbm4b:s21+s3], $0x7D0, $0x38;
	[tilespmem:$0xDEA8] =	vst v63  }
0x17: {  	s20 =	sadd.s32 s5, s20  }
0x18: {  	[tilespmem:s11], [sflag:$0x4] =	stream.strided.gather [hbm4b:s20+s8], $0x3E80, s9, s8, $0x38;
	[tilespmem:$0xDEA8] =	vst v63  }
0x19: {  	_ =	swait.ge [sflag:s12], $0x7D0  }
0x1a: {  	[sflag:s12] =	ssyncset.done $0x0  }
0x1b: {  	[sflag:s12] =	ssyncadd.s32 $0xFFFFF830  }
0x1c: {  	_ =	swait.ge [sflag:s13], $0x3E80  }
0x1d: {  	v1 =	vmov s3;
	[sflag:s13] =	ssyncset.done $0x0  }
0x1e: {  	v1 =	vshll.u32 v1, $0x3;
	s20 =	simm.s32 $0x2EE0;
	[sflag:s13] =	ssyncadd.s32 $0xFFFFC180  }
0x1f: {  	v3 =	vor.u32 v0, v1;
	v2 =	vld [tilespmem:s20+$0xFFFFE0C0];
	_ =	sdelay $0x4  }
0x20: {  	[tilespmem:v3+s14+$0x0] =	vst.idx.msk $0xffff, v2  }
0x21: {  	v2 =	vor.u32 $0x1, v3;
	v1 =	vld [tilespmem:s20+$0xFFFFE890];
	_ =	sdelay $0x4  }
0x22: {  	[tilespmem:v2+s14+$0x0] =	vst.idx.msk $0xffff, v1  }
0x23: {  	v2 =	vor.u32 $0x2, v3;
	v1 =	vld [tilespmem:s20+$0xFFFFF060];
	_ =	sdelay $0x4  }
0x24: {  	[tilespmem:v2+s14+$0x0] =	vst.idx.msk $0xffff, v1  }
0x25: {  	v2 =	vor.u32 $0x3, v3;
	v1 =	vld [tilespmem:s20+$0xFFFFF830];
	_ =	sdelay $0x4  }
0x26: {  	[tilespmem:v2+s14+$0x0] =	vst.idx.msk $0xffff, v1  }
0x27: {  	v2 =	vor.u32 $0x4, v3;
	v1 =	vld [tilespmem:s20+$0x0];
	_ =	sdelay $0x4  }
0x28: {  	[tilespmem:v2+s14+$0x0] =	vst.idx.msk $0xffff, v1  }
0x29: {  	v2 =	vor.u32 $0x5, v3;
	v1 =	vld [tilespmem:s20+$0x7D0];
	_ =	sdelay $0x4  }
0x2a: {  	[tilespmem:v2+s14+$0x0] =	vst.idx.msk $0xffff, v1  }
0x2b: {  	v2 =	vor.u32 $0x6, v3;
	v1 =	vld [tilespmem:s20+$0xFA0];
	_ =	sdelay $0x4  }
0x2c: {  	[tilespmem:v2+s14+$0x0] =	vst.idx.msk $0xffff, v1  }
0x2d: {  	v2 =	vor.u32 $0x7, v3;
	v1 =	vld [tilespmem:s20+$0x1770];
	_ =	sdelay $0x2  }
0x2e: {  	s31 =	simm.s32 $0x10  }
0x2f: {  	s21 =	simm.s32 $0x20;
	v3 =	vmov s31  }
.LBB2_2:
0x30: {  	p1 =	sne.s32 s21, $0x7C0;
	v3 =	vshll.u32 v3, $0x3;
	[tilespmem:v2+s14+$0x0] =	vst.idx.msk $0xffff, v1;
	s20 =	sadd.s32 $0x10, s20  }
0x31: {  	v1 =	vld [tilespmem:s20+$0xFFFFE0C0];
	v2 =	vor.u32 v0, v3;
	_ =	sdelay $0x4  }
0x32: {  	[tilespmem:v2+s14+$0x0] =	vst.idx.msk $0xffff, v1  }
0x33: {  	v3 =	vor.u32 $0x1, v2;
	v1 =	vld [tilespmem:s20+$0xFFFFE890];
	_ =	sdelay $0x4  }
0x34: {  	[tilespmem:v3+s14+$0x0] =	vst.idx.msk $0xffff, v1  }
0x35: {  	v3 =	vor.u32 $0x2, v2;
	v1 =	vld [tilespmem:s20+$0xFFFFF060];
	_ =	sdelay $0x4  }
0x36: {  	[tilespmem:v3+s14+$0x0] =	vst.idx.msk $0xffff, v1  }
0x37: {  	v3 =	vor.u32 $0x3, v2;
	v1 =	vld [tilespmem:s20+$0xFFFFF830];
	_ =	sdelay $0x4  }
0x38: {  	[tilespmem:v3+s14+$0x0] =	vst.idx.msk $0xffff, v1  }
0x39: {  	v3 =	vor.u32 $0x4, v2;
	v1 =	vld [tilespmem:s20+$0x0];
	_ =	sdelay $0x4  }
0x3a: {  	[tilespmem:v3+s14+$0x0] =	vst.idx.msk $0xffff, v1  }
0x3b: {  	v3 =	vor.u32 $0x5, v2;
	v1 =	vld [tilespmem:s20+$0x7D0];
	_ =	sdelay $0x4  }
0x3c: {  	[tilespmem:v3+s14+$0x0] =	vst.idx.msk $0xffff, v1  }
0x3d: {  	v3 =	vor.u32 $0x6, v2;
	v1 =	vld [tilespmem:s20+$0xFA0];
	_ =	sdelay $0x4  }
0x3e: {  	[tilespmem:v3+s14+$0x0] =	vst.idx.msk $0xffff, v1  }
.Ltmp0:
0x3f: {  	v2 =	vor.u32 $0x7, v2;
	v1 =	vld [tilespmem:s20+$0x1770];
	(pc) =	sbr.rel @p1 .LBB2_2-.Ltmp0, $2  }
0x40: {  	_ =	sdelay $0x2  }
0x41: {  	v3 =	vmov s21;
	s21 =	sadd.s32 $0x10, s21  }
0x42: {  	_ =	sdelay $0x3  }
0x43: {  	v3 =	vshll.u32 v3, $0x3;
	[tilespmem:v2+s14+$0x0] =	vst.idx.msk $0xffff, v1;
	s20 =	sadd.s32 $0x10, s20  }
0x44: {  	v1 =	vld [tilespmem:s20+$0xFFFFE0C0];
	v2 =	vor.u32 v0, v3;
	_ =	sdelay $0x4  }
0x45: {  	[tilespmem:v2+s14+$0x0] =	vst.idx.msk $0xffff, v1  }
0x46: {  	v3 =	vor.u32 $0x1, v2;
	v1 =	vld [tilespmem:s20+$0xFFFFE890];
	_ =	sdelay $0x4  }
0x47: {  	[tilespmem:v3+s14+$0x0] =	vst.idx.msk $0xffff, v1  }
0x48: {  	v3 =	vor.u32 $0x2, v2;
	v1 =	vld [tilespmem:s20+$0xFFFFF060];
	_ =	sdelay $0x4  }
0x49: {  	[tilespmem:v3+s14+$0x0] =	vst.idx.msk $0xffff, v1  }
0x4a: {  	v3 =	vor.u32 $0x3, v2;
	v1 =	vld [tilespmem:s20+$0xFFFFF830];
	_ =	sdelay $0x4  }
0x4b: {  	[tilespmem:v3+s14+$0x0] =	vst.idx.msk $0xffff, v1  }
0x4c: {  	v3 =	vor.u32 $0x4, v2;
	v1 =	vld [tilespmem:s20+$0x0];
	_ =	sdelay $0x4  }
0x4d: {  	[tilespmem:v3+s14+$0x0] =	vst.idx.msk $0xffff, v1  }
0x4e: {  	v3 =	vor.u32 $0x5, v2;
	v1 =	vld [tilespmem:s20+$0x7D0];
	_ =	sdelay $0x4  }
0x4f: {  	[tilespmem:v3+s14+$0x0] =	vst.idx.msk $0xffff, v1  }
0x50: {  	v3 =	vor.u32 $0x6, v2;
	v1 =	vld [tilespmem:s20+$0xFA0];
	_ =	sdelay $0x4  }
0x51: {  	[tilespmem:v3+s14+$0x0] =	vst.idx.msk $0xffff, v1  }
0x52: {  	v2 =	vor.u32 $0x7, v2;
	v1 =	vld [tilespmem:s20+$0x1770];
	_ =	sdelay $0x4  }
0x53: {  	p1 =	seq.s32 s18, $0x4;
	[tilespmem:v2+s14+$0x0] =	vst.idx.msk $0xffff, v1  }
0x54: {  	[spmem:s1] =	stream.indirect.scatter.add.f32 [tilespmem:s14], [sflag:$0x5], $0x8, s3, s8, $0xb8;
	[tilespmem:$0xDEA8] =	vst v63  }
0x55: {  	s19 =	sadd.s32 @!p1 s19, s10;
	_ =	swait.ge [sflag:s15], $0x3E80  }
0x56: {  	s21 =	simm.s32 @!p1 $0x0;
	s19 =	sshrl.u32 @!p1 s19, $0x3;
	[sflag:s15] =	ssyncset.done $0x0  }
0x57: {  	s22 =	simm.s32 @!p1 $0xFA0;
	s20 =	sadd.s32 @!p1 s6, s19;
	[sflag:s15] =	ssyncadd.s32 $0xFFFFC180  }
0x58: {  	[tilespmem:s21], [sflag:$0x1] =	stream.linear.gather @!p1 [hbm4b:s20+s21], $0x7D0, $0x38;
	[tilespmem:$0xDEA8] =	vst v63  }
0x59: {  	s19 =	sadd.s32 @!p1 s5, s19;
	s20 =	simm.s32 @!p1 $0x7D0;
	s21 =	simm.s32 @!p1 $0x4E200  }
0x5a: {  	[tilespmem:s22], [sflag:$0x3] =	stream.strided.gather @!p1 [hbm4b:s19+s20], $0x3E80, s21, s20, $0x38;
	[tilespmem:$0xDEA8] =	vst v63  }
0x5b: {  	_ =	swait.ge [sflag:s16], $0x7D0  }
0x5c: {  	[sflag:s16] =	ssyncset.done $0x0  }
0x5d: {  	[sflag:s16] =	ssyncadd.s32 $0xFFFFF830  }
0x5e: {  	s30 =	simm.s32 $0x0;
	_ =	swait.ge [sflag:s17], $0x3E80  }
0x5f: {  	v1 =	vmov s30;
	[sflag:s17] =	ssyncset.done $0x0  }
0x60: {  	s31 =	simm.s32 $0x0;
	v1 =	vshll.u32 v1, $0x3;
	[sflag:s17] =	ssyncadd.s32 $0xFFFFC180  }
0x61: {  	v3 =	vor.u32 v0, v1;
	v2 =	vld [tilespmem:s31+$0x4E20];
	_ =	sdelay $0x4  }
0x62: {  	[tilespmem:v3+s14+$0x0] =	vst.idx.msk $0xffff, v2  }
0x63: {  	v2 =	vor.u32 $0x1, v3;
	v1 =	vld [tilespmem:s31+$0x55F0];
	_ =	sdelay $0x4  }
0x64: {  	[tilespmem:v2+s14+$0x0] =	vst.idx.msk $0xffff, v1  }
0x65: {  	v2 =	vor.u32 $0x2, v3;
	v1 =	vld [tilespmem:s31+$0x5DC0];
	_ =	sdelay $0x4  }
0x66: {  	[tilespmem:v2+s14+$0x0] =	vst.idx.msk $0xffff, v1  }
0x67: {  	v2 =	vor.u32 $0x3, v3;
	v1 =	vld [tilespmem:s31+$0x6590];
	_ =	sdelay $0x4  }
0x68: {  	[tilespmem:v2+s14+$0x0] =	vst.idx.msk $0xffff, v1  }
0x69: {  	v2 =	vor.u32 $0x4, v3;
	v1 =	vld [tilespmem:s31+$0x6D60];
	_ =	sdelay $0x4  }
0x6a: {  	[tilespmem:v2+s14+$0x0] =	vst.idx.msk $0xffff, v1  }
0x6b: {  	v2 =	vor.u32 $0x5, v3;
	v1 =	vld [tilespmem:s31+$0x7530];
	_ =	sdelay $0x4  }
0x6c: {  	[tilespmem:v2+s14+$0x0] =	vst.idx.msk $0xffff, v1  }
0x6d: {  	v2 =	vor.u32 $0x6, v3;
	v1 =	vld [tilespmem:s31+$0x7D00];
	_ =	sdelay $0x4  }
0x6e: {  	[tilespmem:v2+s14+$0x0] =	vst.idx.msk $0xffff, v1  }
0x6f: {  	v2 =	vor.u32 $0x7, v3;
	v1 =	vld [tilespmem:s31+$0x84D0];
	_ =	sdelay $0x2  }
0x70: {  	s19 =	simm.s32 $0x10  }
0x71: {  	s20 =	simm.s32 $0x40;
	s21 =	simm.s32 $0x80;
	v3 =	vmov s19  }
.LBB2_4:
0x72: {  	p1 =	sne.s32 s21, $0x1F00;
	v3 =	vshll.u32 v3, $0x3;
	s22 =	sshra.s32 s20, $0x2;
	[tilespmem:v2+s14+$0x0] =	vst.idx.msk $0xffff, v1;
	s20 =	smov.u32 s21  }
0x73: {  	v1 =	vld [tilespmem:s22+$0x4E20];
	v2 =	vor.u32 v0, v3;
	_ =	sdelay $0x4  }
0x74: {  	[tilespmem:v2+s14+$0x0] =	vst.idx.msk $0xffff, v1  }
0x75: {  	v3 =	vor.u32 $0x1, v2;
	v1 =	vld [tilespmem:s22+$0x55F0];
	_ =	sdelay $0x4  }
0x76: {  	[tilespmem:v3+s14+$0x0] =	vst.idx.msk $0xffff, v1  }
0x77: {  	v3 =	vor.u32 $0x2, v2;
	v1 =	vld [tilespmem:s22+$0x5DC0];
	_ =	sdelay $0x4  }
0x78: {  	[tilespmem:v3+s14+$0x0] =	vst.idx.msk $0xffff, v1  }
0x79: {  	v3 =	vor.u32 $0x3, v2;
	v1 =	vld [tilespmem:s22+$0x6590];
	_ =	sdelay $0x4  }
0x7a: {  	[tilespmem:v3+s14+$0x0] =	vst.idx.msk $0xffff, v1  }
0x7b: {  	v3 =	vor.u32 $0x4, v2;
	v1 =	vld [tilespmem:s22+$0x6D60];
	_ =	sdelay $0x4  }
0x7c: {  	[tilespmem:v3+s14+$0x0] =	vst.idx.msk $0xffff, v1  }
0x7d: {  	v3 =	vor.u32 $0x5, v2;
	v1 =	vld [tilespmem:s22+$0x7530];
	_ =	sdelay $0x4  }
0x7e: {  	[tilespmem:v3+s14+$0x0] =	vst.idx.msk $0xffff, v1  }
0x7f: {  	v3 =	vor.u32 $0x6, v2;
	v1 =	vld [tilespmem:s22+$0x7D00];
	_ =	sdelay $0x4  }
0x80: {  	[tilespmem:v3+s14+$0x0] =	vst.idx.msk $0xffff, v1  }
.Ltmp1:
0x81: {  	v2 =	vor.u32 $0x7, v2;
	v1 =	vld [tilespmem:s22+$0x84D0];
	(pc) =	sbr.rel @p1 .LBB2_4-.Ltmp1, $3  }
0x82: {  	_ =	sdelay $0x1  }
0x83: {  	s19 =	sadd.s32 $0x10, s19  }
0x84: {  	s21 =	sadd.s32 $0x40, s21;
	v3 =	vmov s19  }
0x85: {  	_ =	sdelay $0x3  }
0x86: {  	v3 =	vshll.u32 v3, $0x3;
	s19 =	sshra.s32 s20, $0x2;
	[tilespmem:v2+s14+$0x0] =	vst.idx.msk $0xffff, v1  }
0x87: {  	v1 =	vld [tilespmem:s19+$0x4E20];
	v2 =	vor.u32 v0, v3;
	_ =	sdelay $0x4  }
0x88: {  	[tilespmem:v2+s14+$0x0] =	vst.idx.msk $0xffff, v1  }
0x89: {  	v3 =	vor.u32 $0x1, v2;
	v1 =	vld [tilespmem:s19+$0x55F0];
	_ =	sdelay $0x4  }
0x8a: {  	[tilespmem:v3+s14+$0x0] =	vst.idx.msk $0xffff, v1  }
0x8b: {  	v3 =	vor.u32 $0x2, v2;
	v1 =	vld [tilespmem:s19+$0x5DC0];
	_ =	sdelay $0x4  }
0x8c: {  	[tilespmem:v3+s14+$0x0] =	vst.idx.msk $0xffff, v1  }
0x8d: {  	v3 =	vor.u32 $0x3, v2;
	v1 =	vld [tilespmem:s19+$0x6590];
	_ =	sdelay $0x4  }
0x8e: {  	[tilespmem:v3+s14+$0x0] =	vst.idx.msk $0xffff, v1  }
0x8f: {  	v3 =	vor.u32 $0x4, v2;
	v1 =	vld [tilespmem:s19+$0x6D60];
	_ =	sdelay $0x4  }
0x90: {  	[tilespmem:v3+s14+$0x0] =	vst.idx.msk $0xffff, v1  }
0x91: {  	v3 =	vor.u32 $0x5, v2;
	v1 =	vld [tilespmem:s19+$0x7530];
	_ =	sdelay $0x4  }
0x92: {  	[tilespmem:v3+s14+$0x0] =	vst.idx.msk $0xffff, v1  }
0x93: {  	v3 =	vor.u32 $0x6, v2;
	v1 =	vld [tilespmem:s19+$0x7D00];
	_ =	sdelay $0x4  }
0x94: {  	[tilespmem:v3+s14+$0x0] =	vst.idx.msk $0xffff, v1  }
0x95: {  	v2 =	vor.u32 $0x7, v2;
	v1 =	vld [tilespmem:s19+$0x84D0];
	_ =	sdelay $0x2  }
0x96: {  	s18 =	sadd.s32 $0x1, s18  }
0x97: {  	p1 =	sne.s32 s18, $0x5  }
.Ltmp2:
0x98: {  	[tilespmem:v2+s14+$0x0] =	vst.idx.msk $0xffff, v1;
	(pc) =	sbr.rel @p1 .LBB2_1-.Ltmp2, $4  }
0x99: {  	[spmem:s1] =	stream.indirect.scatter.add.f32 [tilespmem:s14], [sflag:$0x5], $0x8, s8, s8, $0xb8;
	[tilespmem:$0xDEA8] =	vst v63  }
0x9a: {  	_ =	swait.ge [sflag:s15], $0x3E80  }
0x9b: {  	[sflag:s15] =	ssyncset.done $0x0  }
0x9c: {  	[sflag:s15] =	ssyncadd.s32 $0xFFFFC180  }
0x9d: {  	[bflag:$0x0] =	sbarrier.arrive $0xFFFF  }
0x9e: {  	_ =	sfence.sel @p0 $0x180000  }
0x9f: {  	[bflag:$0x0] =	sbarrier.arrive @p0 $0xFFFF  }
0xa0: {  	_ =	strace @p0 $0x9000004A  }
0xa1: {  	s1 =	simm.s32 @!p0 $0x1C05;
	[bflag:$0x2] =	sbarrier.arrive @p0 $0xFFFF  }
0xa2: {  	[hbm:s4], [sflag:s1] =	dma.local @!p0 [spmem:s2], $0x2710  }
0xa3: {  	s1 =	simm.s32 @!p0 $0x5  }
0xa4: {  	_ =	swait.ge @!p0 [sflag:s1], $0x2710  }
0xa5: {  	[sflag:s1] =	ssyncset.done @!p0 $0x0  }
0xa6: {  	[sflag:s1] =	ssyncadd.s32 @!p0 $0xFFFFD8F0  }
0xa7: {  	_ =	sfence.sel @!p0 $0x180000  }
0xa8: {  	[bflag:$0x0] =	sbarrier.arrive @!p0 $0xFFFF  }
0xa9: {  	_ =	strace @!p0 $0x9000004A  }
0xaa: {  	s0 =	sadd.s32 @!p0 $0x100000, s0;
	[bflag:$0x2] =	sbarrier.arrive @!p0 $0xFFFF  }
0xab: {  	[sflag:s0] =	ssyncadd.tile.s32 @!p0 $0x1;
	_ =	shalt  }
.Lfunc_end2:
_tile_overlayer_lowered:
.L_overlay_start_2:
0xac: {  	(tag) =	ssettag $0x2  }
0xad: {  	s0 =	rddreg [dreg:$0x0];
	s2 =	stileid.u32  }
0xae: {  	s1 =	rddreg [dreg:$0x1];
	p0 =	sne.s32 s2, $0x0  }
0xaf: {  	s3 =	rddreg [dreg:$0x2];
	[bflag:$0x3] =	sbarrier.arrive $0xFFFF;
	s2 =	simm.s32 @!p0 $0x1C05  }
0xb0: {  	[timem:s3], [sflag:s2] =	dma.local @!p0 [hbm:s0], s1  }
0xb1: {  	s0 =	simm.s32 @!p0 $0x5  }
0xb2: {  	_ =	swait.ge @!p0 [sflag:s0], s1  }
0xb3: {  	s1 =	ssub.s32 @!p0 $0x0, s1;
	[sflag:s0] =	ssyncset.done @!p0 $0x0  }
0xb4: {  	[sflag:s0] =	ssyncadd.s32 @!p0 s1  }
0xb5: {  	[bflag:$0x3] =	sbarrier.arrive $0xFFFF  }
0xb6: {  	_ =	shalt  }

// kernel: kernel.17.cloned.1.call-start
scs
__scs_entry_jumppad:
0x0: {  	(pc) =	sbr.rel $0x88, $3  }
0x1: {  	(tag) =	ssettag $0x0;
	lr =	simm.s32 $0x1  }
0x2: {  	[smem:$0x3F7D] =	sst lr;
	_ =	strace $0xD0000000  }
0x3: {  	_ = 	snop  }
0x4: {  	_ = 	snop  }
0x5: {  	_ = 	snop  }
0x6: {  	_ = 	snop  }
0x7: {  	_ = 	snop  }
__scs_overlays_trampoline_lowered:
0x8: {  	[smem:$0x3F8C] =	sst s0  }
0x9: {  	[smem:$0x3F8D] =	sst s1  }
0xa: {  	[smem:$0x3F8E] =	sst s2  }
0xb: {  	[smem:$0x3F8F] =	sst s3  }
0xc: {  	[smem:$0x3F90] =	sst s4  }
0xd: {  	[smem:$0x3F91] =	sst s5  }
0xe: {  	[smem:$0x3F92] =	sst s6  }
0xf: {  	[smem:$0x3F93] =	sst s7  }
0x10: {  	[smem:$0x3F94] =	sst s8  }
0x11: {  	[smem:$0x3F95] =	sst s9;
	s0 =	simm.s32 @!p0 $0x0  }
0x12: {  	s1 =	sld [smem:$0x3F7B];
	s0 =	simm.s32 @p0 $0x1  }
0x13: {  	[smem:$0x3F96] =	sst s0;
	s0 =	simm.s32 @!p1 $0x0  }
0x14: {  	s2 =	sld [smem:$0x3F7A];
	s0 =	simm.s32 @p1 $0x1  }
0x15: {  	[smem:$0x3F97] =	sst s0;
	s0 =	simm.s32 @!p2 $0x0  }
0x16: {  	s3 =	sld [smem:$0x3FDB];
	s0 =	simm.s32 @p2 $0x1  }
0x17: {  	s4 =	simm.s32 $0x1BF5;
	[smem:$0x3F99] =	sst s0  }
0x18: {  	s0 =	sld [smem:$0x3F7C];
	_ =	swait.ge [sflag:s4], $0x0  }
0x19: {  	s7 =	sld [smem:$0x3F7D]  }
0x1a: {  	s8 =	sadd.s32 $0xFFFFE003, lr  }
0x1b: {  	s9 =	sadd.s32 $0xFFFFFEF7, lr;
	s5 =	simm.s32 $0xFFFFFFFF;
	p2 =	slt.u32 s8, $0xFFFFF086  }
0x1c: {  	p1 =	slt.u32 s9, $0xF7A;
	s5 =	simm.s32 @!p2 $0x0  }
0x1d: {  	s5 =	simm.s32 @p1 $0x1;
	p0 =	seq.s32 s7, s2  }
0x1e: {  	s7 =	smul.u32 @!p0 $0xF7A, s2;
	p2 =	seq.s32 @!p0 s5, $0x0  }
0x1f: {  	s9 =	smul.u32 $0xF7A, s1;
	s8 =	simm.s32 @!p0 $0x1BF5;
	p2 =	por !p2, p0  }
0x20: {  	[sflag:s8] =	ssyncset.s32 @!p0 $0xFFFFF086;
	s6 =	sadd.s32 @!p0 s3, s7;
	s7 =	simm.s32 @!p0 $0x108  }
0x21: {  	s3 =	sadd.s32 s3, s9;
	s6 =	sadd.s32 @!p0 $0x88, s6;
	s7 =	simm.s32 @p2 $0x1082  }
0x22: {  	[simem:s7], [sflag:s8] =	dma.local @!p0 [hbm:s6], $0xF7A  }
0x23: {  	s9 =	sor.u32 $0xD0000000, s2;
	s6 =	simm.s32 $0x108;
	_ =	swait.ge @!p0 [sflag:s8], $0x0  }
0x24: {  	s3 =	sadd.s32 $0x88, s3;
	s6 =	simm.s32 @!p1 $0x1082;
	[sflag:s4] =	ssyncset.s32 $0xFFFFF086  }
0x25: {  	[simem:s6], [sflag:s4] =	dma.local [hbm:s3], $0xF7A  }
0x26: {  	[smem:$0x3F7D] =	sst s1;
	(tag) =	ssettag s2;
	_ =	strace s9  }
0x27: {  	s1 =	sld [smem:$0x3F8D]  }
0x28: {  	s2 =	sld [smem:$0x3F8E]  }
0x29: {  	s4 =	sld [smem:$0x3F90]  }
0x2a: {  	p0 =	seq.s32 s5, $0x0;
	s5 =	sld [smem:$0x3F91]  }
0x2b: {  	s6 =	sld [smem:$0x3F92]  }
0x2c: {  	s7 =	sld [smem:$0x3F93]  }
0x2d: {  	s3 =	simm.s32 $0x108;
	s8 =	sld [smem:$0x3F94]  }
0x2e: {  	s3 =	simm.s32 @!p0 $0x1082;
	s9 =	sld [smem:$0x3F95]  }
0x2f: {  	lr =	sadd.s32 s0, s3;
	s0 =	sld [smem:$0x3F8C]  }
0x30: {  	s3 =	sld [smem:$0x3F8F]  }
0x31: {  	[smem:$0x3F98] =	sst s10  }
0x32: {  	s10 =	sld [smem:$0x3F96];
	_ =	sdelay $0x3  }
0x33: {  	p0 =	seq.s32 s10, $0x1;
	s10 =	sld [smem:$0x3F98];
	_ =	sdelay $0x3  }
0x34: {  	[smem:$0x3F98] =	sst s10  }
0x35: {  	s10 =	sld [smem:$0x3F97];
	_ =	sdelay $0x3  }
0x36: {  	p1 =	seq.s32 s10, $0x1;
	s10 =	sld [smem:$0x3F98];
	_ =	sdelay $0x3  }
0x37: {  	[smem:$0x3F98] =	sst s10  }
0x38: {  	s10 =	sld [smem:$0x3F99]  }
0x39: {  	_ = 	snop;
	(pc) =	sbr.ind lr, $3  }
0x3a: {  	_ = 	snop  }
0x3b: {  	_ = 	snop  }
0x3c: {  	p2 =	seq.s32 s10, $0x1;
	s10 =	sld [smem:$0x3F98]  }
0x3d: {  	_ =	shalt  }
0x3e: {  	_ =	shalt  }
0x3f: {  	_ =	shalt  }
0x40: {  	_ =	shalt  }
0x41: {  	_ =	shalt  }
0x42: {  	_ =	shalt  }
0x43: {  	_ =	shalt  }
0x44: {  	_ =	shalt  }
0x45: {  	_ =	shalt  }
0x46: {  	_ =	shalt  }
0x47: {  	_ =	shalt  }
0x48: {  	_ =	shalt  }
0x49: {  	_ =	shalt  }
0x4a: {  	_ =	shalt  }
0x4b: {  	_ =	shalt  }
0x4c: {  	_ =	shalt  }
0x4d: {  	_ =	shalt  }
0x4e: {  	_ =	shalt  }
0x4f: {  	_ =	shalt  }
0x50: {  	_ =	shalt  }
0x51: {  	_ =	shalt  }
0x52: {  	_ =	shalt  }
0x53: {  	_ =	shalt  }
0x54: {  	_ =	shalt  }
0x55: {  	_ =	shalt  }
0x56: {  	_ =	shalt  }
0x57: {  	_ =	shalt  }
0x58: {  	_ =	shalt  }
0x59: {  	_ =	shalt  }
0x5a: {  	_ =	shalt  }
0x5b: {  	_ =	shalt  }
0x5c: {  	_ =	shalt  }
0x5d: {  	_ =	shalt  }
0x5e: {  	_ =	shalt  }
0x5f: {  	_ =	shalt  }
0x60: {  	_ =	shalt  }
0x61: {  	_ =	shalt  }
0x62: {  	_ =	shalt  }
0x63: {  	_ =	shalt  }
0x64: {  	_ =	shalt  }
0x65: {  	_ =	shalt  }
0x66: {  	_ =	shalt  }
0x67: {  	_ =	shalt  }
0x68: {  	_ =	shalt  }
0x69: {  	_ =	shalt  }
0x6a: {  	_ =	shalt  }
0x6b: {  	_ =	shalt  }
0x6c: {  	_ =	shalt  }
0x6d: {  	_ =	shalt  }
0x6e: {  	_ =	shalt  }
0x6f: {  	_ =	shalt  }
0x70: {  	_ =	shalt  }
0x71: {  	_ =	shalt  }
0x72: {  	_ =	shalt  }
0x73: {  	_ =	shalt  }
0x74: {  	_ =	shalt  }
0x75: {  	_ =	shalt  }
0x76: {  	_ =	shalt  }
0x77: {  	_ =	shalt  }
0x78: {  	_ =	shalt  }
0x79: {  	_ =	shalt  }
0x7a: {  	_ =	shalt  }
0x7b: {  	_ =	shalt  }
0x7c: {  	_ =	shalt  }
0x7d: {  	_ =	shalt  }
0x7e: {  	_ =	shalt  }
0x7f: {  	_ =	shalt  }
0x80: {  	_ =	shalt  }
0x81: {  	_ =	shalt  }
0x82: {  	_ =	shalt  }
0x83: {  	_ =	shalt  }
0x84: {  	_ =	shalt  }
0x85: {  	_ =	shalt  }
0x86: {  	_ =	shalt  }
0x87: {  	_ =	shalt  }
.Lfunc_end0:
.L_simem_size_0:
called_computation.2_lowered:
.L_overlay_start_0:
0x88: {  	s2 =	sld [smem:$0x3FD9]  }
0x89: {  	s3 =	sld [smem:$0x3FFE];
	_ =	sdelay $0x1  }
0x8a: {  	s1 =	srdreg.scid  }
0x8b: {  	s0 =	sand.u32 $0x1, s1  }
0x8c: {  	s16 =	sshll.u32 s0, $0xA;
	s2 =	sadd.s32 s3, s2  }
0x8d: {  	s2 =	sadd.s32 s2, s16  }
0x8e: {  	[smem:$0x3FA4] =	sst s2  }
0x8f: {  	_ = 	snop  }
0x90: {  	(tm) =	ssettm $0x1  }
0x91: {  	s17 =	sld [smem:$0x3FFB];
	_ =	sdelay $0x3  }
0x92: {  	_ =	strace s17  }
0x93: {  	s2 =	sld [smem:$0x3FFC];
	_ =	sdelay $0x3  }
0x94: {  	_ =	strace s2  }
0x95: {  	s2 =	sld [smem:$0x3FFD];
	_ =	sdelay $0x3  }
0x96: {  	_ =	strace s2  }
0x97: {  	_ =	strace $0x8FFFFFFF  }
0x98: {  	s18 =	sld [smem:$0x3FDB];
	_ =	sdelay $0x1  }
0x99: {  	s19 =	simm.s32 $_scs_section_size  }
0x9a: {  	s4 =	simm.s32 $_size__tile_overlayer_lowered;
	s5 =	simm.s32 $_tile_overlayer_lowered  }
0x9b: {  	s22 =	simm.s32 $0x1BFF;
	s21 =	sshll.u32 s5, $0x1;
	s2 =	sadd.s32 s19, s18  }
0x9c: {  	s6 =	simm.s32 $0x0;
	s20 =	sshll.u32 s4, $0x1;
	s4 =	sadd.s32 s21, s2  }
0x9d: {  	[timem:s6], [sflag:s22] =	dma.local [hbm:s4], s20  }
0x9e: {  	_ =	swait.ge [sflag:s22], s20  }
0x9f: {  	s3 =	ssub.s32 $0x0, s20;
	[sflag:s22] =	ssyncset.done $0x0  }
0xa0: {  	[sflag:s22] =	ssyncadd.s32 s3;
	_ =	sdelay $0x1  }
0xa1: {  	s23 =	simm.s32 $0x1B8B  }
0xa2: {  	_ =	swait.ge [sflag:s23], $0x1  }
0xa3: {  	[sflag:s23] =	ssyncset.done $0x0  }
0xa4: {  	s25 =	simm.s32 $0x1B8E;
	s24 =	sld [smem:$0x3FFE];
	[sflag:s23] =	ssyncadd.s32 $0xFFFFFFFF  }
0xa5: {  	s26 =	simm.s32 $execute0_lowered;
	[smem:$0x3FD2] =	sst s25  }
0xa6: {  	s4 =	sshll.u32 s26, $0x1;
	_ =	strace $0x8000004C;
	[dreg:$0x1] =	wrdreg $0xFFFFFFFF  }
0xa7: {  	s28 =	simm.s32 $_size_execute0_lowered;
	s2 =	sadd.s32 s2, s4;
	[dreg:$0x0] =	wrdreg $0x0  }
0xa8: {  	s4 =	sshll.u32 s28, $0x1;
	[dreg:$0x2] =	wrdreg s2  }
0xa9: {  	[dreg:$0x3] =	wrdreg s4  }
0xaa: {  	[dreg:$0x4] =	wrdreg $0xC0  }
0xab: {  	_ =	task [dreg:s6], $0x5FFFF  }
0xac: {  	[dreg:$0x1] =	wrdreg $0xFFFFFFFF  }
0xad: {  	[dreg:$0x0] =	wrdreg $0x60  }
0xae: {  	[dreg:$0x2] =	wrdreg s24  }
0xaf: {  	[dreg:$0x3] =	wrdreg $0x9  }
0xb0: {  	_ =	task.clear_ibuf [dreg:s6], $0x4FFFF;
	_ =	strace $0x9000004C  }
0xb1: {  	s29 =	simm.s32 $0x9;
	_ =	strace $0x8000004E  }
0xb2: {  	_ =	swait.ge [sflag:s29], $0x1  }
0xb3: {  	[sflag:s29] =	ssyncadd.s32 $0xFFFFFFFF  }
0xb4: {  	_ =	strace $0x9000004E  }
0xb5: {  	_ =	sfence  }
0xb6: {  	s30 =	sld [smem:$0x0];
	_ =	sdelay $0x2  }
0xb7: {  	s31 =	sshll.u32 s1, $0xD;
	s1 =	sshrl.u32 s1, $0x2  }
0xb8: {  	s3 =	sand.u32 $0x4000, s31;
	s1 =	sadd.s32 s1, s30  }
0xb9: {  	s0 =	sor.u32 s3, s0;
	s1 =	sshll.u32 s1, $0x11  }
0xba: {  	s0 =	sor.u32 s1, s0  }
0xbb: {  	s0 =	sadd.s32 $0x8F2B, s0  }
0xbc: {  	[sflag:s0] =	ssyncadd.remote.s32 $0x1  }
0xbd: {  	_ =	sfence.sel $0xFFFF  }
0xbe: {  	[dreg:$0x0] =	wrdreg $0xFFFFFFFF;
	(pc) =	sbr.abs _section_cstart, $3  }
0xbf: {  	[dreg:$0x1] =	wrdreg $0xFFFFFFFF  }
0xc0: {  	_ =	task.clear_ibuf [dreg:s6], $0x2FFFF;
	_ =	strace $0x9FFFFFFF  }
0xc1: {  	(tm) =	ssettm $0x7FFFFFFF  }
tec
execute0_lowered:
.L_overlay_start_1:
0x0: {  	(tag) =	ssettag $0x1  }
0x1: {  	s5 =	rddreg [dreg:$0x0]  }
0x2: {  	s0 =	rddreg [dreg:$0x1];
	s1 =	simm.s32 $0x0  }
0x3: {  	s2 =	srdreg.scid;
	s10 =	simm.s32 $0x7D0;
	s11 =	simm.s32 $0x4E200  }
0x4: {  	s12 =	simm.s32 $0x14050;
	s13 =	simm.s32 $0x0;
	[smem:$0x7FF] =	sst s1  }
0x5: {  	s6 =	sand.u32 $0x1, s2;
	s2 =	stileid.u32;
	s3 =	sadd.s32 $0x66E00, s5  }
0x6: {  	s4 =	sadd.s32 $0x2800, s5;
	s5 =	sadd.s32 $0x16400, s5;
	s7 =	ssub.s32 $0x2, s6  }
0x7: {  	_ =	strace $0x8000004D;
	s9 =	sshll.u32 s2, $0x1;
	s8 =	sshrl.u32 s7, $0x1  }
0x8: {  	s6 =	sor.u32 s6, s9;
	s9 =	simm.s32 $0x13880;
	s7 =	ssub.s32 s7, s8  }
0x9: {  	v0 =	vimm.f32 $0.0e+00;
	s6 =	smul.u32 $0x2710, s6;
	s8 =	simm.s32 $0x1;
	s7 =	smax.u32 s7, $0x1  }
.LBB2_1:
0xa: {  	[tilespmem:s1], [sflag:$0x1] =	stream.linear.gather [hbm4b:s3+s1], $0x13880, $0x38;
	[tilespmem:$0x17ED0] =	vst v63  }
0xb: {  	_ =	swait.ge [sflag:s8], $0x13880  }
0xc: {  	[sflag:s8] =	ssyncset.done $0x0  }
0xd: {  	s14 =	simm.s32 $0x0;
	[sflag:s8] =	ssyncadd.s32 $0xFFFEC780  }
.LBB2_2:
0xe: {  	s15 =	smul.u32 $0x7D0, s14;
	_ =	sdelay $0x1  }
0xf: {  	s15 =	sadd.s32 s6, s15  }
0x10: {  	s15 =	sshrl.u32 s15, $0x3  }
0x11: {  	s17 =	simm.s32 $0x0;
	s16 =	sadd.s32 s4, s15  }
0x12: {  	[tilespmem:s9], [sflag:$0x1] =	stream.linear.gather [hbm4b:s16+s17], $0x7D0, $0x38;
	[tilespmem:$0x17ED0] =	vst v63  }
0x13: {  	_ =	swait.ge [sflag:s8], $0x7D0  }
0x14: {  	[sflag:s8] =	ssyncset.done $0x0  }
0x15: {  	s16 =	simm.s32 $0x0;
	[sflag:s8] =	ssyncadd.s32 $0xFFFFF830  }
0x16: {  	v1 =	vld [tilespmem:s16+$0x13880];
	_ =	sdelay $0x4  }
0x17: {  	v2 =	vshll.u32 v1, $0x3;
	_ =	sdelay $0x4  }
0x18: {  	v1 =	vld.idx.msk [tilespmem:v2+s1+$0x0], $0xffff  }
0x19: {  	v3 =	vor.u32 $0x1, v2;
	_ =	sdelay $0x3  }
0x1a: {  	[tilespmem:s16+$0x14050] =	vst v1  }
0x1b: {  	v1 =	vld.idx.msk [tilespmem:v3+s1+$0x0], $0xffff  }
0x1c: {  	v3 =	vor.u32 $0x2, v2;
	_ =	sdelay $0x3  }
0x1d: {  	[tilespmem:s16+$0x14820] =	vst v1  }
0x1e: {  	v1 =	vld.idx.msk [tilespmem:v3+s1+$0x0], $0xffff  }
0x1f: {  	v2 =	vor.u32 $0x3, v2  }
0x20: {  	s18 =	simm.s32 $0x10;
	s17 =	simm.s32 $0x80  }
.LBB2_3:
0x21: {  	p0 =	sne.s32 s17, $0x1F00;
	v3 =	vld [tilespmem:s18+$0x13880];
	_ =	sdelay $0x1  }
0x22: {  	[tilespmem:s16+$0x14FF0] =	vst v1  }
0x23: {  	v1 =	vld.idx.msk [tilespmem:v2+s1+$0x0], $0xffff;
	[tilespmem:s16+$0x15F90] =	vst v0  }
0x24: {  	[tilespmem:s16+$0x16760] =	vst v0  }
0x25: {  	v2 =	vshll.u32 v3, $0x3;
	[tilespmem:s16+$0x16F30] =	vst v0  }
0x26: {  	[tilespmem:s16+$0x17700] =	vst v0;
	_ =	sdelay $0x2  }
0x27: {  	[tilespmem:s16+$0x157C0] =	vst v1;
	s16 =	smov.u32 s18  }
0x28: {  	v1 =	vld.idx.msk [tilespmem:v2+s1+$0x0], $0xffff;
	_ =	sdelay $0x1  }
0x29: {  	v3 =	vor.u32 $0x1, v2;
	_ =	sdelay $0x3  }
0x2a: {  	[tilespmem:s16+$0x14050] =	vst v1  }
0x2b: {  	v1 =	vld.idx.msk [tilespmem:v3+s1+$0x0], $0xffff;
	_ =	sdelay $0x1  }
0x2c: {  	v3 =	vor.u32 $0x2, v2;
	_ =	sdelay $0x3  }
.Ltmp0:
0x2d: {  	[tilespmem:s16+$0x14820] =	vst v1;
	(pc) =	sbr.rel @p0 .LBB2_3-.Ltmp0, $3  }
0x2e: {  	v1 =	vld.idx.msk [tilespmem:v3+s1+$0x0], $0xffff;
	_ =	sdelay $0x1  }
0x2f: {  	v2 =	vor.u32 $0x3, v2  }
0x30: {  	s18 =	sshra.s32 s17, $0x2;
	s17 =	sadd.s32 $0x40, s17  }
0x31: {  	v3 =	vld [tilespmem:s18+$0x13880];
	_ =	sdelay $0x2  }
0x32: {  	[tilespmem:s16+$0x14FF0] =	vst v1  }
0x33: {  	v1 =	vld.idx.msk [tilespmem:v2+s1+$0x0], $0xffff  }
0x34: {  	[tilespmem:s16+$0x15F90] =	vst v0;
	v2 =	vshll.u32 v3, $0x3  }
0x35: {  	[tilespmem:s16+$0x16760] =	vst v0  }
0x36: {  	[tilespmem:s16+$0x16F30] =	vst v0  }
0x37: {  	[tilespmem:s16+$0x17700] =	vst v0  }
0x38: {  	[tilespmem:s16+$0x157C0] =	vst v1  }
0x39: {  	v1 =	vld.idx.msk [tilespmem:v2+s1+$0x0], $0xffff  }
0x3a: {  	v3 =	vor.u32 $0x1, v2;
	_ =	sdelay $0x3  }
0x3b: {  	[tilespmem:s18+$0x14050] =	vst v1  }
0x3c: {  	v1 =	vld.idx.msk [tilespmem:v3+s1+$0x0], $0xffff  }
0x3d: {  	v3 =	vor.u32 $0x2, v2;
	_ =	sdelay $0x3  }
0x3e: {  	[tilespmem:s18+$0x14820] =	vst v1  }
0x3f: {  	v1 =	vld.idx.msk [tilespmem:v3+s1+$0x0], $0xffff  }
0x40: {  	v2 =	vor.u32 $0x3, v2;
	_ =	sdelay $0x3  }
0x41: {  	[tilespmem:s18+$0x14FF0] =	vst v1  }
0x42: {  	v1 =	vld.idx.msk [tilespmem:v2+s1+$0x0], $0xffff  }
0x43: {  	[tilespmem:s18+$0x15F90] =	vst v0  }
0x44: {  	[tilespmem:s18+$0x16760] =	vst v0  }
0x45: {  	s14 =	sadd.s32 $0x1, s14;
	[tilespmem:s18+$0x16F30] =	vst v0  }
0x46: {  	p0 =	sne.s32 s14, $0x5;
	[tilespmem:s18+$0x17700] =	vst v0  }
.Ltmp1:
0x47: {  	s15 =	sadd.s32 s5, s15;
	[tilespmem:s18+$0x157C0] =	vst v1;
	(pc) =	sbr.rel @p0 .LBB2_2-.Ltmp1, $4  }
0x48: {  	[hbm4b:s15+s10] =	stream.strided.scatter [tilespmem:s12], [sflag:$0x1], $0x3E80, s11, s10, $0x38;
	[tilespmem:$0x17ED0] =	vst v63  }
0x49: {  	_ =	swait.ge [sflag:s8], $0x3E80  }
0x4a: {  	[sflag:s8] =	ssyncset.done $0x0  }
0x4b: {  	[sflag:s8] =	ssyncadd.s32 $0xFFFFC180  }
0x4c: {  	s13 =	sadd.s32 $0x1, s13  }
0x4d: {  	p0 =	sne.s32 s13, s7  }
.Ltmp2:
0x4e: {  	_ = 	snop;
	(pc) =	sbr.rel @p0 .LBB2_1-.Ltmp2, $1  }
0x4f: {  	_ =	sdelay $0x3  }
0x50: {  	_ =	sfence.sel $0x180000  }
0x51: {  	[bflag:$0x0] =	sbarrier.arrive $0xFFFF  }
0x52: {  	p0 =	sne.s32 s2, $0x0;
	_ =	strace $0x9000004D  }
0x53: {  	s0 =	sadd.s32 @!p0 $0x100000, s0;
	[bflag:$0x2] =	sbarrier.arrive $0xFFFF  }
0x54: {  	[sflag:s0] =	ssyncadd.tile.s32 @!p0 $0x1;
	_ =	shalt  }
.Lfunc_end2:
_tile_overlayer_lowered:
.L_overlay_start_2:
0x55: {  	(tag) =	ssettag $0x2  }
0x56: {  	s0 =	rddreg [dreg:$0x0];
	s2 =	stileid.u32  }
0x57: {  	s1 =	rddreg [dreg:$0x1];
	p0 =	sne.s32 s2, $0x0  }
0x58: {  	s3 =	rddreg [dreg:$0x2];
	[bflag:$0x3] =	sbarrier.arrive $0xFFFF;
	s2 =	simm.s32 @!p0 $0x1C01  }
0x59: {  	[timem:s3], [sflag:s2] =	dma.local @!p0 [hbm:s0], s1  }
0x5a: {  	s0 =	simm.s32 @!p0 $0x1  }
0x5b: {  	_ =	swait.ge @!p0 [sflag:s0], s1  }
0x5c: {  	s1 =	ssub.s32 @!p0 $0x0, s1;
	[sflag:s0] =	ssyncset.done @!p0 $0x0  }
0x5d: {  	[sflag:s0] =	ssyncadd.s32 @!p0 s1  }
0x5e: {  	[bflag:$0x3] =	sbarrier.arrive $0xFFFF  }
0x5f: {  	_ =	shalt  }

// kernel: kernel.20.cloned.1.call-start
scs
__scs_entry_jumppad:
0x0: {  	(pc) =	sbr.rel $0x88, $3  }
0x1: {  	(tag) =	ssettag $0x0;
	lr =	simm.s32 $0x1  }
0x2: {  	[smem:$0x3F7D] =	sst lr;
	_ =	strace $0xD0000000  }
0x3: {  	_ = 	snop  }
0x4: {  	_ = 	snop  }
0x5: {  	_ = 	snop  }
0x6: {  	_ = 	snop  }
0x7: {  	_ = 	snop  }
__scs_overlays_trampoline_lowered:
0x8: {  	[smem:$0x3F8C] =	sst s0  }
0x9: {  	[smem:$0x3F8D] =	sst s1  }
0xa: {  	[smem:$0x3F8E] =	sst s2  }
0xb: {  	[smem:$0x3F8F] =	sst s3  }
0xc: {  	[smem:$0x3F90] =	sst s4  }
0xd: {  	[smem:$0x3F91] =	sst s5  }
0xe: {  	[smem:$0x3F92] =	sst s6  }
0xf: {  	[smem:$0x3F93] =	sst s7  }
0x10: {  	[smem:$0x3F94] =	sst s8  }
0x11: {  	[smem:$0x3F95] =	sst s9;
	s0 =	simm.s32 @!p0 $0x0  }
0x12: {  	s1 =	sld [smem:$0x3F7B];
	s0 =	simm.s32 @p0 $0x1  }
0x13: {  	[smem:$0x3F96] =	sst s0;
	s0 =	simm.s32 @!p1 $0x0  }
0x14: {  	s2 =	sld [smem:$0x3F7A];
	s0 =	simm.s32 @p1 $0x1  }
0x15: {  	[smem:$0x3F97] =	sst s0;
	s0 =	simm.s32 @!p2 $0x0  }
0x16: {  	s3 =	sld [smem:$0x3FDB];
	s0 =	simm.s32 @p2 $0x1  }
0x17: {  	s4 =	simm.s32 $0x1BF5;
	[smem:$0x3F99] =	sst s0  }
0x18: {  	s0 =	sld [smem:$0x3F7C];
	_ =	swait.ge [sflag:s4], $0x0  }
0x19: {  	s7 =	sld [smem:$0x3F7D]  }
0x1a: {  	s8 =	sadd.s32 $0xFFFFE003, lr  }
0x1b: {  	s9 =	sadd.s32 $0xFFFFFEF7, lr;
	s5 =	simm.s32 $0xFFFFFFFF;
	p2 =	slt.u32 s8, $0xFFFFF086  }
0x1c: {  	p1 =	slt.u32 s9, $0xF7A;
	s5 =	simm.s32 @!p2 $0x0  }
0x1d: {  	s5 =	simm.s32 @p1 $0x1;
	p0 =	seq.s32 s7, s2  }
0x1e: {  	s7 =	smul.u32 @!p0 $0xF7A, s2;
	p2 =	seq.s32 @!p0 s5, $0x0  }
0x1f: {  	s9 =	smul.u32 $0xF7A, s1;
	s8 =	simm.s32 @!p0 $0x1BF5;
	p2 =	por !p2, p0  }
0x20: {  	[sflag:s8] =	ssyncset.s32 @!p0 $0xFFFFF086;
	s6 =	sadd.s32 @!p0 s3, s7;
	s7 =	simm.s32 @!p0 $0x108  }
0x21: {  	s3 =	sadd.s32 s3, s9;
	s6 =	sadd.s32 @!p0 $0x88, s6;
	s7 =	simm.s32 @p2 $0x1082  }
0x22: {  	[simem:s7], [sflag:s8] =	dma.local @!p0 [hbm:s6], $0xF7A  }
0x23: {  	s9 =	sor.u32 $0xD0000000, s2;
	s6 =	simm.s32 $0x108;
	_ =	swait.ge @!p0 [sflag:s8], $0x0  }
0x24: {  	s3 =	sadd.s32 $0x88, s3;
	s6 =	simm.s32 @!p1 $0x1082;
	[sflag:s4] =	ssyncset.s32 $0xFFFFF086  }
0x25: {  	[simem:s6], [sflag:s4] =	dma.local [hbm:s3], $0xF7A  }
0x26: {  	[smem:$0x3F7D] =	sst s1;
	(tag) =	ssettag s2;
	_ =	strace s9  }
0x27: {  	s1 =	sld [smem:$0x3F8D]  }
0x28: {  	s2 =	sld [smem:$0x3F8E]  }
0x29: {  	s4 =	sld [smem:$0x3F90]  }
0x2a: {  	p0 =	seq.s32 s5, $0x0;
	s5 =	sld [smem:$0x3F91]  }
0x2b: {  	s6 =	sld [smem:$0x3F92]  }
0x2c: {  	s7 =	sld [smem:$0x3F93]  }
0x2d: {  	s3 =	simm.s32 $0x108;
	s8 =	sld [smem:$0x3F94]  }
0x2e: {  	s3 =	simm.s32 @!p0 $0x1082;
	s9 =	sld [smem:$0x3F95]  }
0x2f: {  	lr =	sadd.s32 s0, s3;
	s0 =	sld [smem:$0x3F8C]  }
0x30: {  	s3 =	sld [smem:$0x3F8F]  }
0x31: {  	[smem:$0x3F98] =	sst s10  }
0x32: {  	s10 =	sld [smem:$0x3F96];
	_ =	sdelay $0x3  }
0x33: {  	p0 =	seq.s32 s10, $0x1;
	s10 =	sld [smem:$0x3F98];
	_ =	sdelay $0x3  }
0x34: {  	[smem:$0x3F98] =	sst s10  }
0x35: {  	s10 =	sld [smem:$0x3F97];
	_ =	sdelay $0x3  }
0x36: {  	p1 =	seq.s32 s10, $0x1;
	s10 =	sld [smem:$0x3F98];
	_ =	sdelay $0x3  }
0x37: {  	[smem:$0x3F98] =	sst s10  }
0x38: {  	s10 =	sld [smem:$0x3F99]  }
0x39: {  	_ = 	snop;
	(pc) =	sbr.ind lr, $3  }
0x3a: {  	_ = 	snop  }
0x3b: {  	_ = 	snop  }
0x3c: {  	p2 =	seq.s32 s10, $0x1;
	s10 =	sld [smem:$0x3F98]  }
0x3d: {  	_ =	shalt  }
0x3e: {  	_ =	shalt  }
0x3f: {  	_ =	shalt  }
0x40: {  	_ =	shalt  }
0x41: {  	_ =	shalt  }
0x42: {  	_ =	shalt  }
0x43: {  	_ =	shalt  }
0x44: {  	_ =	shalt  }
0x45: {  	_ =	shalt  }
0x46: {  	_ =	shalt  }
0x47: {  	_ =	shalt  }
0x48: {  	_ =	shalt  }
0x49: {  	_ =	shalt  }
0x4a: {  	_ =	shalt  }
0x4b: {  	_ =	shalt  }
0x4c: {  	_ =	shalt  }
0x4d: {  	_ =	shalt  }
0x4e: {  	_ =	shalt  }
0x4f: {  	_ =	shalt  }
0x50: {  	_ =	shalt  }
0x51: {  	_ =	shalt  }
0x52: {  	_ =	shalt  }
0x53: {  	_ =	shalt  }
0x54: {  	_ =	shalt  }
0x55: {  	_ =	shalt  }
0x56: {  	_ =	shalt  }
0x57: {  	_ =	shalt  }
0x58: {  	_ =	shalt  }
0x59: {  	_ =	shalt  }
0x5a: {  	_ =	shalt  }
0x5b: {  	_ =	shalt  }
0x5c: {  	_ =	shalt  }
0x5d: {  	_ =	shalt  }
0x5e: {  	_ =	shalt  }
0x5f: {  	_ =	shalt  }
0x60: {  	_ =	shalt  }
0x61: {  	_ =	shalt  }
0x62: {  	_ =	shalt  }
0x63: {  	_ =	shalt  }
0x64: {  	_ =	shalt  }
0x65: {  	_ =	shalt  }
0x66: {  	_ =	shalt  }
0x67: {  	_ =	shalt  }
0x68: {  	_ =	shalt  }
0x69: {  	_ =	shalt  }
0x6a: {  	_ =	shalt  }
0x6b: {  	_ =	shalt  }
0x6c: {  	_ =	shalt  }
0x6d: {  	_ =	shalt  }
0x6e: {  	_ =	shalt  }
0x6f: {  	_ =	shalt  }
0x70: {  	_ =	shalt  }
0x71: {  	_ =	shalt  }
0x72: {  	_ =	shalt  }
0x73: {  	_ =	shalt  }
0x74: {  	_ =	shalt  }
0x75: {  	_ =	shalt  }
0x76: {  	_ =	shalt  }
0x77: {  	_ =	shalt  }
0x78: {  	_ =	shalt  }
0x79: {  	_ =	shalt  }
0x7a: {  	_ =	shalt  }
0x7b: {  	_ =	shalt  }
0x7c: {  	_ =	shalt  }
0x7d: {  	_ =	shalt  }
0x7e: {  	_ =	shalt  }
0x7f: {  	_ =	shalt  }
0x80: {  	_ =	shalt  }
0x81: {  	_ =	shalt  }
0x82: {  	_ =	shalt  }
0x83: {  	_ =	shalt  }
0x84: {  	_ =	shalt  }
0x85: {  	_ =	shalt  }
0x86: {  	_ =	shalt  }
0x87: {  	_ =	shalt  }
.Lfunc_end0:
.L_simem_size_0:
called_computation.3_lowered:
.L_overlay_start_0:
0x88: {  	s0 =	sld [smem:$0x3FD9]  }
0x89: {  	s1 =	sld [smem:$0x3FFE];
	_ =	sdelay $0x3  }
0x8a: {  	s0 =	sadd.s32 s1, s0  }
0x8b: {  	[smem:$0x3FA4] =	sst s0  }
0x8c: {  	_ = 	snop  }
0x8d: {  	(tm) =	ssettm $0x1  }
0x8e: {  	s15 =	sld [smem:$0x3FFB];
	_ =	sdelay $0x3  }
0x8f: {  	_ =	strace s15  }
0x90: {  	s0 =	sld [smem:$0x3FFC];
	_ =	sdelay $0x3  }
0x91: {  	_ =	strace s0  }
0x92: {  	s0 =	sld [smem:$0x3FFD];
	_ =	sdelay $0x3  }
0x93: {  	_ =	strace s0  }
0x94: {  	_ =	strace $0x8FFFFFFF  }
0x95: {  	s16 =	sld [smem:$0x3FDB];
	_ =	sdelay $0x1  }
0x96: {  	s17 =	simm.s32 $_scs_section_size  }
0x97: {  	s2 =	simm.s32 $_size__tile_overlayer_lowered;
	s3 =	simm.s32 $_tile_overlayer_lowered  }
0x98: {  	s20 =	simm.s32 $0x1BFF;
	s19 =	sshll.u32 s3, $0x1;
	s0 =	sadd.s32 s17, s16  }
0x99: {  	s4 =	simm.s32 $0x0;
	s18 =	sshll.u32 s2, $0x1;
	s2 =	sadd.s32 s19, s0  }
0x9a: {  	[timem:s4], [sflag:s20] =	dma.local [hbm:s2], s18  }
0x9b: {  	_ =	swait.ge [sflag:s20], s18  }
0x9c: {  	s1 =	ssub.s32 $0x0, s18;
	[sflag:s20] =	ssyncset.done $0x0  }
0x9d: {  	[sflag:s20] =	ssyncadd.s32 s1;
	_ =	sdelay $0x1  }
0x9e: {  	s21 =	simm.s32 $0x1B8B  }
0x9f: {  	_ =	swait.ge [sflag:s21], $0x1  }
0xa0: {  	[sflag:s21] =	ssyncset.done $0x0  }
0xa1: {  	s23 =	simm.s32 $0x1B8E;
	s22 =	sld [smem:$0x3FFE];
	[sflag:s21] =	ssyncadd.s32 $0xFFFFFFFF  }
0xa2: {  	s24 =	simm.s32 $execute0_lowered;
	[smem:$0x3FD2] =	sst s23  }
0xa3: {  	s2 =	sshll.u32 s24, $0x1;
	_ =	strace $0x8000004F;
	[dreg:$0x1] =	wrdreg $0xFFFFFFFF  }
0xa4: {  	s25 =	simm.s32 $_size_execute0_lowered;
	s0 =	sadd.s32 s0, s2;
	[dreg:$0x0] =	wrdreg $0x0  }
0xa5: {  	s2 =	sshll.u32 s25, $0x1;
	[dreg:$0x2] =	wrdreg s0  }
0xa6: {  	[dreg:$0x3] =	wrdreg s2  }
0xa7: {  	[dreg:$0x4] =	wrdreg $0xC0  }
0xa8: {  	_ =	task [dreg:s4], $0x5FFFF  }
0xa9: {  	[dreg:$0x1] =	wrdreg $0xFFFFFFFF  }
0xaa: {  	[dreg:$0x0] =	wrdreg $0x60  }
0xab: {  	[dreg:$0x2] =	wrdreg s22  }
0xac: {  	[dreg:$0x3] =	wrdreg $0xCB200  }
0xad: {  	[dreg:$0x4] =	wrdreg $0x9  }
0xae: {  	_ =	task.clear_ibuf [dreg:s4], $0x5FFFF;
	_ =	strace $0x9000004F  }
0xaf: {  	s26 =	simm.s32 $0x9;
	_ =	strace $0x80000051  }
0xb0: {  	_ =	swait.ge [sflag:s26], $0x1  }
0xb1: {  	[sflag:s26] =	ssyncadd.s32 $0xFFFFFFFF  }
0xb2: {  	_ =	strace $0x90000051  }
0xb3: {  	_ =	sfence  }
0xb4: {  	s28 =	sld [smem:$0x0];
	_ =	sdelay $0x1  }
0xb5: {  	s29 =	srdreg.scid  }
0xb6: {  	s30 =	sshll.u32 s29, $0xD;
	s31 =	sshrl.u32 s29, $0x2  }
0xb7: {  	s1 =	sand.u32 $0x1, s29;
	s2 =	sand.u32 $0x4000, s30;
	s0 =	sadd.s32 s31, s28  }
0xb8: {  	s1 =	sor.u32 s2, s1;
	s0 =	sshll.u32 s0, $0x11  }
0xb9: {  	s0 =	sor.u32 s0, s1  }
0xba: {  	s0 =	sadd.s32 $0x8F2B, s0  }
0xbb: {  	[sflag:s0] =	ssyncadd.remote.s32 $0x1  }
0xbc: {  	_ =	sfence.sel $0xFFFF  }
0xbd: {  	[dreg:$0x0] =	wrdreg $0xFFFFFFFF;
	(pc) =	sbr.abs _section_cstart, $3  }
0xbe: {  	[dreg:$0x1] =	wrdreg $0xFFFFFFFF  }
0xbf: {  	_ =	task.clear_ibuf [dreg:s4], $0x2FFFF;
	_ =	strace $0x9FFFFFFF  }
0xc0: {  	(tm) =	ssettm $0x7FFFFFFF  }
0xc1: {  	_ =	shalt  }
tec
execute0_lowered:
.L_overlay_start_1:
0x0: {  	(tag) =	ssettag $0x1  }
0x1: {  	s4 =	rddreg [dreg:$0x0]  }
0x2: {  	s1 =	rddreg [dreg:$0x1]  }
0x3: {  	s0 =	rddreg [dreg:$0x2]  }
0x4: {  	s3 =	simm.s32 $0x0;
	s5 =	stileid.u32;
	s12 =	simm.s32 $0xFA0  }
0x5: {  	s13 =	simm.s32 $0x3;
	s14 =	simm.s32 $0x8CA0;
	s15 =	simm.s32 $0x5  }
0x6: {  	[smem:$0x7FF] =	sst s3;
	p0 =	sne.s32 s5, $0x0;
	s6 =	sadd.s32 $0x66E00, s4  }
0x7: {  	_ =	strace $0x80000050;
	s2 =	sshrl.u32 @!p0 s1, $0x3;
	s7 =	simm.s32 @!p0 $0x1C05  }
0x8: {  	[spmem:s2], [sflag:s7] =	dma.local @!p0 [hbm:s6], $0x2710  }
0x9: {  	s16 =	simm.s32 $0x2;
	s17 =	simm.s32 $0x4;
	s7 =	simm.s32 @!p0 $0x5  }
0xa: {  	s18 =	simm.s32 $0x0;
	s10 =	smul.u32 $0x4E20, s5;
	_ =	swait.ge @!p0 [sflag:s7], $0x2710  }
0xb: {  	s5 =	sadd.s32 $0x16400, s4;
	s6 =	sadd.s32 $0xC600, s4;
	[sflag:s7] =	ssyncset.done @!p0 $0x0  }
0xc: {  	s8 =	sshrl.u32 s10, $0x3;
	s4 =	sadd.s32 $0x64600, s4;
	[sflag:s7] =	ssyncadd.s32 @!p0 $0xFFFFD8F0  }
0xd: {  	s9 =	sadd.s32 s6, s8;
	s11 =	sadd.s32 s5, s8;
	[bflag:$0x0] =	sbarrier.arrive $0xFFFF  }
0xe: {  	[tilespmem:s3], [sflag:$0x1] =	stream.linear.gather [hbm4b:s9+s3], $0x7D0, $0x38;
	[tilespmem:$0xDEA8] =	vst v63  }
0xf: {  	s8 =	simm.s32 $0x7D0;
	s7 =	sadd.s32 $0x7D0, s10;
	s9 =	simm.s32 $0x4E200  }
0x10: {  	v0 =	vlaneseq.u32;
	[tilespmem:s12], [sflag:$0x3] =	stream.strided.gather [hbm4b:s11+s8], $0x3E80, s9, s8, $0x38;
	[tilespmem:$0xDEA8] =	vst v63  }
0x11: {  	v0 =	vmul.u32 $0x8, v0;
	s10 =	sadd.s32 $0xFA0, s10;
	s11 =	simm.s32 $0x4E20;
	s12 =	simm.s32 $0x1  }
.LBB2_1:
0x12: {  	s19 =	smul.u32 $0xFA0, s18;
	_ =	sdelay $0x1  }
0x13: {  	s20 =	sadd.s32 s19, s7  }
0x14: {  	s20 =	sshrl.u32 s20, $0x3  }
0x15: {  	s21 =	sadd.s32 s6, s20  }
0x16: {  	[tilespmem:s8], [sflag:$0x2] =	stream.linear.gather [hbm4b:s21+s3], $0x7D0, $0x38;
	[tilespmem:$0xDEA8] =	vst v63  }
0x17: {  	s20 =	sadd.s32 s5, s20  }
0x18: {  	[tilespmem:s11], [sflag:$0x4] =	stream.strided.gather [hbm4b:s20+s8], $0x3E80, s9, s8, $0x38;
	[tilespmem:$0xDEA8] =	vst v63  }
0x19: {  	_ =	swait.ge [sflag:s12], $0x7D0  }
0x1a: {  	[sflag:s12] =	ssyncset.done $0x0  }
0x1b: {  	[sflag:s12] =	ssyncadd.s32 $0xFFFFF830  }
0x1c: {  	_ =	swait.ge [sflag:s13], $0x3E80  }
0x1d: {  	v1 =	vmov s3;
	[sflag:s13] =	ssyncset.done $0x0  }
0x1e: {  	v1 =	vshll.u32 v1, $0x3;
	s20 =	simm.s32 $0x2EE0;
	[sflag:s13] =	ssyncadd.s32 $0xFFFFC180  }
0x1f: {  	v3 =	vor.u32 v0, v1;
	v2 =	vld [tilespmem:s20+$0xFFFFE0C0];
	_ =	sdelay $0x4  }
0x20: {  	[tilespmem:v3+s14+$0x0] =	vst.idx.msk $0xffff, v2  }
0x21: {  	v2 =	vor.u32 $0x1, v3;
	v1 =	vld [tilespmem:s20+$0xFFFFE890];
	_ =	sdelay $0x4  }
0x22: {  	[tilespmem:v2+s14+$0x0] =	vst.idx.msk $0xffff, v1  }
0x23: {  	v2 =	vor.u32 $0x2, v3;
	v1 =	vld [tilespmem:s20+$0xFFFFF060];
	_ =	sdelay $0x4  }
0x24: {  	[tilespmem:v2+s14+$0x0] =	vst.idx.msk $0xffff, v1  }
0x25: {  	v2 =	vor.u32 $0x3, v3;
	v1 =	vld [tilespmem:s20+$0xFFFFF830];
	_ =	sdelay $0x4  }
0x26: {  	[tilespmem:v2+s14+$0x0] =	vst.idx.msk $0xffff, v1  }
0x27: {  	v2 =	vor.u32 $0x4, v3;
	v1 =	vld [tilespmem:s20+$0x0];
	_ =	sdelay $0x4  }
0x28: {  	[tilespmem:v2+s14+$0x0] =	vst.idx.msk $0xffff, v1  }
0x29: {  	v2 =	vor.u32 $0x5, v3;
	v1 =	vld [tilespmem:s20+$0x7D0];
	_ =	sdelay $0x4  }
0x2a: {  	[tilespmem:v2+s14+$0x0] =	vst.idx.msk $0xffff, v1  }
0x2b: {  	v2 =	vor.u32 $0x6, v3;
	v1 =	vld [tilespmem:s20+$0xFA0];
	_ =	sdelay $0x4  }
0x2c: {  	[tilespmem:v2+s14+$0x0] =	vst.idx.msk $0xffff, v1  }
0x2d: {  	v2 =	vor.u32 $0x7, v3;
	v1 =	vld [tilespmem:s20+$0x1770];
	_ =	sdelay $0x2  }
0x2e: {  	s31 =	simm.s32 $0x10  }
0x2f: {  	s21 =	simm.s32 $0x20;
	v3 =	vmov s31  }
.LBB2_2:
0x30: {  	p1 =	sne.s32 s21, $0x7C0;
	v3 =	vshll.u32 v3, $0x3;
	[tilespmem:v2+s14+$0x0] =	vst.idx.msk $0xffff, v1;
	s20 =	sadd.s32 $0x10, s20  }
0x31: {  	v1 =	vld [tilespmem:s20+$0xFFFFE0C0];
	v2 =	vor.u32 v0, v3;
	_ =	sdelay $0x4  }
0x32: {  	[tilespmem:v2+s14+$0x0] =	vst.idx.msk $0xffff, v1  }
0x33: {  	v3 =	vor.u32 $0x1, v2;
	v1 =	vld [tilespmem:s20+$0xFFFFE890];
	_ =	sdelay $0x4  }
0x34: {  	[tilespmem:v3+s14+$0x0] =	vst.idx.msk $0xffff, v1  }
0x35: {  	v3 =	vor.u32 $0x2, v2;
	v1 =	vld [tilespmem:s20+$0xFFFFF060];
	_ =	sdelay $0x4  }
0x36: {  	[tilespmem:v3+s14+$0x0] =	vst.idx.msk $0xffff, v1  }
0x37: {  	v3 =	vor.u32 $0x3, v2;
	v1 =	vld [tilespmem:s20+$0xFFFFF830];
	_ =	sdelay $0x4  }
0x38: {  	[tilespmem:v3+s14+$0x0] =	vst.idx.msk $0xffff, v1  }
0x39: {  	v3 =	vor.u32 $0x4, v2;
	v1 =	vld [tilespmem:s20+$0x0];
	_ =	sdelay $0x4  }
0x3a: {  	[tilespmem:v3+s14+$0x0] =	vst.idx.msk $0xffff, v1  }
0x3b: {  	v3 =	vor.u32 $0x5, v2;
	v1 =	vld [tilespmem:s20+$0x7D0];
	_ =	sdelay $0x4  }
0x3c: {  	[tilespmem:v3+s14+$0x0] =	vst.idx.msk $0xffff, v1  }
0x3d: {  	v3 =	vor.u32 $0x6, v2;
	v1 =	vld [tilespmem:s20+$0xFA0];
	_ =	sdelay $0x4  }
0x3e: {  	[tilespmem:v3+s14+$0x0] =	vst.idx.msk $0xffff, v1  }
.Ltmp0:
0x3f: {  	v2 =	vor.u32 $0x7, v2;
	v1 =	vld [tilespmem:s20+$0x1770];
	(pc) =	sbr.rel @p1 .LBB2_2-.Ltmp0, $2  }
0x40: {  	_ =	sdelay $0x2  }
0x41: {  	v3 =	vmov s21;
	s21 =	sadd.s32 $0x10, s21  }
0x42: {  	_ =	sdelay $0x3  }
0x43: {  	v3 =	vshll.u32 v3, $0x3;
	[tilespmem:v2+s14+$0x0] =	vst.idx.msk $0xffff, v1;
	s20 =	sadd.s32 $0x10, s20  }
0x44: {  	v1 =	vld [tilespmem:s20+$0xFFFFE0C0];
	v2 =	vor.u32 v0, v3;
	_ =	sdelay $0x4  }
0x45: {  	[tilespmem:v2+s14+$0x0] =	vst.idx.msk $0xffff, v1  }
0x46: {  	v3 =	vor.u32 $0x1, v2;
	v1 =	vld [tilespmem:s20+$0xFFFFE890];
	_ =	sdelay $0x4  }
0x47: {  	[tilespmem:v3+s14+$0x0] =	vst.idx.msk $0xffff, v1  }
0x48: {  	v3 =	vor.u32 $0x2, v2;
	v1 =	vld [tilespmem:s20+$0xFFFFF060];
	_ =	sdelay $0x4  }
0x49: {  	[tilespmem:v3+s14+$0x0] =	vst.idx.msk $0xffff, v1  }
0x4a: {  	v3 =	vor.u32 $0x3, v2;
	v1 =	vld [tilespmem:s20+$0xFFFFF830];
	_ =	sdelay $0x4  }
0x4b: {  	[tilespmem:v3+s14+$0x0] =	vst.idx.msk $0xffff, v1  }
0x4c: {  	v3 =	vor.u32 $0x4, v2;
	v1 =	vld [tilespmem:s20+$0x0];
	_ =	sdelay $0x4  }
0x4d: {  	[tilespmem:v3+s14+$0x0] =	vst.idx.msk $0xffff, v1  }
0x4e: {  	v3 =	vor.u32 $0x5, v2;
	v1 =	vld [tilespmem:s20+$0x7D0];
	_ =	sdelay $0x4  }
0x4f: {  	[tilespmem:v3+s14+$0x0] =	vst.idx.msk $0xffff, v1  }
0x50: {  	v3 =	vor.u32 $0x6, v2;
	v1 =	vld [tilespmem:s20+$0xFA0];
	_ =	sdelay $0x4  }
0x51: {  	[tilespmem:v3+s14+$0x0] =	vst.idx.msk $0xffff, v1  }
0x52: {  	v2 =	vor.u32 $0x7, v2;
	v1 =	vld [tilespmem:s20+$0x1770];
	_ =	sdelay $0x4  }
0x53: {  	p1 =	seq.s32 s18, $0x4;
	[tilespmem:v2+s14+$0x0] =	vst.idx.msk $0xffff, v1  }
0x54: {  	[spmem:s1] =	stream.indirect.scatter.add.f32 [tilespmem:s14], [sflag:$0x5], $0x8, s3, s8, $0xb8;
	[tilespmem:$0xDEA8] =	vst v63  }
0x55: {  	s19 =	sadd.s32 @!p1 s19, s10;
	_ =	swait.ge [sflag:s15], $0x3E80  }
0x56: {  	s21 =	simm.s32 @!p1 $0x0;
	s19 =	sshrl.u32 @!p1 s19, $0x3;
	[sflag:s15] =	ssyncset.done $0x0  }
0x57: {  	s22 =	simm.s32 @!p1 $0xFA0;
	s20 =	sadd.s32 @!p1 s6, s19;
	[sflag:s15] =	ssyncadd.s32 $0xFFFFC180  }
0x58: {  	[tilespmem:s21], [sflag:$0x1] =	stream.linear.gather @!p1 [hbm4b:s20+s21], $0x7D0, $0x38;
	[tilespmem:$0xDEA8] =	vst v63  }
0x59: {  	s19 =	sadd.s32 @!p1 s5, s19;
	s20 =	simm.s32 @!p1 $0x7D0;
	s21 =	simm.s32 @!p1 $0x4E200  }
0x5a: {  	[tilespmem:s22], [sflag:$0x3] =	stream.strided.gather @!p1 [hbm4b:s19+s20], $0x3E80, s21, s20, $0x38;
	[tilespmem:$0xDEA8] =	vst v63  }
0x5b: {  	_ =	swait.ge [sflag:s16], $0x7D0  }
0x5c: {  	[sflag:s16] =	ssyncset.done $0x0  }
0x5d: {  	[sflag:s16] =	ssyncadd.s32 $0xFFFFF830  }
0x5e: {  	s30 =	simm.s32 $0x0;
	_ =	swait.ge [sflag:s17], $0x3E80  }
0x5f: {  	v1 =	vmov s30;
	[sflag:s17] =	ssyncset.done $0x0  }
0x60: {  	s31 =	simm.s32 $0x0;
	v1 =	vshll.u32 v1, $0x3;
	[sflag:s17] =	ssyncadd.s32 $0xFFFFC180  }
0x61: {  	v3 =	vor.u32 v0, v1;
	v2 =	vld [tilespmem:s31+$0x4E20];
	_ =	sdelay $0x4  }
0x62: {  	[tilespmem:v3+s14+$0x0] =	vst.idx.msk $0xffff, v2  }
0x63: {  	v2 =	vor.u32 $0x1, v3;
	v1 =	vld [tilespmem:s31+$0x55F0];
	_ =	sdelay $0x4  }
0x64: {  	[tilespmem:v2+s14+$0x0] =	vst.idx.msk $0xffff, v1  }
0x65: {  	v2 =	vor.u32 $0x2, v3;
	v1 =	vld [tilespmem:s31+$0x5DC0];
	_ =	sdelay $0x4  }
0x66: {  	[tilespmem:v2+s14+$0x0] =	vst.idx.msk $0xffff, v1  }
0x67: {  	v2 =	vor.u32 $0x3, v3;
	v1 =	vld [tilespmem:s31+$0x6590];
	_ =	sdelay $0x4  }
0x68: {  	[tilespmem:v2+s14+$0x0] =	vst.idx.msk $0xffff, v1  }
0x69: {  	v2 =	vor.u32 $0x4, v3;
	v1 =	vld [tilespmem:s31+$0x6D60];
	_ =	sdelay $0x4  }
0x6a: {  	[tilespmem:v2+s14+$0x0] =	vst.idx.msk $0xffff, v1  }
0x6b: {  	v2 =	vor.u32 $0x5, v3;
	v1 =	vld [tilespmem:s31+$0x7530];
	_ =	sdelay $0x4  }
0x6c: {  	[tilespmem:v2+s14+$0x0] =	vst.idx.msk $0xffff, v1  }
0x6d: {  	v2 =	vor.u32 $0x6, v3;
	v1 =	vld [tilespmem:s31+$0x7D00];
	_ =	sdelay $0x4  }
0x6e: {  	[tilespmem:v2+s14+$0x0] =	vst.idx.msk $0xffff, v1  }
0x6f: {  	v2 =	vor.u32 $0x7, v3;
	v1 =	vld [tilespmem:s31+$0x84D0];
	_ =	sdelay $0x2  }
0x70: {  	s19 =	simm.s32 $0x10  }
0x71: {  	s20 =	simm.s32 $0x40;
	s21 =	simm.s32 $0x80;
	v3 =	vmov s19  }
.LBB2_4:
0x72: {  	p1 =	sne.s32 s21, $0x1F00;
	v3 =	vshll.u32 v3, $0x3;
	s22 =	sshra.s32 s20, $0x2;
	[tilespmem:v2+s14+$0x0] =	vst.idx.msk $0xffff, v1;
	s20 =	smov.u32 s21  }
0x73: {  	v1 =	vld [tilespmem:s22+$0x4E20];
	v2 =	vor.u32 v0, v3;
	_ =	sdelay $0x4  }
0x74: {  	[tilespmem:v2+s14+$0x0] =	vst.idx.msk $0xffff, v1  }
0x75: {  	v3 =	vor.u32 $0x1, v2;
	v1 =	vld [tilespmem:s22+$0x55F0];
	_ =	sdelay $0x4  }
0x76: {  	[tilespmem:v3+s14+$0x0] =	vst.idx.msk $0xffff, v1  }
0x77: {  	v3 =	vor.u32 $0x2, v2;
	v1 =	vld [tilespmem:s22+$0x5DC0];
	_ =	sdelay $0x4  }
0x78: {  	[tilespmem:v3+s14+$0x0] =	vst.idx.msk $0xffff, v1  }
0x79: {  	v3 =	vor.u32 $0x3, v2;
	v1 =	vld [tilespmem:s22+$0x6590];
	_ =	sdelay $0x4  }
0x7a: {  	[tilespmem:v3+s14+$0x0] =	vst.idx.msk $0xffff, v1  }
0x7b: {  	v3 =	vor.u32 $0x4, v2;
	v1 =	vld [tilespmem:s22+$0x6D60];
	_ =	sdelay $0x4  }
0x7c: {  	[tilespmem:v3+s14+$0x0] =	vst.idx.msk $0xffff, v1  }
0x7d: {  	v3 =	vor.u32 $0x5, v2;
	v1 =	vld [tilespmem:s22+$0x7530];
	_ =	sdelay $0x4  }
0x7e: {  	[tilespmem:v3+s14+$0x0] =	vst.idx.msk $0xffff, v1  }
0x7f: {  	v3 =	vor.u32 $0x6, v2;
	v1 =	vld [tilespmem:s22+$0x7D00];
	_ =	sdelay $0x4  }
0x80: {  	[tilespmem:v3+s14+$0x0] =	vst.idx.msk $0xffff, v1  }
.Ltmp1:
0x81: {  	v2 =	vor.u32 $0x7, v2;
	v1 =	vld [tilespmem:s22+$0x84D0];
	(pc) =	sbr.rel @p1 .LBB2_4-.Ltmp1, $3  }
0x82: {  	_ =	sdelay $0x1  }
0x83: {  	s19 =	sadd.s32 $0x10, s19  }
0x84: {  	s21 =	sadd.s32 $0x40, s21;
	v3 =	vmov s19  }
0x85: {  	_ =	sdelay $0x3  }
0x86: {  	v3 =	vshll.u32 v3, $0x3;
	s19 =	sshra.s32 s20, $0x2;
	[tilespmem:v2+s14+$0x0] =	vst.idx.msk $0xffff, v1  }
0x87: {  	v1 =	vld [tilespmem:s19+$0x4E20];
	v2 =	vor.u32 v0, v3;
	_ =	sdelay $0x4  }
0x88: {  	[tilespmem:v2+s14+$0x0] =	vst.idx.msk $0xffff, v1  }
0x89: {  	v3 =	vor.u32 $0x1, v2;
	v1 =	vld [tilespmem:s19+$0x55F0];
	_ =	sdelay $0x4  }
0x8a: {  	[tilespmem:v3+s14+$0x0] =	vst.idx.msk $0xffff, v1  }
0x8b: {  	v3 =	vor.u32 $0x2, v2;
	v1 =	vld [tilespmem:s19+$0x5DC0];
	_ =	sdelay $0x4  }
0x8c: {  	[tilespmem:v3+s14+$0x0] =	vst.idx.msk $0xffff, v1  }
0x8d: {  	v3 =	vor.u32 $0x3, v2;
	v1 =	vld [tilespmem:s19+$0x6590];
	_ =	sdelay $0x4  }
0x8e: {  	[tilespmem:v3+s14+$0x0] =	vst.idx.msk $0xffff, v1  }
0x8f: {  	v3 =	vor.u32 $0x4, v2;
	v1 =	vld [tilespmem:s19+$0x6D60];
	_ =	sdelay $0x4  }
0x90: {  	[tilespmem:v3+s14+$0x0] =	vst.idx.msk $0xffff, v1  }
0x91: {  	v3 =	vor.u32 $0x5, v2;
	v1 =	vld [tilespmem:s19+$0x7530];
	_ =	sdelay $0x4  }
0x92: {  	[tilespmem:v3+s14+$0x0] =	vst.idx.msk $0xffff, v1  }
0x93: {  	v3 =	vor.u32 $0x6, v2;
	v1 =	vld [tilespmem:s19+$0x7D00];
	_ =	sdelay $0x4  }
0x94: {  	[tilespmem:v3+s14+$0x0] =	vst.idx.msk $0xffff, v1  }
0x95: {  	v2 =	vor.u32 $0x7, v2;
	v1 =	vld [tilespmem:s19+$0x84D0];
	_ =	sdelay $0x2  }
0x96: {  	s18 =	sadd.s32 $0x1, s18  }
0x97: {  	p1 =	sne.s32 s18, $0x5  }
.Ltmp2:
0x98: {  	[tilespmem:v2+s14+$0x0] =	vst.idx.msk $0xffff, v1;
	(pc) =	sbr.rel @p1 .LBB2_1-.Ltmp2, $4  }
0x99: {  	[spmem:s1] =	stream.indirect.scatter.add.f32 [tilespmem:s14], [sflag:$0x5], $0x8, s8, s8, $0xb8;
	[tilespmem:$0xDEA8] =	vst v63  }
0x9a: {  	_ =	swait.ge [sflag:s15], $0x3E80  }
0x9b: {  	[sflag:s15] =	ssyncset.done $0x0  }
0x9c: {  	[sflag:s15] =	ssyncadd.s32 $0xFFFFC180  }
0x9d: {  	[bflag:$0x0] =	sbarrier.arrive $0xFFFF  }
0x9e: {  	_ =	sfence.sel @p0 $0x180000  }
0x9f: {  	[bflag:$0x0] =	sbarrier.arrive @p0 $0xFFFF  }
0xa0: {  	_ =	strace @p0 $0x90000050  }
0xa1: {  	s1 =	simm.s32 @!p0 $0x1C05;
	[bflag:$0x2] =	sbarrier.arrive @p0 $0xFFFF  }
0xa2: {  	[hbm:s4], [sflag:s1] =	dma.local @!p0 [spmem:s2], $0x2710  }
0xa3: {  	s1 =	simm.s32 @!p0 $0x5  }
0xa4: {  	_ =	swait.ge @!p0 [sflag:s1], $0x2710  }
0xa5: {  	[sflag:s1] =	ssyncset.done @!p0 $0x0  }
0xa6: {  	[sflag:s1] =	ssyncadd.s32 @!p0 $0xFFFFD8F0  }
0xa7: {  	_ =	sfence.sel @!p0 $0x180000  }
0xa8: {  	[bflag:$0x0] =	sbarrier.arrive @!p0 $0xFFFF  }
0xa9: {  	_ =	strace @!p0 $0x90000050  }
0xaa: {  	s0 =	sadd.s32 @!p0 $0x100000, s0;
	[bflag:$0x2] =	sbarrier.arrive @!p0 $0xFFFF  }
0xab: {  	[sflag:s0] =	ssyncadd.tile.s32 @!p0 $0x1;
	_ =	shalt  }
.Lfunc_end2:
_tile_overlayer_lowered:
.L_overlay_start_2:
0xac: {  	(tag) =	ssettag $0x2  }
0xad: {  	s0 =	rddreg [dreg:$0x0];
	s2 =	stileid.u32  }
0xae: {  	s1 =	rddreg [dreg:$0x1];
	p0 =	sne.s32 s2, $0x0  }
0xaf: {  	s3 =	rddreg [dreg:$0x2];
	[bflag:$0x3] =	sbarrier.arrive $0xFFFF;
	s2 =	simm.s32 @!p0 $0x1C05  }
0xb0: {  	[timem:s3], [sflag:s2] =	dma.local @!p0 [hbm:s0], s1  }
0xb1: {  	s0 =	simm.s32 @!p0 $0x5  }
0xb2: {  	_ =	swait.ge @!p0 [sflag:s0], s1  }
0xb3: {  	s1 =	ssub.s32 @!p0 $0x0, s1;
	[sflag:s0] =	ssyncset.done @!p0 $0x0  }
0xb4: {  	[sflag:s0] =	ssyncadd.s32 @!p0 s1  }
0xb5: {  	[bflag:$0x3] =	sbarrier.arrive $0xFFFF  }
0xb6: {  	_ =	shalt  }

// kernel: kernel.23.cloned.1.call-start
scs
__scs_entry_jumppad:
0x0: {  	(pc) =	sbr.rel $0x88, $3  }
0x1: {  	(tag) =	ssettag $0x0;
	lr =	simm.s32 $0x1  }
0x2: {  	[smem:$0x3F7D] =	sst lr;
	_ =	strace $0xD0000000  }
0x3: {  	_ = 	snop  }
0x4: {  	_ = 	snop  }
0x5: {  	_ = 	snop  }
0x6: {  	_ = 	snop  }
0x7: {  	_ = 	snop  }
__scs_overlays_trampoline_lowered:
0x8: {  	[smem:$0x3F8C] =	sst s0  }
0x9: {  	[smem:$0x3F8D] =	sst s1  }
0xa: {  	[smem:$0x3F8E] =	sst s2  }
0xb: {  	[smem:$0x3F8F] =	sst s3  }
0xc: {  	[smem:$0x3F90] =	sst s4  }
0xd: {  	[smem:$0x3F91] =	sst s5  }
0xe: {  	[smem:$0x3F92] =	sst s6  }
0xf: {  	[smem:$0x3F93] =	sst s7  }
0x10: {  	[smem:$0x3F94] =	sst s8  }
0x11: {  	[smem:$0x3F95] =	sst s9;
	s0 =	simm.s32 @!p0 $0x0  }
0x12: {  	s1 =	sld [smem:$0x3F7B];
	s0 =	simm.s32 @p0 $0x1  }
0x13: {  	[smem:$0x3F96] =	sst s0;
	s0 =	simm.s32 @!p1 $0x0  }
0x14: {  	s2 =	sld [smem:$0x3F7A];
	s0 =	simm.s32 @p1 $0x1  }
0x15: {  	[smem:$0x3F97] =	sst s0;
	s0 =	simm.s32 @!p2 $0x0  }
0x16: {  	s3 =	sld [smem:$0x3FDB];
	s0 =	simm.s32 @p2 $0x1  }
0x17: {  	s4 =	simm.s32 $0x1BF5;
	[smem:$0x3F99] =	sst s0  }
0x18: {  	s0 =	sld [smem:$0x3F7C];
	_ =	swait.ge [sflag:s4], $0x0  }
0x19: {  	s7 =	sld [smem:$0x3F7D]  }
0x1a: {  	s8 =	sadd.s32 $0xFFFFE003, lr  }
0x1b: {  	s9 =	sadd.s32 $0xFFFFFEF7, lr;
	s5 =	simm.s32 $0xFFFFFFFF;
	p2 =	slt.u32 s8, $0xFFFFF086  }
0x1c: {  	p1 =	slt.u32 s9, $0xF7A;
	s5 =	simm.s32 @!p2 $0x0  }
0x1d: {  	s5 =	simm.s32 @p1 $0x1;
	p0 =	seq.s32 s7, s2  }
0x1e: {  	s7 =	smul.u32 @!p0 $0xF7A, s2;
	p2 =	seq.s32 @!p0 s5, $0x0  }
0x1f: {  	s9 =	smul.u32 $0xF7A, s1;
	s8 =	simm.s32 @!p0 $0x1BF5;
	p2 =	por !p2, p0  }
0x20: {  	[sflag:s8] =	ssyncset.s32 @!p0 $0xFFFFF086;
	s6 =	sadd.s32 @!p0 s3, s7;
	s7 =	simm.s32 @!p0 $0x108  }
0x21: {  	s3 =	sadd.s32 s3, s9;
	s6 =	sadd.s32 @!p0 $0x88, s6;
	s7 =	simm.s32 @p2 $0x1082  }
0x22: {  	[simem:s7], [sflag:s8] =	dma.local @!p0 [hbm:s6], $0xF7A  }
0x23: {  	s9 =	sor.u32 $0xD0000000, s2;
	s6 =	simm.s32 $0x108;
	_ =	swait.ge @!p0 [sflag:s8], $0x0  }
0x24: {  	s3 =	sadd.s32 $0x88, s3;
	s6 =	simm.s32 @!p1 $0x1082;
	[sflag:s4] =	ssyncset.s32 $0xFFFFF086  }
0x25: {  	[simem:s6], [sflag:s4] =	dma.local [hbm:s3], $0xF7A  }
0x26: {  	[smem:$0x3F7D] =	sst s1;
	(tag) =	ssettag s2;
	_ =	strace s9  }
0x27: {  	s1 =	sld [smem:$0x3F8D]  }
0x28: {  	s2 =	sld [smem:$0x3F8E]  }
0x29: {  	s4 =	sld [smem:$0x3F90]  }
0x2a: {  	p0 =	seq.s32 s5, $0x0;
	s5 =	sld [smem:$0x3F91]  }
0x2b: {  	s6 =	sld [smem:$0x3F92]  }
0x2c: {  	s7 =	sld [smem:$0x3F93]  }
0x2d: {  	s3 =	simm.s32 $0x108;
	s8 =	sld [smem:$0x3F94]  }
0x2e: {  	s3 =	simm.s32 @!p0 $0x1082;
	s9 =	sld [smem:$0x3F95]  }
0x2f: {  	lr =	sadd.s32 s0, s3;
	s0 =	sld [smem:$0x3F8C]  }
0x30: {  	s3 =	sld [smem:$0x3F8F]  }
0x31: {  	[smem:$0x3F98] =	sst s10  }
0x32: {  	s10 =	sld [smem:$0x3F96];
	_ =	sdelay $0x3  }
0x33: {  	p0 =	seq.s32 s10, $0x1;
	s10 =	sld [smem:$0x3F98];
	_ =	sdelay $0x3  }
0x34: {  	[smem:$0x3F98] =	sst s10  }
0x35: {  	s10 =	sld [smem:$0x3F97];
	_ =	sdelay $0x3  }
0x36: {  	p1 =	seq.s32 s10, $0x1;
	s10 =	sld [smem:$0x3F98];
	_ =	sdelay $0x3  }
0x37: {  	[smem:$0x3F98] =	sst s10  }
0x38: {  	s10 =	sld [smem:$0x3F99]  }
0x39: {  	_ = 	snop;
	(pc) =	sbr.ind lr, $3  }
0x3a: {  	_ = 	snop  }
0x3b: {  	_ = 	snop  }
0x3c: {  	p2 =	seq.s32 s10, $0x1;
	s10 =	sld [smem:$0x3F98]  }
0x3d: {  	_ =	shalt  }
0x3e: {  	_ =	shalt  }
0x3f: {  	_ =	shalt  }
0x40: {  	_ =	shalt  }
0x41: {  	_ =	shalt  }
0x42: {  	_ =	shalt  }
0x43: {  	_ =	shalt  }
0x44: {  	_ =	shalt  }
0x45: {  	_ =	shalt  }
0x46: {  	_ =	shalt  }
0x47: {  	_ =	shalt  }
0x48: {  	_ =	shalt  }
0x49: {  	_ =	shalt  }
0x4a: {  	_ =	shalt  }
0x4b: {  	_ =	shalt  }
0x4c: {  	_ =	shalt  }
0x4d: {  	_ =	shalt  }
0x4e: {  	_ =	shalt  }
0x4f: {  	_ =	shalt  }
0x50: {  	_ =	shalt  }
0x51: {  	_ =	shalt  }
0x52: {  	_ =	shalt  }
0x53: {  	_ =	shalt  }
0x54: {  	_ =	shalt  }
0x55: {  	_ =	shalt  }
0x56: {  	_ =	shalt  }
0x57: {  	_ =	shalt  }
0x58: {  	_ =	shalt  }
0x59: {  	_ =	shalt  }
0x5a: {  	_ =	shalt  }
0x5b: {  	_ =	shalt  }
0x5c: {  	_ =	shalt  }
0x5d: {  	_ =	shalt  }
0x5e: {  	_ =	shalt  }
0x5f: {  	_ =	shalt  }
0x60: {  	_ =	shalt  }
0x61: {  	_ =	shalt  }
0x62: {  	_ =	shalt  }
0x63: {  	_ =	shalt  }
0x64: {  	_ =	shalt  }
0x65: {  	_ =	shalt  }
0x66: {  	_ =	shalt  }
0x67: {  	_ =	shalt  }
0x68: {  	_ =	shalt  }
0x69: {  	_ =	shalt  }
0x6a: {  	_ =	shalt  }
0x6b: {  	_ =	shalt  }
0x6c: {  	_ =	shalt  }
0x6d: {  	_ =	shalt  }
0x6e: {  	_ =	shalt  }
0x6f: {  	_ =	shalt  }
0x70: {  	_ =	shalt  }
0x71: {  	_ =	shalt  }
0x72: {  	_ =	shalt  }
0x73: {  	_ =	shalt  }
0x74: {  	_ =	shalt  }
0x75: {  	_ =	shalt  }
0x76: {  	_ =	shalt  }
0x77: {  	_ =	shalt  }
0x78: {  	_ =	shalt  }
0x79: {  	_ =	shalt  }
0x7a: {  	_ =	shalt  }
0x7b: {  	_ =	shalt  }
0x7c: {  	_ =	shalt  }
0x7d: {  	_ =	shalt  }
0x7e: {  	_ =	shalt  }
0x7f: {  	_ =	shalt  }
0x80: {  	_ =	shalt  }
0x81: {  	_ =	shalt  }
0x82: {  	_ =	shalt  }
0x83: {  	_ =	shalt  }
0x84: {  	_ =	shalt  }
0x85: {  	_ =	shalt  }
0x86: {  	_ =	shalt  }
0x87: {  	_ =	shalt  }
.Lfunc_end0:
.L_simem_size_0:
called_computation.4_lowered:
.L_overlay_start_0:
0x88: {  	s2 =	sld [smem:$0x3FD9]  }
0x89: {  	s3 =	sld [smem:$0x3FFE];
	_ =	sdelay $0x1  }
0x8a: {  	s1 =	srdreg.scid  }
0x8b: {  	s0 =	sand.u32 $0x1, s1  }
0x8c: {  	s16 =	sshll.u32 s0, $0xA;
	s2 =	sadd.s32 s3, s2  }
0x8d: {  	s2 =	sadd.s32 s2, s16  }
0x8e: {  	[smem:$0x3FA4] =	sst s2  }
0x8f: {  	_ = 	snop  }
0x90: {  	(tm) =	ssettm $0x1  }
0x91: {  	s17 =	sld [smem:$0x3FFB];
	_ =	sdelay $0x3  }
0x92: {  	_ =	strace s17  }
0x93: {  	s2 =	sld [smem:$0x3FFC];
	_ =	sdelay $0x3  }
0x94: {  	_ =	strace s2  }
0x95: {  	s2 =	sld [smem:$0x3FFD];
	_ =	sdelay $0x3  }
0x96: {  	_ =	strace s2  }
0x97: {  	_ =	strace $0x8FFFFFFF  }
0x98: {  	s18 =	sld [smem:$0x3FDB];
	_ =	sdelay $0x1  }
0x99: {  	s19 =	simm.s32 $_scs_section_size  }
0x9a: {  	s4 =	simm.s32 $_size__tile_overlayer_lowered;
	s5 =	simm.s32 $_tile_overlayer_lowered  }
0x9b: {  	s22 =	simm.s32 $0x1BFF;
	s21 =	sshll.u32 s5, $0x1;
	s2 =	sadd.s32 s19, s18  }
0x9c: {  	s6 =	simm.s32 $0x0;
	s20 =	sshll.u32 s4, $0x1;
	s4 =	sadd.s32 s21, s2  }
0x9d: {  	[timem:s6], [sflag:s22] =	dma.local [hbm:s4], s20  }
0x9e: {  	_ =	swait.ge [sflag:s22], s20  }
0x9f: {  	s3 =	ssub.s32 $0x0, s20;
	[sflag:s22] =	ssyncset.done $0x0  }
0xa0: {  	[sflag:s22] =	ssyncadd.s32 s3;
	_ =	sdelay $0x1  }
0xa1: {  	s23 =	simm.s32 $0x1B8B  }
0xa2: {  	_ =	swait.ge [sflag:s23], $0x1  }
0xa3: {  	[sflag:s23] =	ssyncset.done $0x0  }
0xa4: {  	s25 =	simm.s32 $0x1B8E;
	s24 =	sld [smem:$0x3FFE];
	[sflag:s23] =	ssyncadd.s32 $0xFFFFFFFF  }
0xa5: {  	s26 =	simm.s32 $execute0_lowered;
	[smem:$0x3FD2] =	sst s25  }
0xa6: {  	s4 =	sshll.u32 s26, $0x1;
	_ =	strace $0x80000052;
	[dreg:$0x1] =	wrdreg $0xFFFFFFFF  }
0xa7: {  	s28 =	simm.s32 $_size_execute0_lowered;
	s2 =	sadd.s32 s2, s4;
	[dreg:$0x0] =	wrdreg $0x0  }
0xa8: {  	s4 =	sshll.u32 s28, $0x1;
	[dreg:$0x2] =	wrdreg s2  }
0xa9: {  	[dreg:$0x3] =	wrdreg s4  }
0xaa: {  	[dreg:$0x4] =	wrdreg $0xC0  }
0xab: {  	_ =	task [dreg:s6], $0x5FFFF  }
0xac: {  	[dreg:$0x1] =	wrdreg $0xFFFFFFFF  }
0xad: {  	[dreg:$0x0] =	wrdreg $0x60  }
0xae: {  	[dreg:$0x2] =	wrdreg s24  }
0xaf: {  	[dreg:$0x3] =	wrdreg $0x9  }
0xb0: {  	_ =	task.clear_ibuf [dreg:s6], $0x4FFFF;
	_ =	strace $0x90000052  }
0xb1: {  	s29 =	simm.s32 $0x9;
	_ =	strace $0x80000054  }
0xb2: {  	_ =	swait.ge [sflag:s29], $0x1  }
0xb3: {  	[sflag:s29] =	ssyncadd.s32 $0xFFFFFFFF  }
0xb4: {  	_ =	strace $0x90000054  }
0xb5: {  	_ =	sfence  }
0xb6: {  	s30 =	sld [smem:$0x0];
	_ =	sdelay $0x2  }
0xb7: {  	s31 =	sshll.u32 s1, $0xD;
	s1 =	sshrl.u32 s1, $0x2  }
0xb8: {  	s3 =	sand.u32 $0x4000, s31;
	s1 =	sadd.s32 s1, s30  }
0xb9: {  	s0 =	sor.u32 s3, s0;
	s1 =	sshll.u32 s1, $0x11  }
0xba: {  	s0 =	sor.u32 s1, s0  }
0xbb: {  	s0 =	sadd.s32 $0x8F2B, s0  }
0xbc: {  	[sflag:s0] =	ssyncadd.remote.s32 $0x1  }
0xbd: {  	_ =	sfence.sel $0xFFFF  }
0xbe: {  	[dreg:$0x0] =	wrdreg $0xFFFFFFFF;
	(pc) =	sbr.abs _section_cstart, $3  }
0xbf: {  	[dreg:$0x1] =	wrdreg $0xFFFFFFFF  }
0xc0: {  	_ =	task.clear_ibuf [dreg:s6], $0x2FFFF;
	_ =	strace $0x9FFFFFFF  }
0xc1: {  	(tm) =	ssettm $0x7FFFFFFF  }
tec
execute0_lowered:
.L_overlay_start_1:
0x0: {  	(tag) =	ssettag $0x1  }
0x1: {  	s5 =	rddreg [dreg:$0x0]  }
0x2: {  	s0 =	rddreg [dreg:$0x1];
	s1 =	simm.s32 $0x0  }
0x3: {  	s2 =	srdreg.scid;
	s10 =	simm.s32 $0x7D0;
	s11 =	simm.s32 $0x4E200  }
0x4: {  	s12 =	simm.s32 $0x14050;
	s13 =	simm.s32 $0x0;
	[smem:$0x7FF] =	sst s1  }
0x5: {  	s6 =	sand.u32 $0x1, s2;
	s2 =	stileid.u32;
	s3 =	sadd.s32 $0x64600, s5  }
0x6: {  	s4 =	sadd.s32 $0x2800, s5;
	s5 =	sadd.s32 $0x16400, s5;
	s7 =	ssub.s32 $0x2, s6  }
0x7: {  	_ =	strace $0x80000053;
	s9 =	sshll.u32 s2, $0x1;
	s8 =	sshrl.u32 s7, $0x1  }
0x8: {  	s6 =	sor.u32 s6, s9;
	s9 =	simm.s32 $0x13880;
	s7 =	ssub.s32 s7, s8  }
0x9: {  	v0 =	vimm.f32 $0.0e+00;
	s6 =	smul.u32 $0x2710, s6;
	s8 =	simm.s32 $0x1;
	s7 =	smax.u32 s7, $0x1  }
.LBB2_1:
0xa: {  	[tilespmem:s1], [sflag:$0x1] =	stream.linear.gather [hbm4b:s3+s1], $0x13880, $0x38;
	[tilespmem:$0x17ED0] =	vst v63  }
0xb: {  	_ =	swait.ge [sflag:s8], $0x13880  }
0xc: {  	[sflag:s8] =	ssyncset.done $0x0  }
0xd: {  	s14 =	simm.s32 $0x0;
	[sflag:s8] =	ssyncadd.s32 $0xFFFEC780  }
.LBB2_2:
0xe: {  	s15 =	smul.u32 $0x7D0, s14;
	_ =	sdelay $0x1  }
0xf: {  	s15 =	sadd.s32 s6, s15  }
0x10: {  	s15 =	sshrl.u32 s15, $0x3  }
0x11: {  	s17 =	simm.s32 $0x0;
	s16 =	sadd.s32 s4, s15  }
0x12: {  	[tilespmem:s9], [sflag:$0x1] =	stream.linear.gather [hbm4b:s16+s17], $0x7D0, $0x38;
	[tilespmem:$0x17ED0] =	vst v63  }
0x13: {  	_ =	swait.ge [sflag:s8], $0x7D0  }
0x14: {  	[sflag:s8] =	ssyncset.done $0x0  }
0x15: {  	s16 =	simm.s32 $0x0;
	[sflag:s8] =	ssyncadd.s32 $0xFFFFF830  }
0x16: {  	v1 =	vld [tilespmem:s16+$0x13880];
	_ =	sdelay $0x4  }
0x17: {  	v2 =	vshll.u32 v1, $0x3;
	_ =	sdelay $0x4  }
0x18: {  	v1 =	vld.idx.msk [tilespmem:v2+s1+$0x0], $0xffff  }
0x19: {  	v3 =	vor.u32 $0x1, v2;
	_ =	sdelay $0x3  }
0x1a: {  	[tilespmem:s16+$0x14050] =	vst v1  }
0x1b: {  	v1 =	vld.idx.msk [tilespmem:v3+s1+$0x0], $0xffff  }
0x1c: {  	v3 =	vor.u32 $0x2, v2;
	_ =	sdelay $0x3  }
0x1d: {  	[tilespmem:s16+$0x14820] =	vst v1  }
0x1e: {  	v1 =	vld.idx.msk [tilespmem:v3+s1+$0x0], $0xffff  }
0x1f: {  	v2 =	vor.u32 $0x3, v2  }
0x20: {  	s18 =	simm.s32 $0x10;
	s17 =	simm.s32 $0x80  }
.LBB2_3:
0x21: {  	p0 =	sne.s32 s17, $0x1F00;
	v3 =	vld [tilespmem:s18+$0x13880];
	_ =	sdelay $0x1  }
0x22: {  	[tilespmem:s16+$0x14FF0] =	vst v1  }
0x23: {  	v1 =	vld.idx.msk [tilespmem:v2+s1+$0x0], $0xffff;
	[tilespmem:s16+$0x15F90] =	vst v0  }
0x24: {  	[tilespmem:s16+$0x16760] =	vst v0  }
0x25: {  	v2 =	vshll.u32 v3, $0x3;
	[tilespmem:s16+$0x16F30] =	vst v0  }
0x26: {  	[tilespmem:s16+$0x17700] =	vst v0;
	_ =	sdelay $0x2  }
0x27: {  	[tilespmem:s16+$0x157C0] =	vst v1;
	s16 =	smov.u32 s18  }
0x28: {  	v1 =	vld.idx.msk [tilespmem:v2+s1+$0x0], $0xffff;
	_ =	sdelay $0x1  }
0x29: {  	v3 =	vor.u32 $0x1, v2;
	_ =	sdelay $0x3  }
0x2a: {  	[tilespmem:s16+$0x14050] =	vst v1  }
0x2b: {  	v1 =	vld.idx.msk [tilespmem:v3+s1+$0x0], $0xffff;
	_ =	sdelay $0x1  }
0x2c: {  	v3 =	vor.u32 $0x2, v2;
	_ =	sdelay $0x3  }
.Ltmp0:
0x2d: {  	[tilespmem:s16+$0x14820] =	vst v1;
	(pc) =	sbr.rel @p0 .LBB2_3-.Ltmp0, $3  }
0x2e: {  	v1 =	vld.idx.msk [tilespmem:v3+s1+$0x0], $0xffff;
	_ =	sdelay $0x1  }
0x2f: {  	v2 =	vor.u32 $0x3, v2  }
0x30: {  	s18 =	sshra.s32 s17, $0x2;
	s17 =	sadd.s32 $0x40, s17  }
0x31: {  	v3 =	vld [tilespmem:s18+$0x13880];
	_ =	sdelay $0x2  }
0x32: {  	[tilespmem:s16+$0x14FF0] =	vst v1  }
0x33: {  	v1 =	vld.idx.msk [tilespmem:v2+s1+$0x0], $0xffff  }
0x34: {  	[tilespmem:s16+$0x15F90] =	vst v0;
	v2 =	vshll.u32 v3, $0x3  }
0x35: {  	[tilespmem:s16+$0x16760] =	vst v0  }
0x36: {  	[tilespmem:s16+$0x16F30] =	vst v0  }
0x37: {  	[tilespmem:s16+$0x17700] =	vst v0  }
0x38: {  	[tilespmem:s16+$0x157C0] =	vst v1  }
0x39: {  	v1 =	vld.idx.msk [tilespmem:v2+s1+$0x0], $0xffff  }
0x3a: {  	v3 =	vor.u32 $0x1, v2;
	_ =	sdelay $0x3  }
0x3b: {  	[tilespmem:s18+$0x14050] =	vst v1  }
0x3c: {  	v1 =	vld.idx.msk [tilespmem:v3+s1+$0x0], $0xffff  }
0x3d: {  	v3 =	vor.u32 $0x2, v2;
	_ =	sdelay $0x3  }
0x3e: {  	[tilespmem:s18+$0x14820] =	vst v1  }
0x3f: {  	v1 =	vld.idx.msk [tilespmem:v3+s1+$0x0], $0xffff  }
0x40: {  	v2 =	vor.u32 $0x3, v2;
	_ =	sdelay $0x3  }
0x41: {  	[tilespmem:s18+$0x14FF0] =	vst v1  }
0x42: {  	v1 =	vld.idx.msk [tilespmem:v2+s1+$0x0], $0xffff  }
0x43: {  	[tilespmem:s18+$0x15F90] =	vst v0  }
0x44: {  	[tilespmem:s18+$0x16760] =	vst v0  }
0x45: {  	s14 =	sadd.s32 $0x1, s14;
	[tilespmem:s18+$0x16F30] =	vst v0  }
0x46: {  	p0 =	sne.s32 s14, $0x5;
	[tilespmem:s18+$0x17700] =	vst v0  }
.Ltmp1:
0x47: {  	s15 =	sadd.s32 s5, s15;
	[tilespmem:s18+$0x157C0] =	vst v1;
	(pc) =	sbr.rel @p0 .LBB2_2-.Ltmp1, $4  }
0x48: {  	[hbm4b:s15+s10] =	stream.strided.scatter [tilespmem:s12], [sflag:$0x1], $0x3E80, s11, s10, $0x38;
	[tilespmem:$0x17ED0] =	vst v63  }
0x49: {  	_ =	swait.ge [sflag:s8], $0x3E80  }
0x4a: {  	[sflag:s8] =	ssyncset.done $0x0  }
0x4b: {  	[sflag:s8] =	ssyncadd.s32 $0xFFFFC180  }
0x4c: {  	s13 =	sadd.s32 $0x1, s13  }
0x4d: {  	p0 =	sne.s32 s13, s7  }
.Ltmp2:
0x4e: {  	_ = 	snop;
	(pc) =	sbr.rel @p0 .LBB2_1-.Ltmp2, $1  }
0x4f: {  	_ =	sdelay $0x3  }
0x50: {  	_ =	sfence.sel $0x180000  }
0x51: {  	[bflag:$0x0] =	sbarrier.arrive $0xFFFF  }
0x52: {  	p0 =	sne.s32 s2, $0x0;
	_ =	strace $0x90000053  }
0x53: {  	s0 =	sadd.s32 @!p0 $0x100000, s0;
	[bflag:$0x2] =	sbarrier.arrive $0xFFFF  }
0x54: {  	[sflag:s0] =	ssyncadd.tile.s32 @!p0 $0x1;
	_ =	shalt  }
.Lfunc_end2:
_tile_overlayer_lowered:
.L_overlay_start_2:
0x55: {  	(tag) =	ssettag $0x2  }
0x56: {  	s0 =	rddreg [dreg:$0x0];
	s2 =	stileid.u32  }
0x57: {  	s1 =	rddreg [dreg:$0x1];
	p0 =	sne.s32 s2, $0x0  }
0x58: {  	s3 =	rddreg [dreg:$0x2];
	[bflag:$0x3] =	sbarrier.arrive $0xFFFF;
	s2 =	simm.s32 @!p0 $0x1C01  }
0x59: {  	[timem:s3], [sflag:s2] =	dma.local @!p0 [hbm:s0], s1  }
0x5a: {  	s0 =	simm.s32 @!p0 $0x1  }
0x5b: {  	_ =	swait.ge @!p0 [sflag:s0], s1  }
0x5c: {  	s1 =	ssub.s32 @!p0 $0x0, s1;
	[sflag:s0] =	ssyncset.done @!p0 $0x0  }
0x5d: {  	[sflag:s0] =	ssyncadd.s32 @!p0 s1  }
0x5e: {  	[bflag:$0x3] =	sbarrier.arrive $0xFFFF  }
0x5f: {  	_ =	shalt  }

// kernel: kernel.26.cloned.1.call-start
scs
__scs_entry_jumppad:
0x0: {  	(pc) =	sbr.rel $0x88, $3  }
0x1: {  	(tag) =	ssettag $0x0;
	lr =	simm.s32 $0x1  }
0x2: {  	[smem:$0x3F7D] =	sst lr;
	_ =	strace $0xD0000000  }
0x3: {  	_ = 	snop  }
0x4: {  	_ = 	snop  }
0x5: {  	_ = 	snop  }
0x6: {  	_ = 	snop  }
0x7: {  	_ = 	snop  }
__scs_overlays_trampoline_lowered:
0x8: {  	[smem:$0x3F8C] =	sst s0  }
0x9: {  	[smem:$0x3F8D] =	sst s1  }
0xa: {  	[smem:$0x3F8E] =	sst s2  }
0xb: {  	[smem:$0x3F8F] =	sst s3  }
0xc: {  	[smem:$0x3F90] =	sst s4  }
0xd: {  	[smem:$0x3F91] =	sst s5  }
0xe: {  	[smem:$0x3F92] =	sst s6  }
0xf: {  	[smem:$0x3F93] =	sst s7  }
0x10: {  	[smem:$0x3F94] =	sst s8  }
0x11: {  	[smem:$0x3F95] =	sst s9;
	s0 =	simm.s32 @!p0 $0x0  }
0x12: {  	s1 =	sld [smem:$0x3F7B];
	s0 =	simm.s32 @p0 $0x1  }
0x13: {  	[smem:$0x3F96] =	sst s0;
	s0 =	simm.s32 @!p1 $0x0  }
0x14: {  	s2 =	sld [smem:$0x3F7A];
	s0 =	simm.s32 @p1 $0x1  }
0x15: {  	[smem:$0x3F97] =	sst s0;
	s0 =	simm.s32 @!p2 $0x0  }
0x16: {  	s3 =	sld [smem:$0x3FDB];
	s0 =	simm.s32 @p2 $0x1  }
0x17: {  	s4 =	simm.s32 $0x1BF5;
	[smem:$0x3F99] =	sst s0  }
0x18: {  	s0 =	sld [smem:$0x3F7C];
	_ =	swait.ge [sflag:s4], $0x0  }
0x19: {  	s7 =	sld [smem:$0x3F7D]  }
0x1a: {  	s8 =	sadd.s32 $0xFFFFE003, lr  }
0x1b: {  	s9 =	sadd.s32 $0xFFFFFEF7, lr;
	s5 =	simm.s32 $0xFFFFFFFF;
	p2 =	slt.u32 s8, $0xFFFFF086  }
0x1c: {  	p1 =	slt.u32 s9, $0xF7A;
	s5 =	simm.s32 @!p2 $0x0  }
0x1d: {  	s5 =	simm.s32 @p1 $0x1;
	p0 =	seq.s32 s7, s2  }
0x1e: {  	s7 =	smul.u32 @!p0 $0xF7A, s2;
	p2 =	seq.s32 @!p0 s5, $0x0  }
0x1f: {  	s9 =	smul.u32 $0xF7A, s1;
	s8 =	simm.s32 @!p0 $0x1BF5;
	p2 =	por !p2, p0  }
0x20: {  	[sflag:s8] =	ssyncset.s32 @!p0 $0xFFFFF086;
	s6 =	sadd.s32 @!p0 s3, s7;
	s7 =	simm.s32 @!p0 $0x108  }
0x21: {  	s3 =	sadd.s32 s3, s9;
	s6 =	sadd.s32 @!p0 $0x88, s6;
	s7 =	simm.s32 @p2 $0x1082  }
0x22: {  	[simem:s7], [sflag:s8] =	dma.local @!p0 [hbm:s6], $0xF7A  }
0x23: {  	s9 =	sor.u32 $0xD0000000, s2;
	s6 =	simm.s32 $0x108;
	_ =	swait.ge @!p0 [sflag:s8], $0x0  }
0x24: {  	s3 =	sadd.s32 $0x88, s3;
	s6 =	simm.s32 @!p1 $0x1082;
	[sflag:s4] =	ssyncset.s32 $0xFFFFF086  }
0x25: {  	[simem:s6], [sflag:s4] =	dma.local [hbm:s3], $0xF7A  }
0x26: {  	[smem:$0x3F7D] =	sst s1;
	(tag) =	ssettag s2;
	_ =	strace s9  }
0x27: {  	s1 =	sld [smem:$0x3F8D]  }
0x28: {  	s2 =	sld [smem:$0x3F8E]  }
0x29: {  	s4 =	sld [smem:$0x3F90]  }
0x2a: {  	p0 =	seq.s32 s5, $0x0;
	s5 =	sld [smem:$0x3F91]  }
0x2b: {  	s6 =	sld [smem:$0x3F92]  }
0x2c: {  	s7 =	sld [smem:$0x3F93]  }
0x2d: {  	s3 =	simm.s32 $0x108;
	s8 =	sld [smem:$0x3F94]  }
0x2e: {  	s3 =	simm.s32 @!p0 $0x1082;
	s9 =	sld [smem:$0x3F95]  }
0x2f: {  	lr =	sadd.s32 s0, s3;
	s0 =	sld [smem:$0x3F8C]  }
0x30: {  	s3 =	sld [smem:$0x3F8F]  }
0x31: {  	[smem:$0x3F98] =	sst s10  }
0x32: {  	s10 =	sld [smem:$0x3F96];
	_ =	sdelay $0x3  }
0x33: {  	p0 =	seq.s32 s10, $0x1;
	s10 =	sld [smem:$0x3F98];
	_ =	sdelay $0x3  }
0x34: {  	[smem:$0x3F98] =	sst s10  }
0x35: {  	s10 =	sld [smem:$0x3F97];
	_ =	sdelay $0x3  }
0x36: {  	p1 =	seq.s32 s10, $0x1;
	s10 =	sld [smem:$0x3F98];
	_ =	sdelay $0x3  }
0x37: {  	[smem:$0x3F98] =	sst s10  }
0x38: {  	s10 =	sld [smem:$0x3F99]  }
0x39: {  	_ = 	snop;
	(pc) =	sbr.ind lr, $3  }
0x3a: {  	_ = 	snop  }
0x3b: {  	_ = 	snop  }
0x3c: {  	p2 =	seq.s32 s10, $0x1;
	s10 =	sld [smem:$0x3F98]  }
0x3d: {  	_ =	shalt  }
0x3e: {  	_ =	shalt  }
0x3f: {  	_ =	shalt  }
0x40: {  	_ =	shalt  }
0x41: {  	_ =	shalt  }
0x42: {  	_ =	shalt  }
0x43: {  	_ =	shalt  }
0x44: {  	_ =	shalt  }
0x45: {  	_ =	shalt  }
0x46: {  	_ =	shalt  }
0x47: {  	_ =	shalt  }
0x48: {  	_ =	shalt  }
0x49: {  	_ =	shalt  }
0x4a: {  	_ =	shalt  }
0x4b: {  	_ =	shalt  }
0x4c: {  	_ =	shalt  }
0x4d: {  	_ =	shalt  }
0x4e: {  	_ =	shalt  }
0x4f: {  	_ =	shalt  }
0x50: {  	_ =	shalt  }
0x51: {  	_ =	shalt  }
0x52: {  	_ =	shalt  }
0x53: {  	_ =	shalt  }
0x54: {  	_ =	shalt  }
0x55: {  	_ =	shalt  }
0x56: {  	_ =	shalt  }
0x57: {  	_ =	shalt  }
0x58: {  	_ =	shalt  }
0x59: {  	_ =	shalt  }
0x5a: {  	_ =	shalt  }
0x5b: {  	_ =	shalt  }
0x5c: {  	_ =	shalt  }
0x5d: {  	_ =	shalt  }
0x5e: {  	_ =	shalt  }
0x5f: {  	_ =	shalt  }
0x60: {  	_ =	shalt  }
0x61: {  	_ =	shalt  }
0x62: {  	_ =	shalt  }
0x63: {  	_ =	shalt  }
0x64: {  	_ =	shalt  }
0x65: {  	_ =	shalt  }
0x66: {  	_ =	shalt  }
0x67: {  	_ =	shalt  }
0x68: {  	_ =	shalt  }
0x69: {  	_ =	shalt  }
0x6a: {  	_ =	shalt  }
0x6b: {  	_ =	shalt  }
0x6c: {  	_ =	shalt  }
0x6d: {  	_ =	shalt  }
0x6e: {  	_ =	shalt  }
0x6f: {  	_ =	shalt  }
0x70: {  	_ =	shalt  }
0x71: {  	_ =	shalt  }
0x72: {  	_ =	shalt  }
0x73: {  	_ =	shalt  }
0x74: {  	_ =	shalt  }
0x75: {  	_ =	shalt  }
0x76: {  	_ =	shalt  }
0x77: {  	_ =	shalt  }
0x78: {  	_ =	shalt  }
0x79: {  	_ =	shalt  }
0x7a: {  	_ =	shalt  }
0x7b: {  	_ =	shalt  }
0x7c: {  	_ =	shalt  }
0x7d: {  	_ =	shalt  }
0x7e: {  	_ =	shalt  }
0x7f: {  	_ =	shalt  }
0x80: {  	_ =	shalt  }
0x81: {  	_ =	shalt  }
0x82: {  	_ =	shalt  }
0x83: {  	_ =	shalt  }
0x84: {  	_ =	shalt  }
0x85: {  	_ =	shalt  }
0x86: {  	_ =	shalt  }
0x87: {  	_ =	shalt  }
.Lfunc_end0:
.L_simem_size_0:
called_computation.5_lowered:
.L_overlay_start_0:
0x88: {  	s0 =	sld [smem:$0x3FD9]  }
0x89: {  	s1 =	sld [smem:$0x3FFE];
	_ =	sdelay $0x3  }
0x8a: {  	s0 =	sadd.s32 s1, s0  }
0x8b: {  	[smem:$0x3FA4] =	sst s0  }
0x8c: {  	_ = 	snop  }
0x8d: {  	(tm) =	ssettm $0x1  }
0x8e: {  	s15 =	sld [smem:$0x3FFB];
	_ =	sdelay $0x3  }
0x8f: {  	_ =	strace s15  }
0x90: {  	s0 =	sld [smem:$0x3FFC];
	_ =	sdelay $0x3  }
0x91: {  	_ =	strace s0  }
0x92: {  	s0 =	sld [smem:$0x3FFD];
	_ =	sdelay $0x3  }
0x93: {  	_ =	strace s0  }
0x94: {  	_ =	strace $0x8FFFFFFF  }
0x95: {  	s16 =	sld [smem:$0x3FDB];
	_ =	sdelay $0x1  }
0x96: {  	s17 =	simm.s32 $_scs_section_size  }
0x97: {  	s2 =	simm.s32 $_size__tile_overlayer_lowered;
	s3 =	simm.s32 $_tile_overlayer_lowered  }
0x98: {  	s20 =	simm.s32 $0x1BFF;
	s19 =	sshll.u32 s3, $0x1;
	s0 =	sadd.s32 s17, s16  }
0x99: {  	s4 =	simm.s32 $0x0;
	s18 =	sshll.u32 s2, $0x1;
	s2 =	sadd.s32 s19, s0  }
0x9a: {  	[timem:s4], [sflag:s20] =	dma.local [hbm:s2], s18  }
0x9b: {  	_ =	swait.ge [sflag:s20], s18  }
0x9c: {  	s1 =	ssub.s32 $0x0, s18;
	[sflag:s20] =	ssyncset.done $0x0  }
0x9d: {  	[sflag:s20] =	ssyncadd.s32 s1;
	_ =	sdelay $0x1  }
0x9e: {  	s21 =	simm.s32 $0x1B8B  }
0x9f: {  	_ =	swait.ge [sflag:s21], $0x1  }
0xa0: {  	[sflag:s21] =	ssyncset.done $0x0  }
0xa1: {  	s23 =	simm.s32 $0x1B8E;
	s22 =	sld [smem:$0x3FFE];
	[sflag:s21] =	ssyncadd.s32 $0xFFFFFFFF  }
0xa2: {  	s24 =	simm.s32 $execute0_lowered;
	[smem:$0x3FD2] =	sst s23  }
0xa3: {  	s2 =	sshll.u32 s24, $0x1;
	_ =	strace $0x80000055;
	[dreg:$0x1] =	wrdreg $0xFFFFFFFF  }
0xa4: {  	s25 =	simm.s32 $_size_execute0_lowered;
	s0 =	sadd.s32 s0, s2;
	[dreg:$0x0] =	wrdreg $0x0  }
0xa5: {  	s2 =	sshll.u32 s25, $0x1;
	[dreg:$0x2] =	wrdreg s0  }
0xa6: {  	[dreg:$0x3] =	wrdreg s2  }
0xa7: {  	[dreg:$0x4] =	wrdreg $0xC0  }
0xa8: {  	_ =	task [dreg:s4], $0x5FFFF  }
0xa9: {  	[dreg:$0x1] =	wrdreg $0xFFFFFFFF  }
0xaa: {  	[dreg:$0x0] =	wrdreg $0x60  }
0xab: {  	[dreg:$0x2] =	wrdreg s22  }
0xac: {  	[dreg:$0x3] =	wrdreg $0xCB200  }
0xad: {  	[dreg:$0x4] =	wrdreg $0x9  }
0xae: {  	_ =	task.clear_ibuf [dreg:s4], $0x5FFFF;
	_ =	strace $0x90000055  }
0xaf: {  	s26 =	simm.s32 $0x9;
	_ =	strace $0x80000057  }
0xb0: {  	_ =	swait.ge [sflag:s26], $0x1  }
0xb1: {  	[sflag:s26] =	ssyncadd.s32 $0xFFFFFFFF  }
0xb2: {  	_ =	strace $0x90000057  }
0xb3: {  	_ =	sfence  }
0xb4: {  	s28 =	sld [smem:$0x0];
	_ =	sdelay $0x1  }
0xb5: {  	s29 =	srdreg.scid  }
0xb6: {  	s30 =	sshll.u32 s29, $0xD;
	s31 =	sshrl.u32 s29, $0x2  }
0xb7: {  	s1 =	sand.u32 $0x1, s29;
	s2 =	sand.u32 $0x4000, s30;
	s0 =	sadd.s32 s31, s28  }
0xb8: {  	s1 =	sor.u32 s2, s1;
	s0 =	sshll.u32 s0, $0x11  }
0xb9: {  	s0 =	sor.u32 s0, s1  }
0xba: {  	s0 =	sadd.s32 $0x8F2B, s0  }
0xbb: {  	[sflag:s0] =	ssyncadd.remote.s32 $0x1  }
0xbc: {  	_ =	sfence.sel $0xFFFF  }
0xbd: {  	[dreg:$0x0] =	wrdreg $0xFFFFFFFF;
	(pc) =	sbr.abs _section_cstart, $3  }
0xbe: {  	[dreg:$0x1] =	wrdreg $0xFFFFFFFF  }
0xbf: {  	_ =	task.clear_ibuf [dreg:s4], $0x2FFFF;
	_ =	strace $0x9FFFFFFF  }
0xc0: {  	(tm) =	ssettm $0x7FFFFFFF  }
0xc1: {  	_ =	shalt  }
tec
execute0_lowered:
.L_overlay_start_1:
0x0: {  	(tag) =	ssettag $0x1  }
0x1: {  	s4 =	rddreg [dreg:$0x0]  }
0x2: {  	s1 =	rddreg [dreg:$0x1]  }
0x3: {  	s0 =	rddreg [dreg:$0x2]  }
0x4: {  	s3 =	simm.s32 $0x0;
	s5 =	stileid.u32;
	s12 =	simm.s32 $0xFA0  }
0x5: {  	s13 =	simm.s32 $0x3;
	s14 =	simm.s32 $0x8CA0;
	s15 =	simm.s32 $0x5  }
0x6: {  	[smem:$0x7FF] =	sst s3;
	p0 =	sne.s32 s5, $0x0;
	s6 =	sadd.s32 $0x64600, s4  }
0x7: {  	_ =	strace $0x80000056;
	s2 =	sshrl.u32 @!p0 s1, $0x3;
	s7 =	simm.s32 @!p0 $0x1C05  }
0x8: {  	[spmem:s2], [sflag:s7] =	dma.local @!p0 [hbm:s6], $0x2710  }
0x9: {  	s16 =	simm.s32 $0x2;
	s17 =	simm.s32 $0x4;
	s7 =	simm.s32 @!p0 $0x5  }
0xa: {  	s18 =	simm.s32 $0x0;
	s10 =	smul.u32 $0x4E20, s5;
	_ =	swait.ge @!p0 [sflag:s7], $0x2710  }
0xb: {  	s5 =	sadd.s32 $0x16400, s4;
	s6 =	sadd.s32 $0xC600, s4;
	[sflag:s7] =	ssyncset.done @!p0 $0x0  }
0xc: {  	s8 =	sshrl.u32 s10, $0x3;
	s4 =	sadd.s32 $0x2800, s4;
	[sflag:s7] =	ssyncadd.s32 @!p0 $0xFFFFD8F0  }
0xd: {  	s9 =	sadd.s32 s6, s8;
	s11 =	sadd.s32 s5, s8;
	[bflag:$0x0] =	sbarrier.arrive $0xFFFF  }
0xe: {  	[tilespmem:s3], [sflag:$0x1] =	stream.linear.gather [hbm4b:s9+s3], $0x7D0, $0x38;
	[tilespmem:$0xDEA8] =	vst v63  }
0xf: {  	s8 =	simm.s32 $0x7D0;
	s7 =	sadd.s32 $0x7D0, s10;
	s9 =	simm.s32 $0x4E200  }
0x10: {  	v0 =	vlaneseq.u32;
	[tilespmem:s12], [sflag:$0x3] =	stream.strided.gather [hbm4b:s11+s8], $0x3E80, s9, s8, $0x38;
	[tilespmem:$0xDEA8] =	vst v63  }
0x11: {  	v0 =	vmul.u32 $0x8, v0;
	s10 =	sadd.s32 $0xFA0, s10;
	s11 =	simm.s32 $0x4E20;
	s12 =	simm.s32 $0x1  }
.LBB2_1:
0x12: {  	s19 =	smul.u32 $0xFA0, s18;
	_ =	sdelay $0x1  }
0x13: {  	s20 =	sadd.s32 s19, s7  }
0x14: {  	s20 =	sshrl.u32 s20, $0x3  }
0x15: {  	s21 =	sadd.s32 s6, s20  }
0x16: {  	[tilespmem:s8], [sflag:$0x2] =	stream.linear.gather [hbm4b:s21+s3], $0x7D0, $0x38;
	[tilespmem:$0xDEA8] =	vst v63  }
0x17: {  	s20 =	sadd.s32 s5, s20  }
0x18: {  	[tilespmem:s11], [sflag:$0x4] =	stream.strided.gather [hbm4b:s20+s8], $0x3E80, s9, s8, $0x38;
	[tilespmem:$0xDEA8] =	vst v63  }
0x19: {  	_ =	swait.ge [sflag:s12], $0x7D0  }
0x1a: {  	[sflag:s12] =	ssyncset.done $0x0  }
0x1b: {  	[sflag:s12] =	ssyncadd.s32 $0xFFFFF830  }
0x1c: {  	_ =	swait.ge [sflag:s13], $0x3E80  }
0x1d: {  	v1 =	vmov s3;
	[sflag:s13] =	ssyncset.done $0x0  }
0x1e: {  	v1 =	vshll.u32 v1, $0x3;
	s20 =	simm.s32 $0x2EE0;
	[sflag:s13] =	ssyncadd.s32 $0xFFFFC180  }
0x1f: {  	v3 =	vor.u32 v0, v1;
	v2 =	vld [tilespmem:s20+$0xFFFFE0C0];
	_ =	sdelay $0x4  }
0x20: {  	[tilespmem:v3+s14+$0x0] =	vst.idx.msk $0xffff, v2  }
0x21: {  	v2 =	vor.u32 $0x1, v3;
	v1 =	vld [tilespmem:s20+$0xFFFFE890];
	_ =	sdelay $0x4  }
0x22: {  	[tilespmem:v2+s14+$0x0] =	vst.idx.msk $0xffff, v1  }
0x23: {  	v2 =	vor.u32 $0x2, v3;
	v1 =	vld [tilespmem:s20+$0xFFFFF060];
	_ =	sdelay $0x4  }
0x24: {  	[tilespmem:v2+s14+$0x0] =	vst.idx.msk $0xffff, v1  }
0x25: {  	v2 =	vor.u32 $0x3, v3;
	v1 =	vld [tilespmem:s20+$0xFFFFF830];
	_ =	sdelay $0x4  }
0x26: {  	[tilespmem:v2+s14+$0x0] =	vst.idx.msk $0xffff, v1  }
0x27: {  	v2 =	vor.u32 $0x4, v3;
	v1 =	vld [tilespmem:s20+$0x0];
	_ =	sdelay $0x4  }
0x28: {  	[tilespmem:v2+s14+$0x0] =	vst.idx.msk $0xffff, v1  }
0x29: {  	v2 =	vor.u32 $0x5, v3;
	v1 =	vld [tilespmem:s20+$0x7D0];
	_ =	sdelay $0x4  }
0x2a: {  	[tilespmem:v2+s14+$0x0] =	vst.idx.msk $0xffff, v1  }
0x2b: {  	v2 =	vor.u32 $0x6, v3;
	v1 =	vld [tilespmem:s20+$0xFA0];
	_ =	sdelay $0x4  }
0x2c: {  	[tilespmem:v2+s14+$0x0] =	vst.idx.msk $0xffff, v1  }
0x2d: {  	v2 =	vor.u32 $0x7, v3;
	v1 =	vld [tilespmem:s20+$0x1770];
	_ =	sdelay $0x2  }
0x2e: {  	s31 =	simm.s32 $0x10  }
0x2f: {  	s21 =	simm.s32 $0x20;
	v3 =	vmov s31  }
.LBB2_2:
0x30: {  	p1 =	sne.s32 s21, $0x7C0;
	v3 =	vshll.u32 v3, $0x3;
	[tilespmem:v2+s14+$0x0] =	vst.idx.msk $0xffff, v1;
	s20 =	sadd.s32 $0x10, s20  }
0x31: {  	v1 =	vld [tilespmem:s20+$0xFFFFE0C0];
	v2 =	vor.u32 v0, v3;
	_ =	sdelay $0x4  }
0x32: {  	[tilespmem:v2+s14+$0x0] =	vst.idx.msk $0xffff, v1  }
0x33: {  	v3 =	vor.u32 $0x1, v2;
	v1 =	vld [tilespmem:s20+$0xFFFFE890];
	_ =	sdelay $0x4  }
0x34: {  	[tilespmem:v3+s14+$0x0] =	vst.idx.msk $0xffff, v1  }
0x35: {  	v3 =	vor.u32 $0x2, v2;
	v1 =	vld [tilespmem:s20+$0xFFFFF060];
	_ =	sdelay $0x4  }
0x36: {  	[tilespmem:v3+s14+$0x0] =	vst.idx.msk $0xffff, v1  }
0x37: {  	v3 =	vor.u32 $0x3, v2;
	v1 =	vld [tilespmem:s20+$0xFFFFF830];
	_ =	sdelay $0x4  }
0x38: {  	[tilespmem:v3+s14+$0x0] =	vst.idx.msk $0xffff, v1  }
0x39: {  	v3 =	vor.u32 $0x4, v2;
	v1 =	vld [tilespmem:s20+$0x0];
	_ =	sdelay $0x4  }
0x3a: {  	[tilespmem:v3+s14+$0x0] =	vst.idx.msk $0xffff, v1  }
0x3b: {  	v3 =	vor.u32 $0x5, v2;
	v1 =	vld [tilespmem:s20+$0x7D0];
	_ =	sdelay $0x4  }
0x3c: {  	[tilespmem:v3+s14+$0x0] =	vst.idx.msk $0xffff, v1  }
0x3d: {  	v3 =	vor.u32 $0x6, v2;
	v1 =	vld [tilespmem:s20+$0xFA0];
	_ =	sdelay $0x4  }
0x3e: {  	[tilespmem:v3+s14+$0x0] =	vst.idx.msk $0xffff, v1  }
.Ltmp0:
0x3f: {  	v2 =	vor.u32 $0x7, v2;
	v1 =	vld [tilespmem:s20+$0x1770];
	(pc) =	sbr.rel @p1 .LBB2_2-.Ltmp0, $2  }
0x40: {  	_ =	sdelay $0x2  }
0x41: {  	v3 =	vmov s21;
	s21 =	sadd.s32 $0x10, s21  }
0x42: {  	_ =	sdelay $0x3  }
0x43: {  	v3 =	vshll.u32 v3, $0x3;
	[tilespmem:v2+s14+$0x0] =	vst.idx.msk $0xffff, v1;
	s20 =	sadd.s32 $0x10, s20  }
0x44: {  	v1 =	vld [tilespmem:s20+$0xFFFFE0C0];
	v2 =	vor.u32 v0, v3;
	_ =	sdelay $0x4  }
0x45: {  	[tilespmem:v2+s14+$0x0] =	vst.idx.msk $0xffff, v1  }
0x46: {  	v3 =	vor.u32 $0x1, v2;
	v1 =	vld [tilespmem:s20+$0xFFFFE890];
	_ =	sdelay $0x4  }
0x47: {  	[tilespmem:v3+s14+$0x0] =	vst.idx.msk $0xffff, v1  }
0x48: {  	v3 =	vor.u32 $0x2, v2;
	v1 =	vld [tilespmem:s20+$0xFFFFF060];
	_ =	sdelay $0x4  }
0x49: {  	[tilespmem:v3+s14+$0x0] =	vst.idx.msk $0xffff, v1  }
0x4a: {  	v3 =	vor.u32 $0x3, v2;
	v1 =	vld [tilespmem:s20+$0xFFFFF830];
	_ =	sdelay $0x4  }
0x4b: {  	[tilespmem:v3+s14+$0x0] =	vst.idx.msk $0xffff, v1  }
0x4c: {  	v3 =	vor.u32 $0x4, v2;
	v1 =	vld [tilespmem:s20+$0x0];
	_ =	sdelay $0x4  }
0x4d: {  	[tilespmem:v3+s14+$0x0] =	vst.idx.msk $0xffff, v1  }
0x4e: {  	v3 =	vor.u32 $0x5, v2;
	v1 =	vld [tilespmem:s20+$0x7D0];
	_ =	sdelay $0x4  }
0x4f: {  	[tilespmem:v3+s14+$0x0] =	vst.idx.msk $0xffff, v1  }
0x50: {  	v3 =	vor.u32 $0x6, v2;
	v1 =	vld [tilespmem:s20+$0xFA0];
	_ =	sdelay $0x4  }
0x51: {  	[tilespmem:v3+s14+$0x0] =	vst.idx.msk $0xffff, v1  }
0x52: {  	v2 =	vor.u32 $0x7, v2;
	v1 =	vld [tilespmem:s20+$0x1770];
	_ =	sdelay $0x4  }
0x53: {  	p1 =	seq.s32 s18, $0x4;
	[tilespmem:v2+s14+$0x0] =	vst.idx.msk $0xffff, v1  }
0x54: {  	[spmem:s1] =	stream.indirect.scatter.add.f32 [tilespmem:s14], [sflag:$0x5], $0x8, s3, s8, $0xb8;
	[tilespmem:$0xDEA8] =	vst v63  }
0x55: {  	s19 =	sadd.s32 @!p1 s19, s10;
	_ =	swait.ge [sflag:s15], $0x3E80  }
0x56: {  	s21 =	simm.s32 @!p1 $0x0;
	s19 =	sshrl.u32 @!p1 s19, $0x3;
	[sflag:s15] =	ssyncset.done $0x0  }
0x57: {  	s22 =	simm.s32 @!p1 $0xFA0;
	s20 =	sadd.s32 @!p1 s6, s19;
	[sflag:s15] =	ssyncadd.s32 $0xFFFFC180  }
0x58: {  	[tilespmem:s21], [sflag:$0x1] =	stream.linear.gather @!p1 [hbm4b:s20+s21], $0x7D0, $0x38;
	[tilespmem:$0xDEA8] =	vst v63  }
0x59: {  	s19 =	sadd.s32 @!p1 s5, s19;
	s20 =	simm.s32 @!p1 $0x7D0;
	s21 =	simm.s32 @!p1 $0x4E200  }
0x5a: {  	[tilespmem:s22], [sflag:$0x3] =	stream.strided.gather @!p1 [hbm4b:s19+s20], $0x3E80, s21, s20, $0x38;
	[tilespmem:$0xDEA8] =	vst v63  }
0x5b: {  	_ =	swait.ge [sflag:s16], $0x7D0  }
0x5c: {  	[sflag:s16] =	ssyncset.done $0x0  }
0x5d: {  	[sflag:s16] =	ssyncadd.s32 $0xFFFFF830  }
0x5e: {  	s30 =	simm.s32 $0x0;
	_ =	swait.ge [sflag:s17], $0x3E80  }
0x5f: {  	v1 =	vmov s30;
	[sflag:s17] =	ssyncset.done $0x0  }
0x60: {  	s31 =	simm.s32 $0x0;
	v1 =	vshll.u32 v1, $0x3;
	[sflag:s17] =	ssyncadd.s32 $0xFFFFC180  }
0x61: {  	v3 =	vor.u32 v0, v1;
	v2 =	vld [tilespmem:s31+$0x4E20];
	_ =	sdelay $0x4  }
0x62: {  	[tilespmem:v3+s14+$0x0] =	vst.idx.msk $0xffff, v2  }
0x63: {  	v2 =	vor.u32 $0x1, v3;
	v1 =	vld [tilespmem:s31+$0x55F0];
	_ =	sdelay $0x4  }
0x64: {  	[tilespmem:v2+s14+$0x0] =	vst.idx.msk $0xffff, v1  }
0x65: {  	v2 =	vor.u32 $0x2, v3;
	v1 =	vld [tilespmem:s31+$0x5DC0];
	_ =	sdelay $0x4  }
0x66: {  	[tilespmem:v2+s14+$0x0] =	vst.idx.msk $0xffff, v1  }
0x67: {  	v2 =	vor.u32 $0x3, v3;
	v1 =	vld [tilespmem:s31+$0x6590];
	_ =	sdelay $0x4  }
0x68: {  	[tilespmem:v2+s14+$0x0] =	vst.idx.msk $0xffff, v1  }
0x69: {  	v2 =	vor.u32 $0x4, v3;
	v1 =	vld [tilespmem:s31+$0x6D60];
	_ =	sdelay $0x4  }
0x6a: {  	[tilespmem:v2+s14+$0x0] =	vst.idx.msk $0xffff, v1  }
0x6b: {  	v2 =	vor.u32 $0x5, v3;
	v1 =	vld [tilespmem:s31+$0x7530];
	_ =	sdelay $0x4  }
0x6c: {  	[tilespmem:v2+s14+$0x0] =	vst.idx.msk $0xffff, v1  }
0x6d: {  	v2 =	vor.u32 $0x6, v3;
	v1 =	vld [tilespmem:s31+$0x7D00];
	_ =	sdelay $0x4  }
0x6e: {  	[tilespmem:v2+s14+$0x0] =	vst.idx.msk $0xffff, v1  }
0x6f: {  	v2 =	vor.u32 $0x7, v3;
	v1 =	vld [tilespmem:s31+$0x84D0];
	_ =	sdelay $0x2  }
0x70: {  	s19 =	simm.s32 $0x10  }
0x71: {  	s20 =	simm.s32 $0x40;
	s21 =	simm.s32 $0x80;
	v3 =	vmov s19  }
.LBB2_4:
0x72: {  	p1 =	sne.s32 s21, $0x1F00;
	v3 =	vshll.u32 v3, $0x3;
	s22 =	sshra.s32 s20, $0x2;
	[tilespmem:v2+s14+$0x0] =	vst.idx.msk $0xffff, v1;
	s20 =	smov.u32 s21  }
0x73: {  	v1 =	vld [tilespmem:s22+$0x4E20];
	v2 =	vor.u32 v0, v3;
	_ =	sdelay $0x4  }
0x74: {  	[tilespmem:v2+s14+$0x0] =	vst.idx.msk $0xffff, v1  }
0x75: {  	v3 =	vor.u32 $0x1, v2;
	v1 =	vld [tilespmem:s22+$0x55F0];
	_ =	sdelay $0x4  }
0x76: {  	[tilespmem:v3+s14+$0x0] =	vst.idx.msk $0xffff, v1  }
0x77: {  	v3 =	vor.u32 $0x2, v2;
	v1 =	vld [tilespmem:s22+$0x5DC0];
	_ =	sdelay $0x4  }
0x78: {  	[tilespmem:v3+s14+$0x0] =	vst.idx.msk $0xffff, v1  }
0x79: {  	v3 =	vor.u32 $0x3, v2;
	v1 =	vld [tilespmem:s22+$0x6590];
	_ =	sdelay $0x4  }
0x7a: {  	[tilespmem:v3+s14+$0x0] =	vst.idx.msk $0xffff, v1  }
0x7b: {  	v3 =	vor.u32 $0x4, v2;
	v1 =	vld [tilespmem:s22+$0x6D60];
	_ =	sdelay $0x4  }
0x7c: {  	[tilespmem:v3+s14+$0x0] =	vst.idx.msk $0xffff, v1  }
0x7d: {  	v3 =	vor.u32 $0x5, v2;
	v1 =	vld [tilespmem:s22+$0x7530];
	_ =	sdelay $0x4  }
0x7e: {  	[tilespmem:v3+s14+$0x0] =	vst.idx.msk $0xffff, v1  }
0x7f: {  	v3 =	vor.u32 $0x6, v2;
	v1 =	vld [tilespmem:s22+$0x7D00];
	_ =	sdelay $0x4  }
0x80: {  	[tilespmem:v3+s14+$0x0] =	vst.idx.msk $0xffff, v1  }
.Ltmp1:
0x81: {  	v2 =	vor.u32 $0x7, v2;
	v1 =	vld [tilespmem:s22+$0x84D0];
	(pc) =	sbr.rel @p1 .LBB2_4-.Ltmp1, $3  }
0x82: {  	_ =	sdelay $0x1  }
0x83: {  	s19 =	sadd.s32 $0x10, s19  }
0x84: {  	s21 =	sadd.s32 $0x40, s21;
	v3 =	vmov s19  }
0x85: {  	_ =	sdelay $0x3  }
0x86: {  	v3 =	vshll.u32 v3, $0x3;
	s19 =	sshra.s32 s20, $0x2;
	[tilespmem:v2+s14+$0x0] =	vst.idx.msk $0xffff, v1  }
0x87: {  	v1 =	vld [tilespmem:s19+$0x4E20];
	v2 =	vor.u32 v0, v3;
	_ =	sdelay $0x4  }
0x88: {  	[tilespmem:v2+s14+$0x0] =	vst.idx.msk $0xffff, v1  }
0x89: {  	v3 =	vor.u32 $0x1, v2;
	v1 =	vld [tilespmem:s19+$0x55F0];
	_ =	sdelay $0x4  }
0x8a: {  	[tilespmem:v3+s14+$0x0] =	vst.idx.msk $0xffff, v1  }
0x8b: {  	v3 =	vor.u32 $0x2, v2;
	v1 =	vld [tilespmem:s19+$0x5DC0];
	_ =	sdelay $0x4  }
0x8c: {  	[tilespmem:v3+s14+$0x0] =	vst.idx.msk $0xffff, v1  }
0x8d: {  	v3 =	vor.u32 $0x3, v2;
	v1 =	vld [tilespmem:s19+$0x6590];
	_ =	sdelay $0x4  }
0x8e: {  	[tilespmem:v3+s14+$0x0] =	vst.idx.msk $0xffff, v1  }
0x8f: {  	v3 =	vor.u32 $0x4, v2;
	v1 =	vld [tilespmem:s19+$0x6D60];
	_ =	sdelay $0x4  }
0x90: {  	[tilespmem:v3+s14+$0x0] =	vst.idx.msk $0xffff, v1  }
0x91: {  	v3 =	vor.u32 $0x5, v2;
	v1 =	vld [tilespmem:s19+$0x7530];
	_ =	sdelay $0x4  }
0x92: {  	[tilespmem:v3+s14+$0x0] =	vst.idx.msk $0xffff, v1  }
0x93: {  	v3 =	vor.u32 $0x6, v2;
	v1 =	vld [tilespmem:s19+$0x7D00];
	_ =	sdelay $0x4  }
0x94: {  	[tilespmem:v3+s14+$0x0] =	vst.idx.msk $0xffff, v1  }
0x95: {  	v2 =	vor.u32 $0x7, v2;
	v1 =	vld [tilespmem:s19+$0x84D0];
	_ =	sdelay $0x2  }
0x96: {  	s18 =	sadd.s32 $0x1, s18  }
0x97: {  	p1 =	sne.s32 s18, $0x5  }
.Ltmp2:
0x98: {  	[tilespmem:v2+s14+$0x0] =	vst.idx.msk $0xffff, v1;
	(pc) =	sbr.rel @p1 .LBB2_1-.Ltmp2, $4  }
0x99: {  	[spmem:s1] =	stream.indirect.scatter.add.f32 [tilespmem:s14], [sflag:$0x5], $0x8, s8, s8, $0xb8;
	[tilespmem:$0xDEA8] =	vst v63  }
0x9a: {  	_ =	swait.ge [sflag:s15], $0x3E80  }
0x9b: {  	[sflag:s15] =	ssyncset.done $0x0  }
0x9c: {  	[sflag:s15] =	ssyncadd.s32 $0xFFFFC180  }
0x9d: {  	[bflag:$0x0] =	sbarrier.arrive $0xFFFF  }
0x9e: {  	_ =	sfence.sel @p0 $0x180000  }
0x9f: {  	[bflag:$0x0] =	sbarrier.arrive @p0 $0xFFFF  }
0xa0: {  	_ =	strace @p0 $0x90000056  }
0xa1: {  	s1 =	simm.s32 @!p0 $0x1C05;
	[bflag:$0x2] =	sbarrier.arrive @p0 $0xFFFF  }
0xa2: {  	[hbm:s4], [sflag:s1] =	dma.local @!p0 [spmem:s2], $0x2710  }
0xa3: {  	s1 =	simm.s32 @!p0 $0x5  }
0xa4: {  	_ =	swait.ge @!p0 [sflag:s1], $0x2710  }
0xa5: {  	[sflag:s1] =	ssyncset.done @!p0 $0x0  }
0xa6: {  	[sflag:s1] =	ssyncadd.s32 @!p0 $0xFFFFD8F0  }
0xa7: {  	_ =	sfence.sel @!p0 $0x180000  }
0xa8: {  	[bflag:$0x0] =	sbarrier.arrive @!p0 $0xFFFF  }
0xa9: {  	_ =	strace @!p0 $0x90000056  }
0xaa: {  	s0 =	sadd.s32 @!p0 $0x100000, s0;
	[bflag:$0x2] =	sbarrier.arrive @!p0 $0xFFFF  }
0xab: {  	[sflag:s0] =	ssyncadd.tile.s32 @!p0 $0x1;
	_ =	shalt  }
.Lfunc_end2:
_tile_overlayer_lowered:
.L_overlay_start_2:
0xac: {  	(tag) =	ssettag $0x2  }
0xad: {  	s0 =	rddreg [dreg:$0x0];
	s2 =	stileid.u32  }
0xae: {  	s1 =	rddreg [dreg:$0x1];
	p0 =	sne.s32 s2, $0x0  }
0xaf: {  	s3 =	rddreg [dreg:$0x2];
	[bflag:$0x3] =	sbarrier.arrive $0xFFFF;
	s2 =	simm.s32 @!p0 $0x1C05  }
0xb0: {  	[timem:s3], [sflag:s2] =	dma.local @!p0 [hbm:s0], s1  }
0xb1: {  	s0 =	simm.s32 @!p0 $0x5  }
0xb2: {  	_ =	swait.ge @!p0 [sflag:s0], s1  }
0xb3: {  	s1 =	ssub.s32 @!p0 $0x0, s1;
	[sflag:s0] =	ssyncset.done @!p0 $0x0  }
0xb4: {  	[sflag:s0] =	ssyncadd.s32 @!p0 s1  }
0xb5: {  	[bflag:$0x3] =	sbarrier.arrive $0xFFFF  }
0xb6: {  	_ =	shalt  }

</sc_bundles>
